<compile_context>
chip_gen: v7x
topology: tpu7x:2x2x1
jax: 0.10.2.dev20260603
libtpu: 0.0.44.dev20260713+nightly
codegen_flags: <defaults>
</compile_context>

<pallas_src>
import functools
import math

import jax
import jax.numpy as jnp
import numpy as np
from jax import lax
from jax.experimental import pallas as pl
from jax.experimental.pallas import tpu as pltpu
from jax.experimental.pallas import tpu_sc as plsc

B, T = 8, 2048
IN_SIZE = 256
HID = 1024
VOCAB = 16384
MAX_SEQ = 4096
FREQ = 256

N_TOK = B * T
N_PHASE = 2
PH_TOK = N_TOK // N_PHASE
NC, NS = 2, 16
NW = NC * NS
TOK_PER_W = PH_TOK // NW
CHUNK = 16
N_CHUNKS = TOK_PER_W // CHUNK
LANES = 16


def _sincos_table_np():
    half = HID // 2
    scale = math.log(10000.0) / (half - 1)
    freqs = np.exp(np.arange(half, dtype=np.float64) * -scale)
    pos = np.arange(MAX_SEQ + 1, dtype=np.float64)[:, None] * freqs[None, :]
    emb = np.concatenate([np.sin(pos), np.cos(pos)], axis=1).astype(np.float32)
    emb[0, :] = 0.0
    return emb


_SINCOS = _sincos_table_np()


def _sc_gather_body(phase_base, cidx_hbm, pidx_hbm, ttab_hbm, ptab_hbm,
                    emb_out,
                    cidx_a, pidx_a, crows_a, prows_a,
                    cidx_b, pidx_b, crows_b, prows_b,
                    csem_a, psem_a, csem_b, psem_b):
    wid = lax.axis_index("c") * NS + lax.axis_index("s")
    base = phase_base + wid * TOK_PER_W

    def issue(off, cidx_v, pidx_v, crows_v, prows_v, csem, psem):
        pltpu.sync_copy(cidx_hbm.at[pl.ds(off, CHUNK)], cidx_v)
        pltpu.sync_copy(pidx_hbm.at[pl.ds(off, CHUNK)], pidx_v)
        pltpu.async_copy(ttab_hbm.at[cidx_v], crows_v, csem)
        pltpu.async_copy(ptab_hbm.at[pidx_v], prows_v, psem)

    def drain(off, cidx_v, pidx_v, crows_v, prows_v, csem, psem):
        pltpu.make_async_copy(ttab_hbm.at[cidx_v], crows_v, csem).wait()
        pltpu.make_async_copy(ptab_hbm.at[pidx_v], prows_v, psem).wait()

        def row_add(r, c2):
            for k in range(HID // LANES):
                v = crows_v[r, pl.ds(k * LANES, LANES)]
                plsc.addupdate(prows_v.at[r, pl.ds(k * LANES, LANES)], v)
            return c2

        lax.fori_loop(0, CHUNK, row_add, 0)
        pltpu.sync_copy(prows_v, emb_out.at[pl.ds(off - phase_base, CHUNK)])

    bufs_a = (cidx_a, pidx_a, crows_a, prows_a, csem_a, psem_a)
    bufs_b = (cidx_b, pidx_b, crows_b, prows_b, csem_b, psem_b)

    issue(base, *bufs_a)
    n_pair = N_CHUNKS // 2

    def body(j, carry):
        off_a = base + (2 * j) * CHUNK
        off_b = off_a + CHUNK
        issue(off_b, *bufs_b)
        drain(off_a, *bufs_a)

        @pl.when(j + 1 < n_pair)
        def _():
            issue(off_b + CHUNK, *bufs_a)

        drain(off_b, *bufs_b)
        return carry

    lax.fori_loop(0, n_pair, body, 0)


def _sc_gather(phase, cidx, pidx, ttab, ptab):
    mesh = plsc.VectorSubcoreMesh(core_axis_name="c", subcore_axis_name="s")
    f = pl.kernel(
        functools.partial(_sc_gather_body, phase * PH_TOK),
        mesh=mesh,
        out_type=jax.ShapeDtypeStruct((PH_TOK, HID), jnp.float32),
        scratch_types=[
            pltpu.VMEM((CHUNK,), jnp.int32),
            pltpu.VMEM((CHUNK,), jnp.int32),
            pltpu.VMEM((CHUNK, HID), jnp.float32),
            pltpu.VMEM((CHUNK, HID), jnp.float32),
            pltpu.VMEM((CHUNK,), jnp.int32),
            pltpu.VMEM((CHUNK,), jnp.int32),
            pltpu.VMEM((CHUNK, HID), jnp.float32),
            pltpu.VMEM((CHUNK, HID), jnp.float32),
            pltpu.SemaphoreType.DMA,
            pltpu.SemaphoreType.DMA,
            pltpu.SemaphoreType.DMA,
            pltpu.SemaphoreType.DMA,
        ],
    )
    return f(cidx, pidx, ttab, ptab)


def _temb_body(targ_ref, w1_ref, b1_ref, w2_ref, b2_ref, o_ref):
    a = targ_ref[...]
    tf = jnp.concatenate([jnp.cos(a), jnp.sin(a)], axis=1)
    h1 = jnp.dot(tf, w1_ref[...], preferred_element_type=jnp.float32,
                 precision=lax.Precision.HIGHEST) + b1_ref[...]
    h1 = h1 * jax.nn.sigmoid(h1)
    o_ref[...] = jnp.dot(h1, w2_ref[...], preferred_element_type=jnp.float32,
                         precision=lax.Precision.HIGHEST) + b2_ref[...]


TOK_BLK = 512
PH_GRID = PH_TOK // TOK_BLK
BLK_PER_BATCH = T // TOK_BLK


def _main_body(x_ref, w_ref, b_ref, temb_ref, emb_ref, *rest):
    o_ref = rest[-1]
    h = jnp.dot(x_ref[...], w_ref[...], preferred_element_type=jnp.float32,
                precision=lax.Precision.HIGHEST)
    o_ref[...] = h + b_ref[...] + temb_ref[0] + emb_ref[...]


def _main_phase(phase, xf, W_in, b_in2, temb3, emb, prev_out):
    blk0 = phase * PH_GRID

    def xmap(i):
        return (blk0 + i, 0)

    def tmap(i):
        return ((blk0 + i) // BLK_PER_BATCH, 0, 0)

    in_specs = [
        pl.BlockSpec((TOK_BLK, IN_SIZE), xmap),
        pl.BlockSpec((IN_SIZE, HID), lambda i: (0, 0)),
        pl.BlockSpec((1, HID), lambda i: (0, 0)),
        pl.BlockSpec((1, 1, HID), tmap),
        pl.BlockSpec((TOK_BLK, HID), lambda i: (i, 0)),
    ]
    args = [xf, W_in, b_in2, temb3, emb]
    aliases = {}
    if prev_out is not None:
        in_specs.append(pl.BlockSpec(memory_space=pl.ANY))
        args.append(prev_out)
        aliases = {5: 0}
    return pl.pallas_call(
        _main_body,
        grid=(PH_GRID,),
        in_specs=in_specs,
        out_specs=pl.BlockSpec((TOK_BLK, HID), xmap),
        out_shape=jax.ShapeDtypeStruct((N_TOK, HID), jnp.float32),
        input_output_aliases=aliases,
        compiler_params=pltpu.CompilerParams(
            dimension_semantics=("arbitrary",)),
    )(*args)


def kernel(x, position_ids, t, condition, token_table, W_in, b_in,
           W_t1, b_t1, W_t2, b_t2):
    xf = x.reshape(N_TOK, IN_SIZE)
    cond_flat = condition.reshape(N_TOK)
    pos_flat = position_ids.reshape(N_TOK)
    ptab = jnp.asarray(_SINCOS) * (t[0] * 0.0 + 1.0)

    gathered = [
        _sc_gather(p, cond_flat, pos_flat, token_table, ptab)
        for p in range(N_PHASE)
    ]

    half_f = FREQ // 2
    tfreqs = jnp.exp(-math.log(10000.0)
                     * jnp.arange(half_f, dtype=jnp.float32) / half_f)
    targs = t[:, None] * tfreqs[None, :]
    temb = pl.pallas_call(
        _temb_body,
        out_shape=jax.ShapeDtypeStruct((B, HID), jnp.float32),
    )(targs, W_t1, b_t1.reshape(1, HID), W_t2, b_t2.reshape(1, HID))

    b_in2 = b_in.reshape(1, HID)
    temb3 = temb.reshape(B, 1, HID)

    out = None
    for p in range(N_PHASE):
        out = _main_phase(p, xf, W_in, b_in2, temb3, gathered[p], out)

    return out.reshape(B, T, HID)

# --- scband reference (transcript-rebuilt; emitter-appended) ---
"""Pipeline reference for scband-di-tprefix-34900904247427 (READ-ONLY COPY).

The authoritative reference and input builder live on the scoring server;
editing this copy changes nothing except your own understanding.
"""

import jax, jax.numpy as jnp
import numpy as np
import math

B, T = 8, 2048
IN_SIZE = 256
HID = 1024
VOCAB = 16384
MAX_SEQ = 4096
FREQ = 256


def sincos_table(num_embeddings, embedding_dim, padding_idx=0):
    half = embedding_dim // 2
    emb_scale = math.log(10000) / (half - 1)
    emb = jnp.exp(jnp.arange(half, dtype=jnp.float32) * -emb_scale)
    emb = jnp.arange(num_embeddings, dtype=jnp.float32)[:, None] * emb[None, :]
    emb = jnp.concatenate([jnp.sin(emb), jnp.cos(emb)], axis=1).reshape(num_embeddings, -1)
    emb = emb.at[padding_idx, :].set(0.0)
    return emb


def timestep_embedding(t, dim, max_period=10000):
    half = dim // 2
    freqs = jnp.exp(-math.log(max_period) * jnp.arange(half, dtype=jnp.float32) / half)
    args = t[:, None].astype(jnp.float32) * freqs[None]
    return jnp.concatenate([jnp.cos(args), jnp.sin(args)], axis=-1)


def setup_inputs(seed: int = 0):
    key = jax.random.key(seed)
    ks = jax.random.split(key, 10)
    x = jax.random.normal(ks[0], (B, T, IN_SIZE), dtype=jnp.float32)
    position_ids = jax.random.randint(ks[1], (B, T), 1, MAX_SEQ + 1, dtype=jnp.int32)
    t = jax.random.uniform(ks[2], (B,), dtype=jnp.float32) * 1000.0
    condition = jax.random.randint(ks[3], (B, T), 0, VOCAB, dtype=jnp.int32)
    token_table = jax.random.normal(ks[4], (VOCAB, HID), dtype=jnp.float32) * 0.02
    W_in = jax.random.normal(ks[5], (IN_SIZE, HID), dtype=jnp.float32) * (1.0 / math.sqrt(IN_SIZE))
    b_in = jnp.zeros((HID,), dtype=jnp.float32)
    W_t1 = jax.random.normal(ks[6], (FREQ, HID), dtype=jnp.float32) * 0.02
    b_t1 = jnp.zeros((HID,), dtype=jnp.float32)
    W_t2 = jax.random.normal(ks[7], (HID, HID), dtype=jnp.float32) * 0.02
    b_t2 = jnp.zeros((HID,), dtype=jnp.float32)
    return {"x": x, "position_ids": position_ids, "t": t, "condition": condition,
            "token_table": token_table, "W_in": W_in, "b_in": b_in,
            "W_t1": W_t1, "b_t1": b_t1, "W_t2": W_t2, "b_t2": b_t2}


def reference(x, position_ids, t, condition, token_table, W_in, b_in, W_t1, b_t1, W_t2, b_t2):
    # input projection: x -> hidden
    h = x @ W_in + b_in
    # semantic token embedding lookup (nn.Embedding)
    cond_emb = jnp.take(token_table, condition, axis=0)
    # sinusoidal positional embedding lookup (index_select on precomputed table)
    table = sincos_table(MAX_SEQ + 1, HID, padding_idx=0)
    pos_emb = jnp.take(table, position_ids, axis=0)
    # timestep embedder: sinusoidal freq embedding -> Linear -> SiLU -> Linear
    t_freq = timestep_embedding(t, FREQ)
    t_emb = jax.nn.silu(t_freq @ W_t1 + b_t1) @ W_t2 + b_t2
    out = h + cond_emb + pos_emb + t_emb[:, None, :]
    return out

if __name__ == "__main__":
    import jax
    _d = setup_inputs()
    print(jax.jit(kernel)(*tuple(_d.values())))

</pallas_src>

<mosaic_0001>
#map = affine_map<(d0, d1) -> (0)>
#map1 = affine_map<(d0, d1) -> (0, 0)>
module attributes {stable_mosaic.version = 14 : i64} {
  func.func @_sc_gather_body(%arg0: i32, %arg1: i32, %arg2: memref<16384xi32, #tpu.memory_space<hbm>>, %arg3: memref<16384xi32, #tpu.memory_space<hbm>>, %arg4: memref<16384x1024xf32, #tpu.memory_space<hbm>>, %arg5: memref<4097x1024xf32, #tpu.memory_space<hbm>>, %arg6: memref<8192x1024xf32, #tpu.memory_space<hbm>>, %arg7: memref<16xi32, #tpu.memory_space<vmem>>, %arg8: memref<16xi32, #tpu.memory_space<vmem>>, %arg9: memref<16x1024xf32, #tpu.memory_space<vmem>>, %arg10: memref<16x1024xf32, #tpu.memory_space<vmem>>, %arg11: memref<16xi32, #tpu.memory_space<vmem>>, %arg12: memref<16xi32, #tpu.memory_space<vmem>>, %arg13: memref<16x1024xf32, #tpu.memory_space<vmem>>, %arg14: memref<16x1024xf32, #tpu.memory_space<vmem>>, %arg15: memref<!tpu.dma_semaphore, #tpu.memory_space<semaphore_mem>>, %arg16: memref<!tpu.dma_semaphore, #tpu.memory_space<semaphore_mem>>, %arg17: memref<!tpu.dma_semaphore, #tpu.memory_space<semaphore_mem>>, %arg18: memref<!tpu.dma_semaphore, #tpu.memory_space<semaphore_mem>>) attributes {dimension_semantics = [#tpu.dimension_semantics<core_parallel>, #tpu.dimension_semantics<subcore_parallel>], iteration_bounds = array<i64: 2, 16>, scalar_prefetch = 0 : i64, scratch_operands = 12 : i64, tpu.core_type = #tpu.core_type<sc_vector_subcore>, window_params = [{transform_indices = #map}, {transform_indices = #map}, {transform_indices = #map1}, {transform_indices = #map1}, {transform_indices = #map1}]} {
    %mul3A = arith.constant 16 : i32
    %mul3A_0 = arith.muli %arg0, %mul3A : i32
    %add3A = arith.addi %mul3A_0, %arg1 : i32
    %mul3A_1 = arith.constant 256 : i32
    %mul3A_2 = arith.muli %add3A, %mul3A_1 : i32
    %add3A_3 = arith.constant 0 : i32
    %add3A_4 = arith.addi %add3A_3, %mul3A_2 : i32
    "tpu.region"() ({
      %run_scoped3A = tpu.sem_alloc : memref<!tpu.dma_semaphore, #tpu.memory_space<semaphore_mem>>
      %dma_start3A_15 = tpu.memref_slice %arg2[%add3A_4] : memref<16384xi32, #tpu.memory_space<hbm>> -> memref<16xi32, #tpu.memory_space<hbm>>
      %dma_start3A_16 = tpu.memref_slice %arg2[%add3A_4] : memref<16384xi32, #tpu.memory_space<hbm>> -> memref<16xi32, #tpu.memory_space<hbm>>
      tpu.enqueue_dma source(%dma_start3A_16 : memref<16xi32, #tpu.memory_space<hbm>>) target(%arg7 : memref<16xi32, #tpu.memory_space<vmem>>) target_semaphore(%run_scoped3A : memref<!tpu.dma_semaphore, #tpu.memory_space<semaphore_mem>>)
      %dma_wait3A = tpu.memref_slice %arg2[%add3A_4] : memref<16384xi32, #tpu.memory_space<hbm>> -> memref<16xi32, #tpu.memory_space<hbm>>
      %dma_wait3A_17 = tpu.memref_slice %arg2[%add3A_4] : memref<16384xi32, #tpu.memory_space<hbm>> -> memref<16xi32, #tpu.memory_space<hbm>>
      tpu.wait_dma2 semaphore(%run_scoped3A : memref<!tpu.dma_semaphore, #tpu.memory_space<semaphore_mem>>) src(%dma_wait3A_17 : memref<16xi32, #tpu.memory_space<hbm>>) dst(%arg7 : memref<16xi32, #tpu.memory_space<vmem>>)
      tpu.yield
    }) : () -> ()
    "tpu.region"() ({
      %run_scoped3A = tpu.sem_alloc : memref<!tpu.dma_semaphore, #tpu.memory_space<semaphore_mem>>
      %dma_start3A_15 = tpu.memref_slice %arg3[%add3A_4] : memref<16384xi32, #tpu.memory_space<hbm>> -> memref<16xi32, #tpu.memory_space<hbm>>
      %dma_start3A_16 = tpu.memref_slice %arg3[%add3A_4] : memref<16384xi32, #tpu.memory_space<hbm>> -> memref<16xi32, #tpu.memory_space<hbm>>
      tpu.enqueue_dma source(%dma_start3A_16 : memref<16xi32, #tpu.memory_space<hbm>>) target(%arg8 : memref<16xi32, #tpu.memory_space<vmem>>) target_semaphore(%run_scoped3A : memref<!tpu.dma_semaphore, #tpu.memory_space<semaphore_mem>>)
      %dma_wait3A = tpu.memref_slice %arg3[%add3A_4] : memref<16384xi32, #tpu.memory_space<hbm>> -> memref<16xi32, #tpu.memory_space<hbm>>
      %dma_wait3A_17 = tpu.memref_slice %arg3[%add3A_4] : memref<16384xi32, #tpu.memory_space<hbm>> -> memref<16xi32, #tpu.memory_space<hbm>>
      tpu.wait_dma2 semaphore(%run_scoped3A : memref<!tpu.dma_semaphore, #tpu.memory_space<semaphore_mem>>) src(%dma_wait3A_17 : memref<16xi32, #tpu.memory_space<hbm>>) dst(%arg8 : memref<16xi32, #tpu.memory_space<vmem>>)
      tpu.yield
    }) : () -> ()
    %dma_start3A = arith.constant 0 : i32
    %dma_start3A_5 = arith.constant 0 : i32
    %dma_start3A_6 = tpu.memref_slice %arg4[%dma_start3A, %dma_start3A_5] : memref<16384x1024xf32, #tpu.memory_space<hbm>> -> memref<16384x1024xf32, #tpu.memory_space<hbm>>
    tpu.enqueue_indirect_dma source(%dma_start3A_6 : memref<16384x1024xf32, #tpu.memory_space<hbm>>) target(%arg9 : memref<16x1024xf32, #tpu.memory_space<vmem>>) offsets(%arg7 : memref<16xi32, #tpu.memory_space<vmem>>) semaphore(%arg15 : memref<!tpu.dma_semaphore, #tpu.memory_space<semaphore_mem>>)
    %dma_start3A_7 = arith.constant 0 : i32
    %dma_start3A_8 = arith.constant 0 : i32
    %dma_start3A_9 = tpu.memref_slice %arg5[%dma_start3A_7, %dma_start3A_8] : memref<4097x1024xf32, #tpu.memory_space<hbm>> -> memref<4097x1024xf32, #tpu.memory_space<hbm>>
    tpu.enqueue_indirect_dma source(%dma_start3A_9 : memref<4097x1024xf32, #tpu.memory_space<hbm>>) target(%arg10 : memref<16x1024xf32, #tpu.memory_space<vmem>>) offsets(%arg8 : memref<16xi32, #tpu.memory_space<vmem>>) semaphore(%arg16 : memref<!tpu.dma_semaphore, #tpu.memory_space<semaphore_mem>>)
    %scan3A = arith.constant 0 : i32
    %scan3A_10 = arith.constant 0 : i32
    %scan3A_11 = arith.constant 8 : i32
    %scan3A_12 = arith.addi %scan3A_10, %scan3A_11 : i32
    %scan3A_13 = arith.constant 1 : i32
    scf.for %scan3A_15 = %scan3A_10 to %scan3A_12 step %scan3A_13  : i32 {
      %mul3A_16 = arith.constant 2 : i32
      %mul3A_17 = arith.muli %mul3A_16, %scan3A_15 : i32
      %mul3A_18 = arith.constant 16 : i32
      %mul3A_19 = arith.muli %mul3A_17, %mul3A_18 : i32
      %add3A_20 = arith.addi %add3A_4, %mul3A_19 : i32
      %add3A_21 = arith.constant 16 : i32
      %add3A_22 = arith.addi %add3A_20, %add3A_21 : i32
      "tpu.region"() ({
        %run_scoped3A = tpu.sem_alloc : memref<!tpu.dma_semaphore, #tpu.memory_space<semaphore_mem>>
        %dma_start3A_59 = tpu.memref_slice %arg2[%add3A_22] : memref<16384xi32, #tpu.memory_space<hbm>> -> memref<16xi32, #tpu.memory_space<hbm>>
        %dma_start3A_60 = tpu.memref_slice %arg2[%add3A_22] : memref<16384xi32, #tpu.memory_space<hbm>> -> memref<16xi32, #tpu.memory_space<hbm>>
        tpu.enqueue_dma source(%dma_start3A_60 : memref<16xi32, #tpu.memory_space<hbm>>) target(%arg11 : memref<16xi32, #tpu.memory_space<vmem>>) target_semaphore(%run_scoped3A : memref<!tpu.dma_semaphore, #tpu.memory_space<semaphore_mem>>)
        %dma_wait3A_61 = tpu.memref_slice %arg2[%add3A_22] : memref<16384xi32, #tpu.memory_space<hbm>> -> memref<16xi32, #tpu.memory_space<hbm>>
        %dma_wait3A_62 = tpu.memref_slice %arg2[%add3A_22] : memref<16384xi32, #tpu.memory_space<hbm>> -> memref<16xi32, #tpu.memory_space<hbm>>
        tpu.wait_dma2 semaphore(%run_scoped3A : memref<!tpu.dma_semaphore, #tpu.memory_space<semaphore_mem>>) src(%dma_wait3A_62 : memref<16xi32, #tpu.memory_space<hbm>>) dst(%arg11 : memref<16xi32, #tpu.memory_space<vmem>>)
        tpu.yield
      }) : () -> ()
      "tpu.region"() ({
        %run_scoped3A = tpu.sem_alloc : memref<!tpu.dma_semaphore, #tpu.memory_space<semaphore_mem>>
        %dma_start3A_59 = tpu.memref_slice %arg3[%add3A_22] : memref<16384xi32, #tpu.memory_space<hbm>> -> memref<16xi32, #tpu.memory_space<hbm>>
        %dma_start3A_60 = tpu.memref_slice %arg3[%add3A_22] : memref<16384xi32, #tpu.memory_space<hbm>> -> memref<16xi32, #tpu.memory_space<hbm>>
        tpu.enqueue_dma source(%dma_start3A_60 : memref<16xi32, #tpu.memory_space<hbm>>) target(%arg12 : memref<16xi32, #tpu.memory_space<vmem>>) target_semaphore(%run_scoped3A : memref<!tpu.dma_semaphore, #tpu.memory_space<semaphore_mem>>)
        %dma_wait3A_61 = tpu.memref_slice %arg3[%add3A_22] : memref<16384xi32, #tpu.memory_space<hbm>> -> memref<16xi32, #tpu.memory_space<hbm>>
        %dma_wait3A_62 = tpu.memref_slice %arg3[%add3A_22] : memref<16384xi32, #tpu.memory_space<hbm>> -> memref<16xi32, #tpu.memory_space<hbm>>
        tpu.wait_dma2 semaphore(%run_scoped3A : memref<!tpu.dma_semaphore, #tpu.memory_space<semaphore_mem>>) src(%dma_wait3A_62 : memref<16xi32, #tpu.memory_space<hbm>>) dst(%arg12 : memref<16xi32, #tpu.memory_space<vmem>>)
        tpu.yield
      }) : () -> ()
      %dma_start3A_23 = arith.constant 0 : i32
      %dma_start3A_24 = arith.constant 0 : i32
      %dma_start3A_25 = tpu.memref_slice %arg4[%dma_start3A_23, %dma_start3A_24] : memref<16384x1024xf32, #tpu.memory_space<hbm>> -> memref<16384x1024xf32, #tpu.memory_space<hbm>>
      tpu.enqueue_indirect_dma source(%dma_start3A_25 : memref<16384x1024xf32, #tpu.memory_space<hbm>>) target(%arg13 : memref<16x1024xf32, #tpu.memory_space<vmem>>) offsets(%arg11 : memref<16xi32, #tpu.memory_space<vmem>>) semaphore(%arg17 : memref<!tpu.dma_semaphore, #tpu.memory_space<semaphore_mem>>)
      %dma_start3A_26 = arith.constant 0 : i32
      %dma_start3A_27 = arith.constant 0 : i32
      %dma_start3A_28 = tpu.memref_slice %arg5[%dma_start3A_26, %dma_start3A_27] : memref<4097x1024xf32, #tpu.memory_space<hbm>> -> memref<4097x1024xf32, #tpu.memory_space<hbm>>
      tpu.enqueue_indirect_dma source(%dma_start3A_28 : memref<4097x1024xf32, #tpu.memory_space<hbm>>) target(%arg14 : memref<16x1024xf32, #tpu.memory_space<vmem>>) offsets(%arg12 : memref<16xi32, #tpu.memory_space<vmem>>) semaphore(%arg18 : memref<!tpu.dma_semaphore, #tpu.memory_space<semaphore_mem>>)
      %dma_wait3A = arith.constant 0 : i32
      %dma_wait3A_29 = arith.constant 0 : i32
      %dma_wait3A_30 = tpu.memref_slice %arg4[%dma_wait3A, %dma_wait3A_29] : memref<16384x1024xf32, #tpu.memory_space<hbm>> -> memref<16384x1024xf32, #tpu.memory_space<hbm>>
      tpu.wait_indirect_dma semaphore(%arg15 : memref<!tpu.dma_semaphore, #tpu.memory_space<semaphore_mem>>) src(%dma_wait3A_30 : memref<16384x1024xf32, #tpu.memory_space<hbm>>) dst(%arg9 : memref<16x1024xf32, #tpu.memory_space<vmem>>)
      %dma_wait3A_31 = arith.constant 0 : i32
      %dma_wait3A_32 = arith.constant 0 : i32
      %dma_wait3A_33 = tpu.memref_slice %arg5[%dma_wait3A_31, %dma_wait3A_32] : memref<4097x1024xf32, #tpu.memory_space<hbm>> -> memref<4097x1024xf32, #tpu.memory_space<hbm>>
      tpu.wait_indirect_dma semaphore(%arg16 : memref<!tpu.dma_semaphore, #tpu.memory_space<semaphore_mem>>) src(%dma_wait3A_33 : memref<4097x1024xf32, #tpu.memory_space<hbm>>) dst(%arg10 : memref<16x1024xf32, #tpu.memory_space<vmem>>)
      %scan3A_34 = arith.constant 0 : i32
      %scan3A_35 = arith.constant 0 : i32
      %scan3A_36 = arith.constant 16 : i32
      %scan3A_37 = arith.addi %scan3A_35, %scan3A_36 : i32
      %scan3A_38 = arith.constant 1 : i32
      scf.for %scan3A_59 = %scan3A_35 to %scan3A_37 step %scan3A_38  : i32 {
        %get3A = arith.index_cast %scan3A_59 : i32 to index
        %get3A_60 = arith.constant 0 : index
        %get3A_61 = tpu.vector_load %arg9[%get3A, %get3A_60] {strides = array<i32>} : memref<16x1024xf32, #tpu.memory_space<vmem>>, vector<1x16xf32>,
        %get3A_62 = vector.shape_cast %get3A_61 : vector<1x16xf32> to vector<16xf32>
        %swap3A = arith.index_cast %scan3A_59 : i32 to index
        %swap3A_63 = arith.constant 0 : index
        %swap3A_64 = tpu.vector_load %arg10[%swap3A, %swap3A_63] {strides = array<i32>} : memref<16x1024xf32, #tpu.memory_space<vmem>>, vector<1x16xf32>,
        %swap3A_65 = vector.shape_cast %swap3A_64 : vector<1x16xf32> to vector<16xf32>
        %swap3A_66 = vector.shape_cast %get3A_62 : vector<16xf32> to vector<1x16xf32>
        tpu.vector_store %arg10[%swap3A, %swap3A_63], %swap3A_66 {add = true, strides = array<i32>} : memref<16x1024xf32, #tpu.memory_space<vmem>>, vector<1x16xf32>,
        %get3A_67 = arith.index_cast %scan3A_59 : i32 to index
        %get3A_68 = arith.constant 16 : index
        %get3A_69 = tpu.vector_load %arg9[%get3A_67, %get3A_68] {strides = array<i32>} : memref<16x1024xf32, #tpu.memory_space<vmem>>, vector<1x16xf32>,
        %get3A_70 = vector.shape_cast %get3A_69 : vector<1x16xf32> to vector<16xf32>
        %swap3A_71 = arith.index_cast %scan3A_59 : i32 to index
        %swap3A_72 = arith.constant 16 : index
        %swap3A_73 = tpu.vector_load %arg10[%swap3A_71, %swap3A_72] {strides = array<i32>} : memref<16x1024xf32, #tpu.memory_space<vmem>>, vector<1x16xf32>,
        %swap3A_74 = vector.shape_cast %swap3A_73 : vector<1x16xf32> to vector<16xf32>
        %swap3A_75 = vector.shape_cast %get3A_70 : vector<16xf32> to vector<1x16xf32>
        tpu.vector_store %arg10[%swap3A_71, %swap3A_72], %swap3A_75 {add = true, strides = array<i32>} : memref<16x1024xf32, #tpu.memory_space<vmem>>, vector<1x16xf32>,
        %get3A_76 = arith.index_cast %scan3A_59 : i32 to index
        %get3A_77 = arith.constant 32 : index
        %get3A_78 = tpu.vector_load %arg9[%get3A_76, %get3A_77] {strides = array<i32>} : memref<16x1024xf32, #tpu.memory_space<vmem>>, vector<1x16xf32>,
        %get3A_79 = vector.shape_cast %get3A_78 : vector<1x16xf32> to vector<16xf32>
        %swap3A_80 = arith.index_cast %scan3A_59 : i32 to index
        %swap3A_81 = arith.constant 32 : index
        %swap3A_82 = tpu.vector_load %arg10[%swap3A_80, %swap3A_81] {strides = array<i32>} : memref<16x1024xf32, #tpu.memory_space<vmem>>, vector<1x16xf32>,
        %swap3A_83 = vector.shape_cast %swap3A_82 : vector<1x16xf32> to vector<16xf32>
        %swap3A_84 = vector.shape_cast %get3A_79 : vector<16xf32> to vector<1x16xf32>
        tpu.vector_store %arg10[%swap3A_80, %swap3A_81], %swap3A_84 {add = true, strides = array<i32>} : memref<16x1024xf32, #tpu.memory_space<vmem>>, vector<1x16xf32>,
        %get3A_85 = arith.index_cast %scan3A_59 : i32 to index
        %get3A_86 = arith.constant 48 : index
        %get3A_87 = tpu.vector_load %arg9[%get3A_85, %get3A_86] {strides = array<i32>} : memref<16x1024xf32, #tpu.memory_space<vmem>>, vector<1x16xf32>,
        %get3A_88 = vector.shape_cast %get3A_87 : vector<1x16xf32> to vector<16xf32>
        %swap3A_89 = arith.index_cast %scan3A_59 : i32 to index
        %swap3A_90 = arith.constant 48 : index
        %swap3A_91 = tpu.vector_load %arg10[%swap3A_89, %swap3A_90] {strides = array<i32>} : memref<16x1024xf32, #tpu.memory_space<vmem>>, vector<1x16xf32>,
        %swap3A_92 = vector.shape_cast %swap3A_91 : vector<1x16xf32> to vector<16xf32>
        %swap3A_93 = vector.shape_cast %get3A_88 : vector<16xf32> to vector<1x16xf32>
        tpu.vector_store %arg10[%swap3A_89, %swap3A_90], %swap3A_93 {add = true, strides = array<i32>} : memref<16x1024xf32, #tpu.memory_space<vmem>>, vector<1x16xf32>,
        %get3A_94 = arith.index_cast %scan3A_59 : i32 to index
        %get3A_95 = arith.constant 64 : index
        %get3A_96 = tpu.vector_load %arg9[%get3A_94, %get3A_95] {strides = array<i32>} : memref<16x1024xf32, #tpu.memory_space<vmem>>, vector<1x16xf32>,
        %get3A_97 = vector.shape_cast %get3A_96 : vector<1x16xf32> to vector<16xf32>
        %swap3A_98 = arith.index_cast %scan3A_59 : i32 to index
        %swap3A_99 = arith.constant 64 : index
        %swap3A_100 = tpu.vector_load %arg10[%swap3A_98, %swap3A_99] {strides = array<i32>} : memref<16x1024xf32, #tpu.memory_space<vmem>>, vector<1x16xf32>,
        %swap3A_101 = vector.shape_cast %swap3A_100 : vector<1x16xf32> to vector<16xf32>
        %swap3A_102 = vector.shape_cast %get3A_97 : vector<16xf32> to vector<1x16xf32>
        tpu.vector_store %arg10[%swap3A_98, %swap3A_99], %swap3A_102 {add = true, strides = array<i32>} : memref<16x1024xf32, #tpu.memory_space<vmem>>, vector<1x16xf32>,
        %get3A_103 = arith.index_cast %scan3A_59 : i32 to index
        %get3A_104 = arith.constant 80 : index
        %get3A_105 = tpu.vector_load %arg9[%get3A_103, %get3A_104] {strides = array<i32>} : memref<16x1024xf32, #tpu.memory_space<vmem>>, vector<1x16xf32>,
        %get3A_106 = vector.shape_cast %get3A_105 : vector<1x16xf32> to vector<16xf32>
        %swap3A_107 = arith.index_cast %scan3A_59 : i32 to index
        %swap3A_108 = arith.constant 80 : index
        %swap3A_109 = tpu.vector_load %arg10[%swap3A_107, %swap3A_108] {strides = array<i32>} : memref<16x1024xf32, #tpu.memory_space<vmem>>, vector<1x16xf32>,
        %swap3A_110 = vector.shape_cast %swap3A_109 : vector<1x16xf32> to vector<16xf32>
        %swap3A_111 = vector.shape_cast %get3A_106 : vector<16xf32> to vector<1x16xf32>
        tpu.vector_store %arg10[%swap3A_107, %swap3A_108], %swap3A_111 {add = true, strides = array<i32>} : memref<16x1024xf32, #tpu.memory_space<vmem>>, vector<1x16xf32>,
        %get3A_112 = arith.index_cast %scan3A_59 : i32 to index
        %get3A_113 = arith.constant 96 : index
        %get3A_114 = tpu.vector_load %arg9[%get3A_112, %get3A_113] {strides = array<i32>} : memref<16x1024xf32, #tpu.memory_space<vmem>>, vector<1x16xf32>,
        %get3A_115 = vector.shape_cast %get3A_114 : vector<1x16xf32> to vector<16xf32>
        %swap3A_116 = arith.index_cast %scan3A_59 : i32 to index
        %swap3A_117 = arith.constant 96 : index
        %swap3A_118 = tpu.vector_load %arg10[%swap3A_116, %swap3A_117] {strides = array<i32>} : memref<16x1024xf32, #tpu.memory_space<vmem>>, vector<1x16xf32>,
        %swap3A_119 = vector.shape_cast %swap3A_118 : vector<1x16xf32> to vector<16xf32>
        %swap3A_120 = vector.shape_cast %get3A_115 : vector<16xf32> to vector<1x16xf32>
        tpu.vector_store %arg10[%swap3A_116, %swap3A_117], %swap3A_120 {add = true, strides = array<i32>} : memref<16x1024xf32, #tpu.memory_space<vmem>>, vector<1x16xf32>,
        %get3A_121 = arith.index_cast %scan3A_59 : i32 to index
        %get3A_122 = arith.constant 112 : index
        %get3A_123 = tpu.vector_load %arg9[%get3A_121, %get3A_122] {strides = array<i32>} : memref<16x1024xf32, #tpu.memory_space<vmem>>, vector<1x16xf32>,
        %get3A_124 = vector.shape_cast %get3A_123 : vector<1x16xf32> to vector<16xf32>
        %swap3A_125 = arith.index_cast %scan3A_59 : i32 to index
        %swap3A_126 = arith.constant 112 : index
        %swap3A_127 = tpu.vector_load %arg10[%swap3A_125, %swap3A_126] {strides = array<i32>} : memref<16x1024xf32, #tpu.memory_space<vmem>>, vector<1x16xf32>,
        %swap3A_128 = vector.shape_cast %swap3A_127 : vector<1x16xf32> to vector<16xf32>
        %swap3A_129 = vector.shape_cast %get3A_124 : vector<16xf32> to vector<1x16xf32>
        tpu.vector_store %arg10[%swap3A_125, %swap3A_126], %swap3A_129 {add = true, strides = array<i32>} : memref<16x1024xf32, #tpu.memory_space<vmem>>, vector<1x16xf32>,
        %get3A_130 = arith.index_cast %scan3A_59 : i32 to index
        %get3A_131 = arith.constant 128 : index
        %get3A_132 = tpu.vector_load %arg9[%get3A_130, %get3A_131] {strides = array<i32>} : memref<16x1024xf32, #tpu.memory_space<vmem>>, vector<1x16xf32>,
        %get3A_133 = vector.shape_cast %get3A_132 : vector<1x16xf32> to vector<16xf32>
        %swap3A_134 = arith.index_cast %scan3A_59 : i32 to index
        %swap3A_135 = arith.constant 128 : index
        %swap3A_136 = tpu.vector_load %arg10[%swap3A_134, %swap3A_135] {strides = array<i32>} : memref<16x1024xf32, #tpu.memory_space<vmem>>, vector<1x16xf32>,
        %swap3A_137 = vector.shape_cast %swap3A_136 : vector<1x16xf32> to vector<16xf32>
        %swap3A_138 = vector.shape_cast %get3A_133 : vector<16xf32> to vector<1x16xf32>
        tpu.vector_store %arg10[%swap3A_134, %swap3A_135], %swap3A_138 {add = true, strides = array<i32>} : memref<16x1024xf32, #tpu.memory_space<vmem>>, vector<1x16xf32>,
        %get3A_139 = arith.index_cast %scan3A_59 : i32 to index
        %get3A_140 = arith.constant 144 : index
        %get3A_141 = tpu.vector_load %arg9[%get3A_139, %get3A_140] {strides = array<i32>} : memref<16x1024xf32, #tpu.memory_space<vmem>>, vector<1x16xf32>,
        %get3A_142 = vector.shape_cast %get3A_141 : vector<1x16xf32> to vector<16xf32>
        %swap3A_143 = arith.index_cast %scan3A_59 : i32 to index
        %swap3A_144 = arith.constant 144 : index
        %swap3A_145 = tpu.vector_load %arg10[%swap3A_143, %swap3A_144] {strides = array<i32>} : memref<16x1024xf32, #tpu.memory_space<vmem>>, vector<1x16xf32>,
        %swap3A_146 = vector.shape_cast %swap3A_145 : vector<1x16xf32> to vector<16xf32>
        %swap3A_147 = vector.shape_cast %get3A_142 : vector<16xf32> to vector<1x16xf32>
        tpu.vector_store %arg10[%swap3A_143, %swap3A_144], %swap3A_147 {add = true, strides = array<i32>} : memref<16x1024xf32, #tpu.memory_space<vmem>>, vector<1x16xf32>,
        %get3A_148 = arith.index_cast %scan3A_59 : i32 to index
        %get3A_149 = arith.constant 160 : index
        %get3A_150 = tpu.vector_load %arg9[%get3A_148, %get3A_149] {strides = array<i32>} : memref<16x1024xf32, #tpu.memory_space<vmem>>, vector<1x16xf32>,
        %get3A_151 = vector.shape_cast %get3A_150 : vector<1x16xf32> to vector<16xf32>
        %swap3A_152 = arith.index_cast %scan3A_59 : i32 to index
        %swap3A_153 = arith.constant 160 : index
        %swap3A_154 = tpu.vector_load %arg10[%swap3A_152, %swap3A_153] {strides = array<i32>} : memref<16x1024xf32, #tpu.memory_space<vmem>>, vector<1x16xf32>,
        %swap3A_155 = vector.shape_cast %swap3A_154 : vector<1x16xf32> to vector<16xf32>
        %swap3A_156 = vector.shape_cast %get3A_151 : vector<16xf32> to vector<1x16xf32>
        tpu.vector_store %arg10[%swap3A_152, %swap3A_153], %swap3A_156 {add = true, strides = array<i32>} : memref<16x1024xf32, #tpu.memory_space<vmem>>, vector<1x16xf32>,
        %get3A_157 = arith.index_cast %scan3A_59 : i32 to index
        %get3A_158 = arith.constant 176 : index
        %get3A_159 = tpu.vector_load %arg9[%get3A_157, %get3A_158] {strides = array<i32>} : memref<16x1024xf32, #tpu.memory_space<vmem>>, vector<1x16xf32>,
        %get3A_160 = vector.shape_cast %get3A_159 : vector<1x16xf32> to vector<16xf32>
        %swap3A_161 = arith.index_cast %scan3A_59 : i32 to index
        %swap3A_162 = arith.constant 176 : index
        %swap3A_163 = tpu.vector_load %arg10[%swap3A_161, %swap3A_162] {strides = array<i32>} : memref<16x1024xf32, #tpu.memory_space<vmem>>, vector<1x16xf32>,
        %swap3A_164 = vector.shape_cast %swap3A_163 : vector<1x16xf32> to vector<16xf32>
        %swap3A_165 = vector.shape_cast %get3A_160 : vector<16xf32> to vector<1x16xf32>
        tpu.vector_store %arg10[%swap3A_161, %swap3A_162], %swap3A_165 {add = true, strides = array<i32>} : memref<16x1024xf32, #tpu.memory_space<vmem>>, vector<1x16xf32>,
        %get3A_166 = arith.index_cast %scan3A_59 : i32 to index
        %get3A_167 = arith.constant 192 : index
        %get3A_168 = tpu.vector_load %arg9[%get3A_166, %get3A_167] {strides = array<i32>} : memref<16x1024xf32, #tpu.memory_space<vmem>>, vector<1x16xf32>,
        %get3A_169 = vector.shape_cast %get3A_168 : vector<1x16xf32> to vector<16xf32>
        %swap3A_170 = arith.index_cast %scan3A_59 : i32 to index
        %swap3A_171 = arith.constant 192 : index
        %swap3A_172 = tpu.vector_load %arg10[%swap3A_170, %swap3A_171] {strides = array<i32>} : memref<16x1024xf32, #tpu.memory_space<vmem>>, vector<1x16xf32>,
        %swap3A_173 = vector.shape_cast %swap3A_172 : vector<1x16xf32> to vector<16xf32>
        %swap3A_174 = vector.shape_cast %get3A_169 : vector<16xf32> to vector<1x16xf32>
        tpu.vector_store %arg10[%swap3A_170, %swap3A_171], %swap3A_174 {add = true, strides = array<i32>} : memref<16x1024xf32, #tpu.memory_space<vmem>>, vector<1x16xf32>,
        %get3A_175 = arith.index_cast %scan3A_59 : i32 to index
        %get3A_176 = arith.constant 208 : index
        %get3A_177 = tpu.vector_load %arg9[%get3A_175, %get3A_176] {strides = array<i32>} : memref<16x1024xf32, #tpu.memory_space<vmem>>, vector<1x16xf32>,
        %get3A_178 = vector.shape_cast %get3A_177 : vector<1x16xf32> to vector<16xf32>
        %swap3A_179 = arith.index_cast %scan3A_59 : i32 to index
        %swap3A_180 = arith.constant 208 : index
        %swap3A_181 = tpu.vector_load %arg10[%swap3A_179, %swap3A_180] {strides = array<i32>} : memref<16x1024xf32, #tpu.memory_space<vmem>>, vector<1x16xf32>,
        %swap3A_182 = vector.shape_cast %swap3A_181 : vector<1x16xf32> to vector<16xf32>
        %swap3A_183 = vector.shape_cast %get3A_178 : vector<16xf32> to vector<1x16xf32>
        tpu.vector_store %arg10[%swap3A_179, %swap3A_180], %swap3A_183 {add = true, strides = array<i32>} : memref<16x1024xf32, #tpu.memory_space<vmem>>, vector<1x16xf32>,
        %get3A_184 = arith.index_cast %scan3A_59 : i32 to index
        %get3A_185 = arith.constant 224 : index
        %get3A_186 = tpu.vector_load %arg9[%get3A_184, %get3A_185] {strides = array<i32>} : memref<16x1024xf32, #tpu.memory_space<vmem>>, vector<1x16xf32>,
        %get3A_187 = vector.shape_cast %get3A_186 : vector<1x16xf32> to vector<16xf32>
        %swap3A_188 = arith.index_cast %scan3A_59 : i32 to index
        %swap3A_189 = arith.constant 224 : index
        %swap3A_190 = tpu.vector_load %arg10[%swap3A_188, %swap3A_189] {strides = array<i32>} : memref<16x1024xf32, #tpu.memory_space<vmem>>, vector<1x16xf32>,
        %swap3A_191 = vector.shape_cast %swap3A_190 : vector<1x16xf32> to vector<16xf32>
        %swap3A_192 = vector.shape_cast %get3A_187 : vector<16xf32> to vector<1x16xf32>
        tpu.vector_store %arg10[%swap3A_188, %swap3A_189], %swap3A_192 {add = true, strides = array<i32>} : memref<16x1024xf32, #tpu.memory_space<vmem>>, vector<1x16xf32>,
        %get3A_193 = arith.index_cast %scan3A_59 : i32 to index
        %get3A_194 = arith.constant 240 : index
        %get3A_195 = tpu.vector_load %arg9[%get3A_193, %get3A_194] {strides = array<i32>} : memref<16x1024xf32, #tpu.memory_space<vmem>>, vector<1x16xf32>,
        %get3A_196 = vector.shape_cast %get3A_195 : vector<1x16xf32> to vector<16xf32>
        %swap3A_197 = arith.index_cast %scan3A_59 : i32 to index
        %swap3A_198 = arith.constant 240 : index
        %swap3A_199 = tpu.vector_load %arg10[%swap3A_197, %swap3A_198] {strides = array<i32>} : memref<16x1024xf32, #tpu.memory_space<vmem>>, vector<1x16xf32>,
        %swap3A_200 = vector.shape_cast %swap3A_199 : vector<1x16xf32> to vector<16xf32>
        %swap3A_201 = vector.shape_cast %get3A_196 : vector<16xf32> to vector<1x16xf32>
        tpu.vector_store %arg10[%swap3A_197, %swap3A_198], %swap3A_201 {add = true, strides = array<i32>} : memref<16x1024xf32, #tpu.memory_space<vmem>>, vector<1x16xf32>,
        %get3A_202 = arith.index_cast %scan3A_59 : i32 to index
        %get3A_203 = arith.constant 256 : index
        %get3A_204 = tpu.vector_load %arg9[%get3A_202, %get3A_203] {strides = array<i32>} : memref<16x1024xf32, #tpu.memory_space<vmem>>, vector<1x16xf32>,
        %get3A_205 = vector.shape_cast %get3A_204 : vector<1x16xf32> to vector<16xf32>
        %swap3A_206 = arith.index_cast %scan3A_59 : i32 to index
        %swap3A_207 = arith.constant 256 : index
        %swap3A_208 = tpu.vector_load %arg10[%swap3A_206, %swap3A_207] {strides = array<i32>} : memref<16x1024xf32, #tpu.memory_space<vmem>>, vector<1x16xf32>,
        %swap3A_209 = vector.shape_cast %swap3A_208 : vector<1x16xf32> to vector<16xf32>
        %swap3A_210 = vector.shape_cast %get3A_205 : vector<16xf32> to vector<1x16xf32>
        tpu.vector_store %arg10[%swap3A_206, %swap3A_207], %swap3A_210 {add = true, strides = array<i32>} : memref<16x1024xf32, #tpu.memory_space<vmem>>, vector<1x16xf32>,
        %get3A_211 = arith.index_cast %scan3A_59 : i32 to index
        %get3A_212 = arith.constant 272 : index
        %get3A_213 = tpu.vector_load %arg9[%get3A_211, %get3A_212] {strides = array<i32>} : memref<16x1024xf32, #tpu.memory_space<vmem>>, vector<1x16xf32>,
        %get3A_214 = vector.shape_cast %get3A_213 : vector<1x16xf32> to vector<16xf32>
        %swap3A_215 = arith.index_cast %scan3A_59 : i32 to index
        %swap3A_216 = arith.constant 272 : index
        %swap3A_217 = tpu.vector_load %arg10[%swap3A_215, %swap3A_216] {strides = array<i32>} : memref<16x1024xf32, #tpu.memory_space<vmem>>, vector<1x16xf32>,
        %swap3A_218 = vector.shape_cast %swap3A_217 : vector<1x16xf32> to vector<16xf32>
        %swap3A_219 = vector.shape_cast %get3A_214 : vector<16xf32> to vector<1x16xf32>
        tpu.vector_store %arg10[%swap3A_215, %swap3A_216], %swap3A_219 {add = true, strides = array<i32>} : memref<16x1024xf32, #tpu.memory_space<vmem>>, vector<1x16xf32>,
        %get3A_220 = arith.index_cast %scan3A_59 : i32 to index
        %get3A_221 = arith.constant 288 : index
        %get3A_222 = tpu.vector_load %arg9[%get3A_220, %get3A_221] {strides = array<i32>} : memref<16x1024xf32, #tpu.memory_space<vmem>>, vector<1x16xf32>,
        %get3A_223 = vector.shape_cast %get3A_222 : vector<1x16xf32> to vector<16xf32>
        %swap3A_224 = arith.index_cast %scan3A_59 : i32 to index
        %swap3A_225 = arith.constant 288 : index
        %swap3A_226 = tpu.vector_load %arg10[%swap3A_224, %swap3A_225] {strides = array<i32>} : memref<16x1024xf32, #tpu.memory_space<vmem>>, vector<1x16xf32>,
        %swap3A_227 = vector.shape_cast %swap3A_226 : vector<1x16xf32> to vector<16xf32>
        %swap3A_228 = vector.shape_cast %get3A_223 : vector<16xf32> to vector<1x16xf32>
        tpu.vector_store %arg10[%swap3A_224, %swap3A_225], %swap3A_228 {add = true, strides = array<i32>} : memref<16x1024xf32, #tpu.memory_space<vmem>>, vector<1x16xf32>,
        %get3A_229 = arith.index_cast %scan3A_59 : i32 to index
        %get3A_230 = arith.constant 304 : index
        %get3A_231 = tpu.vector_load %arg9[%get3A_229, %get3A_230] {strides = array<i32>} : memref<16x1024xf32, #tpu.memory_space<vmem>>, vector<1x16xf32>,
        %get3A_232 = vector.shape_cast %get3A_231 : vector<1x16xf32> to vector<16xf32>
        %swap3A_233 = arith.index_cast %scan3A_59 : i32 to index
        %swap3A_234 = arith.constant 304 : index
        %swap3A_235 = tpu.vector_load %arg10[%swap3A_233, %swap3A_234] {strides = array<i32>} : memref<16x1024xf32, #tpu.memory_space<vmem>>, vector<1x16xf32>,
        %swap3A_236 = vector.shape_cast %swap3A_235 : vector<1x16xf32> to vector<16xf32>
        %swap3A_237 = vector.shape_cast %get3A_232 : vector<16xf32> to vector<1x16xf32>
        tpu.vector_store %arg10[%swap3A_233, %swap3A_234], %swap3A_237 {add = true, strides = array<i32>} : memref<16x1024xf32, #tpu.memory_space<vmem>>, vector<1x16xf32>,
        %get3A_238 = arith.index_cast %scan3A_59 : i32 to index
        %get3A_239 = arith.constant 320 : index
        %get3A_240 = tpu.vector_load %arg9[%get3A_238, %get3A_239] {strides = array<i32>} : memref<16x1024xf32, #tpu.memory_space<vmem>>, vector<1x16xf32>,
        %get3A_241 = vector.shape_cast %get3A_240 : vector<1x16xf32> to vector<16xf32>
        %swap3A_242 = arith.index_cast %scan3A_59 : i32 to index
        %swap3A_243 = arith.constant 320 : index
        %swap3A_244 = tpu.vector_load %arg10[%swap3A_242, %swap3A_243] {strides = array<i32>} : memref<16x1024xf32, #tpu.memory_space<vmem>>, vector<1x16xf32>,
        %swap3A_245 = vector.shape_cast %swap3A_244 : vector<1x16xf32> to vector<16xf32>
        %swap3A_246 = vector.shape_cast %get3A_241 : vector<16xf32> to vector<1x16xf32>
        tpu.vector_store %arg10[%swap3A_242, %swap3A_243], %swap3A_246 {add = true, strides = array<i32>} : memref<16x1024xf32, #tpu.memory_space<vmem>>, vector<1x16xf32>,
        %get3A_247 = arith.index_cast %scan3A_59 : i32 to index
        %get3A_248 = arith.constant 336 : index
        %get3A_249 = tpu.vector_load %arg9[%get3A_247, %get3A_248] {strides = array<i32>} : memref<16x1024xf32, #tpu.memory_space<vmem>>, vector<1x16xf32>,
        %get3A_250 = vector.shape_cast %get3A_249 : vector<1x16xf32> to vector<16xf32>
        %swap3A_251 = arith.index_cast %scan3A_59 : i32 to index
        %swap3A_252 = arith.constant 336 : index
        %swap3A_253 = tpu.vector_load %arg10[%swap3A_251, %swap3A_252] {strides = array<i32>} : memref<16x1024xf32, #tpu.memory_space<vmem>>, vector<1x16xf32>,
        %swap3A_254 = vector.shape_cast %swap3A_253 : vector<1x16xf32> to vector<16xf32>
        %swap3A_255 = vector.shape_cast %get3A_250 : vector<16xf32> to vector<1x16xf32>
        tpu.vector_store %arg10[%swap3A_251, %swap3A_252], %swap3A_255 {add = true, strides = array<i32>} : memref<16x1024xf32, #tpu.memory_space<vmem>>, vector<1x16xf32>,
        %get3A_256 = arith.index_cast %scan3A_59 : i32 to index
        %get3A_257 = arith.constant 352 : index
        %get3A_258 = tpu.vector_load %arg9[%get3A_256, %get3A_257] {strides = array<i32>} : memref<16x1024xf32, #tpu.memory_space<vmem>>, vector<1x16xf32>,
        %get3A_259 = vector.shape_cast %get3A_258 : vector<1x16xf32> to vector<16xf32>
        %swap3A_260 = arith.index_cast %scan3A_59 : i32 to index
        %swap3A_261 = arith.constant 352 : index
        %swap3A_262 = tpu.vector_load %arg10[%swap3A_260, %swap3A_261] {strides = array<i32>} : memref<16x1024xf32, #tpu.memory_space<vmem>>, vector<1x16xf32>,
        %swap3A_263 = vector.shape_cast %swap3A_262 : vector<1x16xf32> to vector<16xf32>
        %swap3A_264 = vector.shape_cast %get3A_259 : vector<16xf32> to vector<1x16xf32>
        tpu.vector_store %arg10[%swap3A_260, %swap3A_261], %swap3A_264 {add = true, strides = array<i32>} : memref<16x1024xf32, #tpu.memory_space<vmem>>, vector<1x16xf32>,
        %get3A_265 = arith.index_cast %scan3A_59 : i32 to index
        %get3A_266 = arith.constant 368 : index
        %get3A_267 = tpu.vector_load %arg9[%get3A_265, %get3A_266] {strides = array<i32>} : memref<16x1024xf32, #tpu.memory_space<vmem>>, vector<1x16xf32>,
        %get3A_268 = vector.shape_cast %get3A_267 : vector<1x16xf32> to vector<16xf32>
        %swap3A_269 = arith.index_cast %scan3A_59 : i32 to index
        %swap3A_270 = arith.constant 368 : index
        %swap3A_271 = tpu.vector_load %arg10[%swap3A_269, %swap3A_270] {strides = array<i32>} : memref<16x1024xf32, #tpu.memory_space<vmem>>, vector<1x16xf32>,
        %swap3A_272 = vector.shape_cast %swap3A_271 : vector<1x16xf32> to vector<16xf32>
        %swap3A_273 = vector.shape_cast %get3A_268 : vector<16xf32> to vector<1x16xf32>
        tpu.vector_store %arg10[%swap3A_269, %swap3A_270], %swap3A_273 {add = true, strides = array<i32>} : memref<16x1024xf32, #tpu.memory_space<vmem>>, vector<1x16xf32>,
        %get3A_274 = arith.index_cast %scan3A_59 : i32 to index
        %get3A_275 = arith.constant 384 : index
        %get3A_276 = tpu.vector_load %arg9[%get3A_274, %get3A_275] {strides = array<i32>} : memref<16x1024xf32, #tpu.memory_space<vmem>>, vector<1x16xf32>,
        %get3A_277 = vector.shape_cast %get3A_276 : vector<1x16xf32> to vector<16xf32>
        %swap3A_278 = arith.index_cast %scan3A_59 : i32 to index
        %swap3A_279 = arith.constant 384 : index
        %swap3A_280 = tpu.vector_load %arg10[%swap3A_278, %swap3A_279] {strides = array<i32>} : memref<16x1024xf32, #tpu.memory_space<vmem>>, vector<1x16xf32>,
        %swap3A_281 = vector.shape_cast %swap3A_280 : vector<1x16xf32> to vector<16xf32>
        %swap3A_282 = vector.shape_cast %get3A_277 : vector<16xf32> to vector<1x16xf32>
        tpu.vector_store %arg10[%swap3A_278, %swap3A_279], %swap3A_282 {add = true, strides = array<i32>} : memref<16x1024xf32, #tpu.memory_space<vmem>>, vector<1x16xf32>,
        %get3A_283 = arith.index_cast %scan3A_59 : i32 to index
        %get3A_284 = arith.constant 400 : index
        %get3A_285 = tpu.vector_load %arg9[%get3A_283, %get3A_284] {strides = array<i32>} : memref<16x1024xf32, #tpu.memory_space<vmem>>, vector<1x16xf32>,
        %get3A_286 = vector.shape_cast %get3A_285 : vector<1x16xf32> to vector<16xf32>
        %swap3A_287 = arith.index_cast %scan3A_59 : i32 to index
        %swap3A_288 = arith.constant 400 : index
        %swap3A_289 = tpu.vector_load %arg10[%swap3A_287, %swap3A_288] {strides = array<i32>} : memref<16x1024xf32, #tpu.memory_space<vmem>>, vector<1x16xf32>,
        %swap3A_290 = vector.shape_cast %swap3A_289 : vector<1x16xf32> to vector<16xf32>
        %swap3A_291 = vector.shape_cast %get3A_286 : vector<16xf32> to vector<1x16xf32>
        tpu.vector_store %arg10[%swap3A_287, %swap3A_288], %swap3A_291 {add = true, strides = array<i32>} : memref<16x1024xf32, #tpu.memory_space<vmem>>, vector<1x16xf32>,
        %get3A_292 = arith.index_cast %scan3A_59 : i32 to index
        %get3A_293 = arith.constant 416 : index
        %get3A_294 = tpu.vector_load %arg9[%get3A_292, %get3A_293] {strides = array<i32>} : memref<16x1024xf32, #tpu.memory_space<vmem>>, vector<1x16xf32>,
        %get3A_295 = vector.shape_cast %get3A_294 : vector<1x16xf32> to vector<16xf32>
        %swap3A_296 = arith.index_cast %scan3A_59 : i32 to index
        %swap3A_297 = arith.constant 416 : index
        %swap3A_298 = tpu.vector_load %arg10[%swap3A_296, %swap3A_297] {strides = array<i32>} : memref<16x1024xf32, #tpu.memory_space<vmem>>, vector<1x16xf32>,
        %swap3A_299 = vector.shape_cast %swap3A_298 : vector<1x16xf32> to vector<16xf32>
        %swap3A_300 = vector.shape_cast %get3A_295 : vector<16xf32> to vector<1x16xf32>
        tpu.vector_store %arg10[%swap3A_296, %swap3A_297], %swap3A_300 {add = true, strides = array<i32>} : memref<16x1024xf32, #tpu.memory_space<vmem>>, vector<1x16xf32>,
        %get3A_301 = arith.index_cast %scan3A_59 : i32 to index
        %get3A_302 = arith.constant 432 : index
        %get3A_303 = tpu.vector_load %arg9[%get3A_301, %get3A_302] {strides = array<i32>} : memref<16x1024xf32, #tpu.memory_space<vmem>>, vector<1x16xf32>,
        %get3A_304 = vector.shape_cast %get3A_303 : vector<1x16xf32> to vector<16xf32>
        %swap3A_305 = arith.index_cast %scan3A_59 : i32 to index
        %swap3A_306 = arith.constant 432 : index
        %swap3A_307 = tpu.vector_load %arg10[%swap3A_305, %swap3A_306] {strides = array<i32>} : memref<16x1024xf32, #tpu.memory_space<vmem>>, vector<1x16xf32>,
        %swap3A_308 = vector.shape_cast %swap3A_307 : vector<1x16xf32> to vector<16xf32>
        %swap3A_309 = vector.shape_cast %get3A_304 : vector<16xf32> to vector<1x16xf32>
        tpu.vector_store %arg10[%swap3A_305, %swap3A_306], %swap3A_309 {add = true, strides = array<i32>} : memref<16x1024xf32, #tpu.memory_space<vmem>>, vector<1x16xf32>,
        %get3A_310 = arith.index_cast %scan3A_59 : i32 to index
        %get3A_311 = arith.constant 448 : index
        %get3A_312 = tpu.vector_load %arg9[%get3A_310, %get3A_311] {strides = array<i32>} : memref<16x1024xf32, #tpu.memory_space<vmem>>, vector<1x16xf32>,
        %get3A_313 = vector.shape_cast %get3A_312 : vector<1x16xf32> to vector<16xf32>
        %swap3A_314 = arith.index_cast %scan3A_59 : i32 to index
        %swap3A_315 = arith.constant 448 : index
        %swap3A_316 = tpu.vector_load %arg10[%swap3A_314, %swap3A_315] {strides = array<i32>} : memref<16x1024xf32, #tpu.memory_space<vmem>>, vector<1x16xf32>,
        %swap3A_317 = vector.shape_cast %swap3A_316 : vector<1x16xf32> to vector<16xf32>
        %swap3A_318 = vector.shape_cast %get3A_313 : vector<16xf32> to vector<1x16xf32>
        tpu.vector_store %arg10[%swap3A_314, %swap3A_315], %swap3A_318 {add = true, strides = array<i32>} : memref<16x1024xf32, #tpu.memory_space<vmem>>, vector<1x16xf32>,
        %get3A_319 = arith.index_cast %scan3A_59 : i32 to index
        %get3A_320 = arith.constant 464 : index
        %get3A_321 = tpu.vector_load %arg9[%get3A_319, %get3A_320] {strides = array<i32>} : memref<16x1024xf32, #tpu.memory_space<vmem>>, vector<1x16xf32>,
        %get3A_322 = vector.shape_cast %get3A_321 : vector<1x16xf32> to vector<16xf32>
        %swap3A_323 = arith.index_cast %scan3A_59 : i32 to index
        %swap3A_324 = arith.constant 464 : index
        %swap3A_325 = tpu.vector_load %arg10[%swap3A_323, %swap3A_324] {strides = array<i32>} : memref<16x1024xf32, #tpu.memory_space<vmem>>, vector<1x16xf32>,
        %swap3A_326 = vector.shape_cast %swap3A_325 : vector<1x16xf32> to vector<16xf32>
        %swap3A_327 = vector.shape_cast %get3A_322 : vector<16xf32> to vector<1x16xf32>
        tpu.vector_store %arg10[%swap3A_323, %swap3A_324], %swap3A_327 {add = true, strides = array<i32>} : memref<16x1024xf32, #tpu.memory_space<vmem>>, vector<1x16xf32>,
        %get3A_328 = arith.index_cast %scan3A_59 : i32 to index
        %get3A_329 = arith.constant 480 : index
        %get3A_330 = tpu.vector_load %arg9[%get3A_328, %get3A_329] {strides = array<i32>} : memref<16x1024xf32, #tpu.memory_space<vmem>>, vector<1x16xf32>,
        %get3A_331 = vector.shape_cast %get3A_330 : vector<1x16xf32> to vector<16xf32>
        %swap3A_332 = arith.index_cast %scan3A_59 : i32 to index
        %swap3A_333 = arith.constant 480 : index
        %swap3A_334 = tpu.vector_load %arg10[%swap3A_332, %swap3A_333] {strides = array<i32>} : memref<16x1024xf32, #tpu.memory_space<vmem>>, vector<1x16xf32>,
        %swap3A_335 = vector.shape_cast %swap3A_334 : vector<1x16xf32> to vector<16xf32>
        %swap3A_336 = vector.shape_cast %get3A_331 : vector<16xf32> to vector<1x16xf32>
        tpu.vector_store %arg10[%swap3A_332, %swap3A_333], %swap3A_336 {add = true, strides = array<i32>} : memref<16x1024xf32, #tpu.memory_space<vmem>>, vector<1x16xf32>,
        %get3A_337 = arith.index_cast %scan3A_59 : i32 to index
        %get3A_338 = arith.constant 496 : index
        %get3A_339 = tpu.vector_load %arg9[%get3A_337, %get3A_338] {strides = array<i32>} : memref<16x1024xf32, #tpu.memory_space<vmem>>, vector<1x16xf32>,
        %get3A_340 = vector.shape_cast %get3A_339 : vector<1x16xf32> to vector<16xf32>
        %swap3A_341 = arith.index_cast %scan3A_59 : i32 to index
        %swap3A_342 = arith.constant 496 : index
        %swap3A_343 = tpu.vector_load %arg10[%swap3A_341, %swap3A_342] {strides = array<i32>} : memref<16x1024xf32, #tpu.memory_space<vmem>>, vector<1x16xf32>,
        %swap3A_344 = vector.shape_cast %swap3A_343 : vector<1x16xf32> to vector<16xf32>
        %swap3A_345 = vector.shape_cast %get3A_340 : vector<16xf32> to vector<1x16xf32>
        tpu.vector_store %arg10[%swap3A_341, %swap3A_342], %swap3A_345 {add = true, strides = array<i32>} : memref<16x1024xf32, #tpu.memory_space<vmem>>, vector<1x16xf32>,
        %get3A_346 = arith.index_cast %scan3A_59 : i32 to index
        %get3A_347 = arith.constant 512 : index
        %get3A_348 = tpu.vector_load %arg9[%get3A_346, %get3A_347] {strides = array<i32>} : memref<16x1024xf32, #tpu.memory_space<vmem>>, vector<1x16xf32>,
        %get3A_349 = vector.shape_cast %get3A_348 : vector<1x16xf32> to vector<16xf32>
        %swap3A_350 = arith.index_cast %scan3A_59 : i32 to index
        %swap3A_351 = arith.constant 512 : index
        %swap3A_352 = tpu.vector_load %arg10[%swap3A_350, %swap3A_351] {strides = array<i32>} : memref<16x1024xf32, #tpu.memory_space<vmem>>, vector<1x16xf32>,
        %swap3A_353 = vector.shape_cast %swap3A_352 : vector<1x16xf32> to vector<16xf32>
        %swap3A_354 = vector.shape_cast %get3A_349 : vector<16xf32> to vector<1x16xf32>
        tpu.vector_store %arg10[%swap3A_350, %swap3A_351], %swap3A_354 {add = true, strides = array<i32>} : memref<16x1024xf32, #tpu.memory_space<vmem>>, vector<1x16xf32>,
        %get3A_355 = arith.index_cast %scan3A_59 : i32 to index
        %get3A_356 = arith.constant 528 : index
        %get3A_357 = tpu.vector_load %arg9[%get3A_355, %get3A_356] {strides = array<i32>} : memref<16x1024xf32, #tpu.memory_space<vmem>>, vector<1x16xf32>,
        %get3A_358 = vector.shape_cast %get3A_357 : vector<1x16xf32> to vector<16xf32>
        %swap3A_359 = arith.index_cast %scan3A_59 : i32 to index
        %swap3A_360 = arith.constant 528 : index
        %swap3A_361 = tpu.vector_load %arg10[%swap3A_359, %swap3A_360] {strides = array<i32>} : memref<16x1024xf32, #tpu.memory_space<vmem>>, vector<1x16xf32>,
        %swap3A_362 = vector.shape_cast %swap3A_361 : vector<1x16xf32> to vector<16xf32>
        %swap3A_363 = vector.shape_cast %get3A_358 : vector<16xf32> to vector<1x16xf32>
        tpu.vector_store %arg10[%swap3A_359, %swap3A_360], %swap3A_363 {add = true, strides = array<i32>} : memref<16x1024xf32, #tpu.memory_space<vmem>>, vector<1x16xf32>,
        %get3A_364 = arith.index_cast %scan3A_59 : i32 to index
        %get3A_365 = arith.constant 544 : index
        %get3A_366 = tpu.vector_load %arg9[%get3A_364, %get3A_365] {strides = array<i32>} : memref<16x1024xf32, #tpu.memory_space<vmem>>, vector<1x16xf32>,
        %get3A_367 = vector.shape_cast %get3A_366 : vector<1x16xf32> to vector<16xf32>
        %swap3A_368 = arith.index_cast %scan3A_59 : i32 to index
        %swap3A_369 = arith.constant 544 : index
        %swap3A_370 = tpu.vector_load %arg10[%swap3A_368, %swap3A_369] {strides = array<i32>} : memref<16x1024xf32, #tpu.memory_space<vmem>>, vector<1x16xf32>,
        %swap3A_371 = vector.shape_cast %swap3A_370 : vector<1x16xf32> to vector<16xf32>
        %swap3A_372 = vector.shape_cast %get3A_367 : vector<16xf32> to vector<1x16xf32>
        tpu.vector_store %arg10[%swap3A_368, %swap3A_369], %swap3A_372 {add = true, strides = array<i32>} : memref<16x1024xf32, #tpu.memory_space<vmem>>, vector<1x16xf32>,
        %get3A_373 = arith.index_cast %scan3A_59 : i32 to index
        %get3A_374 = arith.constant 560 : index
        %get3A_375 = tpu.vector_load %arg9[%get3A_373, %get3A_374] {strides = array<i32>} : memref<16x1024xf32, #tpu.memory_space<vmem>>, vector<1x16xf32>,
        %get3A_376 = vector.shape_cast %get3A_375 : vector<1x16xf32> to vector<16xf32>
        %swap3A_377 = arith.index_cast %scan3A_59 : i32 to index
        %swap3A_378 = arith.constant 560 : index
        %swap3A_379 = tpu.vector_load %arg10[%swap3A_377, %swap3A_378] {strides = array<i32>} : memref<16x1024xf32, #tpu.memory_space<vmem>>, vector<1x16xf32>,
        %swap3A_380 = vector.shape_cast %swap3A_379 : vector<1x16xf32> to vector<16xf32>
        %swap3A_381 = vector.shape_cast %get3A_376 : vector<16xf32> to vector<1x16xf32>
        tpu.vector_store %arg10[%swap3A_377, %swap3A_378], %swap3A_381 {add = true, strides = array<i32>} : memref<16x1024xf32, #tpu.memory_space<vmem>>, vector<1x16xf32>,
        %get3A_382 = arith.index_cast %scan3A_59 : i32 to index
        %get3A_383 = arith.constant 576 : index
        %get3A_384 = tpu.vector_load %arg9[%get3A_382, %get3A_383] {strides = array<i32>} : memref<16x1024xf32, #tpu.memory_space<vmem>>, vector<1x16xf32>,
        %get3A_385 = vector.shape_cast %get3A_384 : vector<1x16xf32> to vector<16xf32>
        %swap3A_386 = arith.index_cast %scan3A_59 : i32 to index
        %swap3A_387 = arith.constant 576 : index
        %swap3A_388 = tpu.vector_load %arg10[%swap3A_386, %swap3A_387] {strides = array<i32>} : memref<16x1024xf32, #tpu.memory_space<vmem>>, vector<1x16xf32>,
        %swap3A_389 = vector.shape_cast %swap3A_388 : vector<1x16xf32> to vector<16xf32>
        %swap3A_390 = vector.shape_cast %get3A_385 : vector<16xf32> to vector<1x16xf32>
        tpu.vector_store %arg10[%swap3A_386, %swap3A_387], %swap3A_390 {add = true, strides = array<i32>} : memref<16x1024xf32, #tpu.memory_space<vmem>>, vector<1x16xf32>,
        %get3A_391 = arith.index_cast %scan3A_59 : i32 to index
        %get3A_392 = arith.constant 592 : index
        %get3A_393 = tpu.vector_load %arg9[%get3A_391, %get3A_392] {strides = array<i32>} : memref<16x1024xf32, #tpu.memory_space<vmem>>, vector<1x16xf32>,
        %get3A_394 = vector.shape_cast %get3A_393 : vector<1x16xf32> to vector<16xf32>
        %swap3A_395 = arith.index_cast %scan3A_59 : i32 to index
        %swap3A_396 = arith.constant 592 : index
        %swap3A_397 = tpu.vector_load %arg10[%swap3A_395, %swap3A_396] {strides = array<i32>} : memref<16x1024xf32, #tpu.memory_space<vmem>>, vector<1x16xf32>,
        %swap3A_398 = vector.shape_cast %swap3A_397 : vector<1x16xf32> to vector<16xf32>
        %swap3A_399 = vector.shape_cast %get3A_394 : vector<16xf32> to vector<1x16xf32>
        tpu.vector_store %arg10[%swap3A_395, %swap3A_396], %swap3A_399 {add = true, strides = array<i32>} : memref<16x1024xf32, #tpu.memory_space<vmem>>, vector<1x16xf32>,
        %get3A_400 = arith.index_cast %scan3A_59 : i32 to index
        %get3A_401 = arith.constant 608 : index
        %get3A_402 = tpu.vector_load %arg9[%get3A_400, %get3A_401] {strides = array<i32>} : memref<16x1024xf32, #tpu.memory_space<vmem>>, vector<1x16xf32>,
        %get3A_403 = vector.shape_cast %get3A_402 : vector<1x16xf32> to vector<16xf32>
        %swap3A_404 = arith.index_cast %scan3A_59 : i32 to index
        %swap3A_405 = arith.constant 608 : index
        %swap3A_406 = tpu.vector_load %arg10[%swap3A_404, %swap3A_405] {strides = array<i32>} : memref<16x1024xf32, #tpu.memory_space<vmem>>, vector<1x16xf32>,
        %swap3A_407 = vector.shape_cast %swap3A_406 : vector<1x16xf32> to vector<16xf32>
        %swap3A_408 = vector.shape_cast %get3A_403 : vector<16xf32> to vector<1x16xf32>
        tpu.vector_store %arg10[%swap3A_404, %swap3A_405], %swap3A_408 {add = true, strides = array<i32>} : memref<16x1024xf32, #tpu.memory_space<vmem>>, vector<1x16xf32>,
        %get3A_409 = arith.index_cast %scan3A_59 : i32 to index
        %get3A_410 = arith.constant 624 : index
        %get3A_411 = tpu.vector_load %arg9[%get3A_409, %get3A_410] {strides = array<i32>} : memref<16x1024xf32, #tpu.memory_space<vmem>>, vector<1x16xf32>,
        %get3A_412 = vector.shape_cast %get3A_411 : vector<1x16xf32> to vector<16xf32>
        %swap3A_413 = arith.index_cast %scan3A_59 : i32 to index
        %swap3A_414 = arith.constant 624 : index
        %swap3A_415 = tpu.vector_load %arg10[%swap3A_413, %swap3A_414] {strides = array<i32>} : memref<16x1024xf32, #tpu.memory_space<vmem>>, vector<1x16xf32>,
        %swap3A_416 = vector.shape_cast %swap3A_415 : vector<1x16xf32> to vector<16xf32>
        %swap3A_417 = vector.shape_cast %get3A_412 : vector<16xf32> to vector<1x16xf32>
        tpu.vector_store %arg10[%swap3A_413, %swap3A_414], %swap3A_417 {add = true, strides = array<i32>} : memref<16x1024xf32, #tpu.memory_space<vmem>>, vector<1x16xf32>,
        %get3A_418 = arith.index_cast %scan3A_59 : i32 to index
        %get3A_419 = arith.constant 640 : index
        %get3A_420 = tpu.vector_load %arg9[%get3A_418, %get3A_419] {strides = array<i32>} : memref<16x1024xf32, #tpu.memory_space<vmem>>, vector<1x16xf32>,
        %get3A_421 = vector.shape_cast %get3A_420 : vector<1x16xf32> to vector<16xf32>
        %swap3A_422 = arith.index_cast %scan3A_59 : i32 to index
        %swap3A_423 = arith.constant 640 : index
        %swap3A_424 = tpu.vector_load %arg10[%swap3A_422, %swap3A_423] {strides = array<i32>} : memref<16x1024xf32, #tpu.memory_space<vmem>>, vector<1x16xf32>,
        %swap3A_425 = vector.shape_cast %swap3A_424 : vector<1x16xf32> to vector<16xf32>
        %swap3A_426 = vector.shape_cast %get3A_421 : vector<16xf32> to vector<1x16xf32>
        tpu.vector_store %arg10[%swap3A_422, %swap3A_423], %swap3A_426 {add = true, strides = array<i32>} : memref<16x1024xf32, #tpu.memory_space<vmem>>, vector<1x16xf32>,
        %get3A_427 = arith.index_cast %scan3A_59 : i32 to index
        %get3A_428 = arith.constant 656 : index
        %get3A_429 = tpu.vector_load %arg9[%get3A_427, %get3A_428] {strides = array<i32>} : memref<16x1024xf32, #tpu.memory_space<vmem>>, vector<1x16xf32>,
        %get3A_430 = vector.shape_cast %get3A_429 : vector<1x16xf32> to vector<16xf32>
        %swap3A_431 = arith.index_cast %scan3A_59 : i32 to index
        %swap3A_432 = arith.constant 656 : index
        %swap3A_433 = tpu.vector_load %arg10[%swap3A_431, %swap3A_432] {strides = array<i32>} : memref<16x1024xf32, #tpu.memory_space<vmem>>, vector<1x16xf32>,
        %swap3A_434 = vector.shape_cast %swap3A_433 : vector<1x16xf32> to vector<16xf32>
        %swap3A_435 = vector.shape_cast %get3A_430 : vector<16xf32> to vector<1x16xf32>
        tpu.vector_store %arg10[%swap3A_431, %swap3A_432], %swap3A_435 {add = true, strides = array<i32>} : memref<16x1024xf32, #tpu.memory_space<vmem>>, vector<1x16xf32>,
        %get3A_436 = arith.index_cast %scan3A_59 : i32 to index
        %get3A_437 = arith.constant 672 : index
        %get3A_438 = tpu.vector_load %arg9[%get3A_436, %get3A_437] {strides = array<i32>} : memref<16x1024xf32, #tpu.memory_space<vmem>>, vector<1x16xf32>,
        %get3A_439 = vector.shape_cast %get3A_438 : vector<1x16xf32> to vector<16xf32>
        %swap3A_440 = arith.index_cast %scan3A_59 : i32 to index
        %swap3A_441 = arith.constant 672 : index
        %swap3A_442 = tpu.vector_load %arg10[%swap3A_440, %swap3A_441] {strides = array<i32>} : memref<16x1024xf32, #tpu.memory_space<vmem>>, vector<1x16xf32>,
        %swap3A_443 = vector.shape_cast %swap3A_442 : vector<1x16xf32> to vector<16xf32>
        %swap3A_444 = vector.shape_cast %get3A_439 : vector<16xf32> to vector<1x16xf32>
        tpu.vector_store %arg10[%swap3A_440, %swap3A_441], %swap3A_444 {add = true, strides = array<i32>} : memref<16x1024xf32, #tpu.memory_space<vmem>>, vector<1x16xf32>,
        %get3A_445 = arith.index_cast %scan3A_59 : i32 to index
        %get3A_446 = arith.constant 688 : index
        %get3A_447 = tpu.vector_load %arg9[%get3A_445, %get3A_446] {strides = array<i32>} : memref<16x1024xf32, #tpu.memory_space<vmem>>, vector<1x16xf32>,
        %get3A_448 = vector.shape_cast %get3A_447 : vector<1x16xf32> to vector<16xf32>
        %swap3A_449 = arith.index_cast %scan3A_59 : i32 to index
        %swap3A_450 = arith.constant 688 : index
        %swap3A_451 = tpu.vector_load %arg10[%swap3A_449, %swap3A_450] {strides = array<i32>} : memref<16x1024xf32, #tpu.memory_space<vmem>>, vector<1x16xf32>,
        %swap3A_452 = vector.shape_cast %swap3A_451 : vector<1x16xf32> to vector<16xf32>
        %swap3A_453 = vector.shape_cast %get3A_448 : vector<16xf32> to vector<1x16xf32>
        tpu.vector_store %arg10[%swap3A_449, %swap3A_450], %swap3A_453 {add = true, strides = array<i32>} : memref<16x1024xf32, #tpu.memory_space<vmem>>, vector<1x16xf32>,
        %get3A_454 = arith.index_cast %scan3A_59 : i32 to index
        %get3A_455 = arith.constant 704 : index
        %get3A_456 = tpu.vector_load %arg9[%get3A_454, %get3A_455] {strides = array<i32>} : memref<16x1024xf32, #tpu.memory_space<vmem>>, vector<1x16xf32>,
        %get3A_457 = vector.shape_cast %get3A_456 : vector<1x16xf32> to vector<16xf32>
        %swap3A_458 = arith.index_cast %scan3A_59 : i32 to index
        %swap3A_459 = arith.constant 704 : index
        %swap3A_460 = tpu.vector_load %arg10[%swap3A_458, %swap3A_459] {strides = array<i32>} : memref<16x1024xf32, #tpu.memory_space<vmem>>, vector<1x16xf32>,
        %swap3A_461 = vector.shape_cast %swap3A_460 : vector<1x16xf32> to vector<16xf32>
        %swap3A_462 = vector.shape_cast %get3A_457 : vector<16xf32> to vector<1x16xf32>
        tpu.vector_store %arg10[%swap3A_458, %swap3A_459], %swap3A_462 {add = true, strides = array<i32>} : memref<16x1024xf32, #tpu.memory_space<vmem>>, vector<1x16xf32>,
        %get3A_463 = arith.index_cast %scan3A_59 : i32 to index
        %get3A_464 = arith.constant 720 : index
        %get3A_465 = tpu.vector_load %arg9[%get3A_463, %get3A_464] {strides = array<i32>} : memref<16x1024xf32, #tpu.memory_space<vmem>>, vector<1x16xf32>,
        %get3A_466 = vector.shape_cast %get3A_465 : vector<1x16xf32> to vector<16xf32>
        %swap3A_467 = arith.index_cast %scan3A_59 : i32 to index
        %swap3A_468 = arith.constant 720 : index
        %swap3A_469 = tpu.vector_load %arg10[%swap3A_467, %swap3A_468] {strides = array<i32>} : memref<16x1024xf32, #tpu.memory_space<vmem>>, vector<1x16xf32>,
        %swap3A_470 = vector.shape_cast %swap3A_469 : vector<1x16xf32> to vector<16xf32>
        %swap3A_471 = vector.shape_cast %get3A_466 : vector<16xf32> to vector<1x16xf32>
        tpu.vector_store %arg10[%swap3A_467, %swap3A_468], %swap3A_471 {add = true, strides = array<i32>} : memref<16x1024xf32, #tpu.memory_space<vmem>>, vector<1x16xf32>,
        %get3A_472 = arith.index_cast %scan3A_59 : i32 to index
        %get3A_473 = arith.constant 736 : index
        %get3A_474 = tpu.vector_load %arg9[%get3A_472, %get3A_473] {strides = array<i32>} : memref<16x1024xf32, #tpu.memory_space<vmem>>, vector<1x16xf32>,
        %get3A_475 = vector.shape_cast %get3A_474 : vector<1x16xf32> to vector<16xf32>
        %swap3A_476 = arith.index_cast %scan3A_59 : i32 to index
        %swap3A_477 = arith.constant 736 : index
        %swap3A_478 = tpu.vector_load %arg10[%swap3A_476, %swap3A_477] {strides = array<i32>} : memref<16x1024xf32, #tpu.memory_space<vmem>>, vector<1x16xf32>,
        %swap3A_479 = vector.shape_cast %swap3A_478 : vector<1x16xf32> to vector<16xf32>
        %swap3A_480 = vector.shape_cast %get3A_475 : vector<16xf32> to vector<1x16xf32>
        tpu.vector_store %arg10[%swap3A_476, %swap3A_477], %swap3A_480 {add = true, strides = array<i32>} : memref<16x1024xf32, #tpu.memory_space<vmem>>, vector<1x16xf32>,
        %get3A_481 = arith.index_cast %scan3A_59 : i32 to index
        %get3A_482 = arith.constant 752 : index
        %get3A_483 = tpu.vector_load %arg9[%get3A_481, %get3A_482] {strides = array<i32>} : memref<16x1024xf32, #tpu.memory_space<vmem>>, vector<1x16xf32>,
        %get3A_484 = vector.shape_cast %get3A_483 : vector<1x16xf32> to vector<16xf32>
        %swap3A_485 = arith.index_cast %scan3A_59 : i32 to index
        %swap3A_486 = arith.constant 752 : index
        %swap3A_487 = tpu.vector_load %arg10[%swap3A_485, %swap3A_486] {strides = array<i32>} : memref<16x1024xf32, #tpu.memory_space<vmem>>, vector<1x16xf32>,
        %swap3A_488 = vector.shape_cast %swap3A_487 : vector<1x16xf32> to vector<16xf32>
        %swap3A_489 = vector.shape_cast %get3A_484 : vector<16xf32> to vector<1x16xf32>
        tpu.vector_store %arg10[%swap3A_485, %swap3A_486], %swap3A_489 {add = true, strides = array<i32>} : memref<16x1024xf32, #tpu.memory_space<vmem>>, vector<1x16xf32>,
        %get3A_490 = arith.index_cast %scan3A_59 : i32 to index
        %get3A_491 = arith.constant 768 : index
        %get3A_492 = tpu.vector_load %arg9[%get3A_490, %get3A_491] {strides = array<i32>} : memref<16x1024xf32, #tpu.memory_space<vmem>>, vector<1x16xf32>,
        %get3A_493 = vector.shape_cast %get3A_492 : vector<1x16xf32> to vector<16xf32>
        %swap3A_494 = arith.index_cast %scan3A_59 : i32 to index
        %swap3A_495 = arith.constant 768 : index
        %swap3A_496 = tpu.vector_load %arg10[%swap3A_494, %swap3A_495] {strides = array<i32>} : memref<16x1024xf32, #tpu.memory_space<vmem>>, vector<1x16xf32>,
        %swap3A_497 = vector.shape_cast %swap3A_496 : vector<1x16xf32> to vector<16xf32>
        %swap3A_498 = vector.shape_cast %get3A_493 : vector<16xf32> to vector<1x16xf32>
        tpu.vector_store %arg10[%swap3A_494, %swap3A_495], %swap3A_498 {add = true, strides = array<i32>} : memref<16x1024xf32, #tpu.memory_space<vmem>>, vector<1x16xf32>,
        %get3A_499 = arith.index_cast %scan3A_59 : i32 to index
        %get3A_500 = arith.constant 784 : index
        %get3A_501 = tpu.vector_load %arg9[%get3A_499, %get3A_500] {strides = array<i32>} : memref<16x1024xf32, #tpu.memory_space<vmem>>, vector<1x16xf32>,
        %get3A_502 = vector.shape_cast %get3A_501 : vector<1x16xf32> to vector<16xf32>
        %swap3A_503 = arith.index_cast %scan3A_59 : i32 to index
        %swap3A_504 = arith.constant 784 : index
        %swap3A_505 = tpu.vector_load %arg10[%swap3A_503, %swap3A_504] {strides = array<i32>} : memref<16x1024xf32, #tpu.memory_space<vmem>>, vector<1x16xf32>,
        %swap3A_506 = vector.shape_cast %swap3A_505 : vector<1x16xf32> to vector<16xf32>
        %swap3A_507 = vector.shape_cast %get3A_502 : vector<16xf32> to vector<1x16xf32>
        tpu.vector_store %arg10[%swap3A_503, %swap3A_504], %swap3A_507 {add = true, strides = array<i32>} : memref<16x1024xf32, #tpu.memory_space<vmem>>, vector<1x16xf32>,
        %get3A_508 = arith.index_cast %scan3A_59 : i32 to index
        %get3A_509 = arith.constant 800 : index
        %get3A_510 = tpu.vector_load %arg9[%get3A_508, %get3A_509] {strides = array<i32>} : memref<16x1024xf32, #tpu.memory_space<vmem>>, vector<1x16xf32>,
        %get3A_511 = vector.shape_cast %get3A_510 : vector<1x16xf32> to vector<16xf32>
        %swap3A_512 = arith.index_cast %scan3A_59 : i32 to index
        %swap3A_513 = arith.constant 800 : index
        %swap3A_514 = tpu.vector_load %arg10[%swap3A_512, %swap3A_513] {strides = array<i32>} : memref<16x1024xf32, #tpu.memory_space<vmem>>, vector<1x16xf32>,
        %swap3A_515 = vector.shape_cast %swap3A_514 : vector<1x16xf32> to vector<16xf32>
        %swap3A_516 = vector.shape_cast %get3A_511 : vector<16xf32> to vector<1x16xf32>
        tpu.vector_store %arg10[%swap3A_512, %swap3A_513], %swap3A_516 {add = true, strides = array<i32>} : memref<16x1024xf32, #tpu.memory_space<vmem>>, vector<1x16xf32>,
        %get3A_517 = arith.index_cast %scan3A_59 : i32 to index
        %get3A_518 = arith.constant 816 : index
        %get3A_519 = tpu.vector_load %arg9[%get3A_517, %get3A_518] {strides = array<i32>} : memref<16x1024xf32, #tpu.memory_space<vmem>>, vector<1x16xf32>,
        %get3A_520 = vector.shape_cast %get3A_519 : vector<1x16xf32> to vector<16xf32>
        %swap3A_521 = arith.index_cast %scan3A_59 : i32 to index
        %swap3A_522 = arith.constant 816 : index
        %swap3A_523 = tpu.vector_load %arg10[%swap3A_521, %swap3A_522] {strides = array<i32>} : memref<16x1024xf32, #tpu.memory_space<vmem>>, vector<1x16xf32>,
        %swap3A_524 = vector.shape_cast %swap3A_523 : vector<1x16xf32> to vector<16xf32>
        %swap3A_525 = vector.shape_cast %get3A_520 : vector<16xf32> to vector<1x16xf32>
        tpu.vector_store %arg10[%swap3A_521, %swap3A_522], %swap3A_525 {add = true, strides = array<i32>} : memref<16x1024xf32, #tpu.memory_space<vmem>>, vector<1x16xf32>,
        %get3A_526 = arith.index_cast %scan3A_59 : i32 to index
        %get3A_527 = arith.constant 832 : index
        %get3A_528 = tpu.vector_load %arg9[%get3A_526, %get3A_527] {strides = array<i32>} : memref<16x1024xf32, #tpu.memory_space<vmem>>, vector<1x16xf32>,
        %get3A_529 = vector.shape_cast %get3A_528 : vector<1x16xf32> to vector<16xf32>
        %swap3A_530 = arith.index_cast %scan3A_59 : i32 to index
        %swap3A_531 = arith.constant 832 : index
        %swap3A_532 = tpu.vector_load %arg10[%swap3A_530, %swap3A_531] {strides = array<i32>} : memref<16x1024xf32, #tpu.memory_space<vmem>>, vector<1x16xf32>,
        %swap3A_533 = vector.shape_cast %swap3A_532 : vector<1x16xf32> to vector<16xf32>
        %swap3A_534 = vector.shape_cast %get3A_529 : vector<16xf32> to vector<1x16xf32>
        tpu.vector_store %arg10[%swap3A_530, %swap3A_531], %swap3A_534 {add = true, strides = array<i32>} : memref<16x1024xf32, #tpu.memory_space<vmem>>, vector<1x16xf32>,
        %get3A_535 = arith.index_cast %scan3A_59 : i32 to index
        %get3A_536 = arith.constant 848 : index
        %get3A_537 = tpu.vector_load %arg9[%get3A_535, %get3A_536] {strides = array<i32>} : memref<16x1024xf32, #tpu.memory_space<vmem>>, vector<1x16xf32>,
        %get3A_538 = vector.shape_cast %get3A_537 : vector<1x16xf32> to vector<16xf32>
        %swap3A_539 = arith.index_cast %scan3A_59 : i32 to index
        %swap3A_540 = arith.constant 848 : index
        %swap3A_541 = tpu.vector_load %arg10[%swap3A_539, %swap3A_540] {strides = array<i32>} : memref<16x1024xf32, #tpu.memory_space<vmem>>, vector<1x16xf32>,
        %swap3A_542 = vector.shape_cast %swap3A_541 : vector<1x16xf32> to vector<16xf32>
        %swap3A_543 = vector.shape_cast %get3A_538 : vector<16xf32> to vector<1x16xf32>
        tpu.vector_store %arg10[%swap3A_539, %swap3A_540], %swap3A_543 {add = true, strides = array<i32>} : memref<16x1024xf32, #tpu.memory_space<vmem>>, vector<1x16xf32>,
        %get3A_544 = arith.index_cast %scan3A_59 : i32 to index
        %get3A_545 = arith.constant 864 : index
        %get3A_546 = tpu.vector_load %arg9[%get3A_544, %get3A_545] {strides = array<i32>} : memref<16x1024xf32, #tpu.memory_space<vmem>>, vector<1x16xf32>,
        %get3A_547 = vector.shape_cast %get3A_546 : vector<1x16xf32> to vector<16xf32>
        %swap3A_548 = arith.index_cast %scan3A_59 : i32 to index
        %swap3A_549 = arith.constant 864 : index
        %swap3A_550 = tpu.vector_load %arg10[%swap3A_548, %swap3A_549] {strides = array<i32>} : memref<16x1024xf32, #tpu.memory_space<vmem>>, vector<1x16xf32>,
        %swap3A_551 = vector.shape_cast %swap3A_550 : vector<1x16xf32> to vector<16xf32>
        %swap3A_552 = vector.shape_cast %get3A_547 : vector<16xf32> to vector<1x16xf32>
        tpu.vector_store %arg10[%swap3A_548, %swap3A_549], %swap3A_552 {add = true, strides = array<i32>} : memref<16x1024xf32, #tpu.memory_space<vmem>>, vector<1x16xf32>,
        %get3A_553 = arith.index_cast %scan3A_59 : i32 to index
        %get3A_554 = arith.constant 880 : index
        %get3A_555 = tpu.vector_load %arg9[%get3A_553, %get3A_554] {strides = array<i32>} : memref<16x1024xf32, #tpu.memory_space<vmem>>, vector<1x16xf32>,
        %get3A_556 = vector.shape_cast %get3A_555 : vector<1x16xf32> to vector<16xf32>
        %swap3A_557 = arith.index_cast %scan3A_59 : i32 to index
        %swap3A_558 = arith.constant 880 : index
        %swap3A_559 = tpu.vector_load %arg10[%swap3A_557, %swap3A_558] {strides = array<i32>} : memref<16x1024xf32, #tpu.memory_space<vmem>>, vector<1x16xf32>,
        %swap3A_560 = vector.shape_cast %swap3A_559 : vector<1x16xf32> to vector<16xf32>
        %swap3A_561 = vector.shape_cast %get3A_556 : vector<16xf32> to vector<1x16xf32>
        tpu.vector_store %arg10[%swap3A_557, %swap3A_558], %swap3A_561 {add = true, strides = array<i32>} : memref<16x1024xf32, #tpu.memory_space<vmem>>, vector<1x16xf32>,
        %get3A_562 = arith.index_cast %scan3A_59 : i32 to index
        %get3A_563 = arith.constant 896 : index
        %get3A_564 = tpu.vector_load %arg9[%get3A_562, %get3A_563] {strides = array<i32>} : memref<16x1024xf32, #tpu.memory_space<vmem>>, vector<1x16xf32>,
        %get3A_565 = vector.shape_cast %get3A_564 : vector<1x16xf32> to vector<16xf32>
        %swap3A_566 = arith.index_cast %scan3A_59 : i32 to index
        %swap3A_567 = arith.constant 896 : index
        %swap3A_568 = tpu.vector_load %arg10[%swap3A_566, %swap3A_567] {strides = array<i32>} : memref<16x1024xf32, #tpu.memory_space<vmem>>, vector<1x16xf32>,
        %swap3A_569 = vector.shape_cast %swap3A_568 : vector<1x16xf32> to vector<16xf32>
        %swap3A_570 = vector.shape_cast %get3A_565 : vector<16xf32> to vector<1x16xf32>
        tpu.vector_store %arg10[%swap3A_566, %swap3A_567], %swap3A_570 {add = true, strides = array<i32>} : memref<16x1024xf32, #tpu.memory_space<vmem>>, vector<1x16xf32>,
        %get3A_571 = arith.index_cast %scan3A_59 : i32 to index
        %get3A_572 = arith.constant 912 : index
        %get3A_573 = tpu.vector_load %arg9[%get3A_571, %get3A_572] {strides = array<i32>} : memref<16x1024xf32, #tpu.memory_space<vmem>>, vector<1x16xf32>,
        %get3A_574 = vector.shape_cast %get3A_573 : vector<1x16xf32> to vector<16xf32>
        %swap3A_575 = arith.index_cast %scan3A_59 : i32 to index
        %swap3A_576 = arith.constant 912 : index
        %swap3A_577 = tpu.vector_load %arg10[%swap3A_575, %swap3A_576] {strides = array<i32>} : memref<16x1024xf32, #tpu.memory_space<vmem>>, vector<1x16xf32>,
        %swap3A_578 = vector.shape_cast %swap3A_577 : vector<1x16xf32> to vector<16xf32>
        %swap3A_579 = vector.shape_cast %get3A_574 : vector<16xf32> to vector<1x16xf32>
        tpu.vector_store %arg10[%swap3A_575, %swap3A_576], %swap3A_579 {add = true, strides = array<i32>} : memref<16x1024xf32, #tpu.memory_space<vmem>>, vector<1x16xf32>,
        %get3A_580 = arith.index_cast %scan3A_59 : i32 to index
        %get3A_581 = arith.constant 928 : index
        %get3A_582 = tpu.vector_load %arg9[%get3A_580, %get3A_581] {strides = array<i32>} : memref<16x1024xf32, #tpu.memory_space<vmem>>, vector<1x16xf32>,
        %get3A_583 = vector.shape_cast %get3A_582 : vector<1x16xf32> to vector<16xf32>
        %swap3A_584 = arith.index_cast %scan3A_59 : i32 to index
        %swap3A_585 = arith.constant 928 : index
        %swap3A_586 = tpu.vector_load %arg10[%swap3A_584, %swap3A_585] {strides = array<i32>} : memref<16x1024xf32, #tpu.memory_space<vmem>>, vector<1x16xf32>,
        %swap3A_587 = vector.shape_cast %swap3A_586 : vector<1x16xf32> to vector<16xf32>
        %swap3A_588 = vector.shape_cast %get3A_583 : vector<16xf32> to vector<1x16xf32>
        tpu.vector_store %arg10[%swap3A_584, %swap3A_585], %swap3A_588 {add = true, strides = array<i32>} : memref<16x1024xf32, #tpu.memory_space<vmem>>, vector<1x16xf32>,
        %get3A_589 = arith.index_cast %scan3A_59 : i32 to index
        %get3A_590 = arith.constant 944 : index
        %get3A_591 = tpu.vector_load %arg9[%get3A_589, %get3A_590] {strides = array<i32>} : memref<16x1024xf32, #tpu.memory_space<vmem>>, vector<1x16xf32>,
        %get3A_592 = vector.shape_cast %get3A_591 : vector<1x16xf32> to vector<16xf32>
        %swap3A_593 = arith.index_cast %scan3A_59 : i32 to index
        %swap3A_594 = arith.constant 944 : index
        %swap3A_595 = tpu.vector_load %arg10[%swap3A_593, %swap3A_594] {strides = array<i32>} : memref<16x1024xf32, #tpu.memory_space<vmem>>, vector<1x16xf32>,
        %swap3A_596 = vector.shape_cast %swap3A_595 : vector<1x16xf32> to vector<16xf32>
        %swap3A_597 = vector.shape_cast %get3A_592 : vector<16xf32> to vector<1x16xf32>
        tpu.vector_store %arg10[%swap3A_593, %swap3A_594], %swap3A_597 {add = true, strides = array<i32>} : memref<16x1024xf32, #tpu.memory_space<vmem>>, vector<1x16xf32>,
        %get3A_598 = arith.index_cast %scan3A_59 : i32 to index
        %get3A_599 = arith.constant 960 : index
        %get3A_600 = tpu.vector_load %arg9[%get3A_598, %get3A_599] {strides = array<i32>} : memref<16x1024xf32, #tpu.memory_space<vmem>>, vector<1x16xf32>,
        %get3A_601 = vector.shape_cast %get3A_600 : vector<1x16xf32> to vector<16xf32>
        %swap3A_602 = arith.index_cast %scan3A_59 : i32 to index
        %swap3A_603 = arith.constant 960 : index
        %swap3A_604 = tpu.vector_load %arg10[%swap3A_602, %swap3A_603] {strides = array<i32>} : memref<16x1024xf32, #tpu.memory_space<vmem>>, vector<1x16xf32>,
        %swap3A_605 = vector.shape_cast %swap3A_604 : vector<1x16xf32> to vector<16xf32>
        %swap3A_606 = vector.shape_cast %get3A_601 : vector<16xf32> to vector<1x16xf32>
        tpu.vector_store %arg10[%swap3A_602, %swap3A_603], %swap3A_606 {add = true, strides = array<i32>} : memref<16x1024xf32, #tpu.memory_space<vmem>>, vector<1x16xf32>,
        %get3A_607 = arith.index_cast %scan3A_59 : i32 to index
        %get3A_608 = arith.constant 976 : index
        %get3A_609 = tpu.vector_load %arg9[%get3A_607, %get3A_608] {strides = array<i32>} : memref<16x1024xf32, #tpu.memory_space<vmem>>, vector<1x16xf32>,
        %get3A_610 = vector.shape_cast %get3A_609 : vector<1x16xf32> to vector<16xf32>
        %swap3A_611 = arith.index_cast %scan3A_59 : i32 to index
        %swap3A_612 = arith.constant 976 : index
        %swap3A_613 = tpu.vector_load %arg10[%swap3A_611, %swap3A_612] {strides = array<i32>} : memref<16x1024xf32, #tpu.memory_space<vmem>>, vector<1x16xf32>,
        %swap3A_614 = vector.shape_cast %swap3A_613 : vector<1x16xf32> to vector<16xf32>
        %swap3A_615 = vector.shape_cast %get3A_610 : vector<16xf32> to vector<1x16xf32>
        tpu.vector_store %arg10[%swap3A_611, %swap3A_612], %swap3A_615 {add = true, strides = array<i32>} : memref<16x1024xf32, #tpu.memory_space<vmem>>, vector<1x16xf32>,
        %get3A_616 = arith.index_cast %scan3A_59 : i32 to index
        %get3A_617 = arith.constant 992 : index
        %get3A_618 = tpu.vector_load %arg9[%get3A_616, %get3A_617] {strides = array<i32>} : memref<16x1024xf32, #tpu.memory_space<vmem>>, vector<1x16xf32>,
        %get3A_619 = vector.shape_cast %get3A_618 : vector<1x16xf32> to vector<16xf32>
        %swap3A_620 = arith.index_cast %scan3A_59 : i32 to index
        %swap3A_621 = arith.constant 992 : index
        %swap3A_622 = tpu.vector_load %arg10[%swap3A_620, %swap3A_621] {strides = array<i32>} : memref<16x1024xf32, #tpu.memory_space<vmem>>, vector<1x16xf32>,
        %swap3A_623 = vector.shape_cast %swap3A_622 : vector<1x16xf32> to vector<16xf32>
        %swap3A_624 = vector.shape_cast %get3A_619 : vector<16xf32> to vector<1x16xf32>
        tpu.vector_store %arg10[%swap3A_620, %swap3A_621], %swap3A_624 {add = true, strides = array<i32>} : memref<16x1024xf32, #tpu.memory_space<vmem>>, vector<1x16xf32>,
        %get3A_625 = arith.index_cast %scan3A_59 : i32 to index
        %get3A_626 = arith.constant 1008 : index
        %get3A_627 = tpu.vector_load %arg9[%get3A_625, %get3A_626] {strides = array<i32>} : memref<16x1024xf32, #tpu.memory_space<vmem>>, vector<1x16xf32>,
        %get3A_628 = vector.shape_cast %get3A_627 : vector<1x16xf32> to vector<16xf32>
        %swap3A_629 = arith.index_cast %scan3A_59 : i32 to index
        %swap3A_630 = arith.constant 1008 : index
        %swap3A_631 = tpu.vector_load %arg10[%swap3A_629, %swap3A_630] {strides = array<i32>} : memref<16x1024xf32, #tpu.memory_space<vmem>>, vector<1x16xf32>,
        %swap3A_632 = vector.shape_cast %swap3A_631 : vector<1x16xf32> to vector<16xf32>
        %swap3A_633 = vector.shape_cast %get3A_628 : vector<16xf32> to vector<1x16xf32>
        tpu.vector_store %arg10[%swap3A_629, %swap3A_630], %swap3A_633 {add = true, strides = array<i32>} : memref<16x1024xf32, #tpu.memory_space<vmem>>, vector<1x16xf32>,
      }
      %scan3A_39 = arith.constant 16 : i32
      %sub3A = arith.constant 0 : i32
      %sub3A_40 = arith.subi %add3A_20, %sub3A : i32
      "tpu.region"() ({
        %run_scoped3A = tpu.sem_alloc : memref<!tpu.dma_semaphore, #tpu.memory_space<semaphore_mem>>
        %dma_start3A_59 = arith.constant 0 : i32
        %dma_start3A_60 = tpu.memref_slice %arg6[%sub3A_40, %dma_start3A_59] : memref<8192x1024xf32, #tpu.memory_space<hbm>> -> memref<16x1024xf32, #tpu.memory_space<hbm>>
        %dma_start3A_61 = arith.constant 0 : i32
        %dma_start3A_62 = tpu.memref_slice %arg6[%sub3A_40, %dma_start3A_61] : memref<8192x1024xf32, #tpu.memory_space<hbm>> -> memref<16x1024xf32, #tpu.memory_space<hbm>>
        tpu.enqueue_dma source(%arg10 : memref<16x1024xf32, #tpu.memory_space<vmem>>) target(%dma_start3A_62 : memref<16x1024xf32, #tpu.memory_space<hbm>>) target_semaphore(%run_scoped3A : memref<!tpu.dma_semaphore, #tpu.memory_space<semaphore_mem>>)
        %dma_wait3A_63 = arith.constant 0 : i32
        %dma_wait3A_64 = tpu.memref_slice %arg6[%sub3A_40, %dma_wait3A_63] : memref<8192x1024xf32, #tpu.memory_space<hbm>> -> memref<16x1024xf32, #tpu.memory_space<hbm>>
        %dma_wait3A_65 = arith.constant 0 : i32
        %dma_wait3A_66 = tpu.memref_slice %arg6[%sub3A_40, %dma_wait3A_65] : memref<8192x1024xf32, #tpu.memory_space<hbm>> -> memref<16x1024xf32, #tpu.memory_space<hbm>>
        tpu.wait_dma2 semaphore(%run_scoped3A : memref<!tpu.dma_semaphore, #tpu.memory_space<semaphore_mem>>) src(%arg10 : memref<16x1024xf32, #tpu.memory_space<vmem>>) dst(%dma_wait3A_66 : memref<16x1024xf32, #tpu.memory_space<hbm>>)
        tpu.yield
      }) : () -> ()
      %add3A_41 = arith.constant 1 : i32
      %add3A_42 = arith.addi %scan3A_15, %add3A_41 : i32
      %lt3A = arith.constant 8 : i32
      %lt3A_43 = arith.cmpi slt, %add3A_42, %lt3A : i32
      %convert_element_type3A = arith.extui %lt3A_43 : i1 to i32
      %cond3A = arith.constant 0 : i32
      %cond3A_44 = arith.cmpi ne, %convert_element_type3A, %cond3A : i32
      scf.if %cond3A_44 {
        %add3A_59 = arith.constant 16 : i32
        %add3A_60 = arith.addi %add3A_22, %add3A_59 : i32
        "tpu.region"() ({
          %run_scoped3A = tpu.sem_alloc : memref<!tpu.dma_semaphore, #tpu.memory_space<semaphore_mem>>
          %dma_start3A_67 = tpu.memref_slice %arg2[%add3A_60] : memref<16384xi32, #tpu.memory_space<hbm>> -> memref<16xi32, #tpu.memory_space<hbm>>
          %dma_start3A_68 = tpu.memref_slice %arg2[%add3A_60] : memref<16384xi32, #tpu.memory_space<hbm>> -> memref<16xi32, #tpu.memory_space<hbm>>
          tpu.enqueue_dma source(%dma_start3A_68 : memref<16xi32, #tpu.memory_space<hbm>>) target(%arg7 : memref<16xi32, #tpu.memory_space<vmem>>) target_semaphore(%run_scoped3A : memref<!tpu.dma_semaphore, #tpu.memory_space<semaphore_mem>>)
          %dma_wait3A_69 = tpu.memref_slice %arg2[%add3A_60] : memref<16384xi32, #tpu.memory_space<hbm>> -> memref<16xi32, #tpu.memory_space<hbm>>
          %dma_wait3A_70 = tpu.memref_slice %arg2[%add3A_60] : memref<16384xi32, #tpu.memory_space<hbm>> -> memref<16xi32, #tpu.memory_space<hbm>>
          tpu.wait_dma2 semaphore(%run_scoped3A : memref<!tpu.dma_semaphore, #tpu.memory_space<semaphore_mem>>) src(%dma_wait3A_70 : memref<16xi32, #tpu.memory_space<hbm>>) dst(%arg7 : memref<16xi32, #tpu.memory_space<vmem>>)
          tpu.yield
        }) : () -> ()
        "tpu.region"() ({
          %run_scoped3A = tpu.sem_alloc : memref<!tpu.dma_semaphore, #tpu.memory_space<semaphore_mem>>
          %dma_start3A_67 = tpu.memref_slice %arg3[%add3A_60] : memref<16384xi32, #tpu.memory_space<hbm>> -> memref<16xi32, #tpu.memory_space<hbm>>
          %dma_start3A_68 = tpu.memref_slice %arg3[%add3A_60] : memref<16384xi32, #tpu.memory_space<hbm>> -> memref<16xi32, #tpu.memory_space<hbm>>
          tpu.enqueue_dma source(%dma_start3A_68 : memref<16xi32, #tpu.memory_space<hbm>>) target(%arg8 : memref<16xi32, #tpu.memory_space<vmem>>) target_semaphore(%run_scoped3A : memref<!tpu.dma_semaphore, #tpu.memory_space<semaphore_mem>>)
          %dma_wait3A_69 = tpu.memref_slice %arg3[%add3A_60] : memref<16384xi32, #tpu.memory_space<hbm>> -> memref<16xi32, #tpu.memory_space<hbm>>
          %dma_wait3A_70 = tpu.memref_slice %arg3[%add3A_60] : memref<16384xi32, #tpu.memory_space<hbm>> -> memref<16xi32, #tpu.memory_space<hbm>>
          tpu.wait_dma2 semaphore(%run_scoped3A : memref<!tpu.dma_semaphore, #tpu.memory_space<semaphore_mem>>) src(%dma_wait3A_70 : memref<16xi32, #tpu.memory_space<hbm>>) dst(%arg8 : memref<16xi32, #tpu.memory_space<vmem>>)
          tpu.yield
        }) : () -> ()
        %dma_start3A_61 = arith.constant 0 : i32
        %dma_start3A_62 = arith.constant 0 : i32
        %dma_start3A_63 = tpu.memref_slice %arg4[%dma_start3A_61, %dma_start3A_62] : memref<16384x1024xf32, #tpu.memory_space<hbm>> -> memref<16384x1024xf32, #tpu.memory_space<hbm>>
        tpu.enqueue_indirect_dma source(%dma_start3A_63 : memref<16384x1024xf32, #tpu.memory_space<hbm>>) target(%arg9 : memref<16x1024xf32, #tpu.memory_space<vmem>>) offsets(%arg7 : memref<16xi32, #tpu.memory_space<vmem>>) semaphore(%arg15 : memref<!tpu.dma_semaphore, #tpu.memory_space<semaphore_mem>>)
        %dma_start3A_64 = arith.constant 0 : i32
        %dma_start3A_65 = arith.constant 0 : i32
        %dma_start3A_66 = tpu.memref_slice %arg5[%dma_start3A_64, %dma_start3A_65] : memref<4097x1024xf32, #tpu.memory_space<hbm>> -> memref<4097x1024xf32, #tpu.memory_space<hbm>>
        tpu.enqueue_indirect_dma source(%dma_start3A_66 : memref<4097x1024xf32, #tpu.memory_space<hbm>>) target(%arg10 : memref<16x1024xf32, #tpu.memory_space<vmem>>) offsets(%arg8 : memref<16xi32, #tpu.memory_space<vmem>>) semaphore(%arg16 : memref<!tpu.dma_semaphore, #tpu.memory_space<semaphore_mem>>)
      } else {
      }
      %dma_wait3A_45 = arith.constant 0 : i32
      %dma_wait3A_46 = arith.constant 0 : i32
      %dma_wait3A_47 = tpu.memref_slice %arg4[%dma_wait3A_45, %dma_wait3A_46] : memref<16384x1024xf32, #tpu.memory_space<hbm>> -> memref<16384x1024xf32, #tpu.memory_space<hbm>>
      tpu.wait_indirect_dma semaphore(%arg17 : memref<!tpu.dma_semaphore, #tpu.memory_space<semaphore_mem>>) src(%dma_wait3A_47 : memref<16384x1024xf32, #tpu.memory_space<hbm>>) dst(%arg13 : memref<16x1024xf32, #tpu.memory_space<vmem>>)
      %dma_wait3A_48 = arith.constant 0 : i32
      %dma_wait3A_49 = arith.constant 0 : i32
      %dma_wait3A_50 = tpu.memref_slice %arg5[%dma_wait3A_48, %dma_wait3A_49] : memref<4097x1024xf32, #tpu.memory_space<hbm>> -> memref<4097x1024xf32, #tpu.memory_space<hbm>>
      tpu.wait_indirect_dma semaphore(%arg18 : memref<!tpu.dma_semaphore, #tpu.memory_space<semaphore_mem>>) src(%dma_wait3A_50 : memref<4097x1024xf32, #tpu.memory_space<hbm>>) dst(%arg14 : memref<16x1024xf32, #tpu.memory_space<vmem>>)
      %scan3A_51 = arith.constant 0 : i32
      %scan3A_52 = arith.constant 0 : i32
      %scan3A_53 = arith.constant 16 : i32
      %scan3A_54 = arith.addi %scan3A_52, %scan3A_53 : i32
      %scan3A_55 = arith.constant 1 : i32
      scf.for %scan3A_59 = %scan3A_52 to %scan3A_54 step %scan3A_55  : i32 {
        %get3A = arith.index_cast %scan3A_59 : i32 to index
        %get3A_60 = arith.constant 0 : index
        %get3A_61 = tpu.vector_load %arg13[%get3A, %get3A_60] {strides = array<i32>} : memref<16x1024xf32, #tpu.memory_space<vmem>>, vector<1x16xf32>,
        %get3A_62 = vector.shape_cast %get3A_61 : vector<1x16xf32> to vector<16xf32>
        %swap3A = arith.index_cast %scan3A_59 : i32 to index
        %swap3A_63 = arith.constant 0 : index
        %swap3A_64 = tpu.vector_load %arg14[%swap3A, %swap3A_63] {strides = array<i32>} : memref<16x1024xf32, #tpu.memory_space<vmem>>, vector<1x16xf32>,
        %swap3A_65 = vector.shape_cast %swap3A_64 : vector<1x16xf32> to vector<16xf32>
        %swap3A_66 = vector.shape_cast %get3A_62 : vector<16xf32> to vector<1x16xf32>
        tpu.vector_store %arg14[%swap3A, %swap3A_63], %swap3A_66 {add = true, strides = array<i32>} : memref<16x1024xf32, #tpu.memory_space<vmem>>, vector<1x16xf32>,
        %get3A_67 = arith.index_cast %scan3A_59 : i32 to index
        %get3A_68 = arith.constant 16 : index
        %get3A_69 = tpu.vector_load %arg13[%get3A_67, %get3A_68] {strides = array<i32>} : memref<16x1024xf32, #tpu.memory_space<vmem>>, vector<1x16xf32>,
        %get3A_70 = vector.shape_cast %get3A_69 : vector<1x16xf32> to vector<16xf32>
        %swap3A_71 = arith.index_cast %scan3A_59 : i32 to index
        %swap3A_72 = arith.constant 16 : index
        %swap3A_73 = tpu.vector_load %arg14[%swap3A_71, %swap3A_72] {strides = array<i32>} : memref<16x1024xf32, #tpu.memory_space<vmem>>, vector<1x16xf32>,
        %swap3A_74 = vector.shape_cast %swap3A_73 : vector<1x16xf32> to vector<16xf32>
        %swap3A_75 = vector.shape_cast %get3A_70 : vector<16xf32> to vector<1x16xf32>
        tpu.vector_store %arg14[%swap3A_71, %swap3A_72], %swap3A_75 {add = true, strides = array<i32>} : memref<16x1024xf32, #tpu.memory_space<vmem>>, vector<1x16xf32>,
        %get3A_76 = arith.index_cast %scan3A_59 : i32 to index
        %get3A_77 = arith.constant 32 : index
        %get3A_78 = tpu.vector_load %arg13[%get3A_76, %get3A_77] {strides = array<i32>} : memref<16x1024xf32, #tpu.memory_space<vmem>>, vector<1x16xf32>,
        %get3A_79 = vector.shape_cast %get3A_78 : vector<1x16xf32> to vector<16xf32>
        %swap3A_80 = arith.index_cast %scan3A_59 : i32 to index
        %swap3A_81 = arith.constant 32 : index
        %swap3A_82 = tpu.vector_load %arg14[%swap3A_80, %swap3A_81] {strides = array<i32>} : memref<16x1024xf32, #tpu.memory_space<vmem>>, vector<1x16xf32>,
        %swap3A_83 = vector.shape_cast %swap3A_82 : vector<1x16xf32> to vector<16xf32>
        %swap3A_84 = vector.shape_cast %get3A_79 : vector<16xf32> to vector<1x16xf32>
        tpu.vector_store %arg14[%swap3A_80, %swap3A_81], %swap3A_84 {add = true, strides = array<i32>} : memref<16x1024xf32, #tpu.memory_space<vmem>>, vector<1x16xf32>,
        %get3A_85 = arith.index_cast %scan3A_59 : i32 to index
        %get3A_86 = arith.constant 48 : index
        %get3A_87 = tpu.vector_load %arg13[%get3A_85, %get3A_86] {strides = array<i32>} : memref<16x1024xf32, #tpu.memory_space<vmem>>, vector<1x16xf32>,
        %get3A_88 = vector.shape_cast %get3A_87 : vector<1x16xf32> to vector<16xf32>
        %swap3A_89 = arith.index_cast %scan3A_59 : i32 to index
        %swap3A_90 = arith.constant 48 : index
        %swap3A_91 = tpu.vector_load %arg14[%swap3A_89, %swap3A_90] {strides = array<i32>} : memref<16x1024xf32, #tpu.memory_space<vmem>>, vector<1x16xf32>,
        %swap3A_92 = vector.shape_cast %swap3A_91 : vector<1x16xf32> to vector<16xf32>
        %swap3A_93 = vector.shape_cast %get3A_88 : vector<16xf32> to vector<1x16xf32>
        tpu.vector_store %arg14[%swap3A_89, %swap3A_90], %swap3A_93 {add = true, strides = array<i32>} : memref<16x1024xf32, #tpu.memory_space<vmem>>, vector<1x16xf32>,
        %get3A_94 = arith.index_cast %scan3A_59 : i32 to index
        %get3A_95 = arith.constant 64 : index
        %get3A_96 = tpu.vector_load %arg13[%get3A_94, %get3A_95] {strides = array<i32>} : memref<16x1024xf32, #tpu.memory_space<vmem>>, vector<1x16xf32>,
        %get3A_97 = vector.shape_cast %get3A_96 : vector<1x16xf32> to vector<16xf32>
        %swap3A_98 = arith.index_cast %scan3A_59 : i32 to index
        %swap3A_99 = arith.constant 64 : index
        %swap3A_100 = tpu.vector_load %arg14[%swap3A_98, %swap3A_99] {strides = array<i32>} : memref<16x1024xf32, #tpu.memory_space<vmem>>, vector<1x16xf32>,
        %swap3A_101 = vector.shape_cast %swap3A_100 : vector<1x16xf32> to vector<16xf32>
        %swap3A_102 = vector.shape_cast %get3A_97 : vector<16xf32> to vector<1x16xf32>
        tpu.vector_store %arg14[%swap3A_98, %swap3A_99], %swap3A_102 {add = true, strides = array<i32>} : memref<16x1024xf32, #tpu.memory_space<vmem>>, vector<1x16xf32>,
        %get3A_103 = arith.index_cast %scan3A_59 : i32 to index
        %get3A_104 = arith.constant 80 : index
        %get3A_105 = tpu.vector_load %arg13[%get3A_103, %get3A_104] {strides = array<i32>} : memref<16x1024xf32, #tpu.memory_space<vmem>>, vector<1x16xf32>,
        %get3A_106 = vector.shape_cast %get3A_105 : vector<1x16xf32> to vector<16xf32>
        %swap3A_107 = arith.index_cast %scan3A_59 : i32 to index
        %swap3A_108 = arith.constant 80 : index
        %swap3A_109 = tpu.vector_load %arg14[%swap3A_107, %swap3A_108] {strides = array<i32>} : memref<16x1024xf32, #tpu.memory_space<vmem>>, vector<1x16xf32>,
        %swap3A_110 = vector.shape_cast %swap3A_109 : vector<1x16xf32> to vector<16xf32>
        %swap3A_111 = vector.shape_cast %get3A_106 : vector<16xf32> to vector<1x16xf32>
        tpu.vector_store %arg14[%swap3A_107, %swap3A_108], %swap3A_111 {add = true, strides = array<i32>} : memref<16x1024xf32, #tpu.memory_space<vmem>>, vector<1x16xf32>,
        %get3A_112 = arith.index_cast %scan3A_59 : i32 to index
        %get3A_113 = arith.constant 96 : index
        %get3A_114 = tpu.vector_load %arg13[%get3A_112, %get3A_113] {strides = array<i32>} : memref<16x1024xf32, #tpu.memory_space<vmem>>, vector<1x16xf32>,
        %get3A_115 = vector.shape_cast %get3A_114 : vector<1x16xf32> to vector<16xf32>
        %swap3A_116 = arith.index_cast %scan3A_59 : i32 to index
        %swap3A_117 = arith.constant 96 : index
        %swap3A_118 = tpu.vector_load %arg14[%swap3A_116, %swap3A_117] {strides = array<i32>} : memref<16x1024xf32, #tpu.memory_space<vmem>>, vector<1x16xf32>,
        %swap3A_119 = vector.shape_cast %swap3A_118 : vector<1x16xf32> to vector<16xf32>
        %swap3A_120 = vector.shape_cast %get3A_115 : vector<16xf32> to vector<1x16xf32>
        tpu.vector_store %arg14[%swap3A_116, %swap3A_117], %swap3A_120 {add = true, strides = array<i32>} : memref<16x1024xf32, #tpu.memory_space<vmem>>, vector<1x16xf32>,
        %get3A_121 = arith.index_cast %scan3A_59 : i32 to index
        %get3A_122 = arith.constant 112 : index
        %get3A_123 = tpu.vector_load %arg13[%get3A_121, %get3A_122] {strides = array<i32>} : memref<16x1024xf32, #tpu.memory_space<vmem>>, vector<1x16xf32>,
        %get3A_124 = vector.shape_cast %get3A_123 : vector<1x16xf32> to vector<16xf32>
        %swap3A_125 = arith.index_cast %scan3A_59 : i32 to index
        %swap3A_126 = arith.constant 112 : index
        %swap3A_127 = tpu.vector_load %arg14[%swap3A_125, %swap3A_126] {strides = array<i32>} : memref<16x1024xf32, #tpu.memory_space<vmem>>, vector<1x16xf32>,
        %swap3A_128 = vector.shape_cast %swap3A_127 : vector<1x16xf32> to vector<16xf32>
        %swap3A_129 = vector.shape_cast %get3A_124 : vector<16xf32> to vector<1x16xf32>
        tpu.vector_store %arg14[%swap3A_125, %swap3A_126], %swap3A_129 {add = true, strides = array<i32>} : memref<16x1024xf32, #tpu.memory_space<vmem>>, vector<1x16xf32>,
        %get3A_130 = arith.index_cast %scan3A_59 : i32 to index
        %get3A_131 = arith.constant 128 : index
        %get3A_132 = tpu.vector_load %arg13[%get3A_130, %get3A_131] {strides = array<i32>} : memref<16x1024xf32, #tpu.memory_space<vmem>>, vector<1x16xf32>,
        %get3A_133 = vector.shape_cast %get3A_132 : vector<1x16xf32> to vector<16xf32>
        %swap3A_134 = arith.index_cast %scan3A_59 : i32 to index
        %swap3A_135 = arith.constant 128 : index
        %swap3A_136 = tpu.vector_load %arg14[%swap3A_134, %swap3A_135] {strides = array<i32>} : memref<16x1024xf32, #tpu.memory_space<vmem>>, vector<1x16xf32>,
        %swap3A_137 = vector.shape_cast %swap3A_136 : vector<1x16xf32> to vector<16xf32>
        %swap3A_138 = vector.shape_cast %get3A_133 : vector<16xf32> to vector<1x16xf32>
        tpu.vector_store %arg14[%swap3A_134, %swap3A_135], %swap3A_138 {add = true, strides = array<i32>} : memref<16x1024xf32, #tpu.memory_space<vmem>>, vector<1x16xf32>,
        %get3A_139 = arith.index_cast %scan3A_59 : i32 to index
        %get3A_140 = arith.constant 144 : index
        %get3A_141 = tpu.vector_load %arg13[%get3A_139, %get3A_140] {strides = array<i32>} : memref<16x1024xf32, #tpu.memory_space<vmem>>, vector<1x16xf32>,
        %get3A_142 = vector.shape_cast %get3A_141 : vector<1x16xf32> to vector<16xf32>
        %swap3A_143 = arith.index_cast %scan3A_59 : i32 to index
        %swap3A_144 = arith.constant 144 : index
        %swap3A_145 = tpu.vector_load %arg14[%swap3A_143, %swap3A_144] {strides = array<i32>} : memref<16x1024xf32, #tpu.memory_space<vmem>>, vector<1x16xf32>,
        %swap3A_146 = vector.shape_cast %swap3A_145 : vector<1x16xf32> to vector<16xf32>
        %swap3A_147 = vector.shape_cast %get3A_142 : vector<16xf32> to vector<1x16xf32>
        tpu.vector_store %arg14[%swap3A_143, %swap3A_144], %swap3A_147 {add = true, strides = array<i32>} : memref<16x1024xf32, #tpu.memory_space<vmem>>, vector<1x16xf32>,
        %get3A_148 = arith.index_cast %scan3A_59 : i32 to index
        %get3A_149 = arith.constant 160 : index
        %get3A_150 = tpu.vector_load %arg13[%get3A_148, %get3A_149] {strides = array<i32>} : memref<16x1024xf32, #tpu.memory_space<vmem>>, vector<1x16xf32>,
        %get3A_151 = vector.shape_cast %get3A_150 : vector<1x16xf32> to vector<16xf32>
        %swap3A_152 = arith.index_cast %scan3A_59 : i32 to index
        %swap3A_153 = arith.constant 160 : index
        %swap3A_154 = tpu.vector_load %arg14[%swap3A_152, %swap3A_153] {strides = array<i32>} : memref<16x1024xf32, #tpu.memory_space<vmem>>, vector<1x16xf32>,
        %swap3A_155 = vector.shape_cast %swap3A_154 : vector<1x16xf32> to vector<16xf32>
        %swap3A_156 = vector.shape_cast %get3A_151 : vector<16xf32> to vector<1x16xf32>
        tpu.vector_store %arg14[%swap3A_152, %swap3A_153], %swap3A_156 {add = true, strides = array<i32>} : memref<16x1024xf32, #tpu.memory_space<vmem>>, vector<1x16xf32>,
        %get3A_157 = arith.index_cast %scan3A_59 : i32 to index
        %get3A_158 = arith.constant 176 : index
        %get3A_159 = tpu.vector_load %arg13[%get3A_157, %get3A_158] {strides = array<i32>} : memref<16x1024xf32, #tpu.memory_space<vmem>>, vector<1x16xf32>,
        %get3A_160 = vector.shape_cast %get3A_159 : vector<1x16xf32> to vector<16xf32>
        %swap3A_161 = arith.index_cast %scan3A_59 : i32 to index
        %swap3A_162 = arith.constant 176 : index
        %swap3A_163 = tpu.vector_load %arg14[%swap3A_161, %swap3A_162] {strides = array<i32>} : memref<16x1024xf32, #tpu.memory_space<vmem>>, vector<1x16xf32>,
        %swap3A_164 = vector.shape_cast %swap3A_163 : vector<1x16xf32> to vector<16xf32>
        %swap3A_165 = vector.shape_cast %get3A_160 : vector<16xf32> to vector<1x16xf32>
        tpu.vector_store %arg14[%swap3A_161, %swap3A_162], %swap3A_165 {add = true, strides = array<i32>} : memref<16x1024xf32, #tpu.memory_space<vmem>>, vector<1x16xf32>,
        %get3A_166 = arith.index_cast %scan3A_59 : i32 to index
        %get3A_167 = arith.constant 192 : index
        %get3A_168 = tpu.vector_load %arg13[%get3A_166, %get3A_167] {strides = array<i32>} : memref<16x1024xf32, #tpu.memory_space<vmem>>, vector<1x16xf32>,
        %get3A_169 = vector.shape_cast %get3A_168 : vector<1x16xf32> to vector<16xf32>
        %swap3A_170 = arith.index_cast %scan3A_59 : i32 to index
        %swap3A_171 = arith.constant 192 : index
        %swap3A_172 = tpu.vector_load %arg14[%swap3A_170, %swap3A_171] {strides = array<i32>} : memref<16x1024xf32, #tpu.memory_space<vmem>>, vector<1x16xf32>,
        %swap3A_173 = vector.shape_cast %swap3A_172 : vector<1x16xf32> to vector<16xf32>
        %swap3A_174 = vector.shape_cast %get3A_169 : vector<16xf32> to vector<1x16xf32>
        tpu.vector_store %arg14[%swap3A_170, %swap3A_171], %swap3A_174 {add = true, strides = array<i32>} : memref<16x1024xf32, #tpu.memory_space<vmem>>, vector<1x16xf32>,
        %get3A_175 = arith.index_cast %scan3A_59 : i32 to index
        %get3A_176 = arith.constant 208 : index
        %get3A_177 = tpu.vector_load %arg13[%get3A_175, %get3A_176] {strides = array<i32>} : memref<16x1024xf32, #tpu.memory_space<vmem>>, vector<1x16xf32>,
        %get3A_178 = vector.shape_cast %get3A_177 : vector<1x16xf32> to vector<16xf32>
        %swap3A_179 = arith.index_cast %scan3A_59 : i32 to index
        %swap3A_180 = arith.constant 208 : index
        %swap3A_181 = tpu.vector_load %arg14[%swap3A_179, %swap3A_180] {strides = array<i32>} : memref<16x1024xf32, #tpu.memory_space<vmem>>, vector<1x16xf32>,
        %swap3A_182 = vector.shape_cast %swap3A_181 : vector<1x16xf32> to vector<16xf32>
        %swap3A_183 = vector.shape_cast %get3A_178 : vector<16xf32> to vector<1x16xf32>
        tpu.vector_store %arg14[%swap3A_179, %swap3A_180], %swap3A_183 {add = true, strides = array<i32>} : memref<16x1024xf32, #tpu.memory_space<vmem>>, vector<1x16xf32>,
        %get3A_184 = arith.index_cast %scan3A_59 : i32 to index
        %get3A_185 = arith.constant 224 : index
        %get3A_186 = tpu.vector_load %arg13[%get3A_184, %get3A_185] {strides = array<i32>} : memref<16x1024xf32, #tpu.memory_space<vmem>>, vector<1x16xf32>,
        %get3A_187 = vector.shape_cast %get3A_186 : vector<1x16xf32> to vector<16xf32>
        %swap3A_188 = arith.index_cast %scan3A_59 : i32 to index
        %swap3A_189 = arith.constant 224 : index
        %swap3A_190 = tpu.vector_load %arg14[%swap3A_188, %swap3A_189] {strides = array<i32>} : memref<16x1024xf32, #tpu.memory_space<vmem>>, vector<1x16xf32>,
        %swap3A_191 = vector.shape_cast %swap3A_190 : vector<1x16xf32> to vector<16xf32>
        %swap3A_192 = vector.shape_cast %get3A_187 : vector<16xf32> to vector<1x16xf32>
        tpu.vector_store %arg14[%swap3A_188, %swap3A_189], %swap3A_192 {add = true, strides = array<i32>} : memref<16x1024xf32, #tpu.memory_space<vmem>>, vector<1x16xf32>,
        %get3A_193 = arith.index_cast %scan3A_59 : i32 to index
        %get3A_194 = arith.constant 240 : index
        %get3A_195 = tpu.vector_load %arg13[%get3A_193, %get3A_194] {strides = array<i32>} : memref<16x1024xf32, #tpu.memory_space<vmem>>, vector<1x16xf32>,
        %get3A_196 = vector.shape_cast %get3A_195 : vector<1x16xf32> to vector<16xf32>
        %swap3A_197 = arith.index_cast %scan3A_59 : i32 to index
        %swap3A_198 = arith.constant 240 : index
        %swap3A_199 = tpu.vector_load %arg14[%swap3A_197, %swap3A_198] {strides = array<i32>} : memref<16x1024xf32, #tpu.memory_space<vmem>>, vector<1x16xf32>,
        %swap3A_200 = vector.shape_cast %swap3A_199 : vector<1x16xf32> to vector<16xf32>
        %swap3A_201 = vector.shape_cast %get3A_196 : vector<16xf32> to vector<1x16xf32>
        tpu.vector_store %arg14[%swap3A_197, %swap3A_198], %swap3A_201 {add = true, strides = array<i32>} : memref<16x1024xf32, #tpu.memory_space<vmem>>, vector<1x16xf32>,
        %get3A_202 = arith.index_cast %scan3A_59 : i32 to index
        %get3A_203 = arith.constant 256 : index
        %get3A_204 = tpu.vector_load %arg13[%get3A_202, %get3A_203] {strides = array<i32>} : memref<16x1024xf32, #tpu.memory_space<vmem>>, vector<1x16xf32>,
        %get3A_205 = vector.shape_cast %get3A_204 : vector<1x16xf32> to vector<16xf32>
        %swap3A_206 = arith.index_cast %scan3A_59 : i32 to index
        %swap3A_207 = arith.constant 256 : index
        %swap3A_208 = tpu.vector_load %arg14[%swap3A_206, %swap3A_207] {strides = array<i32>} : memref<16x1024xf32, #tpu.memory_space<vmem>>, vector<1x16xf32>,
        %swap3A_209 = vector.shape_cast %swap3A_208 : vector<1x16xf32> to vector<16xf32>
        %swap3A_210 = vector.shape_cast %get3A_205 : vector<16xf32> to vector<1x16xf32>
        tpu.vector_store %arg14[%swap3A_206, %swap3A_207], %swap3A_210 {add = true, strides = array<i32>} : memref<16x1024xf32, #tpu.memory_space<vmem>>, vector<1x16xf32>,
        %get3A_211 = arith.index_cast %scan3A_59 : i32 to index
        %get3A_212 = arith.constant 272 : index
        %get3A_213 = tpu.vector_load %arg13[%get3A_211, %get3A_212] {strides = array<i32>} : memref<16x1024xf32, #tpu.memory_space<vmem>>, vector<1x16xf32>,
        %get3A_214 = vector.shape_cast %get3A_213 : vector<1x16xf32> to vector<16xf32>
        %swap3A_215 = arith.index_cast %scan3A_59 : i32 to index
        %swap3A_216 = arith.constant 272 : index
        %swap3A_217 = tpu.vector_load %arg14[%swap3A_215, %swap3A_216] {strides = array<i32>} : memref<16x1024xf32, #tpu.memory_space<vmem>>, vector<1x16xf32>,
        %swap3A_218 = vector.shape_cast %swap3A_217 : vector<1x16xf32> to vector<16xf32>
        %swap3A_219 = vector.shape_cast %get3A_214 : vector<16xf32> to vector<1x16xf32>
        tpu.vector_store %arg14[%swap3A_215, %swap3A_216], %swap3A_219 {add = true, strides = array<i32>} : memref<16x1024xf32, #tpu.memory_space<vmem>>, vector<1x16xf32>,
        %get3A_220 = arith.index_cast %scan3A_59 : i32 to index
        %get3A_221 = arith.constant 288 : index
        %get3A_222 = tpu.vector_load %arg13[%get3A_220, %get3A_221] {strides = array<i32>} : memref<16x1024xf32, #tpu.memory_space<vmem>>, vector<1x16xf32>,
        %get3A_223 = vector.shape_cast %get3A_222 : vector<1x16xf32> to vector<16xf32>
        %swap3A_224 = arith.index_cast %scan3A_59 : i32 to index
        %swap3A_225 = arith.constant 288 : index
        %swap3A_226 = tpu.vector_load %arg14[%swap3A_224, %swap3A_225] {strides = array<i32>} : memref<16x1024xf32, #tpu.memory_space<vmem>>, vector<1x16xf32>,
        %swap3A_227 = vector.shape_cast %swap3A_226 : vector<1x16xf32> to vector<16xf32>
        %swap3A_228 = vector.shape_cast %get3A_223 : vector<16xf32> to vector<1x16xf32>
        tpu.vector_store %arg14[%swap3A_224, %swap3A_225], %swap3A_228 {add = true, strides = array<i32>} : memref<16x1024xf32, #tpu.memory_space<vmem>>, vector<1x16xf32>,
        %get3A_229 = arith.index_cast %scan3A_59 : i32 to index
        %get3A_230 = arith.constant 304 : index
        %get3A_231 = tpu.vector_load %arg13[%get3A_229, %get3A_230] {strides = array<i32>} : memref<16x1024xf32, #tpu.memory_space<vmem>>, vector<1x16xf32>,
        %get3A_232 = vector.shape_cast %get3A_231 : vector<1x16xf32> to vector<16xf32>
        %swap3A_233 = arith.index_cast %scan3A_59 : i32 to index
        %swap3A_234 = arith.constant 304 : index
        %swap3A_235 = tpu.vector_load %arg14[%swap3A_233, %swap3A_234] {strides = array<i32>} : memref<16x1024xf32, #tpu.memory_space<vmem>>, vector<1x16xf32>,
        %swap3A_236 = vector.shape_cast %swap3A_235 : vector<1x16xf32> to vector<16xf32>
        %swap3A_237 = vector.shape_cast %get3A_232 : vector<16xf32> to vector<1x16xf32>
        tpu.vector_store %arg14[%swap3A_233, %swap3A_234], %swap3A_237 {add = true, strides = array<i32>} : memref<16x1024xf32, #tpu.memory_space<vmem>>, vector<1x16xf32>,
        %get3A_238 = arith.index_cast %scan3A_59 : i32 to index
        %get3A_239 = arith.constant 320 : index
        %get3A_240 = tpu.vector_load %arg13[%get3A_238, %get3A_239] {strides = array<i32>} : memref<16x1024xf32, #tpu.memory_space<vmem>>, vector<1x16xf32>,
        %get3A_241 = vector.shape_cast %get3A_240 : vector<1x16xf32> to vector<16xf32>
        %swap3A_242 = arith.index_cast %scan3A_59 : i32 to index
        %swap3A_243 = arith.constant 320 : index
        %swap3A_244 = tpu.vector_load %arg14[%swap3A_242, %swap3A_243] {strides = array<i32>} : memref<16x1024xf32, #tpu.memory_space<vmem>>, vector<1x16xf32>,
        %swap3A_245 = vector.shape_cast %swap3A_244 : vector<1x16xf32> to vector<16xf32>
        %swap3A_246 = vector.shape_cast %get3A_241 : vector<16xf32> to vector<1x16xf32>
        tpu.vector_store %arg14[%swap3A_242, %swap3A_243], %swap3A_246 {add = true, strides = array<i32>} : memref<16x1024xf32, #tpu.memory_space<vmem>>, vector<1x16xf32>,
        %get3A_247 = arith.index_cast %scan3A_59 : i32 to index
        %get3A_248 = arith.constant 336 : index
        %get3A_249 = tpu.vector_load %arg13[%get3A_247, %get3A_248] {strides = array<i32>} : memref<16x1024xf32, #tpu.memory_space<vmem>>, vector<1x16xf32>,
        %get3A_250 = vector.shape_cast %get3A_249 : vector<1x16xf32> to vector<16xf32>
        %swap3A_251 = arith.index_cast %scan3A_59 : i32 to index
        %swap3A_252 = arith.constant 336 : index
        %swap3A_253 = tpu.vector_load %arg14[%swap3A_251, %swap3A_252] {strides = array<i32>} : memref<16x1024xf32, #tpu.memory_space<vmem>>, vector<1x16xf32>,
        %swap3A_254 = vector.shape_cast %swap3A_253 : vector<1x16xf32> to vector<16xf32>
        %swap3A_255 = vector.shape_cast %get3A_250 : vector<16xf32> to vector<1x16xf32>
        tpu.vector_store %arg14[%swap3A_251, %swap3A_252], %swap3A_255 {add = true, strides = array<i32>} : memref<16x1024xf32, #tpu.memory_space<vmem>>, vector<1x16xf32>,
        %get3A_256 = arith.index_cast %scan3A_59 : i32 to index
        %get3A_257 = arith.constant 352 : index
        %get3A_258 = tpu.vector_load %arg13[%get3A_256, %get3A_257] {strides = array<i32>} : memref<16x1024xf32, #tpu.memory_space<vmem>>, vector<1x16xf32>,
        %get3A_259 = vector.shape_cast %get3A_258 : vector<1x16xf32> to vector<16xf32>
        %swap3A_260 = arith.index_cast %scan3A_59 : i32 to index
        %swap3A_261 = arith.constant 352 : index
        %swap3A_262 = tpu.vector_load %arg14[%swap3A_260, %swap3A_261] {strides = array<i32>} : memref<16x1024xf32, #tpu.memory_space<vmem>>, vector<1x16xf32>,
        %swap3A_263 = vector.shape_cast %swap3A_262 : vector<1x16xf32> to vector<16xf32>
        %swap3A_264 = vector.shape_cast %get3A_259 : vector<16xf32> to vector<1x16xf32>
        tpu.vector_store %arg14[%swap3A_260, %swap3A_261], %swap3A_264 {add = true, strides = array<i32>} : memref<16x1024xf32, #tpu.memory_space<vmem>>, vector<1x16xf32>,
        %get3A_265 = arith.index_cast %scan3A_59 : i32 to index
        %get3A_266 = arith.constant 368 : index
        %get3A_267 = tpu.vector_load %arg13[%get3A_265, %get3A_266] {strides = array<i32>} : memref<16x1024xf32, #tpu.memory_space<vmem>>, vector<1x16xf32>,
        %get3A_268 = vector.shape_cast %get3A_267 : vector<1x16xf32> to vector<16xf32>
        %swap3A_269 = arith.index_cast %scan3A_59 : i32 to index
        %swap3A_270 = arith.constant 368 : index
        %swap3A_271 = tpu.vector_load %arg14[%swap3A_269, %swap3A_270] {strides = array<i32>} : memref<16x1024xf32, #tpu.memory_space<vmem>>, vector<1x16xf32>,
        %swap3A_272 = vector.shape_cast %swap3A_271 : vector<1x16xf32> to vector<16xf32>
        %swap3A_273 = vector.shape_cast %get3A_268 : vector<16xf32> to vector<1x16xf32>
        tpu.vector_store %arg14[%swap3A_269, %swap3A_270], %swap3A_273 {add = true, strides = array<i32>} : memref<16x1024xf32, #tpu.memory_space<vmem>>, vector<1x16xf32>,
        %get3A_274 = arith.index_cast %scan3A_59 : i32 to index
        %get3A_275 = arith.constant 384 : index
        %get3A_276 = tpu.vector_load %arg13[%get3A_274, %get3A_275] {strides = array<i32>} : memref<16x1024xf32, #tpu.memory_space<vmem>>, vector<1x16xf32>,
        %get3A_277 = vector.shape_cast %get3A_276 : vector<1x16xf32> to vector<16xf32>
        %swap3A_278 = arith.index_cast %scan3A_59 : i32 to index
        %swap3A_279 = arith.constant 384 : index
        %swap3A_280 = tpu.vector_load %arg14[%swap3A_278, %swap3A_279] {strides = array<i32>} : memref<16x1024xf32, #tpu.memory_space<vmem>>, vector<1x16xf32>,
        %swap3A_281 = vector.shape_cast %swap3A_280 : vector<1x16xf32> to vector<16xf32>
        %swap3A_282 = vector.shape_cast %get3A_277 : vector<16xf32> to vector<1x16xf32>
        tpu.vector_store %arg14[%swap3A_278, %swap3A_279], %swap3A_282 {add = true, strides = array<i32>} : memref<16x1024xf32, #tpu.memory_space<vmem>>, vector<1x16xf32>,
        %get3A_283 = arith.index_cast %scan3A_59 : i32 to index
        %get3A_284 = arith.constant 400 : index
        %get3A_285 = tpu.vector_load %arg13[%get3A_283, %get3A_284] {strides = array<i32>} : memref<16x1024xf32, #tpu.memory_space<vmem>>, vector<1x16xf32>,
        %get3A_286 = vector.shape_cast %get3A_285 : vector<1x16xf32> to vector<16xf32>
        %swap3A_287 = arith.index_cast %scan3A_59 : i32 to index
        %swap3A_288 = arith.constant 400 : index
        %swap3A_289 = tpu.vector_load %arg14[%swap3A_287, %swap3A_288] {strides = array<i32>} : memref<16x1024xf32, #tpu.memory_space<vmem>>, vector<1x16xf32>,
        %swap3A_290 = vector.shape_cast %swap3A_289 : vector<1x16xf32> to vector<16xf32>
        %swap3A_291 = vector.shape_cast %get3A_286 : vector<16xf32> to vector<1x16xf32>
        tpu.vector_store %arg14[%swap3A_287, %swap3A_288], %swap3A_291 {add = true, strides = array<i32>} : memref<16x1024xf32, #tpu.memory_space<vmem>>, vector<1x16xf32>,
        %get3A_292 = arith.index_cast %scan3A_59 : i32 to index
        %get3A_293 = arith.constant 416 : index
        %get3A_294 = tpu.vector_load %arg13[%get3A_292, %get3A_293] {strides = array<i32>} : memref<16x1024xf32, #tpu.memory_space<vmem>>, vector<1x16xf32>,
        %get3A_295 = vector.shape_cast %get3A_294 : vector<1x16xf32> to vector<16xf32>
        %swap3A_296 = arith.index_cast %scan3A_59 : i32 to index
        %swap3A_297 = arith.constant 416 : index
        %swap3A_298 = tpu.vector_load %arg14[%swap3A_296, %swap3A_297] {strides = array<i32>} : memref<16x1024xf32, #tpu.memory_space<vmem>>, vector<1x16xf32>,
        %swap3A_299 = vector.shape_cast %swap3A_298 : vector<1x16xf32> to vector<16xf32>
        %swap3A_300 = vector.shape_cast %get3A_295 : vector<16xf32> to vector<1x16xf32>
        tpu.vector_store %arg14[%swap3A_296, %swap3A_297], %swap3A_300 {add = true, strides = array<i32>} : memref<16x1024xf32, #tpu.memory_space<vmem>>, vector<1x16xf32>,
        %get3A_301 = arith.index_cast %scan3A_59 : i32 to index
        %get3A_302 = arith.constant 432 : index
        %get3A_303 = tpu.vector_load %arg13[%get3A_301, %get3A_302] {strides = array<i32>} : memref<16x1024xf32, #tpu.memory_space<vmem>>, vector<1x16xf32>,
        %get3A_304 = vector.shape_cast %get3A_303 : vector<1x16xf32> to vector<16xf32>
        %swap3A_305 = arith.index_cast %scan3A_59 : i32 to index
        %swap3A_306 = arith.constant 432 : index
        %swap3A_307 = tpu.vector_load %arg14[%swap3A_305, %swap3A_306] {strides = array<i32>} : memref<16x1024xf32, #tpu.memory_space<vmem>>, vector<1x16xf32>,
        %swap3A_308 = vector.shape_cast %swap3A_307 : vector<1x16xf32> to vector<16xf32>
        %swap3A_309 = vector.shape_cast %get3A_304 : vector<16xf32> to vector<1x16xf32>
        tpu.vector_store %arg14[%swap3A_305, %swap3A_306], %swap3A_309 {add = true, strides = array<i32>} : memref<16x1024xf32, #tpu.memory_space<vmem>>, vector<1x16xf32>,
        %get3A_310 = arith.index_cast %scan3A_59 : i32 to index
        %get3A_311 = arith.constant 448 : index
        %get3A_312 = tpu.vector_load %arg13[%get3A_310, %get3A_311] {strides = array<i32>} : memref<16x1024xf32, #tpu.memory_space<vmem>>, vector<1x16xf32>,
        %get3A_313 = vector.shape_cast %get3A_312 : vector<1x16xf32> to vector<16xf32>
        %swap3A_314 = arith.index_cast %scan3A_59 : i32 to index
        %swap3A_315 = arith.constant 448 : index
        %swap3A_316 = tpu.vector_load %arg14[%swap3A_314, %swap3A_315] {strides = array<i32>} : memref<16x1024xf32, #tpu.memory_space<vmem>>, vector<1x16xf32>,
        %swap3A_317 = vector.shape_cast %swap3A_316 : vector<1x16xf32> to vector<16xf32>
        %swap3A_318 = vector.shape_cast %get3A_313 : vector<16xf32> to vector<1x16xf32>
        tpu.vector_store %arg14[%swap3A_314, %swap3A_315], %swap3A_318 {add = true, strides = array<i32>} : memref<16x1024xf32, #tpu.memory_space<vmem>>, vector<1x16xf32>,
        %get3A_319 = arith.index_cast %scan3A_59 : i32 to index
        %get3A_320 = arith.constant 464 : index
        %get3A_321 = tpu.vector_load %arg13[%get3A_319, %get3A_320] {strides = array<i32>} : memref<16x1024xf32, #tpu.memory_space<vmem>>, vector<1x16xf32>,
        %get3A_322 = vector.shape_cast %get3A_321 : vector<1x16xf32> to vector<16xf32>
        %swap3A_323 = arith.index_cast %scan3A_59 : i32 to index
        %swap3A_324 = arith.constant 464 : index
        %swap3A_325 = tpu.vector_load %arg14[%swap3A_323, %swap3A_324] {strides = array<i32>} : memref<16x1024xf32, #tpu.memory_space<vmem>>, vector<1x16xf32>,
        %swap3A_326 = vector.shape_cast %swap3A_325 : vector<1x16xf32> to vector<16xf32>
        %swap3A_327 = vector.shape_cast %get3A_322 : vector<16xf32> to vector<1x16xf32>
        tpu.vector_store %arg14[%swap3A_323, %swap3A_324], %swap3A_327 {add = true, strides = array<i32>} : memref<16x1024xf32, #tpu.memory_space<vmem>>, vector<1x16xf32>,
        %get3A_328 = arith.index_cast %scan3A_59 : i32 to index
        %get3A_329 = arith.constant 480 : index
        %get3A_330 = tpu.vector_load %arg13[%get3A_328, %get3A_329] {strides = array<i32>} : memref<16x1024xf32, #tpu.memory_space<vmem>>, vector<1x16xf32>,
        %get3A_331 = vector.shape_cast %get3A_330 : vector<1x16xf32> to vector<16xf32>
        %swap3A_332 = arith.index_cast %scan3A_59 : i32 to index
        %swap3A_333 = arith.constant 480 : index
        %swap3A_334 = tpu.vector_load %arg14[%swap3A_332, %swap3A_333] {strides = array<i32>} : memref<16x1024xf32, #tpu.memory_space<vmem>>, vector<1x16xf32>,
        %swap3A_335 = vector.shape_cast %swap3A_334 : vector<1x16xf32> to vector<16xf32>
        %swap3A_336 = vector.shape_cast %get3A_331 : vector<16xf32> to vector<1x16xf32>
        tpu.vector_store %arg14[%swap3A_332, %swap3A_333], %swap3A_336 {add = true, strides = array<i32>} : memref<16x1024xf32, #tpu.memory_space<vmem>>, vector<1x16xf32>,
        %get3A_337 = arith.index_cast %scan3A_59 : i32 to index
        %get3A_338 = arith.constant 496 : index
        %get3A_339 = tpu.vector_load %arg13[%get3A_337, %get3A_338] {strides = array<i32>} : memref<16x1024xf32, #tpu.memory_space<vmem>>, vector<1x16xf32>,
        %get3A_340 = vector.shape_cast %get3A_339 : vector<1x16xf32> to vector<16xf32>
        %swap3A_341 = arith.index_cast %scan3A_59 : i32 to index
        %swap3A_342 = arith.constant 496 : index
        %swap3A_343 = tpu.vector_load %arg14[%swap3A_341, %swap3A_342] {strides = array<i32>} : memref<16x1024xf32, #tpu.memory_space<vmem>>, vector<1x16xf32>,
        %swap3A_344 = vector.shape_cast %swap3A_343 : vector<1x16xf32> to vector<16xf32>
        %swap3A_345 = vector.shape_cast %get3A_340 : vector<16xf32> to vector<1x16xf32>
        tpu.vector_store %arg14[%swap3A_341, %swap3A_342], %swap3A_345 {add = true, strides = array<i32>} : memref<16x1024xf32, #tpu.memory_space<vmem>>, vector<1x16xf32>,
        %get3A_346 = arith.index_cast %scan3A_59 : i32 to index
        %get3A_347 = arith.constant 512 : index
        %get3A_348 = tpu.vector_load %arg13[%get3A_346, %get3A_347] {strides = array<i32>} : memref<16x1024xf32, #tpu.memory_space<vmem>>, vector<1x16xf32>,
        %get3A_349 = vector.shape_cast %get3A_348 : vector<1x16xf32> to vector<16xf32>
        %swap3A_350 = arith.index_cast %scan3A_59 : i32 to index
        %swap3A_351 = arith.constant 512 : index
        %swap3A_352 = tpu.vector_load %arg14[%swap3A_350, %swap3A_351] {strides = array<i32>} : memref<16x1024xf32, #tpu.memory_space<vmem>>, vector<1x16xf32>,
        %swap3A_353 = vector.shape_cast %swap3A_352 : vector<1x16xf32> to vector<16xf32>
        %swap3A_354 = vector.shape_cast %get3A_349 : vector<16xf32> to vector<1x16xf32>
        tpu.vector_store %arg14[%swap3A_350, %swap3A_351], %swap3A_354 {add = true, strides = array<i32>} : memref<16x1024xf32, #tpu.memory_space<vmem>>, vector<1x16xf32>,
        %get3A_355 = arith.index_cast %scan3A_59 : i32 to index
        %get3A_356 = arith.constant 528 : index
        %get3A_357 = tpu.vector_load %arg13[%get3A_355, %get3A_356] {strides = array<i32>} : memref<16x1024xf32, #tpu.memory_space<vmem>>, vector<1x16xf32>,
        %get3A_358 = vector.shape_cast %get3A_357 : vector<1x16xf32> to vector<16xf32>
        %swap3A_359 = arith.index_cast %scan3A_59 : i32 to index
        %swap3A_360 = arith.constant 528 : index
        %swap3A_361 = tpu.vector_load %arg14[%swap3A_359, %swap3A_360] {strides = array<i32>} : memref<16x1024xf32, #tpu.memory_space<vmem>>, vector<1x16xf32>,
        %swap3A_362 = vector.shape_cast %swap3A_361 : vector<1x16xf32> to vector<16xf32>
        %swap3A_363 = vector.shape_cast %get3A_358 : vector<16xf32> to vector<1x16xf32>
        tpu.vector_store %arg14[%swap3A_359, %swap3A_360], %swap3A_363 {add = true, strides = array<i32>} : memref<16x1024xf32, #tpu.memory_space<vmem>>, vector<1x16xf32>,
        %get3A_364 = arith.index_cast %scan3A_59 : i32 to index
        %get3A_365 = arith.constant 544 : index
        %get3A_366 = tpu.vector_load %arg13[%get3A_364, %get3A_365] {strides = array<i32>} : memref<16x1024xf32, #tpu.memory_space<vmem>>, vector<1x16xf32>,
        %get3A_367 = vector.shape_cast %get3A_366 : vector<1x16xf32> to vector<16xf32>
        %swap3A_368 = arith.index_cast %scan3A_59 : i32 to index
        %swap3A_369 = arith.constant 544 : index
        %swap3A_370 = tpu.vector_load %arg14[%swap3A_368, %swap3A_369] {strides = array<i32>} : memref<16x1024xf32, #tpu.memory_space<vmem>>, vector<1x16xf32>,
        %swap3A_371 = vector.shape_cast %swap3A_370 : vector<1x16xf32> to vector<16xf32>
        %swap3A_372 = vector.shape_cast %get3A_367 : vector<16xf32> to vector<1x16xf32>
        tpu.vector_store %arg14[%swap3A_368, %swap3A_369], %swap3A_372 {add = true, strides = array<i32>} : memref<16x1024xf32, #tpu.memory_space<vmem>>, vector<1x16xf32>,
        %get3A_373 = arith.index_cast %scan3A_59 : i32 to index
        %get3A_374 = arith.constant 560 : index
        %get3A_375 = tpu.vector_load %arg13[%get3A_373, %get3A_374] {strides = array<i32>} : memref<16x1024xf32, #tpu.memory_space<vmem>>, vector<1x16xf32>,
        %get3A_376 = vector.shape_cast %get3A_375 : vector<1x16xf32> to vector<16xf32>
        %swap3A_377 = arith.index_cast %scan3A_59 : i32 to index
        %swap3A_378 = arith.constant 560 : index
        %swap3A_379 = tpu.vector_load %arg14[%swap3A_377, %swap3A_378] {strides = array<i32>} : memref<16x1024xf32, #tpu.memory_space<vmem>>, vector<1x16xf32>,
        %swap3A_380 = vector.shape_cast %swap3A_379 : vector<1x16xf32> to vector<16xf32>
        %swap3A_381 = vector.shape_cast %get3A_376 : vector<16xf32> to vector<1x16xf32>
        tpu.vector_store %arg14[%swap3A_377, %swap3A_378], %swap3A_381 {add = true, strides = array<i32>} : memref<16x1024xf32, #tpu.memory_space<vmem>>, vector<1x16xf32>,
        %get3A_382 = arith.index_cast %scan3A_59 : i32 to index
        %get3A_383 = arith.constant 576 : index
        %get3A_384 = tpu.vector_load %arg13[%get3A_382, %get3A_383] {strides = array<i32>} : memref<16x1024xf32, #tpu.memory_space<vmem>>, vector<1x16xf32>,
        %get3A_385 = vector.shape_cast %get3A_384 : vector<1x16xf32> to vector<16xf32>
        %swap3A_386 = arith.index_cast %scan3A_59 : i32 to index
        %swap3A_387 = arith.constant 576 : index
        %swap3A_388 = tpu.vector_load %arg14[%swap3A_386, %swap3A_387] {strides = array<i32>} : memref<16x1024xf32, #tpu.memory_space<vmem>>, vector<1x16xf32>,
        %swap3A_389 = vector.shape_cast %swap3A_388 : vector<1x16xf32> to vector<16xf32>
        %swap3A_390 = vector.shape_cast %get3A_385 : vector<16xf32> to vector<1x16xf32>
        tpu.vector_store %arg14[%swap3A_386, %swap3A_387], %swap3A_390 {add = true, strides = array<i32>} : memref<16x1024xf32, #tpu.memory_space<vmem>>, vector<1x16xf32>,
        %get3A_391 = arith.index_cast %scan3A_59 : i32 to index
        %get3A_392 = arith.constant 592 : index
        %get3A_393 = tpu.vector_load %arg13[%get3A_391, %get3A_392] {strides = array<i32>} : memref<16x1024xf32, #tpu.memory_space<vmem>>, vector<1x16xf32>,
        %get3A_394 = vector.shape_cast %get3A_393 : vector<1x16xf32> to vector<16xf32>
        %swap3A_395 = arith.index_cast %scan3A_59 : i32 to index
        %swap3A_396 = arith.constant 592 : index
        %swap3A_397 = tpu.vector_load %arg14[%swap3A_395, %swap3A_396] {strides = array<i32>} : memref<16x1024xf32, #tpu.memory_space<vmem>>, vector<1x16xf32>,
        %swap3A_398 = vector.shape_cast %swap3A_397 : vector<1x16xf32> to vector<16xf32>
        %swap3A_399 = vector.shape_cast %get3A_394 : vector<16xf32> to vector<1x16xf32>
        tpu.vector_store %arg14[%swap3A_395, %swap3A_396], %swap3A_399 {add = true, strides = array<i32>} : memref<16x1024xf32, #tpu.memory_space<vmem>>, vector<1x16xf32>,
        %get3A_400 = arith.index_cast %scan3A_59 : i32 to index
        %get3A_401 = arith.constant 608 : index
        %get3A_402 = tpu.vector_load %arg13[%get3A_400, %get3A_401] {strides = array<i32>} : memref<16x1024xf32, #tpu.memory_space<vmem>>, vector<1x16xf32>,
        %get3A_403 = vector.shape_cast %get3A_402 : vector<1x16xf32> to vector<16xf32>
        %swap3A_404 = arith.index_cast %scan3A_59 : i32 to index
        %swap3A_405 = arith.constant 608 : index
        %swap3A_406 = tpu.vector_load %arg14[%swap3A_404, %swap3A_405] {strides = array<i32>} : memref<16x1024xf32, #tpu.memory_space<vmem>>, vector<1x16xf32>,
        %swap3A_407 = vector.shape_cast %swap3A_406 : vector<1x16xf32> to vector<16xf32>
        %swap3A_408 = vector.shape_cast %get3A_403 : vector<16xf32> to vector<1x16xf32>
        tpu.vector_store %arg14[%swap3A_404, %swap3A_405], %swap3A_408 {add = true, strides = array<i32>} : memref<16x1024xf32, #tpu.memory_space<vmem>>, vector<1x16xf32>,
        %get3A_409 = arith.index_cast %scan3A_59 : i32 to index
        %get3A_410 = arith.constant 624 : index
        %get3A_411 = tpu.vector_load %arg13[%get3A_409, %get3A_410] {strides = array<i32>} : memref<16x1024xf32, #tpu.memory_space<vmem>>, vector<1x16xf32>,
        %get3A_412 = vector.shape_cast %get3A_411 : vector<1x16xf32> to vector<16xf32>
        %swap3A_413 = arith.index_cast %scan3A_59 : i32 to index
        %swap3A_414 = arith.constant 624 : index
        %swap3A_415 = tpu.vector_load %arg14[%swap3A_413, %swap3A_414] {strides = array<i32>} : memref<16x1024xf32, #tpu.memory_space<vmem>>, vector<1x16xf32>,
        %swap3A_416 = vector.shape_cast %swap3A_415 : vector<1x16xf32> to vector<16xf32>
        %swap3A_417 = vector.shape_cast %get3A_412 : vector<16xf32> to vector<1x16xf32>
        tpu.vector_store %arg14[%swap3A_413, %swap3A_414], %swap3A_417 {add = true, strides = array<i32>} : memref<16x1024xf32, #tpu.memory_space<vmem>>, vector<1x16xf32>,
        %get3A_418 = arith.index_cast %scan3A_59 : i32 to index
        %get3A_419 = arith.constant 640 : index
        %get3A_420 = tpu.vector_load %arg13[%get3A_418, %get3A_419] {strides = array<i32>} : memref<16x1024xf32, #tpu.memory_space<vmem>>, vector<1x16xf32>,
        %get3A_421 = vector.shape_cast %get3A_420 : vector<1x16xf32> to vector<16xf32>
        %swap3A_422 = arith.index_cast %scan3A_59 : i32 to index
        %swap3A_423 = arith.constant 640 : index
        %swap3A_424 = tpu.vector_load %arg14[%swap3A_422, %swap3A_423] {strides = array<i32>} : memref<16x1024xf32, #tpu.memory_space<vmem>>, vector<1x16xf32>,
        %swap3A_425 = vector.shape_cast %swap3A_424 : vector<1x16xf32> to vector<16xf32>
        %swap3A_426 = vector.shape_cast %get3A_421 : vector<16xf32> to vector<1x16xf32>
        tpu.vector_store %arg14[%swap3A_422, %swap3A_423], %swap3A_426 {add = true, strides = array<i32>} : memref<16x1024xf32, #tpu.memory_space<vmem>>, vector<1x16xf32>,
        %get3A_427 = arith.index_cast %scan3A_59 : i32 to index
        %get3A_428 = arith.constant 656 : index
        %get3A_429 = tpu.vector_load %arg13[%get3A_427, %get3A_428] {strides = array<i32>} : memref<16x1024xf32, #tpu.memory_space<vmem>>, vector<1x16xf32>,
        %get3A_430 = vector.shape_cast %get3A_429 : vector<1x16xf32> to vector<16xf32>
        %swap3A_431 = arith.index_cast %scan3A_59 : i32 to index
        %swap3A_432 = arith.constant 656 : index
        %swap3A_433 = tpu.vector_load %arg14[%swap3A_431, %swap3A_432] {strides = array<i32>} : memref<16x1024xf32, #tpu.memory_space<vmem>>, vector<1x16xf32>,
        %swap3A_434 = vector.shape_cast %swap3A_433 : vector<1x16xf32> to vector<16xf32>
        %swap3A_435 = vector.shape_cast %get3A_430 : vector<16xf32> to vector<1x16xf32>
        tpu.vector_store %arg14[%swap3A_431, %swap3A_432], %swap3A_435 {add = true, strides = array<i32>} : memref<16x1024xf32, #tpu.memory_space<vmem>>, vector<1x16xf32>,
        %get3A_436 = arith.index_cast %scan3A_59 : i32 to index
        %get3A_437 = arith.constant 672 : index
        %get3A_438 = tpu.vector_load %arg13[%get3A_436, %get3A_437] {strides = array<i32>} : memref<16x1024xf32, #tpu.memory_space<vmem>>, vector<1x16xf32>,
        %get3A_439 = vector.shape_cast %get3A_438 : vector<1x16xf32> to vector<16xf32>
        %swap3A_440 = arith.index_cast %scan3A_59 : i32 to index
        %swap3A_441 = arith.constant 672 : index
        %swap3A_442 = tpu.vector_load %arg14[%swap3A_440, %swap3A_441] {strides = array<i32>} : memref<16x1024xf32, #tpu.memory_space<vmem>>, vector<1x16xf32>,
        %swap3A_443 = vector.shape_cast %swap3A_442 : vector<1x16xf32> to vector<16xf32>
        %swap3A_444 = vector.shape_cast %get3A_439 : vector<16xf32> to vector<1x16xf32>
        tpu.vector_store %arg14[%swap3A_440, %swap3A_441], %swap3A_444 {add = true, strides = array<i32>} : memref<16x1024xf32, #tpu.memory_space<vmem>>, vector<1x16xf32>,
        %get3A_445 = arith.index_cast %scan3A_59 : i32 to index
        %get3A_446 = arith.constant 688 : index
        %get3A_447 = tpu.vector_load %arg13[%get3A_445, %get3A_446] {strides = array<i32>} : memref<16x1024xf32, #tpu.memory_space<vmem>>, vector<1x16xf32>,
        %get3A_448 = vector.shape_cast %get3A_447 : vector<1x16xf32> to vector<16xf32>
        %swap3A_449 = arith.index_cast %scan3A_59 : i32 to index
        %swap3A_450 = arith.constant 688 : index
        %swap3A_451 = tpu.vector_load %arg14[%swap3A_449, %swap3A_450] {strides = array<i32>} : memref<16x1024xf32, #tpu.memory_space<vmem>>, vector<1x16xf32>,
        %swap3A_452 = vector.shape_cast %swap3A_451 : vector<1x16xf32> to vector<16xf32>
        %swap3A_453 = vector.shape_cast %get3A_448 : vector<16xf32> to vector<1x16xf32>
        tpu.vector_store %arg14[%swap3A_449, %swap3A_450], %swap3A_453 {add = true, strides = array<i32>} : memref<16x1024xf32, #tpu.memory_space<vmem>>, vector<1x16xf32>,
        %get3A_454 = arith.index_cast %scan3A_59 : i32 to index
        %get3A_455 = arith.constant 704 : index
        %get3A_456 = tpu.vector_load %arg13[%get3A_454, %get3A_455] {strides = array<i32>} : memref<16x1024xf32, #tpu.memory_space<vmem>>, vector<1x16xf32>,
        %get3A_457 = vector.shape_cast %get3A_456 : vector<1x16xf32> to vector<16xf32>
        %swap3A_458 = arith.index_cast %scan3A_59 : i32 to index
        %swap3A_459 = arith.constant 704 : index
        %swap3A_460 = tpu.vector_load %arg14[%swap3A_458, %swap3A_459] {strides = array<i32>} : memref<16x1024xf32, #tpu.memory_space<vmem>>, vector<1x16xf32>,
        %swap3A_461 = vector.shape_cast %swap3A_460 : vector<1x16xf32> to vector<16xf32>
        %swap3A_462 = vector.shape_cast %get3A_457 : vector<16xf32> to vector<1x16xf32>
        tpu.vector_store %arg14[%swap3A_458, %swap3A_459], %swap3A_462 {add = true, strides = array<i32>} : memref<16x1024xf32, #tpu.memory_space<vmem>>, vector<1x16xf32>,
        %get3A_463 = arith.index_cast %scan3A_59 : i32 to index
        %get3A_464 = arith.constant 720 : index
        %get3A_465 = tpu.vector_load %arg13[%get3A_463, %get3A_464] {strides = array<i32>} : memref<16x1024xf32, #tpu.memory_space<vmem>>, vector<1x16xf32>,
        %get3A_466 = vector.shape_cast %get3A_465 : vector<1x16xf32> to vector<16xf32>
        %swap3A_467 = arith.index_cast %scan3A_59 : i32 to index
        %swap3A_468 = arith.constant 720 : index
        %swap3A_469 = tpu.vector_load %arg14[%swap3A_467, %swap3A_468] {strides = array<i32>} : memref<16x1024xf32, #tpu.memory_space<vmem>>, vector<1x16xf32>,
        %swap3A_470 = vector.shape_cast %swap3A_469 : vector<1x16xf32> to vector<16xf32>
        %swap3A_471 = vector.shape_cast %get3A_466 : vector<16xf32> to vector<1x16xf32>
        tpu.vector_store %arg14[%swap3A_467, %swap3A_468], %swap3A_471 {add = true, strides = array<i32>} : memref<16x1024xf32, #tpu.memory_space<vmem>>, vector<1x16xf32>,
        %get3A_472 = arith.index_cast %scan3A_59 : i32 to index
        %get3A_473 = arith.constant 736 : index
        %get3A_474 = tpu.vector_load %arg13[%get3A_472, %get3A_473] {strides = array<i32>} : memref<16x1024xf32, #tpu.memory_space<vmem>>, vector<1x16xf32>,
        %get3A_475 = vector.shape_cast %get3A_474 : vector<1x16xf32> to vector<16xf32>
        %swap3A_476 = arith.index_cast %scan3A_59 : i32 to index
        %swap3A_477 = arith.constant 736 : index
        %swap3A_478 = tpu.vector_load %arg14[%swap3A_476, %swap3A_477] {strides = array<i32>} : memref<16x1024xf32, #tpu.memory_space<vmem>>, vector<1x16xf32>,
        %swap3A_479 = vector.shape_cast %swap3A_478 : vector<1x16xf32> to vector<16xf32>
        %swap3A_480 = vector.shape_cast %get3A_475 : vector<16xf32> to vector<1x16xf32>
        tpu.vector_store %arg14[%swap3A_476, %swap3A_477], %swap3A_480 {add = true, strides = array<i32>} : memref<16x1024xf32, #tpu.memory_space<vmem>>, vector<1x16xf32>,
        %get3A_481 = arith.index_cast %scan3A_59 : i32 to index
        %get3A_482 = arith.constant 752 : index
        %get3A_483 = tpu.vector_load %arg13[%get3A_481, %get3A_482] {strides = array<i32>} : memref<16x1024xf32, #tpu.memory_space<vmem>>, vector<1x16xf32>,
        %get3A_484 = vector.shape_cast %get3A_483 : vector<1x16xf32> to vector<16xf32>
        %swap3A_485 = arith.index_cast %scan3A_59 : i32 to index
        %swap3A_486 = arith.constant 752 : index
        %swap3A_487 = tpu.vector_load %arg14[%swap3A_485, %swap3A_486] {strides = array<i32>} : memref<16x1024xf32, #tpu.memory_space<vmem>>, vector<1x16xf32>,
        %swap3A_488 = vector.shape_cast %swap3A_487 : vector<1x16xf32> to vector<16xf32>
        %swap3A_489 = vector.shape_cast %get3A_484 : vector<16xf32> to vector<1x16xf32>
        tpu.vector_store %arg14[%swap3A_485, %swap3A_486], %swap3A_489 {add = true, strides = array<i32>} : memref<16x1024xf32, #tpu.memory_space<vmem>>, vector<1x16xf32>,
        %get3A_490 = arith.index_cast %scan3A_59 : i32 to index
        %get3A_491 = arith.constant 768 : index
        %get3A_492 = tpu.vector_load %arg13[%get3A_490, %get3A_491] {strides = array<i32>} : memref<16x1024xf32, #tpu.memory_space<vmem>>, vector<1x16xf32>,
        %get3A_493 = vector.shape_cast %get3A_492 : vector<1x16xf32> to vector<16xf32>
        %swap3A_494 = arith.index_cast %scan3A_59 : i32 to index
        %swap3A_495 = arith.constant 768 : index
        %swap3A_496 = tpu.vector_load %arg14[%swap3A_494, %swap3A_495] {strides = array<i32>} : memref<16x1024xf32, #tpu.memory_space<vmem>>, vector<1x16xf32>,
        %swap3A_497 = vector.shape_cast %swap3A_496 : vector<1x16xf32> to vector<16xf32>
        %swap3A_498 = vector.shape_cast %get3A_493 : vector<16xf32> to vector<1x16xf32>
        tpu.vector_store %arg14[%swap3A_494, %swap3A_495], %swap3A_498 {add = true, strides = array<i32>} : memref<16x1024xf32, #tpu.memory_space<vmem>>, vector<1x16xf32>,
        %get3A_499 = arith.index_cast %scan3A_59 : i32 to index
        %get3A_500 = arith.constant 784 : index
        %get3A_501 = tpu.vector_load %arg13[%get3A_499, %get3A_500] {strides = array<i32>} : memref<16x1024xf32, #tpu.memory_space<vmem>>, vector<1x16xf32>,
        %get3A_502 = vector.shape_cast %get3A_501 : vector<1x16xf32> to vector<16xf32>
        %swap3A_503 = arith.index_cast %scan3A_59 : i32 to index
        %swap3A_504 = arith.constant 784 : index
        %swap3A_505 = tpu.vector_load %arg14[%swap3A_503, %swap3A_504] {strides = array<i32>} : memref<16x1024xf32, #tpu.memory_space<vmem>>, vector<1x16xf32>,
        %swap3A_506 = vector.shape_cast %swap3A_505 : vector<1x16xf32> to vector<16xf32>
        %swap3A_507 = vector.shape_cast %get3A_502 : vector<16xf32> to vector<1x16xf32>
        tpu.vector_store %arg14[%swap3A_503, %swap3A_504], %swap3A_507 {add = true, strides = array<i32>} : memref<16x1024xf32, #tpu.memory_space<vmem>>, vector<1x16xf32>,
        %get3A_508 = arith.index_cast %scan3A_59 : i32 to index
        %get3A_509 = arith.constant 800 : index
        %get3A_510 = tpu.vector_load %arg13[%get3A_508, %get3A_509] {strides = array<i32>} : memref<16x1024xf32, #tpu.memory_space<vmem>>, vector<1x16xf32>,
        %get3A_511 = vector.shape_cast %get3A_510 : vector<1x16xf32> to vector<16xf32>
        %swap3A_512 = arith.index_cast %scan3A_59 : i32 to index
        %swap3A_513 = arith.constant 800 : index
        %swap3A_514 = tpu.vector_load %arg14[%swap3A_512, %swap3A_513] {strides = array<i32>} : memref<16x1024xf32, #tpu.memory_space<vmem>>, vector<1x16xf32>,
        %swap3A_515 = vector.shape_cast %swap3A_514 : vector<1x16xf32> to vector<16xf32>
        %swap3A_516 = vector.shape_cast %get3A_511 : vector<16xf32> to vector<1x16xf32>
        tpu.vector_store %arg14[%swap3A_512, %swap3A_513], %swap3A_516 {add = true, strides = array<i32>} : memref<16x1024xf32, #tpu.memory_space<vmem>>, vector<1x16xf32>,
        %get3A_517 = arith.index_cast %scan3A_59 : i32 to index
        %get3A_518 = arith.constant 816 : index
        %get3A_519 = tpu.vector_load %arg13[%get3A_517, %get3A_518] {strides = array<i32>} : memref<16x1024xf32, #tpu.memory_space<vmem>>, vector<1x16xf32>,
        %get3A_520 = vector.shape_cast %get3A_519 : vector<1x16xf32> to vector<16xf32>
        %swap3A_521 = arith.index_cast %scan3A_59 : i32 to index
        %swap3A_522 = arith.constant 816 : index
        %swap3A_523 = tpu.vector_load %arg14[%swap3A_521, %swap3A_522] {strides = array<i32>} : memref<16x1024xf32, #tpu.memory_space<vmem>>, vector<1x16xf32>,
        %swap3A_524 = vector.shape_cast %swap3A_523 : vector<1x16xf32> to vector<16xf32>
        %swap3A_525 = vector.shape_cast %get3A_520 : vector<16xf32> to vector<1x16xf32>
        tpu.vector_store %arg14[%swap3A_521, %swap3A_522], %swap3A_525 {add = true, strides = array<i32>} : memref<16x1024xf32, #tpu.memory_space<vmem>>, vector<1x16xf32>,
        %get3A_526 = arith.index_cast %scan3A_59 : i32 to index
        %get3A_527 = arith.constant 832 : index
        %get3A_528 = tpu.vector_load %arg13[%get3A_526, %get3A_527] {strides = array<i32>} : memref<16x1024xf32, #tpu.memory_space<vmem>>, vector<1x16xf32>,
        %get3A_529 = vector.shape_cast %get3A_528 : vector<1x16xf32> to vector<16xf32>
        %swap3A_530 = arith.index_cast %scan3A_59 : i32 to index
        %swap3A_531 = arith.constant 832 : index
        %swap3A_532 = tpu.vector_load %arg14[%swap3A_530, %swap3A_531] {strides = array<i32>} : memref<16x1024xf32, #tpu.memory_space<vmem>>, vector<1x16xf32>,
        %swap3A_533 = vector.shape_cast %swap3A_532 : vector<1x16xf32> to vector<16xf32>
        %swap3A_534 = vector.shape_cast %get3A_529 : vector<16xf32> to vector<1x16xf32>
        tpu.vector_store %arg14[%swap3A_530, %swap3A_531], %swap3A_534 {add = true, strides = array<i32>} : memref<16x1024xf32, #tpu.memory_space<vmem>>, vector<1x16xf32>,
        %get3A_535 = arith.index_cast %scan3A_59 : i32 to index
        %get3A_536 = arith.constant 848 : index
        %get3A_537 = tpu.vector_load %arg13[%get3A_535, %get3A_536] {strides = array<i32>} : memref<16x1024xf32, #tpu.memory_space<vmem>>, vector<1x16xf32>,
        %get3A_538 = vector.shape_cast %get3A_537 : vector<1x16xf32> to vector<16xf32>
        %swap3A_539 = arith.index_cast %scan3A_59 : i32 to index
        %swap3A_540 = arith.constant 848 : index
        %swap3A_541 = tpu.vector_load %arg14[%swap3A_539, %swap3A_540] {strides = array<i32>} : memref<16x1024xf32, #tpu.memory_space<vmem>>, vector<1x16xf32>,
        %swap3A_542 = vector.shape_cast %swap3A_541 : vector<1x16xf32> to vector<16xf32>
        %swap3A_543 = vector.shape_cast %get3A_538 : vector<16xf32> to vector<1x16xf32>
        tpu.vector_store %arg14[%swap3A_539, %swap3A_540], %swap3A_543 {add = true, strides = array<i32>} : memref<16x1024xf32, #tpu.memory_space<vmem>>, vector<1x16xf32>,
        %get3A_544 = arith.index_cast %scan3A_59 : i32 to index
        %get3A_545 = arith.constant 864 : index
        %get3A_546 = tpu.vector_load %arg13[%get3A_544, %get3A_545] {strides = array<i32>} : memref<16x1024xf32, #tpu.memory_space<vmem>>, vector<1x16xf32>,
        %get3A_547 = vector.shape_cast %get3A_546 : vector<1x16xf32> to vector<16xf32>
        %swap3A_548 = arith.index_cast %scan3A_59 : i32 to index
        %swap3A_549 = arith.constant 864 : index
        %swap3A_550 = tpu.vector_load %arg14[%swap3A_548, %swap3A_549] {strides = array<i32>} : memref<16x1024xf32, #tpu.memory_space<vmem>>, vector<1x16xf32>,
        %swap3A_551 = vector.shape_cast %swap3A_550 : vector<1x16xf32> to vector<16xf32>
        %swap3A_552 = vector.shape_cast %get3A_547 : vector<16xf32> to vector<1x16xf32>
        tpu.vector_store %arg14[%swap3A_548, %swap3A_549], %swap3A_552 {add = true, strides = array<i32>} : memref<16x1024xf32, #tpu.memory_space<vmem>>, vector<1x16xf32>,
        %get3A_553 = arith.index_cast %scan3A_59 : i32 to index
        %get3A_554 = arith.constant 880 : index
        %get3A_555 = tpu.vector_load %arg13[%get3A_553, %get3A_554] {strides = array<i32>} : memref<16x1024xf32, #tpu.memory_space<vmem>>, vector<1x16xf32>,
        %get3A_556 = vector.shape_cast %get3A_555 : vector<1x16xf32> to vector<16xf32>
        %swap3A_557 = arith.index_cast %scan3A_59 : i32 to index
        %swap3A_558 = arith.constant 880 : index
        %swap3A_559 = tpu.vector_load %arg14[%swap3A_557, %swap3A_558] {strides = array<i32>} : memref<16x1024xf32, #tpu.memory_space<vmem>>, vector<1x16xf32>,
        %swap3A_560 = vector.shape_cast %swap3A_559 : vector<1x16xf32> to vector<16xf32>
        %swap3A_561 = vector.shape_cast %get3A_556 : vector<16xf32> to vector<1x16xf32>
        tpu.vector_store %arg14[%swap3A_557, %swap3A_558], %swap3A_561 {add = true, strides = array<i32>} : memref<16x1024xf32, #tpu.memory_space<vmem>>, vector<1x16xf32>,
        %get3A_562 = arith.index_cast %scan3A_59 : i32 to index
        %get3A_563 = arith.constant 896 : index
        %get3A_564 = tpu.vector_load %arg13[%get3A_562, %get3A_563] {strides = array<i32>} : memref<16x1024xf32, #tpu.memory_space<vmem>>, vector<1x16xf32>,
        %get3A_565 = vector.shape_cast %get3A_564 : vector<1x16xf32> to vector<16xf32>
        %swap3A_566 = arith.index_cast %scan3A_59 : i32 to index
        %swap3A_567 = arith.constant 896 : index
        %swap3A_568 = tpu.vector_load %arg14[%swap3A_566, %swap3A_567] {strides = array<i32>} : memref<16x1024xf32, #tpu.memory_space<vmem>>, vector<1x16xf32>,
        %swap3A_569 = vector.shape_cast %swap3A_568 : vector<1x16xf32> to vector<16xf32>
        %swap3A_570 = vector.shape_cast %get3A_565 : vector<16xf32> to vector<1x16xf32>
        tpu.vector_store %arg14[%swap3A_566, %swap3A_567], %swap3A_570 {add = true, strides = array<i32>} : memref<16x1024xf32, #tpu.memory_space<vmem>>, vector<1x16xf32>,
        %get3A_571 = arith.index_cast %scan3A_59 : i32 to index
        %get3A_572 = arith.constant 912 : index
        %get3A_573 = tpu.vector_load %arg13[%get3A_571, %get3A_572] {strides = array<i32>} : memref<16x1024xf32, #tpu.memory_space<vmem>>, vector<1x16xf32>,
        %get3A_574 = vector.shape_cast %get3A_573 : vector<1x16xf32> to vector<16xf32>
        %swap3A_575 = arith.index_cast %scan3A_59 : i32 to index
        %swap3A_576 = arith.constant 912 : index
        %swap3A_577 = tpu.vector_load %arg14[%swap3A_575, %swap3A_576] {strides = array<i32>} : memref<16x1024xf32, #tpu.memory_space<vmem>>, vector<1x16xf32>,
        %swap3A_578 = vector.shape_cast %swap3A_577 : vector<1x16xf32> to vector<16xf32>
        %swap3A_579 = vector.shape_cast %get3A_574 : vector<16xf32> to vector<1x16xf32>
        tpu.vector_store %arg14[%swap3A_575, %swap3A_576], %swap3A_579 {add = true, strides = array<i32>} : memref<16x1024xf32, #tpu.memory_space<vmem>>, vector<1x16xf32>,
        %get3A_580 = arith.index_cast %scan3A_59 : i32 to index
        %get3A_581 = arith.constant 928 : index
        %get3A_582 = tpu.vector_load %arg13[%get3A_580, %get3A_581] {strides = array<i32>} : memref<16x1024xf32, #tpu.memory_space<vmem>>, vector<1x16xf32>,
        %get3A_583 = vector.shape_cast %get3A_582 : vector<1x16xf32> to vector<16xf32>
        %swap3A_584 = arith.index_cast %scan3A_59 : i32 to index
        %swap3A_585 = arith.constant 928 : index
        %swap3A_586 = tpu.vector_load %arg14[%swap3A_584, %swap3A_585] {strides = array<i32>} : memref<16x1024xf32, #tpu.memory_space<vmem>>, vector<1x16xf32>,
        %swap3A_587 = vector.shape_cast %swap3A_586 : vector<1x16xf32> to vector<16xf32>
        %swap3A_588 = vector.shape_cast %get3A_583 : vector<16xf32> to vector<1x16xf32>
        tpu.vector_store %arg14[%swap3A_584, %swap3A_585], %swap3A_588 {add = true, strides = array<i32>} : memref<16x1024xf32, #tpu.memory_space<vmem>>, vector<1x16xf32>,
        %get3A_589 = arith.index_cast %scan3A_59 : i32 to index
        %get3A_590 = arith.constant 944 : index
        %get3A_591 = tpu.vector_load %arg13[%get3A_589, %get3A_590] {strides = array<i32>} : memref<16x1024xf32, #tpu.memory_space<vmem>>, vector<1x16xf32>,
        %get3A_592 = vector.shape_cast %get3A_591 : vector<1x16xf32> to vector<16xf32>
        %swap3A_593 = arith.index_cast %scan3A_59 : i32 to index
        %swap3A_594 = arith.constant 944 : index
        %swap3A_595 = tpu.vector_load %arg14[%swap3A_593, %swap3A_594] {strides = array<i32>} : memref<16x1024xf32, #tpu.memory_space<vmem>>, vector<1x16xf32>,
        %swap3A_596 = vector.shape_cast %swap3A_595 : vector<1x16xf32> to vector<16xf32>
        %swap3A_597 = vector.shape_cast %get3A_592 : vector<16xf32> to vector<1x16xf32>
        tpu.vector_store %arg14[%swap3A_593, %swap3A_594], %swap3A_597 {add = true, strides = array<i32>} : memref<16x1024xf32, #tpu.memory_space<vmem>>, vector<1x16xf32>,
        %get3A_598 = arith.index_cast %scan3A_59 : i32 to index
        %get3A_599 = arith.constant 960 : index
        %get3A_600 = tpu.vector_load %arg13[%get3A_598, %get3A_599] {strides = array<i32>} : memref<16x1024xf32, #tpu.memory_space<vmem>>, vector<1x16xf32>,
        %get3A_601 = vector.shape_cast %get3A_600 : vector<1x16xf32> to vector<16xf32>
        %swap3A_602 = arith.index_cast %scan3A_59 : i32 to index
        %swap3A_603 = arith.constant 960 : index
        %swap3A_604 = tpu.vector_load %arg14[%swap3A_602, %swap3A_603] {strides = array<i32>} : memref<16x1024xf32, #tpu.memory_space<vmem>>, vector<1x16xf32>,
        %swap3A_605 = vector.shape_cast %swap3A_604 : vector<1x16xf32> to vector<16xf32>
        %swap3A_606 = vector.shape_cast %get3A_601 : vector<16xf32> to vector<1x16xf32>
        tpu.vector_store %arg14[%swap3A_602, %swap3A_603], %swap3A_606 {add = true, strides = array<i32>} : memref<16x1024xf32, #tpu.memory_space<vmem>>, vector<1x16xf32>,
        %get3A_607 = arith.index_cast %scan3A_59 : i32 to index
        %get3A_608 = arith.constant 976 : index
        %get3A_609 = tpu.vector_load %arg13[%get3A_607, %get3A_608] {strides = array<i32>} : memref<16x1024xf32, #tpu.memory_space<vmem>>, vector<1x16xf32>,
        %get3A_610 = vector.shape_cast %get3A_609 : vector<1x16xf32> to vector<16xf32>
        %swap3A_611 = arith.index_cast %scan3A_59 : i32 to index
        %swap3A_612 = arith.constant 976 : index
        %swap3A_613 = tpu.vector_load %arg14[%swap3A_611, %swap3A_612] {strides = array<i32>} : memref<16x1024xf32, #tpu.memory_space<vmem>>, vector<1x16xf32>,
        %swap3A_614 = vector.shape_cast %swap3A_613 : vector<1x16xf32> to vector<16xf32>
        %swap3A_615 = vector.shape_cast %get3A_610 : vector<16xf32> to vector<1x16xf32>
        tpu.vector_store %arg14[%swap3A_611, %swap3A_612], %swap3A_615 {add = true, strides = array<i32>} : memref<16x1024xf32, #tpu.memory_space<vmem>>, vector<1x16xf32>,
        %get3A_616 = arith.index_cast %scan3A_59 : i32 to index
        %get3A_617 = arith.constant 992 : index
        %get3A_618 = tpu.vector_load %arg13[%get3A_616, %get3A_617] {strides = array<i32>} : memref<16x1024xf32, #tpu.memory_space<vmem>>, vector<1x16xf32>,
        %get3A_619 = vector.shape_cast %get3A_618 : vector<1x16xf32> to vector<16xf32>
        %swap3A_620 = arith.index_cast %scan3A_59 : i32 to index
        %swap3A_621 = arith.constant 992 : index
        %swap3A_622 = tpu.vector_load %arg14[%swap3A_620, %swap3A_621] {strides = array<i32>} : memref<16x1024xf32, #tpu.memory_space<vmem>>, vector<1x16xf32>,
        %swap3A_623 = vector.shape_cast %swap3A_622 : vector<1x16xf32> to vector<16xf32>
        %swap3A_624 = vector.shape_cast %get3A_619 : vector<16xf32> to vector<1x16xf32>
        tpu.vector_store %arg14[%swap3A_620, %swap3A_621], %swap3A_624 {add = true, strides = array<i32>} : memref<16x1024xf32, #tpu.memory_space<vmem>>, vector<1x16xf32>,
        %get3A_625 = arith.index_cast %scan3A_59 : i32 to index
        %get3A_626 = arith.constant 1008 : index
        %get3A_627 = tpu.vector_load %arg13[%get3A_625, %get3A_626] {strides = array<i32>} : memref<16x1024xf32, #tpu.memory_space<vmem>>, vector<1x16xf32>,
        %get3A_628 = vector.shape_cast %get3A_627 : vector<1x16xf32> to vector<16xf32>
        %swap3A_629 = arith.index_cast %scan3A_59 : i32 to index
        %swap3A_630 = arith.constant 1008 : index
        %swap3A_631 = tpu.vector_load %arg14[%swap3A_629, %swap3A_630] {strides = array<i32>} : memref<16x1024xf32, #tpu.memory_space<vmem>>, vector<1x16xf32>,
        %swap3A_632 = vector.shape_cast %swap3A_631 : vector<1x16xf32> to vector<16xf32>
        %swap3A_633 = vector.shape_cast %get3A_628 : vector<16xf32> to vector<1x16xf32>
        tpu.vector_store %arg14[%swap3A_629, %swap3A_630], %swap3A_633 {add = true, strides = array<i32>} : memref<16x1024xf32, #tpu.memory_space<vmem>>, vector<1x16xf32>,
      }
      %scan3A_56 = arith.constant 16 : i32
      %sub3A_57 = arith.constant 0 : i32
      %sub3A_58 = arith.subi %add3A_22, %sub3A_57 : i32
      "tpu.region"() ({
        %run_scoped3A = tpu.sem_alloc : memref<!tpu.dma_semaphore, #tpu.memory_space<semaphore_mem>>
        %dma_start3A_59 = arith.constant 0 : i32
        %dma_start3A_60 = tpu.memref_slice %arg6[%sub3A_58, %dma_start3A_59] : memref<8192x1024xf32, #tpu.memory_space<hbm>> -> memref<16x1024xf32, #tpu.memory_space<hbm>>
        %dma_start3A_61 = arith.constant 0 : i32
        %dma_start3A_62 = tpu.memref_slice %arg6[%sub3A_58, %dma_start3A_61] : memref<8192x1024xf32, #tpu.memory_space<hbm>> -> memref<16x1024xf32, #tpu.memory_space<hbm>>
        tpu.enqueue_dma source(%arg14 : memref<16x1024xf32, #tpu.memory_space<vmem>>) target(%dma_start3A_62 : memref<16x1024xf32, #tpu.memory_space<hbm>>) target_semaphore(%run_scoped3A : memref<!tpu.dma_semaphore, #tpu.memory_space<semaphore_mem>>)
        %dma_wait3A_63 = arith.constant 0 : i32
        %dma_wait3A_64 = tpu.memref_slice %arg6[%sub3A_58, %dma_wait3A_63] : memref<8192x1024xf32, #tpu.memory_space<hbm>> -> memref<16x1024xf32, #tpu.memory_space<hbm>>
        %dma_wait3A_65 = arith.constant 0 : i32
        %dma_wait3A_66 = tpu.memref_slice %arg6[%sub3A_58, %dma_wait3A_65] : memref<8192x1024xf32, #tpu.memory_space<hbm>> -> memref<16x1024xf32, #tpu.memory_space<hbm>>
        tpu.wait_dma2 semaphore(%run_scoped3A : memref<!tpu.dma_semaphore, #tpu.memory_space<semaphore_mem>>) src(%arg14 : memref<16x1024xf32, #tpu.memory_space<vmem>>) dst(%dma_wait3A_66 : memref<16x1024xf32, #tpu.memory_space<hbm>>)
        tpu.yield
      }) : () -> ()
    }
    %scan3A_14 = arith.constant 8 : i32
    return
  }
}

#map = affine_map<(d0, d1) -> (0)>
#map1 = affine_map<(d0, d1) -> (0, 0)>
module attributes {stable_mosaic.version = 14 : i64} {
  func.func @_sc_gather_body(%arg0: i32, %arg1: i32, %arg2: memref<16384xi32, #tpu.memory_space<hbm>>, %arg3: memref<16384xi32, #tpu.memory_space<hbm>>, %arg4: memref<16384x1024xf32, #tpu.memory_space<hbm>>, %arg5: memref<4097x1024xf32, #tpu.memory_space<hbm>>, %arg6: memref<8192x1024xf32, #tpu.memory_space<hbm>>, %arg7: memref<16xi32, #tpu.memory_space<vmem>>, %arg8: memref<16xi32, #tpu.memory_space<vmem>>, %arg9: memref<16x1024xf32, #tpu.memory_space<vmem>>, %arg10: memref<16x1024xf32, #tpu.memory_space<vmem>>, %arg11: memref<16xi32, #tpu.memory_space<vmem>>, %arg12: memref<16xi32, #tpu.memory_space<vmem>>, %arg13: memref<16x1024xf32, #tpu.memory_space<vmem>>, %arg14: memref<16x1024xf32, #tpu.memory_space<vmem>>, %arg15: memref<!tpu.dma_semaphore, #tpu.memory_space<semaphore_mem>>, %arg16: memref<!tpu.dma_semaphore, #tpu.memory_space<semaphore_mem>>, %arg17: memref<!tpu.dma_semaphore, #tpu.memory_space<semaphore_mem>>, %arg18: memref<!tpu.dma_semaphore, #tpu.memory_space<semaphore_mem>>) attributes {dimension_semantics = [#tpu.dimension_semantics<core_parallel>, #tpu.dimension_semantics<subcore_parallel>], iteration_bounds = array<i64: 2, 16>, scalar_prefetch = 0 : i64, scratch_operands = 12 : i64, tpu.core_type = #tpu.core_type<sc_vector_subcore>, window_params = [{transform_indices = #map}, {transform_indices = #map}, {transform_indices = #map1}, {transform_indices = #map1}, {transform_indices = #map1}]} {
    %mul3A = arith.constant 16 : i32
    %mul3A_0 = arith.muli %arg0, %mul3A : i32
    %add3A = arith.addi %mul3A_0, %arg1 : i32
    %mul3A_1 = arith.constant 256 : i32
    %mul3A_2 = arith.muli %add3A, %mul3A_1 : i32
    %add3A_3 = arith.constant 8192 : i32
    %add3A_4 = arith.addi %add3A_3, %mul3A_2 : i32
    "tpu.region"() ({
      %run_scoped3A = tpu.sem_alloc : memref<!tpu.dma_semaphore, #tpu.memory_space<semaphore_mem>>
      %dma_start3A_15 = tpu.memref_slice %arg2[%add3A_4] : memref<16384xi32, #tpu.memory_space<hbm>> -> memref<16xi32, #tpu.memory_space<hbm>>
      %dma_start3A_16 = tpu.memref_slice %arg2[%add3A_4] : memref<16384xi32, #tpu.memory_space<hbm>> -> memref<16xi32, #tpu.memory_space<hbm>>
      tpu.enqueue_dma source(%dma_start3A_16 : memref<16xi32, #tpu.memory_space<hbm>>) target(%arg7 : memref<16xi32, #tpu.memory_space<vmem>>) target_semaphore(%run_scoped3A : memref<!tpu.dma_semaphore, #tpu.memory_space<semaphore_mem>>)
      %dma_wait3A = tpu.memref_slice %arg2[%add3A_4] : memref<16384xi32, #tpu.memory_space<hbm>> -> memref<16xi32, #tpu.memory_space<hbm>>
      %dma_wait3A_17 = tpu.memref_slice %arg2[%add3A_4] : memref<16384xi32, #tpu.memory_space<hbm>> -> memref<16xi32, #tpu.memory_space<hbm>>
      tpu.wait_dma2 semaphore(%run_scoped3A : memref<!tpu.dma_semaphore, #tpu.memory_space<semaphore_mem>>) src(%dma_wait3A_17 : memref<16xi32, #tpu.memory_space<hbm>>) dst(%arg7 : memref<16xi32, #tpu.memory_space<vmem>>)
      tpu.yield
    }) : () -> ()
    "tpu.region"() ({
      %run_scoped3A = tpu.sem_alloc : memref<!tpu.dma_semaphore, #tpu.memory_space<semaphore_mem>>
      %dma_start3A_15 = tpu.memref_slice %arg3[%add3A_4] : memref<16384xi32, #tpu.memory_space<hbm>> -> memref<16xi32, #tpu.memory_space<hbm>>
      %dma_start3A_16 = tpu.memref_slice %arg3[%add3A_4] : memref<16384xi32, #tpu.memory_space<hbm>> -> memref<16xi32, #tpu.memory_space<hbm>>
      tpu.enqueue_dma source(%dma_start3A_16 : memref<16xi32, #tpu.memory_space<hbm>>) target(%arg8 : memref<16xi32, #tpu.memory_space<vmem>>) target_semaphore(%run_scoped3A : memref<!tpu.dma_semaphore, #tpu.memory_space<semaphore_mem>>)
      %dma_wait3A = tpu.memref_slice %arg3[%add3A_4] : memref<16384xi32, #tpu.memory_space<hbm>> -> memref<16xi32, #tpu.memory_space<hbm>>
      %dma_wait3A_17 = tpu.memref_slice %arg3[%add3A_4] : memref<16384xi32, #tpu.memory_space<hbm>> -> memref<16xi32, #tpu.memory_space<hbm>>
      tpu.wait_dma2 semaphore(%run_scoped3A : memref<!tpu.dma_semaphore, #tpu.memory_space<semaphore_mem>>) src(%dma_wait3A_17 : memref<16xi32, #tpu.memory_space<hbm>>) dst(%arg8 : memref<16xi32, #tpu.memory_space<vmem>>)
      tpu.yield
    }) : () -> ()
    %dma_start3A = arith.constant 0 : i32
    %dma_start3A_5 = arith.constant 0 : i32
    %dma_start3A_6 = tpu.memref_slice %arg4[%dma_start3A, %dma_start3A_5] : memref<16384x1024xf32, #tpu.memory_space<hbm>> -> memref<16384x1024xf32, #tpu.memory_space<hbm>>
    tpu.enqueue_indirect_dma source(%dma_start3A_6 : memref<16384x1024xf32, #tpu.memory_space<hbm>>) target(%arg9 : memref<16x1024xf32, #tpu.memory_space<vmem>>) offsets(%arg7 : memref<16xi32, #tpu.memory_space<vmem>>) semaphore(%arg15 : memref<!tpu.dma_semaphore, #tpu.memory_space<semaphore_mem>>)
    %dma_start3A_7 = arith.constant 0 : i32
    %dma_start3A_8 = arith.constant 0 : i32
    %dma_start3A_9 = tpu.memref_slice %arg5[%dma_start3A_7, %dma_start3A_8] : memref<4097x1024xf32, #tpu.memory_space<hbm>> -> memref<4097x1024xf32, #tpu.memory_space<hbm>>
    tpu.enqueue_indirect_dma source(%dma_start3A_9 : memref<4097x1024xf32, #tpu.memory_space<hbm>>) target(%arg10 : memref<16x1024xf32, #tpu.memory_space<vmem>>) offsets(%arg8 : memref<16xi32, #tpu.memory_space<vmem>>) semaphore(%arg16 : memref<!tpu.dma_semaphore, #tpu.memory_space<semaphore_mem>>)
    %scan3A = arith.constant 0 : i32
    %scan3A_10 = arith.constant 0 : i32
    %scan3A_11 = arith.constant 8 : i32
    %scan3A_12 = arith.addi %scan3A_10, %scan3A_11 : i32
    %scan3A_13 = arith.constant 1 : i32
    scf.for %scan3A_15 = %scan3A_10 to %scan3A_12 step %scan3A_13  : i32 {
      %mul3A_16 = arith.constant 2 : i32
      %mul3A_17 = arith.muli %mul3A_16, %scan3A_15 : i32
      %mul3A_18 = arith.constant 16 : i32
      %mul3A_19 = arith.muli %mul3A_17, %mul3A_18 : i32
      %add3A_20 = arith.addi %add3A_4, %mul3A_19 : i32
      %add3A_21 = arith.constant 16 : i32
      %add3A_22 = arith.addi %add3A_20, %add3A_21 : i32
      "tpu.region"() ({
        %run_scoped3A = tpu.sem_alloc : memref<!tpu.dma_semaphore, #tpu.memory_space<semaphore_mem>>
        %dma_start3A_59 = tpu.memref_slice %arg2[%add3A_22] : memref<16384xi32, #tpu.memory_space<hbm>> -> memref<16xi32, #tpu.memory_space<hbm>>
        %dma_start3A_60 = tpu.memref_slice %arg2[%add3A_22] : memref<16384xi32, #tpu.memory_space<hbm>> -> memref<16xi32, #tpu.memory_space<hbm>>
        tpu.enqueue_dma source(%dma_start3A_60 : memref<16xi32, #tpu.memory_space<hbm>>) target(%arg11 : memref<16xi32, #tpu.memory_space<vmem>>) target_semaphore(%run_scoped3A : memref<!tpu.dma_semaphore, #tpu.memory_space<semaphore_mem>>)
        %dma_wait3A_61 = tpu.memref_slice %arg2[%add3A_22] : memref<16384xi32, #tpu.memory_space<hbm>> -> memref<16xi32, #tpu.memory_space<hbm>>
        %dma_wait3A_62 = tpu.memref_slice %arg2[%add3A_22] : memref<16384xi32, #tpu.memory_space<hbm>> -> memref<16xi32, #tpu.memory_space<hbm>>
        tpu.wait_dma2 semaphore(%run_scoped3A : memref<!tpu.dma_semaphore, #tpu.memory_space<semaphore_mem>>) src(%dma_wait3A_62 : memref<16xi32, #tpu.memory_space<hbm>>) dst(%arg11 : memref<16xi32, #tpu.memory_space<vmem>>)
        tpu.yield
      }) : () -> ()
      "tpu.region"() ({
        %run_scoped3A = tpu.sem_alloc : memref<!tpu.dma_semaphore, #tpu.memory_space<semaphore_mem>>
        %dma_start3A_59 = tpu.memref_slice %arg3[%add3A_22] : memref<16384xi32, #tpu.memory_space<hbm>> -> memref<16xi32, #tpu.memory_space<hbm>>
        %dma_start3A_60 = tpu.memref_slice %arg3[%add3A_22] : memref<16384xi32, #tpu.memory_space<hbm>> -> memref<16xi32, #tpu.memory_space<hbm>>
        tpu.enqueue_dma source(%dma_start3A_60 : memref<16xi32, #tpu.memory_space<hbm>>) target(%arg12 : memref<16xi32, #tpu.memory_space<vmem>>) target_semaphore(%run_scoped3A : memref<!tpu.dma_semaphore, #tpu.memory_space<semaphore_mem>>)
        %dma_wait3A_61 = tpu.memref_slice %arg3[%add3A_22] : memref<16384xi32, #tpu.memory_space<hbm>> -> memref<16xi32, #tpu.memory_space<hbm>>
        %dma_wait3A_62 = tpu.memref_slice %arg3[%add3A_22] : memref<16384xi32, #tpu.memory_space<hbm>> -> memref<16xi32, #tpu.memory_space<hbm>>
        tpu.wait_dma2 semaphore(%run_scoped3A : memref<!tpu.dma_semaphore, #tpu.memory_space<semaphore_mem>>) src(%dma_wait3A_62 : memref<16xi32, #tpu.memory_space<hbm>>) dst(%arg12 : memref<16xi32, #tpu.memory_space<vmem>>)
        tpu.yield
      }) : () -> ()
      %dma_start3A_23 = arith.constant 0 : i32
      %dma_start3A_24 = arith.constant 0 : i32
      %dma_start3A_25 = tpu.memref_slice %arg4[%dma_start3A_23, %dma_start3A_24] : memref<16384x1024xf32, #tpu.memory_space<hbm>> -> memref<16384x1024xf32, #tpu.memory_space<hbm>>
      tpu.enqueue_indirect_dma source(%dma_start3A_25 : memref<16384x1024xf32, #tpu.memory_space<hbm>>) target(%arg13 : memref<16x1024xf32, #tpu.memory_space<vmem>>) offsets(%arg11 : memref<16xi32, #tpu.memory_space<vmem>>) semaphore(%arg17 : memref<!tpu.dma_semaphore, #tpu.memory_space<semaphore_mem>>)
      %dma_start3A_26 = arith.constant 0 : i32
      %dma_start3A_27 = arith.constant 0 : i32
      %dma_start3A_28 = tpu.memref_slice %arg5[%dma_start3A_26, %dma_start3A_27] : memref<4097x1024xf32, #tpu.memory_space<hbm>> -> memref<4097x1024xf32, #tpu.memory_space<hbm>>
      tpu.enqueue_indirect_dma source(%dma_start3A_28 : memref<4097x1024xf32, #tpu.memory_space<hbm>>) target(%arg14 : memref<16x1024xf32, #tpu.memory_space<vmem>>) offsets(%arg12 : memref<16xi32, #tpu.memory_space<vmem>>) semaphore(%arg18 : memref<!tpu.dma_semaphore, #tpu.memory_space<semaphore_mem>>)
      %dma_wait3A = arith.constant 0 : i32
      %dma_wait3A_29 = arith.constant 0 : i32
      %dma_wait3A_30 = tpu.memref_slice %arg4[%dma_wait3A, %dma_wait3A_29] : memref<16384x1024xf32, #tpu.memory_space<hbm>> -> memref<16384x1024xf32, #tpu.memory_space<hbm>>
      tpu.wait_indirect_dma semaphore(%arg15 : memref<!tpu.dma_semaphore, #tpu.memory_space<semaphore_mem>>) src(%dma_wait3A_30 : memref<16384x1024xf32, #tpu.memory_space<hbm>>) dst(%arg9 : memref<16x1024xf32, #tpu.memory_space<vmem>>)
      %dma_wait3A_31 = arith.constant 0 : i32
      %dma_wait3A_32 = arith.constant 0 : i32
      %dma_wait3A_33 = tpu.memref_slice %arg5[%dma_wait3A_31, %dma_wait3A_32] : memref<4097x1024xf32, #tpu.memory_space<hbm>> -> memref<4097x1024xf32, #tpu.memory_space<hbm>>
      tpu.wait_indirect_dma semaphore(%arg16 : memref<!tpu.dma_semaphore, #tpu.memory_space<semaphore_mem>>) src(%dma_wait3A_33 : memref<4097x1024xf32, #tpu.memory_space<hbm>>) dst(%arg10 : memref<16x1024xf32, #tpu.memory_space<vmem>>)
      %scan3A_34 = arith.constant 0 : i32
      %scan3A_35 = arith.constant 0 : i32
      %scan3A_36 = arith.constant 16 : i32
      %scan3A_37 = arith.addi %scan3A_35, %scan3A_36 : i32
      %scan3A_38 = arith.constant 1 : i32
      scf.for %scan3A_59 = %scan3A_35 to %scan3A_37 step %scan3A_38  : i32 {
        %get3A = arith.index_cast %scan3A_59 : i32 to index
        %get3A_60 = arith.constant 0 : index
        %get3A_61 = tpu.vector_load %arg9[%get3A, %get3A_60] {strides = array<i32>} : memref<16x1024xf32, #tpu.memory_space<vmem>>, vector<1x16xf32>,
        %get3A_62 = vector.shape_cast %get3A_61 : vector<1x16xf32> to vector<16xf32>
        %swap3A = arith.index_cast %scan3A_59 : i32 to index
        %swap3A_63 = arith.constant 0 : index
        %swap3A_64 = tpu.vector_load %arg10[%swap3A, %swap3A_63] {strides = array<i32>} : memref<16x1024xf32, #tpu.memory_space<vmem>>, vector<1x16xf32>,
        %swap3A_65 = vector.shape_cast %swap3A_64 : vector<1x16xf32> to vector<16xf32>
        %swap3A_66 = vector.shape_cast %get3A_62 : vector<16xf32> to vector<1x16xf32>
        tpu.vector_store %arg10[%swap3A, %swap3A_63], %swap3A_66 {add = true, strides = array<i32>} : memref<16x1024xf32, #tpu.memory_space<vmem>>, vector<1x16xf32>,
        %get3A_67 = arith.index_cast %scan3A_59 : i32 to index
        %get3A_68 = arith.constant 16 : index
        %get3A_69 = tpu.vector_load %arg9[%get3A_67, %get3A_68] {strides = array<i32>} : memref<16x1024xf32, #tpu.memory_space<vmem>>, vector<1x16xf32>,
        %get3A_70 = vector.shape_cast %get3A_69 : vector<1x16xf32> to vector<16xf32>
        %swap3A_71 = arith.index_cast %scan3A_59 : i32 to index
        %swap3A_72 = arith.constant 16 : index
        %swap3A_73 = tpu.vector_load %arg10[%swap3A_71, %swap3A_72] {strides = array<i32>} : memref<16x1024xf32, #tpu.memory_space<vmem>>, vector<1x16xf32>,
        %swap3A_74 = vector.shape_cast %swap3A_73 : vector<1x16xf32> to vector<16xf32>
        %swap3A_75 = vector.shape_cast %get3A_70 : vector<16xf32> to vector<1x16xf32>
        tpu.vector_store %arg10[%swap3A_71, %swap3A_72], %swap3A_75 {add = true, strides = array<i32>} : memref<16x1024xf32, #tpu.memory_space<vmem>>, vector<1x16xf32>,
        %get3A_76 = arith.index_cast %scan3A_59 : i32 to index
        %get3A_77 = arith.constant 32 : index
        %get3A_78 = tpu.vector_load %arg9[%get3A_76, %get3A_77] {strides = array<i32>} : memref<16x1024xf32, #tpu.memory_space<vmem>>, vector<1x16xf32>,
        %get3A_79 = vector.shape_cast %get3A_78 : vector<1x16xf32> to vector<16xf32>
        %swap3A_80 = arith.index_cast %scan3A_59 : i32 to index
        %swap3A_81 = arith.constant 32 : index
        %swap3A_82 = tpu.vector_load %arg10[%swap3A_80, %swap3A_81] {strides = array<i32>} : memref<16x1024xf32, #tpu.memory_space<vmem>>, vector<1x16xf32>,
        %swap3A_83 = vector.shape_cast %swap3A_82 : vector<1x16xf32> to vector<16xf32>
        %swap3A_84 = vector.shape_cast %get3A_79 : vector<16xf32> to vector<1x16xf32>
        tpu.vector_store %arg10[%swap3A_80, %swap3A_81], %swap3A_84 {add = true, strides = array<i32>} : memref<16x1024xf32, #tpu.memory_space<vmem>>, vector<1x16xf32>,
        %get3A_85 = arith.index_cast %scan3A_59 : i32 to index
        %get3A_86 = arith.constant 48 : index
        %get3A_87 = tpu.vector_load %arg9[%get3A_85, %get3A_86] {strides = array<i32>} : memref<16x1024xf32, #tpu.memory_space<vmem>>, vector<1x16xf32>,
        %get3A_88 = vector.shape_cast %get3A_87 : vector<1x16xf32> to vector<16xf32>
        %swap3A_89 = arith.index_cast %scan3A_59 : i32 to index
        %swap3A_90 = arith.constant 48 : index
        %swap3A_91 = tpu.vector_load %arg10[%swap3A_89, %swap3A_90] {strides = array<i32>} : memref<16x1024xf32, #tpu.memory_space<vmem>>, vector<1x16xf32>,
        %swap3A_92 = vector.shape_cast %swap3A_91 : vector<1x16xf32> to vector<16xf32>
        %swap3A_93 = vector.shape_cast %get3A_88 : vector<16xf32> to vector<1x16xf32>
        tpu.vector_store %arg10[%swap3A_89, %swap3A_90], %swap3A_93 {add = true, strides = array<i32>} : memref<16x1024xf32, #tpu.memory_space<vmem>>, vector<1x16xf32>,
        %get3A_94 = arith.index_cast %scan3A_59 : i32 to index
        %get3A_95 = arith.constant 64 : index
        %get3A_96 = tpu.vector_load %arg9[%get3A_94, %get3A_95] {strides = array<i32>} : memref<16x1024xf32, #tpu.memory_space<vmem>>, vector<1x16xf32>,
        %get3A_97 = vector.shape_cast %get3A_96 : vector<1x16xf32> to vector<16xf32>
        %swap3A_98 = arith.index_cast %scan3A_59 : i32 to index
        %swap3A_99 = arith.constant 64 : index
        %swap3A_100 = tpu.vector_load %arg10[%swap3A_98, %swap3A_99] {strides = array<i32>} : memref<16x1024xf32, #tpu.memory_space<vmem>>, vector<1x16xf32>,
        %swap3A_101 = vector.shape_cast %swap3A_100 : vector<1x16xf32> to vector<16xf32>
        %swap3A_102 = vector.shape_cast %get3A_97 : vector<16xf32> to vector<1x16xf32>
        tpu.vector_store %arg10[%swap3A_98, %swap3A_99], %swap3A_102 {add = true, strides = array<i32>} : memref<16x1024xf32, #tpu.memory_space<vmem>>, vector<1x16xf32>,
        %get3A_103 = arith.index_cast %scan3A_59 : i32 to index
        %get3A_104 = arith.constant 80 : index
        %get3A_105 = tpu.vector_load %arg9[%get3A_103, %get3A_104] {strides = array<i32>} : memref<16x1024xf32, #tpu.memory_space<vmem>>, vector<1x16xf32>,
        %get3A_106 = vector.shape_cast %get3A_105 : vector<1x16xf32> to vector<16xf32>
        %swap3A_107 = arith.index_cast %scan3A_59 : i32 to index
        %swap3A_108 = arith.constant 80 : index
        %swap3A_109 = tpu.vector_load %arg10[%swap3A_107, %swap3A_108] {strides = array<i32>} : memref<16x1024xf32, #tpu.memory_space<vmem>>, vector<1x16xf32>,
        %swap3A_110 = vector.shape_cast %swap3A_109 : vector<1x16xf32> to vector<16xf32>
        %swap3A_111 = vector.shape_cast %get3A_106 : vector<16xf32> to vector<1x16xf32>
        tpu.vector_store %arg10[%swap3A_107, %swap3A_108], %swap3A_111 {add = true, strides = array<i32>} : memref<16x1024xf32, #tpu.memory_space<vmem>>, vector<1x16xf32>,
        %get3A_112 = arith.index_cast %scan3A_59 : i32 to index
        %get3A_113 = arith.constant 96 : index
        %get3A_114 = tpu.vector_load %arg9[%get3A_112, %get3A_113] {strides = array<i32>} : memref<16x1024xf32, #tpu.memory_space<vmem>>, vector<1x16xf32>,
        %get3A_115 = vector.shape_cast %get3A_114 : vector<1x16xf32> to vector<16xf32>
        %swap3A_116 = arith.index_cast %scan3A_59 : i32 to index
        %swap3A_117 = arith.constant 96 : index
        %swap3A_118 = tpu.vector_load %arg10[%swap3A_116, %swap3A_117] {strides = array<i32>} : memref<16x1024xf32, #tpu.memory_space<vmem>>, vector<1x16xf32>,
        %swap3A_119 = vector.shape_cast %swap3A_118 : vector<1x16xf32> to vector<16xf32>
        %swap3A_120 = vector.shape_cast %get3A_115 : vector<16xf32> to vector<1x16xf32>
        tpu.vector_store %arg10[%swap3A_116, %swap3A_117], %swap3A_120 {add = true, strides = array<i32>} : memref<16x1024xf32, #tpu.memory_space<vmem>>, vector<1x16xf32>,
        %get3A_121 = arith.index_cast %scan3A_59 : i32 to index
        %get3A_122 = arith.constant 112 : index
        %get3A_123 = tpu.vector_load %arg9[%get3A_121, %get3A_122] {strides = array<i32>} : memref<16x1024xf32, #tpu.memory_space<vmem>>, vector<1x16xf32>,
        %get3A_124 = vector.shape_cast %get3A_123 : vector<1x16xf32> to vector<16xf32>
        %swap3A_125 = arith.index_cast %scan3A_59 : i32 to index
        %swap3A_126 = arith.constant 112 : index
        %swap3A_127 = tpu.vector_load %arg10[%swap3A_125, %swap3A_126] {strides = array<i32>} : memref<16x1024xf32, #tpu.memory_space<vmem>>, vector<1x16xf32>,
        %swap3A_128 = vector.shape_cast %swap3A_127 : vector<1x16xf32> to vector<16xf32>
        %swap3A_129 = vector.shape_cast %get3A_124 : vector<16xf32> to vector<1x16xf32>
        tpu.vector_store %arg10[%swap3A_125, %swap3A_126], %swap3A_129 {add = true, strides = array<i32>} : memref<16x1024xf32, #tpu.memory_space<vmem>>, vector<1x16xf32>,
        %get3A_130 = arith.index_cast %scan3A_59 : i32 to index
        %get3A_131 = arith.constant 128 : index
        %get3A_132 = tpu.vector_load %arg9[%get3A_130, %get3A_131] {strides = array<i32>} : memref<16x1024xf32, #tpu.memory_space<vmem>>, vector<1x16xf32>,
        %get3A_133 = vector.shape_cast %get3A_132 : vector<1x16xf32> to vector<16xf32>
        %swap3A_134 = arith.index_cast %scan3A_59 : i32 to index
        %swap3A_135 = arith.constant 128 : index
        %swap3A_136 = tpu.vector_load %arg10[%swap3A_134, %swap3A_135] {strides = array<i32>} : memref<16x1024xf32, #tpu.memory_space<vmem>>, vector<1x16xf32>,
        %swap3A_137 = vector.shape_cast %swap3A_136 : vector<1x16xf32> to vector<16xf32>
        %swap3A_138 = vector.shape_cast %get3A_133 : vector<16xf32> to vector<1x16xf32>
        tpu.vector_store %arg10[%swap3A_134, %swap3A_135], %swap3A_138 {add = true, strides = array<i32>} : memref<16x1024xf32, #tpu.memory_space<vmem>>, vector<1x16xf32>,
        %get3A_139 = arith.index_cast %scan3A_59 : i32 to index
        %get3A_140 = arith.constant 144 : index
        %get3A_141 = tpu.vector_load %arg9[%get3A_139, %get3A_140] {strides = array<i32>} : memref<16x1024xf32, #tpu.memory_space<vmem>>, vector<1x16xf32>,
        %get3A_142 = vector.shape_cast %get3A_141 : vector<1x16xf32> to vector<16xf32>
        %swap3A_143 = arith.index_cast %scan3A_59 : i32 to index
        %swap3A_144 = arith.constant 144 : index
        %swap3A_145 = tpu.vector_load %arg10[%swap3A_143, %swap3A_144] {strides = array<i32>} : memref<16x1024xf32, #tpu.memory_space<vmem>>, vector<1x16xf32>,
        %swap3A_146 = vector.shape_cast %swap3A_145 : vector<1x16xf32> to vector<16xf32>
        %swap3A_147 = vector.shape_cast %get3A_142 : vector<16xf32> to vector<1x16xf32>
        tpu.vector_store %arg10[%swap3A_143, %swap3A_144], %swap3A_147 {add = true, strides = array<i32>} : memref<16x1024xf32, #tpu.memory_space<vmem>>, vector<1x16xf32>,
        %get3A_148 = arith.index_cast %scan3A_59 : i32 to index
        %get3A_149 = arith.constant 160 : index
        %get3A_150 = tpu.vector_load %arg9[%get3A_148, %get3A_149] {strides = array<i32>} : memref<16x1024xf32, #tpu.memory_space<vmem>>, vector<1x16xf32>,
        %get3A_151 = vector.shape_cast %get3A_150 : vector<1x16xf32> to vector<16xf32>
        %swap3A_152 = arith.index_cast %scan3A_59 : i32 to index
        %swap3A_153 = arith.constant 160 : index
        %swap3A_154 = tpu.vector_load %arg10[%swap3A_152, %swap3A_153] {strides = array<i32>} : memref<16x1024xf32, #tpu.memory_space<vmem>>, vector<1x16xf32>,
        %swap3A_155 = vector.shape_cast %swap3A_154 : vector<1x16xf32> to vector<16xf32>
        %swap3A_156 = vector.shape_cast %get3A_151 : vector<16xf32> to vector<1x16xf32>
        tpu.vector_store %arg10[%swap3A_152, %swap3A_153], %swap3A_156 {add = true, strides = array<i32>} : memref<16x1024xf32, #tpu.memory_space<vmem>>, vector<1x16xf32>,
        %get3A_157 = arith.index_cast %scan3A_59 : i32 to index
        %get3A_158 = arith.constant 176 : index
        %get3A_159 = tpu.vector_load %arg9[%get3A_157, %get3A_158] {strides = array<i32>} : memref<16x1024xf32, #tpu.memory_space<vmem>>, vector<1x16xf32>,
        %get3A_160 = vector.shape_cast %get3A_159 : vector<1x16xf32> to vector<16xf32>
        %swap3A_161 = arith.index_cast %scan3A_59 : i32 to index
        %swap3A_162 = arith.constant 176 : index
        %swap3A_163 = tpu.vector_load %arg10[%swap3A_161, %swap3A_162] {strides = array<i32>} : memref<16x1024xf32, #tpu.memory_space<vmem>>, vector<1x16xf32>,
        %swap3A_164 = vector.shape_cast %swap3A_163 : vector<1x16xf32> to vector<16xf32>
        %swap3A_165 = vector.shape_cast %get3A_160 : vector<16xf32> to vector<1x16xf32>
        tpu.vector_store %arg10[%swap3A_161, %swap3A_162], %swap3A_165 {add = true, strides = array<i32>} : memref<16x1024xf32, #tpu.memory_space<vmem>>, vector<1x16xf32>,
        %get3A_166 = arith.index_cast %scan3A_59 : i32 to index
        %get3A_167 = arith.constant 192 : index
        %get3A_168 = tpu.vector_load %arg9[%get3A_166, %get3A_167] {strides = array<i32>} : memref<16x1024xf32, #tpu.memory_space<vmem>>, vector<1x16xf32>,
        %get3A_169 = vector.shape_cast %get3A_168 : vector<1x16xf32> to vector<16xf32>
        %swap3A_170 = arith.index_cast %scan3A_59 : i32 to index
        %swap3A_171 = arith.constant 192 : index
        %swap3A_172 = tpu.vector_load %arg10[%swap3A_170, %swap3A_171] {strides = array<i32>} : memref<16x1024xf32, #tpu.memory_space<vmem>>, vector<1x16xf32>,
        %swap3A_173 = vector.shape_cast %swap3A_172 : vector<1x16xf32> to vector<16xf32>
        %swap3A_174 = vector.shape_cast %get3A_169 : vector<16xf32> to vector<1x16xf32>
        tpu.vector_store %arg10[%swap3A_170, %swap3A_171], %swap3A_174 {add = true, strides = array<i32>} : memref<16x1024xf32, #tpu.memory_space<vmem>>, vector<1x16xf32>,
        %get3A_175 = arith.index_cast %scan3A_59 : i32 to index
        %get3A_176 = arith.constant 208 : index
        %get3A_177 = tpu.vector_load %arg9[%get3A_175, %get3A_176] {strides = array<i32>} : memref<16x1024xf32, #tpu.memory_space<vmem>>, vector<1x16xf32>,
        %get3A_178 = vector.shape_cast %get3A_177 : vector<1x16xf32> to vector<16xf32>
        %swap3A_179 = arith.index_cast %scan3A_59 : i32 to index
        %swap3A_180 = arith.constant 208 : index
        %swap3A_181 = tpu.vector_load %arg10[%swap3A_179, %swap3A_180] {strides = array<i32>} : memref<16x1024xf32, #tpu.memory_space<vmem>>, vector<1x16xf32>,
        %swap3A_182 = vector.shape_cast %swap3A_181 : vector<1x16xf32> to vector<16xf32>
        %swap3A_183 = vector.shape_cast %get3A_178 : vector<16xf32> to vector<1x16xf32>
        tpu.vector_store %arg10[%swap3A_179, %swap3A_180], %swap3A_183 {add = true, strides = array<i32>} : memref<16x1024xf32, #tpu.memory_space<vmem>>, vector<1x16xf32>,
        %get3A_184 = arith.index_cast %scan3A_59 : i32 to index
        %get3A_185 = arith.constant 224 : index
        %get3A_186 = tpu.vector_load %arg9[%get3A_184, %get3A_185] {strides = array<i32>} : memref<16x1024xf32, #tpu.memory_space<vmem>>, vector<1x16xf32>,
        %get3A_187 = vector.shape_cast %get3A_186 : vector<1x16xf32> to vector<16xf32>
        %swap3A_188 = arith.index_cast %scan3A_59 : i32 to index
        %swap3A_189 = arith.constant 224 : index
        %swap3A_190 = tpu.vector_load %arg10[%swap3A_188, %swap3A_189] {strides = array<i32>} : memref<16x1024xf32, #tpu.memory_space<vmem>>, vector<1x16xf32>,
        %swap3A_191 = vector.shape_cast %swap3A_190 : vector<1x16xf32> to vector<16xf32>
        %swap3A_192 = vector.shape_cast %get3A_187 : vector<16xf32> to vector<1x16xf32>
        tpu.vector_store %arg10[%swap3A_188, %swap3A_189], %swap3A_192 {add = true, strides = array<i32>} : memref<16x1024xf32, #tpu.memory_space<vmem>>, vector<1x16xf32>,
        %get3A_193 = arith.index_cast %scan3A_59 : i32 to index
        %get3A_194 = arith.constant 240 : index
        %get3A_195 = tpu.vector_load %arg9[%get3A_193, %get3A_194] {strides = array<i32>} : memref<16x1024xf32, #tpu.memory_space<vmem>>, vector<1x16xf32>,
        %get3A_196 = vector.shape_cast %get3A_195 : vector<1x16xf32> to vector<16xf32>
        %swap3A_197 = arith.index_cast %scan3A_59 : i32 to index
        %swap3A_198 = arith.constant 240 : index
        %swap3A_199 = tpu.vector_load %arg10[%swap3A_197, %swap3A_198] {strides = array<i32>} : memref<16x1024xf32, #tpu.memory_space<vmem>>, vector<1x16xf32>,
        %swap3A_200 = vector.shape_cast %swap3A_199 : vector<1x16xf32> to vector<16xf32>
        %swap3A_201 = vector.shape_cast %get3A_196 : vector<16xf32> to vector<1x16xf32>
        tpu.vector_store %arg10[%swap3A_197, %swap3A_198], %swap3A_201 {add = true, strides = array<i32>} : memref<16x1024xf32, #tpu.memory_space<vmem>>, vector<1x16xf32>,
        %get3A_202 = arith.index_cast %scan3A_59 : i32 to index
        %get3A_203 = arith.constant 256 : index
        %get3A_204 = tpu.vector_load %arg9[%get3A_202, %get3A_203] {strides = array<i32>} : memref<16x1024xf32, #tpu.memory_space<vmem>>, vector<1x16xf32>,
        %get3A_205 = vector.shape_cast %get3A_204 : vector<1x16xf32> to vector<16xf32>
        %swap3A_206 = arith.index_cast %scan3A_59 : i32 to index
        %swap3A_207 = arith.constant 256 : index
        %swap3A_208 = tpu.vector_load %arg10[%swap3A_206, %swap3A_207] {strides = array<i32>} : memref<16x1024xf32, #tpu.memory_space<vmem>>, vector<1x16xf32>,
        %swap3A_209 = vector.shape_cast %swap3A_208 : vector<1x16xf32> to vector<16xf32>
        %swap3A_210 = vector.shape_cast %get3A_205 : vector<16xf32> to vector<1x16xf32>
        tpu.vector_store %arg10[%swap3A_206, %swap3A_207], %swap3A_210 {add = true, strides = array<i32>} : memref<16x1024xf32, #tpu.memory_space<vmem>>, vector<1x16xf32>,
        %get3A_211 = arith.index_cast %scan3A_59 : i32 to index
        %get3A_212 = arith.constant 272 : index
        %get3A_213 = tpu.vector_load %arg9[%get3A_211, %get3A_212] {strides = array<i32>} : memref<16x1024xf32, #tpu.memory_space<vmem>>, vector<1x16xf32>,
        %get3A_214 = vector.shape_cast %get3A_213 : vector<1x16xf32> to vector<16xf32>
        %swap3A_215 = arith.index_cast %scan3A_59 : i32 to index
        %swap3A_216 = arith.constant 272 : index
        %swap3A_217 = tpu.vector_load %arg10[%swap3A_215, %swap3A_216] {strides = array<i32>} : memref<16x1024xf32, #tpu.memory_space<vmem>>, vector<1x16xf32>,
        %swap3A_218 = vector.shape_cast %swap3A_217 : vector<1x16xf32> to vector<16xf32>
        %swap3A_219 = vector.shape_cast %get3A_214 : vector<16xf32> to vector<1x16xf32>
        tpu.vector_store %arg10[%swap3A_215, %swap3A_216], %swap3A_219 {add = true, strides = array<i32>} : memref<16x1024xf32, #tpu.memory_space<vmem>>, vector<1x16xf32>,
        %get3A_220 = arith.index_cast %scan3A_59 : i32 to index
        %get3A_221 = arith.constant 288 : index
        %get3A_222 = tpu.vector_load %arg9[%get3A_220, %get3A_221] {strides = array<i32>} : memref<16x1024xf32, #tpu.memory_space<vmem>>, vector<1x16xf32>,
        %get3A_223 = vector.shape_cast %get3A_222 : vector<1x16xf32> to vector<16xf32>
        %swap3A_224 = arith.index_cast %scan3A_59 : i32 to index
        %swap3A_225 = arith.constant 288 : index
        %swap3A_226 = tpu.vector_load %arg10[%swap3A_224, %swap3A_225] {strides = array<i32>} : memref<16x1024xf32, #tpu.memory_space<vmem>>, vector<1x16xf32>,
        %swap3A_227 = vector.shape_cast %swap3A_226 : vector<1x16xf32> to vector<16xf32>
        %swap3A_228 = vector.shape_cast %get3A_223 : vector<16xf32> to vector<1x16xf32>
        tpu.vector_store %arg10[%swap3A_224, %swap3A_225], %swap3A_228 {add = true, strides = array<i32>} : memref<16x1024xf32, #tpu.memory_space<vmem>>, vector<1x16xf32>,
        %get3A_229 = arith.index_cast %scan3A_59 : i32 to index
        %get3A_230 = arith.constant 304 : index
        %get3A_231 = tpu.vector_load %arg9[%get3A_229, %get3A_230] {strides = array<i32>} : memref<16x1024xf32, #tpu.memory_space<vmem>>, vector<1x16xf32>,
        %get3A_232 = vector.shape_cast %get3A_231 : vector<1x16xf32> to vector<16xf32>
        %swap3A_233 = arith.index_cast %scan3A_59 : i32 to index
        %swap3A_234 = arith.constant 304 : index
        %swap3A_235 = tpu.vector_load %arg10[%swap3A_233, %swap3A_234] {strides = array<i32>} : memref<16x1024xf32, #tpu.memory_space<vmem>>, vector<1x16xf32>,
        %swap3A_236 = vector.shape_cast %swap3A_235 : vector<1x16xf32> to vector<16xf32>
        %swap3A_237 = vector.shape_cast %get3A_232 : vector<16xf32> to vector<1x16xf32>
        tpu.vector_store %arg10[%swap3A_233, %swap3A_234], %swap3A_237 {add = true, strides = array<i32>} : memref<16x1024xf32, #tpu.memory_space<vmem>>, vector<1x16xf32>,
        %get3A_238 = arith.index_cast %scan3A_59 : i32 to index
        %get3A_239 = arith.constant 320 : index
        %get3A_240 = tpu.vector_load %arg9[%get3A_238, %get3A_239] {strides = array<i32>} : memref<16x1024xf32, #tpu.memory_space<vmem>>, vector<1x16xf32>,
        %get3A_241 = vector.shape_cast %get3A_240 : vector<1x16xf32> to vector<16xf32>
        %swap3A_242 = arith.index_cast %scan3A_59 : i32 to index
        %swap3A_243 = arith.constant 320 : index
        %swap3A_244 = tpu.vector_load %arg10[%swap3A_242, %swap3A_243] {strides = array<i32>} : memref<16x1024xf32, #tpu.memory_space<vmem>>, vector<1x16xf32>,
        %swap3A_245 = vector.shape_cast %swap3A_244 : vector<1x16xf32> to vector<16xf32>
        %swap3A_246 = vector.shape_cast %get3A_241 : vector<16xf32> to vector<1x16xf32>
        tpu.vector_store %arg10[%swap3A_242, %swap3A_243], %swap3A_246 {add = true, strides = array<i32>} : memref<16x1024xf32, #tpu.memory_space<vmem>>, vector<1x16xf32>,
        %get3A_247 = arith.index_cast %scan3A_59 : i32 to index
        %get3A_248 = arith.constant 336 : index
        %get3A_249 = tpu.vector_load %arg9[%get3A_247, %get3A_248] {strides = array<i32>} : memref<16x1024xf32, #tpu.memory_space<vmem>>, vector<1x16xf32>,
        %get3A_250 = vector.shape_cast %get3A_249 : vector<1x16xf32> to vector<16xf32>
        %swap3A_251 = arith.index_cast %scan3A_59 : i32 to index
        %swap3A_252 = arith.constant 336 : index
        %swap3A_253 = tpu.vector_load %arg10[%swap3A_251, %swap3A_252] {strides = array<i32>} : memref<16x1024xf32, #tpu.memory_space<vmem>>, vector<1x16xf32>,
        %swap3A_254 = vector.shape_cast %swap3A_253 : vector<1x16xf32> to vector<16xf32>
        %swap3A_255 = vector.shape_cast %get3A_250 : vector<16xf32> to vector<1x16xf32>
        tpu.vector_store %arg10[%swap3A_251, %swap3A_252], %swap3A_255 {add = true, strides = array<i32>} : memref<16x1024xf32, #tpu.memory_space<vmem>>, vector<1x16xf32>,
        %get3A_256 = arith.index_cast %scan3A_59 : i32 to index
        %get3A_257 = arith.constant 352 : index
        %get3A_258 = tpu.vector_load %arg9[%get3A_256, %get3A_257] {strides = array<i32>} : memref<16x1024xf32, #tpu.memory_space<vmem>>, vector<1x16xf32>,
        %get3A_259 = vector.shape_cast %get3A_258 : vector<1x16xf32> to vector<16xf32>
        %swap3A_260 = arith.index_cast %scan3A_59 : i32 to index
        %swap3A_261 = arith.constant 352 : index
        %swap3A_262 = tpu.vector_load %arg10[%swap3A_260, %swap3A_261] {strides = array<i32>} : memref<16x1024xf32, #tpu.memory_space<vmem>>, vector<1x16xf32>,
        %swap3A_263 = vector.shape_cast %swap3A_262 : vector<1x16xf32> to vector<16xf32>
        %swap3A_264 = vector.shape_cast %get3A_259 : vector<16xf32> to vector<1x16xf32>
        tpu.vector_store %arg10[%swap3A_260, %swap3A_261], %swap3A_264 {add = true, strides = array<i32>} : memref<16x1024xf32, #tpu.memory_space<vmem>>, vector<1x16xf32>,
        %get3A_265 = arith.index_cast %scan3A_59 : i32 to index
        %get3A_266 = arith.constant 368 : index
        %get3A_267 = tpu.vector_load %arg9[%get3A_265, %get3A_266] {strides = array<i32>} : memref<16x1024xf32, #tpu.memory_space<vmem>>, vector<1x16xf32>,
        %get3A_268 = vector.shape_cast %get3A_267 : vector<1x16xf32> to vector<16xf32>
        %swap3A_269 = arith.index_cast %scan3A_59 : i32 to index
        %swap3A_270 = arith.constant 368 : index
        %swap3A_271 = tpu.vector_load %arg10[%swap3A_269, %swap3A_270] {strides = array<i32>} : memref<16x1024xf32, #tpu.memory_space<vmem>>, vector<1x16xf32>,
        %swap3A_272 = vector.shape_cast %swap3A_271 : vector<1x16xf32> to vector<16xf32>
        %swap3A_273 = vector.shape_cast %get3A_268 : vector<16xf32> to vector<1x16xf32>
        tpu.vector_store %arg10[%swap3A_269, %swap3A_270], %swap3A_273 {add = true, strides = array<i32>} : memref<16x1024xf32, #tpu.memory_space<vmem>>, vector<1x16xf32>,
        %get3A_274 = arith.index_cast %scan3A_59 : i32 to index
        %get3A_275 = arith.constant 384 : index
        %get3A_276 = tpu.vector_load %arg9[%get3A_274, %get3A_275] {strides = array<i32>} : memref<16x1024xf32, #tpu.memory_space<vmem>>, vector<1x16xf32>,
        %get3A_277 = vector.shape_cast %get3A_276 : vector<1x16xf32> to vector<16xf32>
        %swap3A_278 = arith.index_cast %scan3A_59 : i32 to index
        %swap3A_279 = arith.constant 384 : index
        %swap3A_280 = tpu.vector_load %arg10[%swap3A_278, %swap3A_279] {strides = array<i32>} : memref<16x1024xf32, #tpu.memory_space<vmem>>, vector<1x16xf32>,
        %swap3A_281 = vector.shape_cast %swap3A_280 : vector<1x16xf32> to vector<16xf32>
        %swap3A_282 = vector.shape_cast %get3A_277 : vector<16xf32> to vector<1x16xf32>
        tpu.vector_store %arg10[%swap3A_278, %swap3A_279], %swap3A_282 {add = true, strides = array<i32>} : memref<16x1024xf32, #tpu.memory_space<vmem>>, vector<1x16xf32>,
        %get3A_283 = arith.index_cast %scan3A_59 : i32 to index
        %get3A_284 = arith.constant 400 : index
        %get3A_285 = tpu.vector_load %arg9[%get3A_283, %get3A_284] {strides = array<i32>} : memref<16x1024xf32, #tpu.memory_space<vmem>>, vector<1x16xf32>,
        %get3A_286 = vector.shape_cast %get3A_285 : vector<1x16xf32> to vector<16xf32>
        %swap3A_287 = arith.index_cast %scan3A_59 : i32 to index
        %swap3A_288 = arith.constant 400 : index
        %swap3A_289 = tpu.vector_load %arg10[%swap3A_287, %swap3A_288] {strides = array<i32>} : memref<16x1024xf32, #tpu.memory_space<vmem>>, vector<1x16xf32>,
        %swap3A_290 = vector.shape_cast %swap3A_289 : vector<1x16xf32> to vector<16xf32>
        %swap3A_291 = vector.shape_cast %get3A_286 : vector<16xf32> to vector<1x16xf32>
        tpu.vector_store %arg10[%swap3A_287, %swap3A_288], %swap3A_291 {add = true, strides = array<i32>} : memref<16x1024xf32, #tpu.memory_space<vmem>>, vector<1x16xf32>,
        %get3A_292 = arith.index_cast %scan3A_59 : i32 to index
        %get3A_293 = arith.constant 416 : index
        %get3A_294 = tpu.vector_load %arg9[%get3A_292, %get3A_293] {strides = array<i32>} : memref<16x1024xf32, #tpu.memory_space<vmem>>, vector<1x16xf32>,
        %get3A_295 = vector.shape_cast %get3A_294 : vector<1x16xf32> to vector<16xf32>
        %swap3A_296 = arith.index_cast %scan3A_59 : i32 to index
        %swap3A_297 = arith.constant 416 : index
        %swap3A_298 = tpu.vector_load %arg10[%swap3A_296, %swap3A_297] {strides = array<i32>} : memref<16x1024xf32, #tpu.memory_space<vmem>>, vector<1x16xf32>,
        %swap3A_299 = vector.shape_cast %swap3A_298 : vector<1x16xf32> to vector<16xf32>
        %swap3A_300 = vector.shape_cast %get3A_295 : vector<16xf32> to vector<1x16xf32>
        tpu.vector_store %arg10[%swap3A_296, %swap3A_297], %swap3A_300 {add = true, strides = array<i32>} : memref<16x1024xf32, #tpu.memory_space<vmem>>, vector<1x16xf32>,
        %get3A_301 = arith.index_cast %scan3A_59 : i32 to index
        %get3A_302 = arith.constant 432 : index
        %get3A_303 = tpu.vector_load %arg9[%get3A_301, %get3A_302] {strides = array<i32>} : memref<16x1024xf32, #tpu.memory_space<vmem>>, vector<1x16xf32>,
        %get3A_304 = vector.shape_cast %get3A_303 : vector<1x16xf32> to vector<16xf32>
        %swap3A_305 = arith.index_cast %scan3A_59 : i32 to index
        %swap3A_306 = arith.constant 432 : index
        %swap3A_307 = tpu.vector_load %arg10[%swap3A_305, %swap3A_306] {strides = array<i32>} : memref<16x1024xf32, #tpu.memory_space<vmem>>, vector<1x16xf32>,
        %swap3A_308 = vector.shape_cast %swap3A_307 : vector<1x16xf32> to vector<16xf32>
        %swap3A_309 = vector.shape_cast %get3A_304 : vector<16xf32> to vector<1x16xf32>
        tpu.vector_store %arg10[%swap3A_305, %swap3A_306], %swap3A_309 {add = true, strides = array<i32>} : memref<16x1024xf32, #tpu.memory_space<vmem>>, vector<1x16xf32>,
        %get3A_310 = arith.index_cast %scan3A_59 : i32 to index
        %get3A_311 = arith.constant 448 : index
        %get3A_312 = tpu.vector_load %arg9[%get3A_310, %get3A_311] {strides = array<i32>} : memref<16x1024xf32, #tpu.memory_space<vmem>>, vector<1x16xf32>,
        %get3A_313 = vector.shape_cast %get3A_312 : vector<1x16xf32> to vector<16xf32>
        %swap3A_314 = arith.index_cast %scan3A_59 : i32 to index
        %swap3A_315 = arith.constant 448 : index
        %swap3A_316 = tpu.vector_load %arg10[%swap3A_314, %swap3A_315] {strides = array<i32>} : memref<16x1024xf32, #tpu.memory_space<vmem>>, vector<1x16xf32>,
        %swap3A_317 = vector.shape_cast %swap3A_316 : vector<1x16xf32> to vector<16xf32>
        %swap3A_318 = vector.shape_cast %get3A_313 : vector<16xf32> to vector<1x16xf32>
        tpu.vector_store %arg10[%swap3A_314, %swap3A_315], %swap3A_318 {add = true, strides = array<i32>} : memref<16x1024xf32, #tpu.memory_space<vmem>>, vector<1x16xf32>,
        %get3A_319 = arith.index_cast %scan3A_59 : i32 to index
        %get3A_320 = arith.constant 464 : index
        %get3A_321 = tpu.vector_load %arg9[%get3A_319, %get3A_320] {strides = array<i32>} : memref<16x1024xf32, #tpu.memory_space<vmem>>, vector<1x16xf32>,
        %get3A_322 = vector.shape_cast %get3A_321 : vector<1x16xf32> to vector<16xf32>
        %swap3A_323 = arith.index_cast %scan3A_59 : i32 to index
        %swap3A_324 = arith.constant 464 : index
        %swap3A_325 = tpu.vector_load %arg10[%swap3A_323, %swap3A_324] {strides = array<i32>} : memref<16x1024xf32, #tpu.memory_space<vmem>>, vector<1x16xf32>,
        %swap3A_326 = vector.shape_cast %swap3A_325 : vector<1x16xf32> to vector<16xf32>
        %swap3A_327 = vector.shape_cast %get3A_322 : vector<16xf32> to vector<1x16xf32>
        tpu.vector_store %arg10[%swap3A_323, %swap3A_324], %swap3A_327 {add = true, strides = array<i32>} : memref<16x1024xf32, #tpu.memory_space<vmem>>, vector<1x16xf32>,
        %get3A_328 = arith.index_cast %scan3A_59 : i32 to index
        %get3A_329 = arith.constant 480 : index
        %get3A_330 = tpu.vector_load %arg9[%get3A_328, %get3A_329] {strides = array<i32>} : memref<16x1024xf32, #tpu.memory_space<vmem>>, vector<1x16xf32>,
        %get3A_331 = vector.shape_cast %get3A_330 : vector<1x16xf32> to vector<16xf32>
        %swap3A_332 = arith.index_cast %scan3A_59 : i32 to index
        %swap3A_333 = arith.constant 480 : index
        %swap3A_334 = tpu.vector_load %arg10[%swap3A_332, %swap3A_333] {strides = array<i32>} : memref<16x1024xf32, #tpu.memory_space<vmem>>, vector<1x16xf32>,
        %swap3A_335 = vector.shape_cast %swap3A_334 : vector<1x16xf32> to vector<16xf32>
        %swap3A_336 = vector.shape_cast %get3A_331 : vector<16xf32> to vector<1x16xf32>
        tpu.vector_store %arg10[%swap3A_332, %swap3A_333], %swap3A_336 {add = true, strides = array<i32>} : memref<16x1024xf32, #tpu.memory_space<vmem>>, vector<1x16xf32>,
        %get3A_337 = arith.index_cast %scan3A_59 : i32 to index
        %get3A_338 = arith.constant 496 : index
        %get3A_339 = tpu.vector_load %arg9[%get3A_337, %get3A_338] {strides = array<i32>} : memref<16x1024xf32, #tpu.memory_space<vmem>>, vector<1x16xf32>,
        %get3A_340 = vector.shape_cast %get3A_339 : vector<1x16xf32> to vector<16xf32>
        %swap3A_341 = arith.index_cast %scan3A_59 : i32 to index
        %swap3A_342 = arith.constant 496 : index
        %swap3A_343 = tpu.vector_load %arg10[%swap3A_341, %swap3A_342] {strides = array<i32>} : memref<16x1024xf32, #tpu.memory_space<vmem>>, vector<1x16xf32>,
        %swap3A_344 = vector.shape_cast %swap3A_343 : vector<1x16xf32> to vector<16xf32>
        %swap3A_345 = vector.shape_cast %get3A_340 : vector<16xf32> to vector<1x16xf32>
        tpu.vector_store %arg10[%swap3A_341, %swap3A_342], %swap3A_345 {add = true, strides = array<i32>} : memref<16x1024xf32, #tpu.memory_space<vmem>>, vector<1x16xf32>,
        %get3A_346 = arith.index_cast %scan3A_59 : i32 to index
        %get3A_347 = arith.constant 512 : index
        %get3A_348 = tpu.vector_load %arg9[%get3A_346, %get3A_347] {strides = array<i32>} : memref<16x1024xf32, #tpu.memory_space<vmem>>, vector<1x16xf32>,
        %get3A_349 = vector.shape_cast %get3A_348 : vector<1x16xf32> to vector<16xf32>
        %swap3A_350 = arith.index_cast %scan3A_59 : i32 to index
        %swap3A_351 = arith.constant 512 : index
        %swap3A_352 = tpu.vector_load %arg10[%swap3A_350, %swap3A_351] {strides = array<i32>} : memref<16x1024xf32, #tpu.memory_space<vmem>>, vector<1x16xf32>,
        %swap3A_353 = vector.shape_cast %swap3A_352 : vector<1x16xf32> to vector<16xf32>
        %swap3A_354 = vector.shape_cast %get3A_349 : vector<16xf32> to vector<1x16xf32>
        tpu.vector_store %arg10[%swap3A_350, %swap3A_351], %swap3A_354 {add = true, strides = array<i32>} : memref<16x1024xf32, #tpu.memory_space<vmem>>, vector<1x16xf32>,
        %get3A_355 = arith.index_cast %scan3A_59 : i32 to index
        %get3A_356 = arith.constant 528 : index
        %get3A_357 = tpu.vector_load %arg9[%get3A_355, %get3A_356] {strides = array<i32>} : memref<16x1024xf32, #tpu.memory_space<vmem>>, vector<1x16xf32>,
        %get3A_358 = vector.shape_cast %get3A_357 : vector<1x16xf32> to vector<16xf32>
        %swap3A_359 = arith.index_cast %scan3A_59 : i32 to index
        %swap3A_360 = arith.constant 528 : index
        %swap3A_361 = tpu.vector_load %arg10[%swap3A_359, %swap3A_360] {strides = array<i32>} : memref<16x1024xf32, #tpu.memory_space<vmem>>, vector<1x16xf32>,
        %swap3A_362 = vector.shape_cast %swap3A_361 : vector<1x16xf32> to vector<16xf32>
        %swap3A_363 = vector.shape_cast %get3A_358 : vector<16xf32> to vector<1x16xf32>
        tpu.vector_store %arg10[%swap3A_359, %swap3A_360], %swap3A_363 {add = true, strides = array<i32>} : memref<16x1024xf32, #tpu.memory_space<vmem>>, vector<1x16xf32>,
        %get3A_364 = arith.index_cast %scan3A_59 : i32 to index
        %get3A_365 = arith.constant 544 : index
        %get3A_366 = tpu.vector_load %arg9[%get3A_364, %get3A_365] {strides = array<i32>} : memref<16x1024xf32, #tpu.memory_space<vmem>>, vector<1x16xf32>,
        %get3A_367 = vector.shape_cast %get3A_366 : vector<1x16xf32> to vector<16xf32>
        %swap3A_368 = arith.index_cast %scan3A_59 : i32 to index
        %swap3A_369 = arith.constant 544 : index
        %swap3A_370 = tpu.vector_load %arg10[%swap3A_368, %swap3A_369] {strides = array<i32>} : memref<16x1024xf32, #tpu.memory_space<vmem>>, vector<1x16xf32>,
        %swap3A_371 = vector.shape_cast %swap3A_370 : vector<1x16xf32> to vector<16xf32>
        %swap3A_372 = vector.shape_cast %get3A_367 : vector<16xf32> to vector<1x16xf32>
        tpu.vector_store %arg10[%swap3A_368, %swap3A_369], %swap3A_372 {add = true, strides = array<i32>} : memref<16x1024xf32, #tpu.memory_space<vmem>>, vector<1x16xf32>,
        %get3A_373 = arith.index_cast %scan3A_59 : i32 to index
        %get3A_374 = arith.constant 560 : index
        %get3A_375 = tpu.vector_load %arg9[%get3A_373, %get3A_374] {strides = array<i32>} : memref<16x1024xf32, #tpu.memory_space<vmem>>, vector<1x16xf32>,
        %get3A_376 = vector.shape_cast %get3A_375 : vector<1x16xf32> to vector<16xf32>
        %swap3A_377 = arith.index_cast %scan3A_59 : i32 to index
        %swap3A_378 = arith.constant 560 : index
        %swap3A_379 = tpu.vector_load %arg10[%swap3A_377, %swap3A_378] {strides = array<i32>} : memref<16x1024xf32, #tpu.memory_space<vmem>>, vector<1x16xf32>,
        %swap3A_380 = vector.shape_cast %swap3A_379 : vector<1x16xf32> to vector<16xf32>
        %swap3A_381 = vector.shape_cast %get3A_376 : vector<16xf32> to vector<1x16xf32>
        tpu.vector_store %arg10[%swap3A_377, %swap3A_378], %swap3A_381 {add = true, strides = array<i32>} : memref<16x1024xf32, #tpu.memory_space<vmem>>, vector<1x16xf32>,
        %get3A_382 = arith.index_cast %scan3A_59 : i32 to index
        %get3A_383 = arith.constant 576 : index
        %get3A_384 = tpu.vector_load %arg9[%get3A_382, %get3A_383] {strides = array<i32>} : memref<16x1024xf32, #tpu.memory_space<vmem>>, vector<1x16xf32>,
        %get3A_385 = vector.shape_cast %get3A_384 : vector<1x16xf32> to vector<16xf32>
        %swap3A_386 = arith.index_cast %scan3A_59 : i32 to index
        %swap3A_387 = arith.constant 576 : index
        %swap3A_388 = tpu.vector_load %arg10[%swap3A_386, %swap3A_387] {strides = array<i32>} : memref<16x1024xf32, #tpu.memory_space<vmem>>, vector<1x16xf32>,
        %swap3A_389 = vector.shape_cast %swap3A_388 : vector<1x16xf32> to vector<16xf32>
        %swap3A_390 = vector.shape_cast %get3A_385 : vector<16xf32> to vector<1x16xf32>
        tpu.vector_store %arg10[%swap3A_386, %swap3A_387], %swap3A_390 {add = true, strides = array<i32>} : memref<16x1024xf32, #tpu.memory_space<vmem>>, vector<1x16xf32>,
        %get3A_391 = arith.index_cast %scan3A_59 : i32 to index
        %get3A_392 = arith.constant 592 : index
        %get3A_393 = tpu.vector_load %arg9[%get3A_391, %get3A_392] {strides = array<i32>} : memref<16x1024xf32, #tpu.memory_space<vmem>>, vector<1x16xf32>,
        %get3A_394 = vector.shape_cast %get3A_393 : vector<1x16xf32> to vector<16xf32>
        %swap3A_395 = arith.index_cast %scan3A_59 : i32 to index
        %swap3A_396 = arith.constant 592 : index
        %swap3A_397 = tpu.vector_load %arg10[%swap3A_395, %swap3A_396] {strides = array<i32>} : memref<16x1024xf32, #tpu.memory_space<vmem>>, vector<1x16xf32>,
        %swap3A_398 = vector.shape_cast %swap3A_397 : vector<1x16xf32> to vector<16xf32>
        %swap3A_399 = vector.shape_cast %get3A_394 : vector<16xf32> to vector<1x16xf32>
        tpu.vector_store %arg10[%swap3A_395, %swap3A_396], %swap3A_399 {add = true, strides = array<i32>} : memref<16x1024xf32, #tpu.memory_space<vmem>>, vector<1x16xf32>,
        %get3A_400 = arith.index_cast %scan3A_59 : i32 to index
        %get3A_401 = arith.constant 608 : index
        %get3A_402 = tpu.vector_load %arg9[%get3A_400, %get3A_401] {strides = array<i32>} : memref<16x1024xf32, #tpu.memory_space<vmem>>, vector<1x16xf32>,
        %get3A_403 = vector.shape_cast %get3A_402 : vector<1x16xf32> to vector<16xf32>
        %swap3A_404 = arith.index_cast %scan3A_59 : i32 to index
        %swap3A_405 = arith.constant 608 : index
        %swap3A_406 = tpu.vector_load %arg10[%swap3A_404, %swap3A_405] {strides = array<i32>} : memref<16x1024xf32, #tpu.memory_space<vmem>>, vector<1x16xf32>,
        %swap3A_407 = vector.shape_cast %swap3A_406 : vector<1x16xf32> to vector<16xf32>
        %swap3A_408 = vector.shape_cast %get3A_403 : vector<16xf32> to vector<1x16xf32>
        tpu.vector_store %arg10[%swap3A_404, %swap3A_405], %swap3A_408 {add = true, strides = array<i32>} : memref<16x1024xf32, #tpu.memory_space<vmem>>, vector<1x16xf32>,
        %get3A_409 = arith.index_cast %scan3A_59 : i32 to index
        %get3A_410 = arith.constant 624 : index
        %get3A_411 = tpu.vector_load %arg9[%get3A_409, %get3A_410] {strides = array<i32>} : memref<16x1024xf32, #tpu.memory_space<vmem>>, vector<1x16xf32>,
        %get3A_412 = vector.shape_cast %get3A_411 : vector<1x16xf32> to vector<16xf32>
        %swap3A_413 = arith.index_cast %scan3A_59 : i32 to index
        %swap3A_414 = arith.constant 624 : index
        %swap3A_415 = tpu.vector_load %arg10[%swap3A_413, %swap3A_414] {strides = array<i32>} : memref<16x1024xf32, #tpu.memory_space<vmem>>, vector<1x16xf32>,
        %swap3A_416 = vector.shape_cast %swap3A_415 : vector<1x16xf32> to vector<16xf32>
        %swap3A_417 = vector.shape_cast %get3A_412 : vector<16xf32> to vector<1x16xf32>
        tpu.vector_store %arg10[%swap3A_413, %swap3A_414], %swap3A_417 {add = true, strides = array<i32>} : memref<16x1024xf32, #tpu.memory_space<vmem>>, vector<1x16xf32>,
        %get3A_418 = arith.index_cast %scan3A_59 : i32 to index
        %get3A_419 = arith.constant 640 : index
        %get3A_420 = tpu.vector_load %arg9[%get3A_418, %get3A_419] {strides = array<i32>} : memref<16x1024xf32, #tpu.memory_space<vmem>>, vector<1x16xf32>,
        %get3A_421 = vector.shape_cast %get3A_420 : vector<1x16xf32> to vector<16xf32>
        %swap3A_422 = arith.index_cast %scan3A_59 : i32 to index
        %swap3A_423 = arith.constant 640 : index
        %swap3A_424 = tpu.vector_load %arg10[%swap3A_422, %swap3A_423] {strides = array<i32>} : memref<16x1024xf32, #tpu.memory_space<vmem>>, vector<1x16xf32>,
        %swap3A_425 = vector.shape_cast %swap3A_424 : vector<1x16xf32> to vector<16xf32>
        %swap3A_426 = vector.shape_cast %get3A_421 : vector<16xf32> to vector<1x16xf32>
        tpu.vector_store %arg10[%swap3A_422, %swap3A_423], %swap3A_426 {add = true, strides = array<i32>} : memref<16x1024xf32, #tpu.memory_space<vmem>>, vector<1x16xf32>,
        %get3A_427 = arith.index_cast %scan3A_59 : i32 to index
        %get3A_428 = arith.constant 656 : index
        %get3A_429 = tpu.vector_load %arg9[%get3A_427, %get3A_428] {strides = array<i32>} : memref<16x1024xf32, #tpu.memory_space<vmem>>, vector<1x16xf32>,
        %get3A_430 = vector.shape_cast %get3A_429 : vector<1x16xf32> to vector<16xf32>
        %swap3A_431 = arith.index_cast %scan3A_59 : i32 to index
        %swap3A_432 = arith.constant 656 : index
        %swap3A_433 = tpu.vector_load %arg10[%swap3A_431, %swap3A_432] {strides = array<i32>} : memref<16x1024xf32, #tpu.memory_space<vmem>>, vector<1x16xf32>,
        %swap3A_434 = vector.shape_cast %swap3A_433 : vector<1x16xf32> to vector<16xf32>
        %swap3A_435 = vector.shape_cast %get3A_430 : vector<16xf32> to vector<1x16xf32>
        tpu.vector_store %arg10[%swap3A_431, %swap3A_432], %swap3A_435 {add = true, strides = array<i32>} : memref<16x1024xf32, #tpu.memory_space<vmem>>, vector<1x16xf32>,
        %get3A_436 = arith.index_cast %scan3A_59 : i32 to index
        %get3A_437 = arith.constant 672 : index
        %get3A_438 = tpu.vector_load %arg9[%get3A_436, %get3A_437] {strides = array<i32>} : memref<16x1024xf32, #tpu.memory_space<vmem>>, vector<1x16xf32>,
        %get3A_439 = vector.shape_cast %get3A_438 : vector<1x16xf32> to vector<16xf32>
        %swap3A_440 = arith.index_cast %scan3A_59 : i32 to index
        %swap3A_441 = arith.constant 672 : index
        %swap3A_442 = tpu.vector_load %arg10[%swap3A_440, %swap3A_441] {strides = array<i32>} : memref<16x1024xf32, #tpu.memory_space<vmem>>, vector<1x16xf32>,
        %swap3A_443 = vector.shape_cast %swap3A_442 : vector<1x16xf32> to vector<16xf32>
        %swap3A_444 = vector.shape_cast %get3A_439 : vector<16xf32> to vector<1x16xf32>
        tpu.vector_store %arg10[%swap3A_440, %swap3A_441], %swap3A_444 {add = true, strides = array<i32>} : memref<16x1024xf32, #tpu.memory_space<vmem>>, vector<1x16xf32>,
        %get3A_445 = arith.index_cast %scan3A_59 : i32 to index
        %get3A_446 = arith.constant 688 : index
        %get3A_447 = tpu.vector_load %arg9[%get3A_445, %get3A_446] {strides = array<i32>} : memref<16x1024xf32, #tpu.memory_space<vmem>>, vector<1x16xf32>,
        %get3A_448 = vector.shape_cast %get3A_447 : vector<1x16xf32> to vector<16xf32>
        %swap3A_449 = arith.index_cast %scan3A_59 : i32 to index
        %swap3A_450 = arith.constant 688 : index
        %swap3A_451 = tpu.vector_load %arg10[%swap3A_449, %swap3A_450] {strides = array<i32>} : memref<16x1024xf32, #tpu.memory_space<vmem>>, vector<1x16xf32>,
        %swap3A_452 = vector.shape_cast %swap3A_451 : vector<1x16xf32> to vector<16xf32>
        %swap3A_453 = vector.shape_cast %get3A_448 : vector<16xf32> to vector<1x16xf32>
        tpu.vector_store %arg10[%swap3A_449, %swap3A_450], %swap3A_453 {add = true, strides = array<i32>} : memref<16x1024xf32, #tpu.memory_space<vmem>>, vector<1x16xf32>,
        %get3A_454 = arith.index_cast %scan3A_59 : i32 to index
        %get3A_455 = arith.constant 704 : index
        %get3A_456 = tpu.vector_load %arg9[%get3A_454, %get3A_455] {strides = array<i32>} : memref<16x1024xf32, #tpu.memory_space<vmem>>, vector<1x16xf32>,
        %get3A_457 = vector.shape_cast %get3A_456 : vector<1x16xf32> to vector<16xf32>
        %swap3A_458 = arith.index_cast %scan3A_59 : i32 to index
        %swap3A_459 = arith.constant 704 : index
        %swap3A_460 = tpu.vector_load %arg10[%swap3A_458, %swap3A_459] {strides = array<i32>} : memref<16x1024xf32, #tpu.memory_space<vmem>>, vector<1x16xf32>,
        %swap3A_461 = vector.shape_cast %swap3A_460 : vector<1x16xf32> to vector<16xf32>
        %swap3A_462 = vector.shape_cast %get3A_457 : vector<16xf32> to vector<1x16xf32>
        tpu.vector_store %arg10[%swap3A_458, %swap3A_459], %swap3A_462 {add = true, strides = array<i32>} : memref<16x1024xf32, #tpu.memory_space<vmem>>, vector<1x16xf32>,
        %get3A_463 = arith.index_cast %scan3A_59 : i32 to index
        %get3A_464 = arith.constant 720 : index
        %get3A_465 = tpu.vector_load %arg9[%get3A_463, %get3A_464] {strides = array<i32>} : memref<16x1024xf32, #tpu.memory_space<vmem>>, vector<1x16xf32>,
        %get3A_466 = vector.shape_cast %get3A_465 : vector<1x16xf32> to vector<16xf32>
        %swap3A_467 = arith.index_cast %scan3A_59 : i32 to index
        %swap3A_468 = arith.constant 720 : index
        %swap3A_469 = tpu.vector_load %arg10[%swap3A_467, %swap3A_468] {strides = array<i32>} : memref<16x1024xf32, #tpu.memory_space<vmem>>, vector<1x16xf32>,
        %swap3A_470 = vector.shape_cast %swap3A_469 : vector<1x16xf32> to vector<16xf32>
        %swap3A_471 = vector.shape_cast %get3A_466 : vector<16xf32> to vector<1x16xf32>
        tpu.vector_store %arg10[%swap3A_467, %swap3A_468], %swap3A_471 {add = true, strides = array<i32>} : memref<16x1024xf32, #tpu.memory_space<vmem>>, vector<1x16xf32>,
        %get3A_472 = arith.index_cast %scan3A_59 : i32 to index
        %get3A_473 = arith.constant 736 : index
        %get3A_474 = tpu.vector_load %arg9[%get3A_472, %get3A_473] {strides = array<i32>} : memref<16x1024xf32, #tpu.memory_space<vmem>>, vector<1x16xf32>,
        %get3A_475 = vector.shape_cast %get3A_474 : vector<1x16xf32> to vector<16xf32>
        %swap3A_476 = arith.index_cast %scan3A_59 : i32 to index
        %swap3A_477 = arith.constant 736 : index
        %swap3A_478 = tpu.vector_load %arg10[%swap3A_476, %swap3A_477] {strides = array<i32>} : memref<16x1024xf32, #tpu.memory_space<vmem>>, vector<1x16xf32>,
        %swap3A_479 = vector.shape_cast %swap3A_478 : vector<1x16xf32> to vector<16xf32>
        %swap3A_480 = vector.shape_cast %get3A_475 : vector<16xf32> to vector<1x16xf32>
        tpu.vector_store %arg10[%swap3A_476, %swap3A_477], %swap3A_480 {add = true, strides = array<i32>} : memref<16x1024xf32, #tpu.memory_space<vmem>>, vector<1x16xf32>,
        %get3A_481 = arith.index_cast %scan3A_59 : i32 to index
        %get3A_482 = arith.constant 752 : index
        %get3A_483 = tpu.vector_load %arg9[%get3A_481, %get3A_482] {strides = array<i32>} : memref<16x1024xf32, #tpu.memory_space<vmem>>, vector<1x16xf32>,
        %get3A_484 = vector.shape_cast %get3A_483 : vector<1x16xf32> to vector<16xf32>
        %swap3A_485 = arith.index_cast %scan3A_59 : i32 to index
        %swap3A_486 = arith.constant 752 : index
        %swap3A_487 = tpu.vector_load %arg10[%swap3A_485, %swap3A_486] {strides = array<i32>} : memref<16x1024xf32, #tpu.memory_space<vmem>>, vector<1x16xf32>,
        %swap3A_488 = vector.shape_cast %swap3A_487 : vector<1x16xf32> to vector<16xf32>
        %swap3A_489 = vector.shape_cast %get3A_484 : vector<16xf32> to vector<1x16xf32>
        tpu.vector_store %arg10[%swap3A_485, %swap3A_486], %swap3A_489 {add = true, strides = array<i32>} : memref<16x1024xf32, #tpu.memory_space<vmem>>, vector<1x16xf32>,
        %get3A_490 = arith.index_cast %scan3A_59 : i32 to index
        %get3A_491 = arith.constant 768 : index
        %get3A_492 = tpu.vector_load %arg9[%get3A_490, %get3A_491] {strides = array<i32>} : memref<16x1024xf32, #tpu.memory_space<vmem>>, vector<1x16xf32>,
        %get3A_493 = vector.shape_cast %get3A_492 : vector<1x16xf32> to vector<16xf32>
        %swap3A_494 = arith.index_cast %scan3A_59 : i32 to index
        %swap3A_495 = arith.constant 768 : index
        %swap3A_496 = tpu.vector_load %arg10[%swap3A_494, %swap3A_495] {strides = array<i32>} : memref<16x1024xf32, #tpu.memory_space<vmem>>, vector<1x16xf32>,
        %swap3A_497 = vector.shape_cast %swap3A_496 : vector<1x16xf32> to vector<16xf32>
        %swap3A_498 = vector.shape_cast %get3A_493 : vector<16xf32> to vector<1x16xf32>
        tpu.vector_store %arg10[%swap3A_494, %swap3A_495], %swap3A_498 {add = true, strides = array<i32>} : memref<16x1024xf32, #tpu.memory_space<vmem>>, vector<1x16xf32>,
        %get3A_499 = arith.index_cast %scan3A_59 : i32 to index
        %get3A_500 = arith.constant 784 : index
        %get3A_501 = tpu.vector_load %arg9[%get3A_499, %get3A_500] {strides = array<i32>} : memref<16x1024xf32, #tpu.memory_space<vmem>>, vector<1x16xf32>,
        %get3A_502 = vector.shape_cast %get3A_501 : vector<1x16xf32> to vector<16xf32>
        %swap3A_503 = arith.index_cast %scan3A_59 : i32 to index
        %swap3A_504 = arith.constant 784 : index
        %swap3A_505 = tpu.vector_load %arg10[%swap3A_503, %swap3A_504] {strides = array<i32>} : memref<16x1024xf32, #tpu.memory_space<vmem>>, vector<1x16xf32>,
        %swap3A_506 = vector.shape_cast %swap3A_505 : vector<1x16xf32> to vector<16xf32>
        %swap3A_507 = vector.shape_cast %get3A_502 : vector<16xf32> to vector<1x16xf32>
        tpu.vector_store %arg10[%swap3A_503, %swap3A_504], %swap3A_507 {add = true, strides = array<i32>} : memref<16x1024xf32, #tpu.memory_space<vmem>>, vector<1x16xf32>,
        %get3A_508 = arith.index_cast %scan3A_59 : i32 to index
        %get3A_509 = arith.constant 800 : index
        %get3A_510 = tpu.vector_load %arg9[%get3A_508, %get3A_509] {strides = array<i32>} : memref<16x1024xf32, #tpu.memory_space<vmem>>, vector<1x16xf32>,
        %get3A_511 = vector.shape_cast %get3A_510 : vector<1x16xf32> to vector<16xf32>
        %swap3A_512 = arith.index_cast %scan3A_59 : i32 to index
        %swap3A_513 = arith.constant 800 : index
        %swap3A_514 = tpu.vector_load %arg10[%swap3A_512, %swap3A_513] {strides = array<i32>} : memref<16x1024xf32, #tpu.memory_space<vmem>>, vector<1x16xf32>,
        %swap3A_515 = vector.shape_cast %swap3A_514 : vector<1x16xf32> to vector<16xf32>
        %swap3A_516 = vector.shape_cast %get3A_511 : vector<16xf32> to vector<1x16xf32>
        tpu.vector_store %arg10[%swap3A_512, %swap3A_513], %swap3A_516 {add = true, strides = array<i32>} : memref<16x1024xf32, #tpu.memory_space<vmem>>, vector<1x16xf32>,
        %get3A_517 = arith.index_cast %scan3A_59 : i32 to index
        %get3A_518 = arith.constant 816 : index
        %get3A_519 = tpu.vector_load %arg9[%get3A_517, %get3A_518] {strides = array<i32>} : memref<16x1024xf32, #tpu.memory_space<vmem>>, vector<1x16xf32>,
        %get3A_520 = vector.shape_cast %get3A_519 : vector<1x16xf32> to vector<16xf32>
        %swap3A_521 = arith.index_cast %scan3A_59 : i32 to index
        %swap3A_522 = arith.constant 816 : index
        %swap3A_523 = tpu.vector_load %arg10[%swap3A_521, %swap3A_522] {strides = array<i32>} : memref<16x1024xf32, #tpu.memory_space<vmem>>, vector<1x16xf32>,
        %swap3A_524 = vector.shape_cast %swap3A_523 : vector<1x16xf32> to vector<16xf32>
        %swap3A_525 = vector.shape_cast %get3A_520 : vector<16xf32> to vector<1x16xf32>
        tpu.vector_store %arg10[%swap3A_521, %swap3A_522], %swap3A_525 {add = true, strides = array<i32>} : memref<16x1024xf32, #tpu.memory_space<vmem>>, vector<1x16xf32>,
        %get3A_526 = arith.index_cast %scan3A_59 : i32 to index
        %get3A_527 = arith.constant 832 : index
        %get3A_528 = tpu.vector_load %arg9[%get3A_526, %get3A_527] {strides = array<i32>} : memref<16x1024xf32, #tpu.memory_space<vmem>>, vector<1x16xf32>,
        %get3A_529 = vector.shape_cast %get3A_528 : vector<1x16xf32> to vector<16xf32>
        %swap3A_530 = arith.index_cast %scan3A_59 : i32 to index
        %swap3A_531 = arith.constant 832 : index
        %swap3A_532 = tpu.vector_load %arg10[%swap3A_530, %swap3A_531] {strides = array<i32>} : memref<16x1024xf32, #tpu.memory_space<vmem>>, vector<1x16xf32>,
        %swap3A_533 = vector.shape_cast %swap3A_532 : vector<1x16xf32> to vector<16xf32>
        %swap3A_534 = vector.shape_cast %get3A_529 : vector<16xf32> to vector<1x16xf32>
        tpu.vector_store %arg10[%swap3A_530, %swap3A_531], %swap3A_534 {add = true, strides = array<i32>} : memref<16x1024xf32, #tpu.memory_space<vmem>>, vector<1x16xf32>,
        %get3A_535 = arith.index_cast %scan3A_59 : i32 to index
        %get3A_536 = arith.constant 848 : index
        %get3A_537 = tpu.vector_load %arg9[%get3A_535, %get3A_536] {strides = array<i32>} : memref<16x1024xf32, #tpu.memory_space<vmem>>, vector<1x16xf32>,
        %get3A_538 = vector.shape_cast %get3A_537 : vector<1x16xf32> to vector<16xf32>
        %swap3A_539 = arith.index_cast %scan3A_59 : i32 to index
        %swap3A_540 = arith.constant 848 : index
        %swap3A_541 = tpu.vector_load %arg10[%swap3A_539, %swap3A_540] {strides = array<i32>} : memref<16x1024xf32, #tpu.memory_space<vmem>>, vector<1x16xf32>,
        %swap3A_542 = vector.shape_cast %swap3A_541 : vector<1x16xf32> to vector<16xf32>
        %swap3A_543 = vector.shape_cast %get3A_538 : vector<16xf32> to vector<1x16xf32>
        tpu.vector_store %arg10[%swap3A_539, %swap3A_540], %swap3A_543 {add = true, strides = array<i32>} : memref<16x1024xf32, #tpu.memory_space<vmem>>, vector<1x16xf32>,
        %get3A_544 = arith.index_cast %scan3A_59 : i32 to index
        %get3A_545 = arith.constant 864 : index
        %get3A_546 = tpu.vector_load %arg9[%get3A_544, %get3A_545] {strides = array<i32>} : memref<16x1024xf32, #tpu.memory_space<vmem>>, vector<1x16xf32>,
        %get3A_547 = vector.shape_cast %get3A_546 : vector<1x16xf32> to vector<16xf32>
        %swap3A_548 = arith.index_cast %scan3A_59 : i32 to index
        %swap3A_549 = arith.constant 864 : index
        %swap3A_550 = tpu.vector_load %arg10[%swap3A_548, %swap3A_549] {strides = array<i32>} : memref<16x1024xf32, #tpu.memory_space<vmem>>, vector<1x16xf32>,
        %swap3A_551 = vector.shape_cast %swap3A_550 : vector<1x16xf32> to vector<16xf32>
        %swap3A_552 = vector.shape_cast %get3A_547 : vector<16xf32> to vector<1x16xf32>
        tpu.vector_store %arg10[%swap3A_548, %swap3A_549], %swap3A_552 {add = true, strides = array<i32>} : memref<16x1024xf32, #tpu.memory_space<vmem>>, vector<1x16xf32>,
        %get3A_553 = arith.index_cast %scan3A_59 : i32 to index
        %get3A_554 = arith.constant 880 : index
        %get3A_555 = tpu.vector_load %arg9[%get3A_553, %get3A_554] {strides = array<i32>} : memref<16x1024xf32, #tpu.memory_space<vmem>>, vector<1x16xf32>,
        %get3A_556 = vector.shape_cast %get3A_555 : vector<1x16xf32> to vector<16xf32>
        %swap3A_557 = arith.index_cast %scan3A_59 : i32 to index
        %swap3A_558 = arith.constant 880 : index
        %swap3A_559 = tpu.vector_load %arg10[%swap3A_557, %swap3A_558] {strides = array<i32>} : memref<16x1024xf32, #tpu.memory_space<vmem>>, vector<1x16xf32>,
        %swap3A_560 = vector.shape_cast %swap3A_559 : vector<1x16xf32> to vector<16xf32>
        %swap3A_561 = vector.shape_cast %get3A_556 : vector<16xf32> to vector<1x16xf32>
        tpu.vector_store %arg10[%swap3A_557, %swap3A_558], %swap3A_561 {add = true, strides = array<i32>} : memref<16x1024xf32, #tpu.memory_space<vmem>>, vector<1x16xf32>,
        %get3A_562 = arith.index_cast %scan3A_59 : i32 to index
        %get3A_563 = arith.constant 896 : index
        %get3A_564 = tpu.vector_load %arg9[%get3A_562, %get3A_563] {strides = array<i32>} : memref<16x1024xf32, #tpu.memory_space<vmem>>, vector<1x16xf32>,
        %get3A_565 = vector.shape_cast %get3A_564 : vector<1x16xf32> to vector<16xf32>
        %swap3A_566 = arith.index_cast %scan3A_59 : i32 to index
        %swap3A_567 = arith.constant 896 : index
        %swap3A_568 = tpu.vector_load %arg10[%swap3A_566, %swap3A_567] {strides = array<i32>} : memref<16x1024xf32, #tpu.memory_space<vmem>>, vector<1x16xf32>,
        %swap3A_569 = vector.shape_cast %swap3A_568 : vector<1x16xf32> to vector<16xf32>
        %swap3A_570 = vector.shape_cast %get3A_565 : vector<16xf32> to vector<1x16xf32>
        tpu.vector_store %arg10[%swap3A_566, %swap3A_567], %swap3A_570 {add = true, strides = array<i32>} : memref<16x1024xf32, #tpu.memory_space<vmem>>, vector<1x16xf32>,
        %get3A_571 = arith.index_cast %scan3A_59 : i32 to index
        %get3A_572 = arith.constant 912 : index
        %get3A_573 = tpu.vector_load %arg9[%get3A_571, %get3A_572] {strides = array<i32>} : memref<16x1024xf32, #tpu.memory_space<vmem>>, vector<1x16xf32>,
        %get3A_574 = vector.shape_cast %get3A_573 : vector<1x16xf32> to vector<16xf32>
        %swap3A_575 = arith.index_cast %scan3A_59 : i32 to index
        %swap3A_576 = arith.constant 912 : index
        %swap3A_577 = tpu.vector_load %arg10[%swap3A_575, %swap3A_576] {strides = array<i32>} : memref<16x1024xf32, #tpu.memory_space<vmem>>, vector<1x16xf32>,
        %swap3A_578 = vector.shape_cast %swap3A_577 : vector<1x16xf32> to vector<16xf32>
        %swap3A_579 = vector.shape_cast %get3A_574 : vector<16xf32> to vector<1x16xf32>
        tpu.vector_store %arg10[%swap3A_575, %swap3A_576], %swap3A_579 {add = true, strides = array<i32>} : memref<16x1024xf32, #tpu.memory_space<vmem>>, vector<1x16xf32>,
        %get3A_580 = arith.index_cast %scan3A_59 : i32 to index
        %get3A_581 = arith.constant 928 : index
        %get3A_582 = tpu.vector_load %arg9[%get3A_580, %get3A_581] {strides = array<i32>} : memref<16x1024xf32, #tpu.memory_space<vmem>>, vector<1x16xf32>,
        %get3A_583 = vector.shape_cast %get3A_582 : vector<1x16xf32> to vector<16xf32>
        %swap3A_584 = arith.index_cast %scan3A_59 : i32 to index
        %swap3A_585 = arith.constant 928 : index
        %swap3A_586 = tpu.vector_load %arg10[%swap3A_584, %swap3A_585] {strides = array<i32>} : memref<16x1024xf32, #tpu.memory_space<vmem>>, vector<1x16xf32>,
        %swap3A_587 = vector.shape_cast %swap3A_586 : vector<1x16xf32> to vector<16xf32>
        %swap3A_588 = vector.shape_cast %get3A_583 : vector<16xf32> to vector<1x16xf32>
        tpu.vector_store %arg10[%swap3A_584, %swap3A_585], %swap3A_588 {add = true, strides = array<i32>} : memref<16x1024xf32, #tpu.memory_space<vmem>>, vector<1x16xf32>,
        %get3A_589 = arith.index_cast %scan3A_59 : i32 to index
        %get3A_590 = arith.constant 944 : index
        %get3A_591 = tpu.vector_load %arg9[%get3A_589, %get3A_590] {strides = array<i32>} : memref<16x1024xf32, #tpu.memory_space<vmem>>, vector<1x16xf32>,
        %get3A_592 = vector.shape_cast %get3A_591 : vector<1x16xf32> to vector<16xf32>
        %swap3A_593 = arith.index_cast %scan3A_59 : i32 to index
        %swap3A_594 = arith.constant 944 : index
        %swap3A_595 = tpu.vector_load %arg10[%swap3A_593, %swap3A_594] {strides = array<i32>} : memref<16x1024xf32, #tpu.memory_space<vmem>>, vector<1x16xf32>,
        %swap3A_596 = vector.shape_cast %swap3A_595 : vector<1x16xf32> to vector<16xf32>
        %swap3A_597 = vector.shape_cast %get3A_592 : vector<16xf32> to vector<1x16xf32>
        tpu.vector_store %arg10[%swap3A_593, %swap3A_594], %swap3A_597 {add = true, strides = array<i32>} : memref<16x1024xf32, #tpu.memory_space<vmem>>, vector<1x16xf32>,
        %get3A_598 = arith.index_cast %scan3A_59 : i32 to index
        %get3A_599 = arith.constant 960 : index
        %get3A_600 = tpu.vector_load %arg9[%get3A_598, %get3A_599] {strides = array<i32>} : memref<16x1024xf32, #tpu.memory_space<vmem>>, vector<1x16xf32>,
        %get3A_601 = vector.shape_cast %get3A_600 : vector<1x16xf32> to vector<16xf32>
        %swap3A_602 = arith.index_cast %scan3A_59 : i32 to index
        %swap3A_603 = arith.constant 960 : index
        %swap3A_604 = tpu.vector_load %arg10[%swap3A_602, %swap3A_603] {strides = array<i32>} : memref<16x1024xf32, #tpu.memory_space<vmem>>, vector<1x16xf32>,
        %swap3A_605 = vector.shape_cast %swap3A_604 : vector<1x16xf32> to vector<16xf32>
        %swap3A_606 = vector.shape_cast %get3A_601 : vector<16xf32> to vector<1x16xf32>
        tpu.vector_store %arg10[%swap3A_602, %swap3A_603], %swap3A_606 {add = true, strides = array<i32>} : memref<16x1024xf32, #tpu.memory_space<vmem>>, vector<1x16xf32>,
        %get3A_607 = arith.index_cast %scan3A_59 : i32 to index
        %get3A_608 = arith.constant 976 : index
        %get3A_609 = tpu.vector_load %arg9[%get3A_607, %get3A_608] {strides = array<i32>} : memref<16x1024xf32, #tpu.memory_space<vmem>>, vector<1x16xf32>,
        %get3A_610 = vector.shape_cast %get3A_609 : vector<1x16xf32> to vector<16xf32>
        %swap3A_611 = arith.index_cast %scan3A_59 : i32 to index
        %swap3A_612 = arith.constant 976 : index
        %swap3A_613 = tpu.vector_load %arg10[%swap3A_611, %swap3A_612] {strides = array<i32>} : memref<16x1024xf32, #tpu.memory_space<vmem>>, vector<1x16xf32>,
        %swap3A_614 = vector.shape_cast %swap3A_613 : vector<1x16xf32> to vector<16xf32>
        %swap3A_615 = vector.shape_cast %get3A_610 : vector<16xf32> to vector<1x16xf32>
        tpu.vector_store %arg10[%swap3A_611, %swap3A_612], %swap3A_615 {add = true, strides = array<i32>} : memref<16x1024xf32, #tpu.memory_space<vmem>>, vector<1x16xf32>,
        %get3A_616 = arith.index_cast %scan3A_59 : i32 to index
        %get3A_617 = arith.constant 992 : index
        %get3A_618 = tpu.vector_load %arg9[%get3A_616, %get3A_617] {strides = array<i32>} : memref<16x1024xf32, #tpu.memory_space<vmem>>, vector<1x16xf32>,
        %get3A_619 = vector.shape_cast %get3A_618 : vector<1x16xf32> to vector<16xf32>
        %swap3A_620 = arith.index_cast %scan3A_59 : i32 to index
        %swap3A_621 = arith.constant 992 : index
        %swap3A_622 = tpu.vector_load %arg10[%swap3A_620, %swap3A_621] {strides = array<i32>} : memref<16x1024xf32, #tpu.memory_space<vmem>>, vector<1x16xf32>,
        %swap3A_623 = vector.shape_cast %swap3A_622 : vector<1x16xf32> to vector<16xf32>
        %swap3A_624 = vector.shape_cast %get3A_619 : vector<16xf32> to vector<1x16xf32>
        tpu.vector_store %arg10[%swap3A_620, %swap3A_621], %swap3A_624 {add = true, strides = array<i32>} : memref<16x1024xf32, #tpu.memory_space<vmem>>, vector<1x16xf32>,
        %get3A_625 = arith.index_cast %scan3A_59 : i32 to index
        %get3A_626 = arith.constant 1008 : index
        %get3A_627 = tpu.vector_load %arg9[%get3A_625, %get3A_626] {strides = array<i32>} : memref<16x1024xf32, #tpu.memory_space<vmem>>, vector<1x16xf32>,
        %get3A_628 = vector.shape_cast %get3A_627 : vector<1x16xf32> to vector<16xf32>
        %swap3A_629 = arith.index_cast %scan3A_59 : i32 to index
        %swap3A_630 = arith.constant 1008 : index
        %swap3A_631 = tpu.vector_load %arg10[%swap3A_629, %swap3A_630] {strides = array<i32>} : memref<16x1024xf32, #tpu.memory_space<vmem>>, vector<1x16xf32>,
        %swap3A_632 = vector.shape_cast %swap3A_631 : vector<1x16xf32> to vector<16xf32>
        %swap3A_633 = vector.shape_cast %get3A_628 : vector<16xf32> to vector<1x16xf32>
        tpu.vector_store %arg10[%swap3A_629, %swap3A_630], %swap3A_633 {add = true, strides = array<i32>} : memref<16x1024xf32, #tpu.memory_space<vmem>>, vector<1x16xf32>,
      }
      %scan3A_39 = arith.constant 16 : i32
      %sub3A = arith.constant 8192 : i32
      %sub3A_40 = arith.subi %add3A_20, %sub3A : i32
      "tpu.region"() ({
        %run_scoped3A = tpu.sem_alloc : memref<!tpu.dma_semaphore, #tpu.memory_space<semaphore_mem>>
        %dma_start3A_59 = arith.constant 0 : i32
        %dma_start3A_60 = tpu.memref_slice %arg6[%sub3A_40, %dma_start3A_59] : memref<8192x1024xf32, #tpu.memory_space<hbm>> -> memref<16x1024xf32, #tpu.memory_space<hbm>>
        %dma_start3A_61 = arith.constant 0 : i32
        %dma_start3A_62 = tpu.memref_slice %arg6[%sub3A_40, %dma_start3A_61] : memref<8192x1024xf32, #tpu.memory_space<hbm>> -> memref<16x1024xf32, #tpu.memory_space<hbm>>
        tpu.enqueue_dma source(%arg10 : memref<16x1024xf32, #tpu.memory_space<vmem>>) target(%dma_start3A_62 : memref<16x1024xf32, #tpu.memory_space<hbm>>) target_semaphore(%run_scoped3A : memref<!tpu.dma_semaphore, #tpu.memory_space<semaphore_mem>>)
        %dma_wait3A_63 = arith.constant 0 : i32
        %dma_wait3A_64 = tpu.memref_slice %arg6[%sub3A_40, %dma_wait3A_63] : memref<8192x1024xf32, #tpu.memory_space<hbm>> -> memref<16x1024xf32, #tpu.memory_space<hbm>>
        %dma_wait3A_65 = arith.constant 0 : i32
        %dma_wait3A_66 = tpu.memref_slice %arg6[%sub3A_40, %dma_wait3A_65] : memref<8192x1024xf32, #tpu.memory_space<hbm>> -> memref<16x1024xf32, #tpu.memory_space<hbm>>
        tpu.wait_dma2 semaphore(%run_scoped3A : memref<!tpu.dma_semaphore, #tpu.memory_space<semaphore_mem>>) src(%arg10 : memref<16x1024xf32, #tpu.memory_space<vmem>>) dst(%dma_wait3A_66 : memref<16x1024xf32, #tpu.memory_space<hbm>>)
        tpu.yield
      }) : () -> ()
      %add3A_41 = arith.constant 1 : i32
      %add3A_42 = arith.addi %scan3A_15, %add3A_41 : i32
      %lt3A = arith.constant 8 : i32
      %lt3A_43 = arith.cmpi slt, %add3A_42, %lt3A : i32
      %convert_element_type3A = arith.extui %lt3A_43 : i1 to i32
      %cond3A = arith.constant 0 : i32
      %cond3A_44 = arith.cmpi ne, %convert_element_type3A, %cond3A : i32
      scf.if %cond3A_44 {
        %add3A_59 = arith.constant 16 : i32
        %add3A_60 = arith.addi %add3A_22, %add3A_59 : i32
        "tpu.region"() ({
          %run_scoped3A = tpu.sem_alloc : memref<!tpu.dma_semaphore, #tpu.memory_space<semaphore_mem>>
          %dma_start3A_67 = tpu.memref_slice %arg2[%add3A_60] : memref<16384xi32, #tpu.memory_space<hbm>> -> memref<16xi32, #tpu.memory_space<hbm>>
          %dma_start3A_68 = tpu.memref_slice %arg2[%add3A_60] : memref<16384xi32, #tpu.memory_space<hbm>> -> memref<16xi32, #tpu.memory_space<hbm>>
          tpu.enqueue_dma source(%dma_start3A_68 : memref<16xi32, #tpu.memory_space<hbm>>) target(%arg7 : memref<16xi32, #tpu.memory_space<vmem>>) target_semaphore(%run_scoped3A : memref<!tpu.dma_semaphore, #tpu.memory_space<semaphore_mem>>)
          %dma_wait3A_69 = tpu.memref_slice %arg2[%add3A_60] : memref<16384xi32, #tpu.memory_space<hbm>> -> memref<16xi32, #tpu.memory_space<hbm>>
          %dma_wait3A_70 = tpu.memref_slice %arg2[%add3A_60] : memref<16384xi32, #tpu.memory_space<hbm>> -> memref<16xi32, #tpu.memory_space<hbm>>
          tpu.wait_dma2 semaphore(%run_scoped3A : memref<!tpu.dma_semaphore, #tpu.memory_space<semaphore_mem>>) src(%dma_wait3A_70 : memref<16xi32, #tpu.memory_space<hbm>>) dst(%arg7 : memref<16xi32, #tpu.memory_space<vmem>>)
          tpu.yield
        }) : () -> ()
        "tpu.region"() ({
          %run_scoped3A = tpu.sem_alloc : memref<!tpu.dma_semaphore, #tpu.memory_space<semaphore_mem>>
          %dma_start3A_67 = tpu.memref_slice %arg3[%add3A_60] : memref<16384xi32, #tpu.memory_space<hbm>> -> memref<16xi32, #tpu.memory_space<hbm>>
          %dma_start3A_68 = tpu.memref_slice %arg3[%add3A_60] : memref<16384xi32, #tpu.memory_space<hbm>> -> memref<16xi32, #tpu.memory_space<hbm>>
          tpu.enqueue_dma source(%dma_start3A_68 : memref<16xi32, #tpu.memory_space<hbm>>) target(%arg8 : memref<16xi32, #tpu.memory_space<vmem>>) target_semaphore(%run_scoped3A : memref<!tpu.dma_semaphore, #tpu.memory_space<semaphore_mem>>)
          %dma_wait3A_69 = tpu.memref_slice %arg3[%add3A_60] : memref<16384xi32, #tpu.memory_space<hbm>> -> memref<16xi32, #tpu.memory_space<hbm>>
          %dma_wait3A_70 = tpu.memref_slice %arg3[%add3A_60] : memref<16384xi32, #tpu.memory_space<hbm>> -> memref<16xi32, #tpu.memory_space<hbm>>
          tpu.wait_dma2 semaphore(%run_scoped3A : memref<!tpu.dma_semaphore, #tpu.memory_space<semaphore_mem>>) src(%dma_wait3A_70 : memref<16xi32, #tpu.memory_space<hbm>>) dst(%arg8 : memref<16xi32, #tpu.memory_space<vmem>>)
          tpu.yield
        }) : () -> ()
        %dma_start3A_61 = arith.constant 0 : i32
        %dma_start3A_62 = arith.constant 0 : i32
        %dma_start3A_63 = tpu.memref_slice %arg4[%dma_start3A_61, %dma_start3A_62] : memref<16384x1024xf32, #tpu.memory_space<hbm>> -> memref<16384x1024xf32, #tpu.memory_space<hbm>>
        tpu.enqueue_indirect_dma source(%dma_start3A_63 : memref<16384x1024xf32, #tpu.memory_space<hbm>>) target(%arg9 : memref<16x1024xf32, #tpu.memory_space<vmem>>) offsets(%arg7 : memref<16xi32, #tpu.memory_space<vmem>>) semaphore(%arg15 : memref<!tpu.dma_semaphore, #tpu.memory_space<semaphore_mem>>)
        %dma_start3A_64 = arith.constant 0 : i32
        %dma_start3A_65 = arith.constant 0 : i32
        %dma_start3A_66 = tpu.memref_slice %arg5[%dma_start3A_64, %dma_start3A_65] : memref<4097x1024xf32, #tpu.memory_space<hbm>> -> memref<4097x1024xf32, #tpu.memory_space<hbm>>
        tpu.enqueue_indirect_dma source(%dma_start3A_66 : memref<4097x1024xf32, #tpu.memory_space<hbm>>) target(%arg10 : memref<16x1024xf32, #tpu.memory_space<vmem>>) offsets(%arg8 : memref<16xi32, #tpu.memory_space<vmem>>) semaphore(%arg16 : memref<!tpu.dma_semaphore, #tpu.memory_space<semaphore_mem>>)
      } else {
      }
      %dma_wait3A_45 = arith.constant 0 : i32
      %dma_wait3A_46 = arith.constant 0 : i32
      %dma_wait3A_47 = tpu.memref_slice %arg4[%dma_wait3A_45, %dma_wait3A_46] : memref<16384x1024xf32, #tpu.memory_space<hbm>> -> memref<16384x1024xf32, #tpu.memory_space<hbm>>
      tpu.wait_indirect_dma semaphore(%arg17 : memref<!tpu.dma_semaphore, #tpu.memory_space<semaphore_mem>>) src(%dma_wait3A_47 : memref<16384x1024xf32, #tpu.memory_space<hbm>>) dst(%arg13 : memref<16x1024xf32, #tpu.memory_space<vmem>>)
      %dma_wait3A_48 = arith.constant 0 : i32
      %dma_wait3A_49 = arith.constant 0 : i32
      %dma_wait3A_50 = tpu.memref_slice %arg5[%dma_wait3A_48, %dma_wait3A_49] : memref<4097x1024xf32, #tpu.memory_space<hbm>> -> memref<4097x1024xf32, #tpu.memory_space<hbm>>
      tpu.wait_indirect_dma semaphore(%arg18 : memref<!tpu.dma_semaphore, #tpu.memory_space<semaphore_mem>>) src(%dma_wait3A_50 : memref<4097x1024xf32, #tpu.memory_space<hbm>>) dst(%arg14 : memref<16x1024xf32, #tpu.memory_space<vmem>>)
      %scan3A_51 = arith.constant 0 : i32
      %scan3A_52 = arith.constant 0 : i32
      %scan3A_53 = arith.constant 16 : i32
      %scan3A_54 = arith.addi %scan3A_52, %scan3A_53 : i32
      %scan3A_55 = arith.constant 1 : i32
      scf.for %scan3A_59 = %scan3A_52 to %scan3A_54 step %scan3A_55  : i32 {
        %get3A = arith.index_cast %scan3A_59 : i32 to index
        %get3A_60 = arith.constant 0 : index
        %get3A_61 = tpu.vector_load %arg13[%get3A, %get3A_60] {strides = array<i32>} : memref<16x1024xf32, #tpu.memory_space<vmem>>, vector<1x16xf32>,
        %get3A_62 = vector.shape_cast %get3A_61 : vector<1x16xf32> to vector<16xf32>
        %swap3A = arith.index_cast %scan3A_59 : i32 to index
        %swap3A_63 = arith.constant 0 : index
        %swap3A_64 = tpu.vector_load %arg14[%swap3A, %swap3A_63] {strides = array<i32>} : memref<16x1024xf32, #tpu.memory_space<vmem>>, vector<1x16xf32>,
        %swap3A_65 = vector.shape_cast %swap3A_64 : vector<1x16xf32> to vector<16xf32>
        %swap3A_66 = vector.shape_cast %get3A_62 : vector<16xf32> to vector<1x16xf32>
        tpu.vector_store %arg14[%swap3A, %swap3A_63], %swap3A_66 {add = true, strides = array<i32>} : memref<16x1024xf32, #tpu.memory_space<vmem>>, vector<1x16xf32>,
        %get3A_67 = arith.index_cast %scan3A_59 : i32 to index
        %get3A_68 = arith.constant 16 : index
        %get3A_69 = tpu.vector_load %arg13[%get3A_67, %get3A_68] {strides = array<i32>} : memref<16x1024xf32, #tpu.memory_space<vmem>>, vector<1x16xf32>,
        %get3A_70 = vector.shape_cast %get3A_69 : vector<1x16xf32> to vector<16xf32>
        %swap3A_71 = arith.index_cast %scan3A_59 : i32 to index
        %swap3A_72 = arith.constant 16 : index
        %swap3A_73 = tpu.vector_load %arg14[%swap3A_71, %swap3A_72] {strides = array<i32>} : memref<16x1024xf32, #tpu.memory_space<vmem>>, vector<1x16xf32>,
        %swap3A_74 = vector.shape_cast %swap3A_73 : vector<1x16xf32> to vector<16xf32>
        %swap3A_75 = vector.shape_cast %get3A_70 : vector<16xf32> to vector<1x16xf32>
        tpu.vector_store %arg14[%swap3A_71, %swap3A_72], %swap3A_75 {add = true, strides = array<i32>} : memref<16x1024xf32, #tpu.memory_space<vmem>>, vector<1x16xf32>,
        %get3A_76 = arith.index_cast %scan3A_59 : i32 to index
        %get3A_77 = arith.constant 32 : index
        %get3A_78 = tpu.vector_load %arg13[%get3A_76, %get3A_77] {strides = array<i32>} : memref<16x1024xf32, #tpu.memory_space<vmem>>, vector<1x16xf32>,
        %get3A_79 = vector.shape_cast %get3A_78 : vector<1x16xf32> to vector<16xf32>
        %swap3A_80 = arith.index_cast %scan3A_59 : i32 to index
        %swap3A_81 = arith.constant 32 : index
        %swap3A_82 = tpu.vector_load %arg14[%swap3A_80, %swap3A_81] {strides = array<i32>} : memref<16x1024xf32, #tpu.memory_space<vmem>>, vector<1x16xf32>,
        %swap3A_83 = vector.shape_cast %swap3A_82 : vector<1x16xf32> to vector<16xf32>
        %swap3A_84 = vector.shape_cast %get3A_79 : vector<16xf32> to vector<1x16xf32>
        tpu.vector_store %arg14[%swap3A_80, %swap3A_81], %swap3A_84 {add = true, strides = array<i32>} : memref<16x1024xf32, #tpu.memory_space<vmem>>, vector<1x16xf32>,
        %get3A_85 = arith.index_cast %scan3A_59 : i32 to index
        %get3A_86 = arith.constant 48 : index
        %get3A_87 = tpu.vector_load %arg13[%get3A_85, %get3A_86] {strides = array<i32>} : memref<16x1024xf32, #tpu.memory_space<vmem>>, vector<1x16xf32>,
        %get3A_88 = vector.shape_cast %get3A_87 : vector<1x16xf32> to vector<16xf32>
        %swap3A_89 = arith.index_cast %scan3A_59 : i32 to index
        %swap3A_90 = arith.constant 48 : index
        %swap3A_91 = tpu.vector_load %arg14[%swap3A_89, %swap3A_90] {strides = array<i32>} : memref<16x1024xf32, #tpu.memory_space<vmem>>, vector<1x16xf32>,
        %swap3A_92 = vector.shape_cast %swap3A_91 : vector<1x16xf32> to vector<16xf32>
        %swap3A_93 = vector.shape_cast %get3A_88 : vector<16xf32> to vector<1x16xf32>
        tpu.vector_store %arg14[%swap3A_89, %swap3A_90], %swap3A_93 {add = true, strides = array<i32>} : memref<16x1024xf32, #tpu.memory_space<vmem>>, vector<1x16xf32>,
        %get3A_94 = arith.index_cast %scan3A_59 : i32 to index
        %get3A_95 = arith.constant 64 : index
        %get3A_96 = tpu.vector_load %arg13[%get3A_94, %get3A_95] {strides = array<i32>} : memref<16x1024xf32, #tpu.memory_space<vmem>>, vector<1x16xf32>,
        %get3A_97 = vector.shape_cast %get3A_96 : vector<1x16xf32> to vector<16xf32>
        %swap3A_98 = arith.index_cast %scan3A_59 : i32 to index
        %swap3A_99 = arith.constant 64 : index
        %swap3A_100 = tpu.vector_load %arg14[%swap3A_98, %swap3A_99] {strides = array<i32>} : memref<16x1024xf32, #tpu.memory_space<vmem>>, vector<1x16xf32>,
        %swap3A_101 = vector.shape_cast %swap3A_100 : vector<1x16xf32> to vector<16xf32>
        %swap3A_102 = vector.shape_cast %get3A_97 : vector<16xf32> to vector<1x16xf32>
        tpu.vector_store %arg14[%swap3A_98, %swap3A_99], %swap3A_102 {add = true, strides = array<i32>} : memref<16x1024xf32, #tpu.memory_space<vmem>>, vector<1x16xf32>,
        %get3A_103 = arith.index_cast %scan3A_59 : i32 to index
        %get3A_104 = arith.constant 80 : index
        %get3A_105 = tpu.vector_load %arg13[%get3A_103, %get3A_104] {strides = array<i32>} : memref<16x1024xf32, #tpu.memory_space<vmem>>, vector<1x16xf32>,
        %get3A_106 = vector.shape_cast %get3A_105 : vector<1x16xf32> to vector<16xf32>
        %swap3A_107 = arith.index_cast %scan3A_59 : i32 to index
        %swap3A_108 = arith.constant 80 : index
        %swap3A_109 = tpu.vector_load %arg14[%swap3A_107, %swap3A_108] {strides = array<i32>} : memref<16x1024xf32, #tpu.memory_space<vmem>>, vector<1x16xf32>,
        %swap3A_110 = vector.shape_cast %swap3A_109 : vector<1x16xf32> to vector<16xf32>
        %swap3A_111 = vector.shape_cast %get3A_106 : vector<16xf32> to vector<1x16xf32>
        tpu.vector_store %arg14[%swap3A_107, %swap3A_108], %swap3A_111 {add = true, strides = array<i32>} : memref<16x1024xf32, #tpu.memory_space<vmem>>, vector<1x16xf32>,
        %get3A_112 = arith.index_cast %scan3A_59 : i32 to index
        %get3A_113 = arith.constant 96 : index
        %get3A_114 = tpu.vector_load %arg13[%get3A_112, %get3A_113] {strides = array<i32>} : memref<16x1024xf32, #tpu.memory_space<vmem>>, vector<1x16xf32>,
        %get3A_115 = vector.shape_cast %get3A_114 : vector<1x16xf32> to vector<16xf32>
        %swap3A_116 = arith.index_cast %scan3A_59 : i32 to index
        %swap3A_117 = arith.constant 96 : index
        %swap3A_118 = tpu.vector_load %arg14[%swap3A_116, %swap3A_117] {strides = array<i32>} : memref<16x1024xf32, #tpu.memory_space<vmem>>, vector<1x16xf32>,
        %swap3A_119 = vector.shape_cast %swap3A_118 : vector<1x16xf32> to vector<16xf32>
        %swap3A_120 = vector.shape_cast %get3A_115 : vector<16xf32> to vector<1x16xf32>
        tpu.vector_store %arg14[%swap3A_116, %swap3A_117], %swap3A_120 {add = true, strides = array<i32>} : memref<16x1024xf32, #tpu.memory_space<vmem>>, vector<1x16xf32>,
        %get3A_121 = arith.index_cast %scan3A_59 : i32 to index
        %get3A_122 = arith.constant 112 : index
        %get3A_123 = tpu.vector_load %arg13[%get3A_121, %get3A_122] {strides = array<i32>} : memref<16x1024xf32, #tpu.memory_space<vmem>>, vector<1x16xf32>,
        %get3A_124 = vector.shape_cast %get3A_123 : vector<1x16xf32> to vector<16xf32>
        %swap3A_125 = arith.index_cast %scan3A_59 : i32 to index
        %swap3A_126 = arith.constant 112 : index
        %swap3A_127 = tpu.vector_load %arg14[%swap3A_125, %swap3A_126] {strides = array<i32>} : memref<16x1024xf32, #tpu.memory_space<vmem>>, vector<1x16xf32>,
        %swap3A_128 = vector.shape_cast %swap3A_127 : vector<1x16xf32> to vector<16xf32>
        %swap3A_129 = vector.shape_cast %get3A_124 : vector<16xf32> to vector<1x16xf32>
        tpu.vector_store %arg14[%swap3A_125, %swap3A_126], %swap3A_129 {add = true, strides = array<i32>} : memref<16x1024xf32, #tpu.memory_space<vmem>>, vector<1x16xf32>,
        %get3A_130 = arith.index_cast %scan3A_59 : i32 to index
        %get3A_131 = arith.constant 128 : index
        %get3A_132 = tpu.vector_load %arg13[%get3A_130, %get3A_131] {strides = array<i32>} : memref<16x1024xf32, #tpu.memory_space<vmem>>, vector<1x16xf32>,
        %get3A_133 = vector.shape_cast %get3A_132 : vector<1x16xf32> to vector<16xf32>
        %swap3A_134 = arith.index_cast %scan3A_59 : i32 to index
        %swap3A_135 = arith.constant 128 : index
        %swap3A_136 = tpu.vector_load %arg14[%swap3A_134, %swap3A_135] {strides = array<i32>} : memref<16x1024xf32, #tpu.memory_space<vmem>>, vector<1x16xf32>,
        %swap3A_137 = vector.shape_cast %swap3A_136 : vector<1x16xf32> to vector<16xf32>
        %swap3A_138 = vector.shape_cast %get3A_133 : vector<16xf32> to vector<1x16xf32>
        tpu.vector_store %arg14[%swap3A_134, %swap3A_135], %swap3A_138 {add = true, strides = array<i32>} : memref<16x1024xf32, #tpu.memory_space<vmem>>, vector<1x16xf32>,
        %get3A_139 = arith.index_cast %scan3A_59 : i32 to index
        %get3A_140 = arith.constant 144 : index
        %get3A_141 = tpu.vector_load %arg13[%get3A_139, %get3A_140] {strides = array<i32>} : memref<16x1024xf32, #tpu.memory_space<vmem>>, vector<1x16xf32>,
        %get3A_142 = vector.shape_cast %get3A_141 : vector<1x16xf32> to vector<16xf32>
        %swap3A_143 = arith.index_cast %scan3A_59 : i32 to index
        %swap3A_144 = arith.constant 144 : index
        %swap3A_145 = tpu.vector_load %arg14[%swap3A_143, %swap3A_144] {strides = array<i32>} : memref<16x1024xf32, #tpu.memory_space<vmem>>, vector<1x16xf32>,
        %swap3A_146 = vector.shape_cast %swap3A_145 : vector<1x16xf32> to vector<16xf32>
        %swap3A_147 = vector.shape_cast %get3A_142 : vector<16xf32> to vector<1x16xf32>
        tpu.vector_store %arg14[%swap3A_143, %swap3A_144], %swap3A_147 {add = true, strides = array<i32>} : memref<16x1024xf32, #tpu.memory_space<vmem>>, vector<1x16xf32>,
        %get3A_148 = arith.index_cast %scan3A_59 : i32 to index
        %get3A_149 = arith.constant 160 : index
        %get3A_150 = tpu.vector_load %arg13[%get3A_148, %get3A_149] {strides = array<i32>} : memref<16x1024xf32, #tpu.memory_space<vmem>>, vector<1x16xf32>,
        %get3A_151 = vector.shape_cast %get3A_150 : vector<1x16xf32> to vector<16xf32>
        %swap3A_152 = arith.index_cast %scan3A_59 : i32 to index
        %swap3A_153 = arith.constant 160 : index
        %swap3A_154 = tpu.vector_load %arg14[%swap3A_152, %swap3A_153] {strides = array<i32>} : memref<16x1024xf32, #tpu.memory_space<vmem>>, vector<1x16xf32>,
        %swap3A_155 = vector.shape_cast %swap3A_154 : vector<1x16xf32> to vector<16xf32>
        %swap3A_156 = vector.shape_cast %get3A_151 : vector<16xf32> to vector<1x16xf32>
        tpu.vector_store %arg14[%swap3A_152, %swap3A_153], %swap3A_156 {add = true, strides = array<i32>} : memref<16x1024xf32, #tpu.memory_space<vmem>>, vector<1x16xf32>,
        %get3A_157 = arith.index_cast %scan3A_59 : i32 to index
        %get3A_158 = arith.constant 176 : index
        %get3A_159 = tpu.vector_load %arg13[%get3A_157, %get3A_158] {strides = array<i32>} : memref<16x1024xf32, #tpu.memory_space<vmem>>, vector<1x16xf32>,
        %get3A_160 = vector.shape_cast %get3A_159 : vector<1x16xf32> to vector<16xf32>
        %swap3A_161 = arith.index_cast %scan3A_59 : i32 to index
        %swap3A_162 = arith.constant 176 : index
        %swap3A_163 = tpu.vector_load %arg14[%swap3A_161, %swap3A_162] {strides = array<i32>} : memref<16x1024xf32, #tpu.memory_space<vmem>>, vector<1x16xf32>,
        %swap3A_164 = vector.shape_cast %swap3A_163 : vector<1x16xf32> to vector<16xf32>
        %swap3A_165 = vector.shape_cast %get3A_160 : vector<16xf32> to vector<1x16xf32>
        tpu.vector_store %arg14[%swap3A_161, %swap3A_162], %swap3A_165 {add = true, strides = array<i32>} : memref<16x1024xf32, #tpu.memory_space<vmem>>, vector<1x16xf32>,
        %get3A_166 = arith.index_cast %scan3A_59 : i32 to index
        %get3A_167 = arith.constant 192 : index
        %get3A_168 = tpu.vector_load %arg13[%get3A_166, %get3A_167] {strides = array<i32>} : memref<16x1024xf32, #tpu.memory_space<vmem>>, vector<1x16xf32>,
        %get3A_169 = vector.shape_cast %get3A_168 : vector<1x16xf32> to vector<16xf32>
        %swap3A_170 = arith.index_cast %scan3A_59 : i32 to index
        %swap3A_171 = arith.constant 192 : index
        %swap3A_172 = tpu.vector_load %arg14[%swap3A_170, %swap3A_171] {strides = array<i32>} : memref<16x1024xf32, #tpu.memory_space<vmem>>, vector<1x16xf32>,
        %swap3A_173 = vector.shape_cast %swap3A_172 : vector<1x16xf32> to vector<16xf32>
        %swap3A_174 = vector.shape_cast %get3A_169 : vector<16xf32> to vector<1x16xf32>
        tpu.vector_store %arg14[%swap3A_170, %swap3A_171], %swap3A_174 {add = true, strides = array<i32>} : memref<16x1024xf32, #tpu.memory_space<vmem>>, vector<1x16xf32>,
        %get3A_175 = arith.index_cast %scan3A_59 : i32 to index
        %get3A_176 = arith.constant 208 : index
        %get3A_177 = tpu.vector_load %arg13[%get3A_175, %get3A_176] {strides = array<i32>} : memref<16x1024xf32, #tpu.memory_space<vmem>>, vector<1x16xf32>,
        %get3A_178 = vector.shape_cast %get3A_177 : vector<1x16xf32> to vector<16xf32>
        %swap3A_179 = arith.index_cast %scan3A_59 : i32 to index
        %swap3A_180 = arith.constant 208 : index
        %swap3A_181 = tpu.vector_load %arg14[%swap3A_179, %swap3A_180] {strides = array<i32>} : memref<16x1024xf32, #tpu.memory_space<vmem>>, vector<1x16xf32>,
        %swap3A_182 = vector.shape_cast %swap3A_181 : vector<1x16xf32> to vector<16xf32>
        %swap3A_183 = vector.shape_cast %get3A_178 : vector<16xf32> to vector<1x16xf32>
        tpu.vector_store %arg14[%swap3A_179, %swap3A_180], %swap3A_183 {add = true, strides = array<i32>} : memref<16x1024xf32, #tpu.memory_space<vmem>>, vector<1x16xf32>,
        %get3A_184 = arith.index_cast %scan3A_59 : i32 to index
        %get3A_185 = arith.constant 224 : index
        %get3A_186 = tpu.vector_load %arg13[%get3A_184, %get3A_185] {strides = array<i32>} : memref<16x1024xf32, #tpu.memory_space<vmem>>, vector<1x16xf32>,
        %get3A_187 = vector.shape_cast %get3A_186 : vector<1x16xf32> to vector<16xf32>
        %swap3A_188 = arith.index_cast %scan3A_59 : i32 to index
        %swap3A_189 = arith.constant 224 : index
        %swap3A_190 = tpu.vector_load %arg14[%swap3A_188, %swap3A_189] {strides = array<i32>} : memref<16x1024xf32, #tpu.memory_space<vmem>>, vector<1x16xf32>,
        %swap3A_191 = vector.shape_cast %swap3A_190 : vector<1x16xf32> to vector<16xf32>
        %swap3A_192 = vector.shape_cast %get3A_187 : vector<16xf32> to vector<1x16xf32>
        tpu.vector_store %arg14[%swap3A_188, %swap3A_189], %swap3A_192 {add = true, strides = array<i32>} : memref<16x1024xf32, #tpu.memory_space<vmem>>, vector<1x16xf32>,
        %get3A_193 = arith.index_cast %scan3A_59 : i32 to index
        %get3A_194 = arith.constant 240 : index
        %get3A_195 = tpu.vector_load %arg13[%get3A_193, %get3A_194] {strides = array<i32>} : memref<16x1024xf32, #tpu.memory_space<vmem>>, vector<1x16xf32>,
        %get3A_196 = vector.shape_cast %get3A_195 : vector<1x16xf32> to vector<16xf32>
        %swap3A_197 = arith.index_cast %scan3A_59 : i32 to index
        %swap3A_198 = arith.constant 240 : index
        %swap3A_199 = tpu.vector_load %arg14[%swap3A_197, %swap3A_198] {strides = array<i32>} : memref<16x1024xf32, #tpu.memory_space<vmem>>, vector<1x16xf32>,
        %swap3A_200 = vector.shape_cast %swap3A_199 : vector<1x16xf32> to vector<16xf32>
        %swap3A_201 = vector.shape_cast %get3A_196 : vector<16xf32> to vector<1x16xf32>
        tpu.vector_store %arg14[%swap3A_197, %swap3A_198], %swap3A_201 {add = true, strides = array<i32>} : memref<16x1024xf32, #tpu.memory_space<vmem>>, vector<1x16xf32>,
        %get3A_202 = arith.index_cast %scan3A_59 : i32 to index
        %get3A_203 = arith.constant 256 : index
        %get3A_204 = tpu.vector_load %arg13[%get3A_202, %get3A_203] {strides = array<i32>} : memref<16x1024xf32, #tpu.memory_space<vmem>>, vector<1x16xf32>,
        %get3A_205 = vector.shape_cast %get3A_204 : vector<1x16xf32> to vector<16xf32>
        %swap3A_206 = arith.index_cast %scan3A_59 : i32 to index
        %swap3A_207 = arith.constant 256 : index
        %swap3A_208 = tpu.vector_load %arg14[%swap3A_206, %swap3A_207] {strides = array<i32>} : memref<16x1024xf32, #tpu.memory_space<vmem>>, vector<1x16xf32>,
        %swap3A_209 = vector.shape_cast %swap3A_208 : vector<1x16xf32> to vector<16xf32>
        %swap3A_210 = vector.shape_cast %get3A_205 : vector<16xf32> to vector<1x16xf32>
        tpu.vector_store %arg14[%swap3A_206, %swap3A_207], %swap3A_210 {add = true, strides = array<i32>} : memref<16x1024xf32, #tpu.memory_space<vmem>>, vector<1x16xf32>,
        %get3A_211 = arith.index_cast %scan3A_59 : i32 to index
        %get3A_212 = arith.constant 272 : index
        %get3A_213 = tpu.vector_load %arg13[%get3A_211, %get3A_212] {strides = array<i32>} : memref<16x1024xf32, #tpu.memory_space<vmem>>, vector<1x16xf32>,
        %get3A_214 = vector.shape_cast %get3A_213 : vector<1x16xf32> to vector<16xf32>
        %swap3A_215 = arith.index_cast %scan3A_59 : i32 to index
        %swap3A_216 = arith.constant 272 : index
        %swap3A_217 = tpu.vector_load %arg14[%swap3A_215, %swap3A_216] {strides = array<i32>} : memref<16x1024xf32, #tpu.memory_space<vmem>>, vector<1x16xf32>,
        %swap3A_218 = vector.shape_cast %swap3A_217 : vector<1x16xf32> to vector<16xf32>
        %swap3A_219 = vector.shape_cast %get3A_214 : vector<16xf32> to vector<1x16xf32>
        tpu.vector_store %arg14[%swap3A_215, %swap3A_216], %swap3A_219 {add = true, strides = array<i32>} : memref<16x1024xf32, #tpu.memory_space<vmem>>, vector<1x16xf32>,
        %get3A_220 = arith.index_cast %scan3A_59 : i32 to index
        %get3A_221 = arith.constant 288 : index
        %get3A_222 = tpu.vector_load %arg13[%get3A_220, %get3A_221] {strides = array<i32>} : memref<16x1024xf32, #tpu.memory_space<vmem>>, vector<1x16xf32>,
        %get3A_223 = vector.shape_cast %get3A_222 : vector<1x16xf32> to vector<16xf32>
        %swap3A_224 = arith.index_cast %scan3A_59 : i32 to index
        %swap3A_225 = arith.constant 288 : index
        %swap3A_226 = tpu.vector_load %arg14[%swap3A_224, %swap3A_225] {strides = array<i32>} : memref<16x1024xf32, #tpu.memory_space<vmem>>, vector<1x16xf32>,
        %swap3A_227 = vector.shape_cast %swap3A_226 : vector<1x16xf32> to vector<16xf32>
        %swap3A_228 = vector.shape_cast %get3A_223 : vector<16xf32> to vector<1x16xf32>
        tpu.vector_store %arg14[%swap3A_224, %swap3A_225], %swap3A_228 {add = true, strides = array<i32>} : memref<16x1024xf32, #tpu.memory_space<vmem>>, vector<1x16xf32>,
        %get3A_229 = arith.index_cast %scan3A_59 : i32 to index
        %get3A_230 = arith.constant 304 : index
        %get3A_231 = tpu.vector_load %arg13[%get3A_229, %get3A_230] {strides = array<i32>} : memref<16x1024xf32, #tpu.memory_space<vmem>>, vector<1x16xf32>,
        %get3A_232 = vector.shape_cast %get3A_231 : vector<1x16xf32> to vector<16xf32>
        %swap3A_233 = arith.index_cast %scan3A_59 : i32 to index
        %swap3A_234 = arith.constant 304 : index
        %swap3A_235 = tpu.vector_load %arg14[%swap3A_233, %swap3A_234] {strides = array<i32>} : memref<16x1024xf32, #tpu.memory_space<vmem>>, vector<1x16xf32>,
        %swap3A_236 = vector.shape_cast %swap3A_235 : vector<1x16xf32> to vector<16xf32>
        %swap3A_237 = vector.shape_cast %get3A_232 : vector<16xf32> to vector<1x16xf32>
        tpu.vector_store %arg14[%swap3A_233, %swap3A_234], %swap3A_237 {add = true, strides = array<i32>} : memref<16x1024xf32, #tpu.memory_space<vmem>>, vector<1x16xf32>,
        %get3A_238 = arith.index_cast %scan3A_59 : i32 to index
        %get3A_239 = arith.constant 320 : index
        %get3A_240 = tpu.vector_load %arg13[%get3A_238, %get3A_239] {strides = array<i32>} : memref<16x1024xf32, #tpu.memory_space<vmem>>, vector<1x16xf32>,
        %get3A_241 = vector.shape_cast %get3A_240 : vector<1x16xf32> to vector<16xf32>
        %swap3A_242 = arith.index_cast %scan3A_59 : i32 to index
        %swap3A_243 = arith.constant 320 : index
        %swap3A_244 = tpu.vector_load %arg14[%swap3A_242, %swap3A_243] {strides = array<i32>} : memref<16x1024xf32, #tpu.memory_space<vmem>>, vector<1x16xf32>,
        %swap3A_245 = vector.shape_cast %swap3A_244 : vector<1x16xf32> to vector<16xf32>
        %swap3A_246 = vector.shape_cast %get3A_241 : vector<16xf32> to vector<1x16xf32>
        tpu.vector_store %arg14[%swap3A_242, %swap3A_243], %swap3A_246 {add = true, strides = array<i32>} : memref<16x1024xf32, #tpu.memory_space<vmem>>, vector<1x16xf32>,
        %get3A_247 = arith.index_cast %scan3A_59 : i32 to index
        %get3A_248 = arith.constant 336 : index
        %get3A_249 = tpu.vector_load %arg13[%get3A_247, %get3A_248] {strides = array<i32>} : memref<16x1024xf32, #tpu.memory_space<vmem>>, vector<1x16xf32>,
        %get3A_250 = vector.shape_cast %get3A_249 : vector<1x16xf32> to vector<16xf32>
        %swap3A_251 = arith.index_cast %scan3A_59 : i32 to index
        %swap3A_252 = arith.constant 336 : index
        %swap3A_253 = tpu.vector_load %arg14[%swap3A_251, %swap3A_252] {strides = array<i32>} : memref<16x1024xf32, #tpu.memory_space<vmem>>, vector<1x16xf32>,
        %swap3A_254 = vector.shape_cast %swap3A_253 : vector<1x16xf32> to vector<16xf32>
        %swap3A_255 = vector.shape_cast %get3A_250 : vector<16xf32> to vector<1x16xf32>
        tpu.vector_store %arg14[%swap3A_251, %swap3A_252], %swap3A_255 {add = true, strides = array<i32>} : memref<16x1024xf32, #tpu.memory_space<vmem>>, vector<1x16xf32>,
        %get3A_256 = arith.index_cast %scan3A_59 : i32 to index
        %get3A_257 = arith.constant 352 : index
        %get3A_258 = tpu.vector_load %arg13[%get3A_256, %get3A_257] {strides = array<i32>} : memref<16x1024xf32, #tpu.memory_space<vmem>>, vector<1x16xf32>,
        %get3A_259 = vector.shape_cast %get3A_258 : vector<1x16xf32> to vector<16xf32>
        %swap3A_260 = arith.index_cast %scan3A_59 : i32 to index
        %swap3A_261 = arith.constant 352 : index
        %swap3A_262 = tpu.vector_load %arg14[%swap3A_260, %swap3A_261] {strides = array<i32>} : memref<16x1024xf32, #tpu.memory_space<vmem>>, vector<1x16xf32>,
        %swap3A_263 = vector.shape_cast %swap3A_262 : vector<1x16xf32> to vector<16xf32>
        %swap3A_264 = vector.shape_cast %get3A_259 : vector<16xf32> to vector<1x16xf32>
        tpu.vector_store %arg14[%swap3A_260, %swap3A_261], %swap3A_264 {add = true, strides = array<i32>} : memref<16x1024xf32, #tpu.memory_space<vmem>>, vector<1x16xf32>,
        %get3A_265 = arith.index_cast %scan3A_59 : i32 to index
        %get3A_266 = arith.constant 368 : index
        %get3A_267 = tpu.vector_load %arg13[%get3A_265, %get3A_266] {strides = array<i32>} : memref<16x1024xf32, #tpu.memory_space<vmem>>, vector<1x16xf32>,
        %get3A_268 = vector.shape_cast %get3A_267 : vector<1x16xf32> to vector<16xf32>
        %swap3A_269 = arith.index_cast %scan3A_59 : i32 to index
        %swap3A_270 = arith.constant 368 : index
        %swap3A_271 = tpu.vector_load %arg14[%swap3A_269, %swap3A_270] {strides = array<i32>} : memref<16x1024xf32, #tpu.memory_space<vmem>>, vector<1x16xf32>,
        %swap3A_272 = vector.shape_cast %swap3A_271 : vector<1x16xf32> to vector<16xf32>
        %swap3A_273 = vector.shape_cast %get3A_268 : vector<16xf32> to vector<1x16xf32>
        tpu.vector_store %arg14[%swap3A_269, %swap3A_270], %swap3A_273 {add = true, strides = array<i32>} : memref<16x1024xf32, #tpu.memory_space<vmem>>, vector<1x16xf32>,
        %get3A_274 = arith.index_cast %scan3A_59 : i32 to index
        %get3A_275 = arith.constant 384 : index
        %get3A_276 = tpu.vector_load %arg13[%get3A_274, %get3A_275] {strides = array<i32>} : memref<16x1024xf32, #tpu.memory_space<vmem>>, vector<1x16xf32>,
        %get3A_277 = vector.shape_cast %get3A_276 : vector<1x16xf32> to vector<16xf32>
        %swap3A_278 = arith.index_cast %scan3A_59 : i32 to index
        %swap3A_279 = arith.constant 384 : index
        %swap3A_280 = tpu.vector_load %arg14[%swap3A_278, %swap3A_279] {strides = array<i32>} : memref<16x1024xf32, #tpu.memory_space<vmem>>, vector<1x16xf32>,
        %swap3A_281 = vector.shape_cast %swap3A_280 : vector<1x16xf32> to vector<16xf32>
        %swap3A_282 = vector.shape_cast %get3A_277 : vector<16xf32> to vector<1x16xf32>
        tpu.vector_store %arg14[%swap3A_278, %swap3A_279], %swap3A_282 {add = true, strides = array<i32>} : memref<16x1024xf32, #tpu.memory_space<vmem>>, vector<1x16xf32>,
        %get3A_283 = arith.index_cast %scan3A_59 : i32 to index
        %get3A_284 = arith.constant 400 : index
        %get3A_285 = tpu.vector_load %arg13[%get3A_283, %get3A_284] {strides = array<i32>} : memref<16x1024xf32, #tpu.memory_space<vmem>>, vector<1x16xf32>,
        %get3A_286 = vector.shape_cast %get3A_285 : vector<1x16xf32> to vector<16xf32>
        %swap3A_287 = arith.index_cast %scan3A_59 : i32 to index
        %swap3A_288 = arith.constant 400 : index
        %swap3A_289 = tpu.vector_load %arg14[%swap3A_287, %swap3A_288] {strides = array<i32>} : memref<16x1024xf32, #tpu.memory_space<vmem>>, vector<1x16xf32>,
        %swap3A_290 = vector.shape_cast %swap3A_289 : vector<1x16xf32> to vector<16xf32>
        %swap3A_291 = vector.shape_cast %get3A_286 : vector<16xf32> to vector<1x16xf32>
        tpu.vector_store %arg14[%swap3A_287, %swap3A_288], %swap3A_291 {add = true, strides = array<i32>} : memref<16x1024xf32, #tpu.memory_space<vmem>>, vector<1x16xf32>,
        %get3A_292 = arith.index_cast %scan3A_59 : i32 to index
        %get3A_293 = arith.constant 416 : index
        %get3A_294 = tpu.vector_load %arg13[%get3A_292, %get3A_293] {strides = array<i32>} : memref<16x1024xf32, #tpu.memory_space<vmem>>, vector<1x16xf32>,
        %get3A_295 = vector.shape_cast %get3A_294 : vector<1x16xf32> to vector<16xf32>
        %swap3A_296 = arith.index_cast %scan3A_59 : i32 to index
        %swap3A_297 = arith.constant 416 : index
        %swap3A_298 = tpu.vector_load %arg14[%swap3A_296, %swap3A_297] {strides = array<i32>} : memref<16x1024xf32, #tpu.memory_space<vmem>>, vector<1x16xf32>,
        %swap3A_299 = vector.shape_cast %swap3A_298 : vector<1x16xf32> to vector<16xf32>
        %swap3A_300 = vector.shape_cast %get3A_295 : vector<16xf32> to vector<1x16xf32>
        tpu.vector_store %arg14[%swap3A_296, %swap3A_297], %swap3A_300 {add = true, strides = array<i32>} : memref<16x1024xf32, #tpu.memory_space<vmem>>, vector<1x16xf32>,
        %get3A_301 = arith.index_cast %scan3A_59 : i32 to index
        %get3A_302 = arith.constant 432 : index
        %get3A_303 = tpu.vector_load %arg13[%get3A_301, %get3A_302] {strides = array<i32>} : memref<16x1024xf32, #tpu.memory_space<vmem>>, vector<1x16xf32>,
        %get3A_304 = vector.shape_cast %get3A_303 : vector<1x16xf32> to vector<16xf32>
        %swap3A_305 = arith.index_cast %scan3A_59 : i32 to index
        %swap3A_306 = arith.constant 432 : index
        %swap3A_307 = tpu.vector_load %arg14[%swap3A_305, %swap3A_306] {strides = array<i32>} : memref<16x1024xf32, #tpu.memory_space<vmem>>, vector<1x16xf32>,
        %swap3A_308 = vector.shape_cast %swap3A_307 : vector<1x16xf32> to vector<16xf32>
        %swap3A_309 = vector.shape_cast %get3A_304 : vector<16xf32> to vector<1x16xf32>
        tpu.vector_store %arg14[%swap3A_305, %swap3A_306], %swap3A_309 {add = true, strides = array<i32>} : memref<16x1024xf32, #tpu.memory_space<vmem>>, vector<1x16xf32>,
        %get3A_310 = arith.index_cast %scan3A_59 : i32 to index
        %get3A_311 = arith.constant 448 : index
        %get3A_312 = tpu.vector_load %arg13[%get3A_310, %get3A_311] {strides = array<i32>} : memref<16x1024xf32, #tpu.memory_space<vmem>>, vector<1x16xf32>,
        %get3A_313 = vector.shape_cast %get3A_312 : vector<1x16xf32> to vector<16xf32>
        %swap3A_314 = arith.index_cast %scan3A_59 : i32 to index
        %swap3A_315 = arith.constant 448 : index
        %swap3A_316 = tpu.vector_load %arg14[%swap3A_314, %swap3A_315] {strides = array<i32>} : memref<16x1024xf32, #tpu.memory_space<vmem>>, vector<1x16xf32>,
        %swap3A_317 = vector.shape_cast %swap3A_316 : vector<1x16xf32> to vector<16xf32>
        %swap3A_318 = vector.shape_cast %get3A_313 : vector<16xf32> to vector<1x16xf32>
        tpu.vector_store %arg14[%swap3A_314, %swap3A_315], %swap3A_318 {add = true, strides = array<i32>} : memref<16x1024xf32, #tpu.memory_space<vmem>>, vector<1x16xf32>,
        %get3A_319 = arith.index_cast %scan3A_59 : i32 to index
        %get3A_320 = arith.constant 464 : index
        %get3A_321 = tpu.vector_load %arg13[%get3A_319, %get3A_320] {strides = array<i32>} : memref<16x1024xf32, #tpu.memory_space<vmem>>, vector<1x16xf32>,
        %get3A_322 = vector.shape_cast %get3A_321 : vector<1x16xf32> to vector<16xf32>
        %swap3A_323 = arith.index_cast %scan3A_59 : i32 to index
        %swap3A_324 = arith.constant 464 : index
        %swap3A_325 = tpu.vector_load %arg14[%swap3A_323, %swap3A_324] {strides = array<i32>} : memref<16x1024xf32, #tpu.memory_space<vmem>>, vector<1x16xf32>,
        %swap3A_326 = vector.shape_cast %swap3A_325 : vector<1x16xf32> to vector<16xf32>
        %swap3A_327 = vector.shape_cast %get3A_322 : vector<16xf32> to vector<1x16xf32>
        tpu.vector_store %arg14[%swap3A_323, %swap3A_324], %swap3A_327 {add = true, strides = array<i32>} : memref<16x1024xf32, #tpu.memory_space<vmem>>, vector<1x16xf32>,
        %get3A_328 = arith.index_cast %scan3A_59 : i32 to index
        %get3A_329 = arith.constant 480 : index
        %get3A_330 = tpu.vector_load %arg13[%get3A_328, %get3A_329] {strides = array<i32>} : memref<16x1024xf32, #tpu.memory_space<vmem>>, vector<1x16xf32>,
        %get3A_331 = vector.shape_cast %get3A_330 : vector<1x16xf32> to vector<16xf32>
        %swap3A_332 = arith.index_cast %scan3A_59 : i32 to index
        %swap3A_333 = arith.constant 480 : index
        %swap3A_334 = tpu.vector_load %arg14[%swap3A_332, %swap3A_333] {strides = array<i32>} : memref<16x1024xf32, #tpu.memory_space<vmem>>, vector<1x16xf32>,
        %swap3A_335 = vector.shape_cast %swap3A_334 : vector<1x16xf32> to vector<16xf32>
        %swap3A_336 = vector.shape_cast %get3A_331 : vector<16xf32> to vector<1x16xf32>
        tpu.vector_store %arg14[%swap3A_332, %swap3A_333], %swap3A_336 {add = true, strides = array<i32>} : memref<16x1024xf32, #tpu.memory_space<vmem>>, vector<1x16xf32>,
        %get3A_337 = arith.index_cast %scan3A_59 : i32 to index
        %get3A_338 = arith.constant 496 : index
        %get3A_339 = tpu.vector_load %arg13[%get3A_337, %get3A_338] {strides = array<i32>} : memref<16x1024xf32, #tpu.memory_space<vmem>>, vector<1x16xf32>,
        %get3A_340 = vector.shape_cast %get3A_339 : vector<1x16xf32> to vector<16xf32>
        %swap3A_341 = arith.index_cast %scan3A_59 : i32 to index
        %swap3A_342 = arith.constant 496 : index
        %swap3A_343 = tpu.vector_load %arg14[%swap3A_341, %swap3A_342] {strides = array<i32>} : memref<16x1024xf32, #tpu.memory_space<vmem>>, vector<1x16xf32>,
        %swap3A_344 = vector.shape_cast %swap3A_343 : vector<1x16xf32> to vector<16xf32>
        %swap3A_345 = vector.shape_cast %get3A_340 : vector<16xf32> to vector<1x16xf32>
        tpu.vector_store %arg14[%swap3A_341, %swap3A_342], %swap3A_345 {add = true, strides = array<i32>} : memref<16x1024xf32, #tpu.memory_space<vmem>>, vector<1x16xf32>,
        %get3A_346 = arith.index_cast %scan3A_59 : i32 to index
        %get3A_347 = arith.constant 512 : index
        %get3A_348 = tpu.vector_load %arg13[%get3A_346, %get3A_347] {strides = array<i32>} : memref<16x1024xf32, #tpu.memory_space<vmem>>, vector<1x16xf32>,
        %get3A_349 = vector.shape_cast %get3A_348 : vector<1x16xf32> to vector<16xf32>
        %swap3A_350 = arith.index_cast %scan3A_59 : i32 to index
        %swap3A_351 = arith.constant 512 : index
        %swap3A_352 = tpu.vector_load %arg14[%swap3A_350, %swap3A_351] {strides = array<i32>} : memref<16x1024xf32, #tpu.memory_space<vmem>>, vector<1x16xf32>,
        %swap3A_353 = vector.shape_cast %swap3A_352 : vector<1x16xf32> to vector<16xf32>
        %swap3A_354 = vector.shape_cast %get3A_349 : vector<16xf32> to vector<1x16xf32>
        tpu.vector_store %arg14[%swap3A_350, %swap3A_351], %swap3A_354 {add = true, strides = array<i32>} : memref<16x1024xf32, #tpu.memory_space<vmem>>, vector<1x16xf32>,
        %get3A_355 = arith.index_cast %scan3A_59 : i32 to index
        %get3A_356 = arith.constant 528 : index
        %get3A_357 = tpu.vector_load %arg13[%get3A_355, %get3A_356] {strides = array<i32>} : memref<16x1024xf32, #tpu.memory_space<vmem>>, vector<1x16xf32>,
        %get3A_358 = vector.shape_cast %get3A_357 : vector<1x16xf32> to vector<16xf32>
        %swap3A_359 = arith.index_cast %scan3A_59 : i32 to index
        %swap3A_360 = arith.constant 528 : index
        %swap3A_361 = tpu.vector_load %arg14[%swap3A_359, %swap3A_360] {strides = array<i32>} : memref<16x1024xf32, #tpu.memory_space<vmem>>, vector<1x16xf32>,
        %swap3A_362 = vector.shape_cast %swap3A_361 : vector<1x16xf32> to vector<16xf32>
        %swap3A_363 = vector.shape_cast %get3A_358 : vector<16xf32> to vector<1x16xf32>
        tpu.vector_store %arg14[%swap3A_359, %swap3A_360], %swap3A_363 {add = true, strides = array<i32>} : memref<16x1024xf32, #tpu.memory_space<vmem>>, vector<1x16xf32>,
        %get3A_364 = arith.index_cast %scan3A_59 : i32 to index
        %get3A_365 = arith.constant 544 : index
        %get3A_366 = tpu.vector_load %arg13[%get3A_364, %get3A_365] {strides = array<i32>} : memref<16x1024xf32, #tpu.memory_space<vmem>>, vector<1x16xf32>,
        %get3A_367 = vector.shape_cast %get3A_366 : vector<1x16xf32> to vector<16xf32>
        %swap3A_368 = arith.index_cast %scan3A_59 : i32 to index
        %swap3A_369 = arith.constant 544 : index
        %swap3A_370 = tpu.vector_load %arg14[%swap3A_368, %swap3A_369] {strides = array<i32>} : memref<16x1024xf32, #tpu.memory_space<vmem>>, vector<1x16xf32>,
        %swap3A_371 = vector.shape_cast %swap3A_370 : vector<1x16xf32> to vector<16xf32>
        %swap3A_372 = vector.shape_cast %get3A_367 : vector<16xf32> to vector<1x16xf32>
        tpu.vector_store %arg14[%swap3A_368, %swap3A_369], %swap3A_372 {add = true, strides = array<i32>} : memref<16x1024xf32, #tpu.memory_space<vmem>>, vector<1x16xf32>,
        %get3A_373 = arith.index_cast %scan3A_59 : i32 to index
        %get3A_374 = arith.constant 560 : index
        %get3A_375 = tpu.vector_load %arg13[%get3A_373, %get3A_374] {strides = array<i32>} : memref<16x1024xf32, #tpu.memory_space<vmem>>, vector<1x16xf32>,
        %get3A_376 = vector.shape_cast %get3A_375 : vector<1x16xf32> to vector<16xf32>
        %swap3A_377 = arith.index_cast %scan3A_59 : i32 to index
        %swap3A_378 = arith.constant 560 : index
        %swap3A_379 = tpu.vector_load %arg14[%swap3A_377, %swap3A_378] {strides = array<i32>} : memref<16x1024xf32, #tpu.memory_space<vmem>>, vector<1x16xf32>,
        %swap3A_380 = vector.shape_cast %swap3A_379 : vector<1x16xf32> to vector<16xf32>
        %swap3A_381 = vector.shape_cast %get3A_376 : vector<16xf32> to vector<1x16xf32>
        tpu.vector_store %arg14[%swap3A_377, %swap3A_378], %swap3A_381 {add = true, strides = array<i32>} : memref<16x1024xf32, #tpu.memory_space<vmem>>, vector<1x16xf32>,
        %get3A_382 = arith.index_cast %scan3A_59 : i32 to index
        %get3A_383 = arith.constant 576 : index
        %get3A_384 = tpu.vector_load %arg13[%get3A_382, %get3A_383] {strides = array<i32>} : memref<16x1024xf32, #tpu.memory_space<vmem>>, vector<1x16xf32>,
        %get3A_385 = vector.shape_cast %get3A_384 : vector<1x16xf32> to vector<16xf32>
        %swap3A_386 = arith.index_cast %scan3A_59 : i32 to index
        %swap3A_387 = arith.constant 576 : index
        %swap3A_388 = tpu.vector_load %arg14[%swap3A_386, %swap3A_387] {strides = array<i32>} : memref<16x1024xf32, #tpu.memory_space<vmem>>, vector<1x16xf32>,
        %swap3A_389 = vector.shape_cast %swap3A_388 : vector<1x16xf32> to vector<16xf32>
        %swap3A_390 = vector.shape_cast %get3A_385 : vector<16xf32> to vector<1x16xf32>
        tpu.vector_store %arg14[%swap3A_386, %swap3A_387], %swap3A_390 {add = true, strides = array<i32>} : memref<16x1024xf32, #tpu.memory_space<vmem>>, vector<1x16xf32>,
        %get3A_391 = arith.index_cast %scan3A_59 : i32 to index
        %get3A_392 = arith.constant 592 : index
        %get3A_393 = tpu.vector_load %arg13[%get3A_391, %get3A_392] {strides = array<i32>} : memref<16x1024xf32, #tpu.memory_space<vmem>>, vector<1x16xf32>,
        %get3A_394 = vector.shape_cast %get3A_393 : vector<1x16xf32> to vector<16xf32>
        %swap3A_395 = arith.index_cast %scan3A_59 : i32 to index
        %swap3A_396 = arith.constant 592 : index
        %swap3A_397 = tpu.vector_load %arg14[%swap3A_395, %swap3A_396] {strides = array<i32>} : memref<16x1024xf32, #tpu.memory_space<vmem>>, vector<1x16xf32>,
        %swap3A_398 = vector.shape_cast %swap3A_397 : vector<1x16xf32> to vector<16xf32>
        %swap3A_399 = vector.shape_cast %get3A_394 : vector<16xf32> to vector<1x16xf32>
        tpu.vector_store %arg14[%swap3A_395, %swap3A_396], %swap3A_399 {add = true, strides = array<i32>} : memref<16x1024xf32, #tpu.memory_space<vmem>>, vector<1x16xf32>,
        %get3A_400 = arith.index_cast %scan3A_59 : i32 to index
        %get3A_401 = arith.constant 608 : index
        %get3A_402 = tpu.vector_load %arg13[%get3A_400, %get3A_401] {strides = array<i32>} : memref<16x1024xf32, #tpu.memory_space<vmem>>, vector<1x16xf32>,
        %get3A_403 = vector.shape_cast %get3A_402 : vector<1x16xf32> to vector<16xf32>
        %swap3A_404 = arith.index_cast %scan3A_59 : i32 to index
        %swap3A_405 = arith.constant 608 : index
        %swap3A_406 = tpu.vector_load %arg14[%swap3A_404, %swap3A_405] {strides = array<i32>} : memref<16x1024xf32, #tpu.memory_space<vmem>>, vector<1x16xf32>,
        %swap3A_407 = vector.shape_cast %swap3A_406 : vector<1x16xf32> to vector<16xf32>
        %swap3A_408 = vector.shape_cast %get3A_403 : vector<16xf32> to vector<1x16xf32>
        tpu.vector_store %arg14[%swap3A_404, %swap3A_405], %swap3A_408 {add = true, strides = array<i32>} : memref<16x1024xf32, #tpu.memory_space<vmem>>, vector<1x16xf32>,
        %get3A_409 = arith.index_cast %scan3A_59 : i32 to index
        %get3A_410 = arith.constant 624 : index
        %get3A_411 = tpu.vector_load %arg13[%get3A_409, %get3A_410] {strides = array<i32>} : memref<16x1024xf32, #tpu.memory_space<vmem>>, vector<1x16xf32>,
        %get3A_412 = vector.shape_cast %get3A_411 : vector<1x16xf32> to vector<16xf32>
        %swap3A_413 = arith.index_cast %scan3A_59 : i32 to index
        %swap3A_414 = arith.constant 624 : index
        %swap3A_415 = tpu.vector_load %arg14[%swap3A_413, %swap3A_414] {strides = array<i32>} : memref<16x1024xf32, #tpu.memory_space<vmem>>, vector<1x16xf32>,
        %swap3A_416 = vector.shape_cast %swap3A_415 : vector<1x16xf32> to vector<16xf32>
        %swap3A_417 = vector.shape_cast %get3A_412 : vector<16xf32> to vector<1x16xf32>
        tpu.vector_store %arg14[%swap3A_413, %swap3A_414], %swap3A_417 {add = true, strides = array<i32>} : memref<16x1024xf32, #tpu.memory_space<vmem>>, vector<1x16xf32>,
        %get3A_418 = arith.index_cast %scan3A_59 : i32 to index
        %get3A_419 = arith.constant 640 : index
        %get3A_420 = tpu.vector_load %arg13[%get3A_418, %get3A_419] {strides = array<i32>} : memref<16x1024xf32, #tpu.memory_space<vmem>>, vector<1x16xf32>,
        %get3A_421 = vector.shape_cast %get3A_420 : vector<1x16xf32> to vector<16xf32>
        %swap3A_422 = arith.index_cast %scan3A_59 : i32 to index
        %swap3A_423 = arith.constant 640 : index
        %swap3A_424 = tpu.vector_load %arg14[%swap3A_422, %swap3A_423] {strides = array<i32>} : memref<16x1024xf32, #tpu.memory_space<vmem>>, vector<1x16xf32>,
        %swap3A_425 = vector.shape_cast %swap3A_424 : vector<1x16xf32> to vector<16xf32>
        %swap3A_426 = vector.shape_cast %get3A_421 : vector<16xf32> to vector<1x16xf32>
        tpu.vector_store %arg14[%swap3A_422, %swap3A_423], %swap3A_426 {add = true, strides = array<i32>} : memref<16x1024xf32, #tpu.memory_space<vmem>>, vector<1x16xf32>,
        %get3A_427 = arith.index_cast %scan3A_59 : i32 to index
        %get3A_428 = arith.constant 656 : index
        %get3A_429 = tpu.vector_load %arg13[%get3A_427, %get3A_428] {strides = array<i32>} : memref<16x1024xf32, #tpu.memory_space<vmem>>, vector<1x16xf32>,
        %get3A_430 = vector.shape_cast %get3A_429 : vector<1x16xf32> to vector<16xf32>
        %swap3A_431 = arith.index_cast %scan3A_59 : i32 to index
        %swap3A_432 = arith.constant 656 : index
        %swap3A_433 = tpu.vector_load %arg14[%swap3A_431, %swap3A_432] {strides = array<i32>} : memref<16x1024xf32, #tpu.memory_space<vmem>>, vector<1x16xf32>,
        %swap3A_434 = vector.shape_cast %swap3A_433 : vector<1x16xf32> to vector<16xf32>
        %swap3A_435 = vector.shape_cast %get3A_430 : vector<16xf32> to vector<1x16xf32>
        tpu.vector_store %arg14[%swap3A_431, %swap3A_432], %swap3A_435 {add = true, strides = array<i32>} : memref<16x1024xf32, #tpu.memory_space<vmem>>, vector<1x16xf32>,
        %get3A_436 = arith.index_cast %scan3A_59 : i32 to index
        %get3A_437 = arith.constant 672 : index
        %get3A_438 = tpu.vector_load %arg13[%get3A_436, %get3A_437] {strides = array<i32>} : memref<16x1024xf32, #tpu.memory_space<vmem>>, vector<1x16xf32>,
        %get3A_439 = vector.shape_cast %get3A_438 : vector<1x16xf32> to vector<16xf32>
        %swap3A_440 = arith.index_cast %scan3A_59 : i32 to index
        %swap3A_441 = arith.constant 672 : index
        %swap3A_442 = tpu.vector_load %arg14[%swap3A_440, %swap3A_441] {strides = array<i32>} : memref<16x1024xf32, #tpu.memory_space<vmem>>, vector<1x16xf32>,
        %swap3A_443 = vector.shape_cast %swap3A_442 : vector<1x16xf32> to vector<16xf32>
        %swap3A_444 = vector.shape_cast %get3A_439 : vector<16xf32> to vector<1x16xf32>
        tpu.vector_store %arg14[%swap3A_440, %swap3A_441], %swap3A_444 {add = true, strides = array<i32>} : memref<16x1024xf32, #tpu.memory_space<vmem>>, vector<1x16xf32>,
        %get3A_445 = arith.index_cast %scan3A_59 : i32 to index
        %get3A_446 = arith.constant 688 : index
        %get3A_447 = tpu.vector_load %arg13[%get3A_445, %get3A_446] {strides = array<i32>} : memref<16x1024xf32, #tpu.memory_space<vmem>>, vector<1x16xf32>,
        %get3A_448 = vector.shape_cast %get3A_447 : vector<1x16xf32> to vector<16xf32>
        %swap3A_449 = arith.index_cast %scan3A_59 : i32 to index
        %swap3A_450 = arith.constant 688 : index
        %swap3A_451 = tpu.vector_load %arg14[%swap3A_449, %swap3A_450] {strides = array<i32>} : memref<16x1024xf32, #tpu.memory_space<vmem>>, vector<1x16xf32>,
        %swap3A_452 = vector.shape_cast %swap3A_451 : vector<1x16xf32> to vector<16xf32>
        %swap3A_453 = vector.shape_cast %get3A_448 : vector<16xf32> to vector<1x16xf32>
        tpu.vector_store %arg14[%swap3A_449, %swap3A_450], %swap3A_453 {add = true, strides = array<i32>} : memref<16x1024xf32, #tpu.memory_space<vmem>>, vector<1x16xf32>,
        %get3A_454 = arith.index_cast %scan3A_59 : i32 to index
        %get3A_455 = arith.constant 704 : index
        %get3A_456 = tpu.vector_load %arg13[%get3A_454, %get3A_455] {strides = array<i32>} : memref<16x1024xf32, #tpu.memory_space<vmem>>, vector<1x16xf32>,
        %get3A_457 = vector.shape_cast %get3A_456 : vector<1x16xf32> to vector<16xf32>
        %swap3A_458 = arith.index_cast %scan3A_59 : i32 to index
        %swap3A_459 = arith.constant 704 : index
        %swap3A_460 = tpu.vector_load %arg14[%swap3A_458, %swap3A_459] {strides = array<i32>} : memref<16x1024xf32, #tpu.memory_space<vmem>>, vector<1x16xf32>,
        %swap3A_461 = vector.shape_cast %swap3A_460 : vector<1x16xf32> to vector<16xf32>
        %swap3A_462 = vector.shape_cast %get3A_457 : vector<16xf32> to vector<1x16xf32>
        tpu.vector_store %arg14[%swap3A_458, %swap3A_459], %swap3A_462 {add = true, strides = array<i32>} : memref<16x1024xf32, #tpu.memory_space<vmem>>, vector<1x16xf32>,
        %get3A_463 = arith.index_cast %scan3A_59 : i32 to index
        %get3A_464 = arith.constant 720 : index
        %get3A_465 = tpu.vector_load %arg13[%get3A_463, %get3A_464] {strides = array<i32>} : memref<16x1024xf32, #tpu.memory_space<vmem>>, vector<1x16xf32>,
        %get3A_466 = vector.shape_cast %get3A_465 : vector<1x16xf32> to vector<16xf32>
        %swap3A_467 = arith.index_cast %scan3A_59 : i32 to index
        %swap3A_468 = arith.constant 720 : index
        %swap3A_469 = tpu.vector_load %arg14[%swap3A_467, %swap3A_468] {strides = array<i32>} : memref<16x1024xf32, #tpu.memory_space<vmem>>, vector<1x16xf32>,
        %swap3A_470 = vector.shape_cast %swap3A_469 : vector<1x16xf32> to vector<16xf32>
        %swap3A_471 = vector.shape_cast %get3A_466 : vector<16xf32> to vector<1x16xf32>
        tpu.vector_store %arg14[%swap3A_467, %swap3A_468], %swap3A_471 {add = true, strides = array<i32>} : memref<16x1024xf32, #tpu.memory_space<vmem>>, vector<1x16xf32>,
        %get3A_472 = arith.index_cast %scan3A_59 : i32 to index
        %get3A_473 = arith.constant 736 : index
        %get3A_474 = tpu.vector_load %arg13[%get3A_472, %get3A_473] {strides = array<i32>} : memref<16x1024xf32, #tpu.memory_space<vmem>>, vector<1x16xf32>,
        %get3A_475 = vector.shape_cast %get3A_474 : vector<1x16xf32> to vector<16xf32>
        %swap3A_476 = arith.index_cast %scan3A_59 : i32 to index
        %swap3A_477 = arith.constant 736 : index
        %swap3A_478 = tpu.vector_load %arg14[%swap3A_476, %swap3A_477] {strides = array<i32>} : memref<16x1024xf32, #tpu.memory_space<vmem>>, vector<1x16xf32>,
        %swap3A_479 = vector.shape_cast %swap3A_478 : vector<1x16xf32> to vector<16xf32>
        %swap3A_480 = vector.shape_cast %get3A_475 : vector<16xf32> to vector<1x16xf32>
        tpu.vector_store %arg14[%swap3A_476, %swap3A_477], %swap3A_480 {add = true, strides = array<i32>} : memref<16x1024xf32, #tpu.memory_space<vmem>>, vector<1x16xf32>,
        %get3A_481 = arith.index_cast %scan3A_59 : i32 to index
        %get3A_482 = arith.constant 752 : index
        %get3A_483 = tpu.vector_load %arg13[%get3A_481, %get3A_482] {strides = array<i32>} : memref<16x1024xf32, #tpu.memory_space<vmem>>, vector<1x16xf32>,
        %get3A_484 = vector.shape_cast %get3A_483 : vector<1x16xf32> to vector<16xf32>
        %swap3A_485 = arith.index_cast %scan3A_59 : i32 to index
        %swap3A_486 = arith.constant 752 : index
        %swap3A_487 = tpu.vector_load %arg14[%swap3A_485, %swap3A_486] {strides = array<i32>} : memref<16x1024xf32, #tpu.memory_space<vmem>>, vector<1x16xf32>,
        %swap3A_488 = vector.shape_cast %swap3A_487 : vector<1x16xf32> to vector<16xf32>
        %swap3A_489 = vector.shape_cast %get3A_484 : vector<16xf32> to vector<1x16xf32>
        tpu.vector_store %arg14[%swap3A_485, %swap3A_486], %swap3A_489 {add = true, strides = array<i32>} : memref<16x1024xf32, #tpu.memory_space<vmem>>, vector<1x16xf32>,
        %get3A_490 = arith.index_cast %scan3A_59 : i32 to index
        %get3A_491 = arith.constant 768 : index
        %get3A_492 = tpu.vector_load %arg13[%get3A_490, %get3A_491] {strides = array<i32>} : memref<16x1024xf32, #tpu.memory_space<vmem>>, vector<1x16xf32>,
        %get3A_493 = vector.shape_cast %get3A_492 : vector<1x16xf32> to vector<16xf32>
        %swap3A_494 = arith.index_cast %scan3A_59 : i32 to index
        %swap3A_495 = arith.constant 768 : index
        %swap3A_496 = tpu.vector_load %arg14[%swap3A_494, %swap3A_495] {strides = array<i32>} : memref<16x1024xf32, #tpu.memory_space<vmem>>, vector<1x16xf32>,
        %swap3A_497 = vector.shape_cast %swap3A_496 : vector<1x16xf32> to vector<16xf32>
        %swap3A_498 = vector.shape_cast %get3A_493 : vector<16xf32> to vector<1x16xf32>
        tpu.vector_store %arg14[%swap3A_494, %swap3A_495], %swap3A_498 {add = true, strides = array<i32>} : memref<16x1024xf32, #tpu.memory_space<vmem>>, vector<1x16xf32>,
        %get3A_499 = arith.index_cast %scan3A_59 : i32 to index
        %get3A_500 = arith.constant 784 : index
        %get3A_501 = tpu.vector_load %arg13[%get3A_499, %get3A_500] {strides = array<i32>} : memref<16x1024xf32, #tpu.memory_space<vmem>>, vector<1x16xf32>,
        %get3A_502 = vector.shape_cast %get3A_501 : vector<1x16xf32> to vector<16xf32>
        %swap3A_503 = arith.index_cast %scan3A_59 : i32 to index
        %swap3A_504 = arith.constant 784 : index
        %swap3A_505 = tpu.vector_load %arg14[%swap3A_503, %swap3A_504] {strides = array<i32>} : memref<16x1024xf32, #tpu.memory_space<vmem>>, vector<1x16xf32>,
        %swap3A_506 = vector.shape_cast %swap3A_505 : vector<1x16xf32> to vector<16xf32>
        %swap3A_507 = vector.shape_cast %get3A_502 : vector<16xf32> to vector<1x16xf32>
        tpu.vector_store %arg14[%swap3A_503, %swap3A_504], %swap3A_507 {add = true, strides = array<i32>} : memref<16x1024xf32, #tpu.memory_space<vmem>>, vector<1x16xf32>,
        %get3A_508 = arith.index_cast %scan3A_59 : i32 to index
        %get3A_509 = arith.constant 800 : index
        %get3A_510 = tpu.vector_load %arg13[%get3A_508, %get3A_509] {strides = array<i32>} : memref<16x1024xf32, #tpu.memory_space<vmem>>, vector<1x16xf32>,
        %get3A_511 = vector.shape_cast %get3A_510 : vector<1x16xf32> to vector<16xf32>
        %swap3A_512 = arith.index_cast %scan3A_59 : i32 to index
        %swap3A_513 = arith.constant 800 : index
        %swap3A_514 = tpu.vector_load %arg14[%swap3A_512, %swap3A_513] {strides = array<i32>} : memref<16x1024xf32, #tpu.memory_space<vmem>>, vector<1x16xf32>,
        %swap3A_515 = vector.shape_cast %swap3A_514 : vector<1x16xf32> to vector<16xf32>
        %swap3A_516 = vector.shape_cast %get3A_511 : vector<16xf32> to vector<1x16xf32>
        tpu.vector_store %arg14[%swap3A_512, %swap3A_513], %swap3A_516 {add = true, strides = array<i32>} : memref<16x1024xf32, #tpu.memory_space<vmem>>, vector<1x16xf32>,
        %get3A_517 = arith.index_cast %scan3A_59 : i32 to index
        %get3A_518 = arith.constant 816 : index
        %get3A_519 = tpu.vector_load %arg13[%get3A_517, %get3A_518] {strides = array<i32>} : memref<16x1024xf32, #tpu.memory_space<vmem>>, vector<1x16xf32>,
        %get3A_520 = vector.shape_cast %get3A_519 : vector<1x16xf32> to vector<16xf32>
        %swap3A_521 = arith.index_cast %scan3A_59 : i32 to index
        %swap3A_522 = arith.constant 816 : index
        %swap3A_523 = tpu.vector_load %arg14[%swap3A_521, %swap3A_522] {strides = array<i32>} : memref<16x1024xf32, #tpu.memory_space<vmem>>, vector<1x16xf32>,
        %swap3A_524 = vector.shape_cast %swap3A_523 : vector<1x16xf32> to vector<16xf32>
        %swap3A_525 = vector.shape_cast %get3A_520 : vector<16xf32> to vector<1x16xf32>
        tpu.vector_store %arg14[%swap3A_521, %swap3A_522], %swap3A_525 {add = true, strides = array<i32>} : memref<16x1024xf32, #tpu.memory_space<vmem>>, vector<1x16xf32>,
        %get3A_526 = arith.index_cast %scan3A_59 : i32 to index
        %get3A_527 = arith.constant 832 : index
        %get3A_528 = tpu.vector_load %arg13[%get3A_526, %get3A_527] {strides = array<i32>} : memref<16x1024xf32, #tpu.memory_space<vmem>>, vector<1x16xf32>,
        %get3A_529 = vector.shape_cast %get3A_528 : vector<1x16xf32> to vector<16xf32>
        %swap3A_530 = arith.index_cast %scan3A_59 : i32 to index
        %swap3A_531 = arith.constant 832 : index
        %swap3A_532 = tpu.vector_load %arg14[%swap3A_530, %swap3A_531] {strides = array<i32>} : memref<16x1024xf32, #tpu.memory_space<vmem>>, vector<1x16xf32>,
        %swap3A_533 = vector.shape_cast %swap3A_532 : vector<1x16xf32> to vector<16xf32>
        %swap3A_534 = vector.shape_cast %get3A_529 : vector<16xf32> to vector<1x16xf32>
        tpu.vector_store %arg14[%swap3A_530, %swap3A_531], %swap3A_534 {add = true, strides = array<i32>} : memref<16x1024xf32, #tpu.memory_space<vmem>>, vector<1x16xf32>,
        %get3A_535 = arith.index_cast %scan3A_59 : i32 to index
        %get3A_536 = arith.constant 848 : index
        %get3A_537 = tpu.vector_load %arg13[%get3A_535, %get3A_536] {strides = array<i32>} : memref<16x1024xf32, #tpu.memory_space<vmem>>, vector<1x16xf32>,
        %get3A_538 = vector.shape_cast %get3A_537 : vector<1x16xf32> to vector<16xf32>
        %swap3A_539 = arith.index_cast %scan3A_59 : i32 to index
        %swap3A_540 = arith.constant 848 : index
        %swap3A_541 = tpu.vector_load %arg14[%swap3A_539, %swap3A_540] {strides = array<i32>} : memref<16x1024xf32, #tpu.memory_space<vmem>>, vector<1x16xf32>,
        %swap3A_542 = vector.shape_cast %swap3A_541 : vector<1x16xf32> to vector<16xf32>
        %swap3A_543 = vector.shape_cast %get3A_538 : vector<16xf32> to vector<1x16xf32>
        tpu.vector_store %arg14[%swap3A_539, %swap3A_540], %swap3A_543 {add = true, strides = array<i32>} : memref<16x1024xf32, #tpu.memory_space<vmem>>, vector<1x16xf32>,
        %get3A_544 = arith.index_cast %scan3A_59 : i32 to index
        %get3A_545 = arith.constant 864 : index
        %get3A_546 = tpu.vector_load %arg13[%get3A_544, %get3A_545] {strides = array<i32>} : memref<16x1024xf32, #tpu.memory_space<vmem>>, vector<1x16xf32>,
        %get3A_547 = vector.shape_cast %get3A_546 : vector<1x16xf32> to vector<16xf32>
        %swap3A_548 = arith.index_cast %scan3A_59 : i32 to index
        %swap3A_549 = arith.constant 864 : index
        %swap3A_550 = tpu.vector_load %arg14[%swap3A_548, %swap3A_549] {strides = array<i32>} : memref<16x1024xf32, #tpu.memory_space<vmem>>, vector<1x16xf32>,
        %swap3A_551 = vector.shape_cast %swap3A_550 : vector<1x16xf32> to vector<16xf32>
        %swap3A_552 = vector.shape_cast %get3A_547 : vector<16xf32> to vector<1x16xf32>
        tpu.vector_store %arg14[%swap3A_548, %swap3A_549], %swap3A_552 {add = true, strides = array<i32>} : memref<16x1024xf32, #tpu.memory_space<vmem>>, vector<1x16xf32>,
        %get3A_553 = arith.index_cast %scan3A_59 : i32 to index
        %get3A_554 = arith.constant 880 : index
        %get3A_555 = tpu.vector_load %arg13[%get3A_553, %get3A_554] {strides = array<i32>} : memref<16x1024xf32, #tpu.memory_space<vmem>>, vector<1x16xf32>,
        %get3A_556 = vector.shape_cast %get3A_555 : vector<1x16xf32> to vector<16xf32>
        %swap3A_557 = arith.index_cast %scan3A_59 : i32 to index
        %swap3A_558 = arith.constant 880 : index
        %swap3A_559 = tpu.vector_load %arg14[%swap3A_557, %swap3A_558] {strides = array<i32>} : memref<16x1024xf32, #tpu.memory_space<vmem>>, vector<1x16xf32>,
        %swap3A_560 = vector.shape_cast %swap3A_559 : vector<1x16xf32> to vector<16xf32>
        %swap3A_561 = vector.shape_cast %get3A_556 : vector<16xf32> to vector<1x16xf32>
        tpu.vector_store %arg14[%swap3A_557, %swap3A_558], %swap3A_561 {add = true, strides = array<i32>} : memref<16x1024xf32, #tpu.memory_space<vmem>>, vector<1x16xf32>,
        %get3A_562 = arith.index_cast %scan3A_59 : i32 to index
        %get3A_563 = arith.constant 896 : index
        %get3A_564 = tpu.vector_load %arg13[%get3A_562, %get3A_563] {strides = array<i32>} : memref<16x1024xf32, #tpu.memory_space<vmem>>, vector<1x16xf32>,
        %get3A_565 = vector.shape_cast %get3A_564 : vector<1x16xf32> to vector<16xf32>
        %swap3A_566 = arith.index_cast %scan3A_59 : i32 to index
        %swap3A_567 = arith.constant 896 : index
        %swap3A_568 = tpu.vector_load %arg14[%swap3A_566, %swap3A_567] {strides = array<i32>} : memref<16x1024xf32, #tpu.memory_space<vmem>>, vector<1x16xf32>,
        %swap3A_569 = vector.shape_cast %swap3A_568 : vector<1x16xf32> to vector<16xf32>
        %swap3A_570 = vector.shape_cast %get3A_565 : vector<16xf32> to vector<1x16xf32>
        tpu.vector_store %arg14[%swap3A_566, %swap3A_567], %swap3A_570 {add = true, strides = array<i32>} : memref<16x1024xf32, #tpu.memory_space<vmem>>, vector<1x16xf32>,
        %get3A_571 = arith.index_cast %scan3A_59 : i32 to index
        %get3A_572 = arith.constant 912 : index
        %get3A_573 = tpu.vector_load %arg13[%get3A_571, %get3A_572] {strides = array<i32>} : memref<16x1024xf32, #tpu.memory_space<vmem>>, vector<1x16xf32>,
        %get3A_574 = vector.shape_cast %get3A_573 : vector<1x16xf32> to vector<16xf32>
        %swap3A_575 = arith.index_cast %scan3A_59 : i32 to index
        %swap3A_576 = arith.constant 912 : index
        %swap3A_577 = tpu.vector_load %arg14[%swap3A_575, %swap3A_576] {strides = array<i32>} : memref<16x1024xf32, #tpu.memory_space<vmem>>, vector<1x16xf32>,
        %swap3A_578 = vector.shape_cast %swap3A_577 : vector<1x16xf32> to vector<16xf32>
        %swap3A_579 = vector.shape_cast %get3A_574 : vector<16xf32> to vector<1x16xf32>
        tpu.vector_store %arg14[%swap3A_575, %swap3A_576], %swap3A_579 {add = true, strides = array<i32>} : memref<16x1024xf32, #tpu.memory_space<vmem>>, vector<1x16xf32>,
        %get3A_580 = arith.index_cast %scan3A_59 : i32 to index
        %get3A_581 = arith.constant 928 : index
        %get3A_582 = tpu.vector_load %arg13[%get3A_580, %get3A_581] {strides = array<i32>} : memref<16x1024xf32, #tpu.memory_space<vmem>>, vector<1x16xf32>,
        %get3A_583 = vector.shape_cast %get3A_582 : vector<1x16xf32> to vector<16xf32>
        %swap3A_584 = arith.index_cast %scan3A_59 : i32 to index
        %swap3A_585 = arith.constant 928 : index
        %swap3A_586 = tpu.vector_load %arg14[%swap3A_584, %swap3A_585] {strides = array<i32>} : memref<16x1024xf32, #tpu.memory_space<vmem>>, vector<1x16xf32>,
        %swap3A_587 = vector.shape_cast %swap3A_586 : vector<1x16xf32> to vector<16xf32>
        %swap3A_588 = vector.shape_cast %get3A_583 : vector<16xf32> to vector<1x16xf32>
        tpu.vector_store %arg14[%swap3A_584, %swap3A_585], %swap3A_588 {add = true, strides = array<i32>} : memref<16x1024xf32, #tpu.memory_space<vmem>>, vector<1x16xf32>,
        %get3A_589 = arith.index_cast %scan3A_59 : i32 to index
        %get3A_590 = arith.constant 944 : index
        %get3A_591 = tpu.vector_load %arg13[%get3A_589, %get3A_590] {strides = array<i32>} : memref<16x1024xf32, #tpu.memory_space<vmem>>, vector<1x16xf32>,
        %get3A_592 = vector.shape_cast %get3A_591 : vector<1x16xf32> to vector<16xf32>
        %swap3A_593 = arith.index_cast %scan3A_59 : i32 to index
        %swap3A_594 = arith.constant 944 : index
        %swap3A_595 = tpu.vector_load %arg14[%swap3A_593, %swap3A_594] {strides = array<i32>} : memref<16x1024xf32, #tpu.memory_space<vmem>>, vector<1x16xf32>,
        %swap3A_596 = vector.shape_cast %swap3A_595 : vector<1x16xf32> to vector<16xf32>
        %swap3A_597 = vector.shape_cast %get3A_592 : vector<16xf32> to vector<1x16xf32>
        tpu.vector_store %arg14[%swap3A_593, %swap3A_594], %swap3A_597 {add = true, strides = array<i32>} : memref<16x1024xf32, #tpu.memory_space<vmem>>, vector<1x16xf32>,
        %get3A_598 = arith.index_cast %scan3A_59 : i32 to index
        %get3A_599 = arith.constant 960 : index
        %get3A_600 = tpu.vector_load %arg13[%get3A_598, %get3A_599] {strides = array<i32>} : memref<16x1024xf32, #tpu.memory_space<vmem>>, vector<1x16xf32>,
        %get3A_601 = vector.shape_cast %get3A_600 : vector<1x16xf32> to vector<16xf32>
        %swap3A_602 = arith.index_cast %scan3A_59 : i32 to index
        %swap3A_603 = arith.constant 960 : index
        %swap3A_604 = tpu.vector_load %arg14[%swap3A_602, %swap3A_603] {strides = array<i32>} : memref<16x1024xf32, #tpu.memory_space<vmem>>, vector<1x16xf32>,
        %swap3A_605 = vector.shape_cast %swap3A_604 : vector<1x16xf32> to vector<16xf32>
        %swap3A_606 = vector.shape_cast %get3A_601 : vector<16xf32> to vector<1x16xf32>
        tpu.vector_store %arg14[%swap3A_602, %swap3A_603], %swap3A_606 {add = true, strides = array<i32>} : memref<16x1024xf32, #tpu.memory_space<vmem>>, vector<1x16xf32>,
        %get3A_607 = arith.index_cast %scan3A_59 : i32 to index
        %get3A_608 = arith.constant 976 : index
        %get3A_609 = tpu.vector_load %arg13[%get3A_607, %get3A_608] {strides = array<i32>} : memref<16x1024xf32, #tpu.memory_space<vmem>>, vector<1x16xf32>,
        %get3A_610 = vector.shape_cast %get3A_609 : vector<1x16xf32> to vector<16xf32>
        %swap3A_611 = arith.index_cast %scan3A_59 : i32 to index
        %swap3A_612 = arith.constant 976 : index
        %swap3A_613 = tpu.vector_load %arg14[%swap3A_611, %swap3A_612] {strides = array<i32>} : memref<16x1024xf32, #tpu.memory_space<vmem>>, vector<1x16xf32>,
        %swap3A_614 = vector.shape_cast %swap3A_613 : vector<1x16xf32> to vector<16xf32>
        %swap3A_615 = vector.shape_cast %get3A_610 : vector<16xf32> to vector<1x16xf32>
        tpu.vector_store %arg14[%swap3A_611, %swap3A_612], %swap3A_615 {add = true, strides = array<i32>} : memref<16x1024xf32, #tpu.memory_space<vmem>>, vector<1x16xf32>,
        %get3A_616 = arith.index_cast %scan3A_59 : i32 to index
        %get3A_617 = arith.constant 992 : index
        %get3A_618 = tpu.vector_load %arg13[%get3A_616, %get3A_617] {strides = array<i32>} : memref<16x1024xf32, #tpu.memory_space<vmem>>, vector<1x16xf32>,
        %get3A_619 = vector.shape_cast %get3A_618 : vector<1x16xf32> to vector<16xf32>
        %swap3A_620 = arith.index_cast %scan3A_59 : i32 to index
        %swap3A_621 = arith.constant 992 : index
        %swap3A_622 = tpu.vector_load %arg14[%swap3A_620, %swap3A_621] {strides = array<i32>} : memref<16x1024xf32, #tpu.memory_space<vmem>>, vector<1x16xf32>,
        %swap3A_623 = vector.shape_cast %swap3A_622 : vector<1x16xf32> to vector<16xf32>
        %swap3A_624 = vector.shape_cast %get3A_619 : vector<16xf32> to vector<1x16xf32>
        tpu.vector_store %arg14[%swap3A_620, %swap3A_621], %swap3A_624 {add = true, strides = array<i32>} : memref<16x1024xf32, #tpu.memory_space<vmem>>, vector<1x16xf32>,
        %get3A_625 = arith.index_cast %scan3A_59 : i32 to index
        %get3A_626 = arith.constant 1008 : index
        %get3A_627 = tpu.vector_load %arg13[%get3A_625, %get3A_626] {strides = array<i32>} : memref<16x1024xf32, #tpu.memory_space<vmem>>, vector<1x16xf32>,
        %get3A_628 = vector.shape_cast %get3A_627 : vector<1x16xf32> to vector<16xf32>
        %swap3A_629 = arith.index_cast %scan3A_59 : i32 to index
        %swap3A_630 = arith.constant 1008 : index
        %swap3A_631 = tpu.vector_load %arg14[%swap3A_629, %swap3A_630] {strides = array<i32>} : memref<16x1024xf32, #tpu.memory_space<vmem>>, vector<1x16xf32>,
        %swap3A_632 = vector.shape_cast %swap3A_631 : vector<1x16xf32> to vector<16xf32>
        %swap3A_633 = vector.shape_cast %get3A_628 : vector<16xf32> to vector<1x16xf32>
        tpu.vector_store %arg14[%swap3A_629, %swap3A_630], %swap3A_633 {add = true, strides = array<i32>} : memref<16x1024xf32, #tpu.memory_space<vmem>>, vector<1x16xf32>,
      }
      %scan3A_56 = arith.constant 16 : i32
      %sub3A_57 = arith.constant 8192 : i32
      %sub3A_58 = arith.subi %add3A_22, %sub3A_57 : i32
      "tpu.region"() ({
        %run_scoped3A = tpu.sem_alloc : memref<!tpu.dma_semaphore, #tpu.memory_space<semaphore_mem>>
        %dma_start3A_59 = arith.constant 0 : i32
        %dma_start3A_60 = tpu.memref_slice %arg6[%sub3A_58, %dma_start3A_59] : memref<8192x1024xf32, #tpu.memory_space<hbm>> -> memref<16x1024xf32, #tpu.memory_space<hbm>>
        %dma_start3A_61 = arith.constant 0 : i32
        %dma_start3A_62 = tpu.memref_slice %arg6[%sub3A_58, %dma_start3A_61] : memref<8192x1024xf32, #tpu.memory_space<hbm>> -> memref<16x1024xf32, #tpu.memory_space<hbm>>
        tpu.enqueue_dma source(%arg14 : memref<16x1024xf32, #tpu.memory_space<vmem>>) target(%dma_start3A_62 : memref<16x1024xf32, #tpu.memory_space<hbm>>) target_semaphore(%run_scoped3A : memref<!tpu.dma_semaphore, #tpu.memory_space<semaphore_mem>>)
        %dma_wait3A_63 = arith.constant 0 : i32
        %dma_wait3A_64 = tpu.memref_slice %arg6[%sub3A_58, %dma_wait3A_63] : memref<8192x1024xf32, #tpu.memory_space<hbm>> -> memref<16x1024xf32, #tpu.memory_space<hbm>>
        %dma_wait3A_65 = arith.constant 0 : i32
        %dma_wait3A_66 = tpu.memref_slice %arg6[%sub3A_58, %dma_wait3A_65] : memref<8192x1024xf32, #tpu.memory_space<hbm>> -> memref<16x1024xf32, #tpu.memory_space<hbm>>
        tpu.wait_dma2 semaphore(%run_scoped3A : memref<!tpu.dma_semaphore, #tpu.memory_space<semaphore_mem>>) src(%arg14 : memref<16x1024xf32, #tpu.memory_space<vmem>>) dst(%dma_wait3A_66 : memref<16x1024xf32, #tpu.memory_space<hbm>>)
        tpu.yield
      }) : () -> ()
    }
    %scan3A_14 = arith.constant 8 : i32
    return
  }
}

module attributes {stable_mosaic.version = 14 : i64} {
  func.func @_temb_body(%arg0: memref<8x128xf32, #tpu.memory_space<vmem>>, %arg1: memref<256x1024xf32, #tpu.memory_space<vmem>>, %arg2: memref<1x1024xf32, #tpu.memory_space<vmem>>, %arg3: memref<1024x1024xf32, #tpu.memory_space<vmem>>, %arg4: memref<1x1024xf32, #tpu.memory_space<vmem>>, %arg5: memref<8x1024xf32, #tpu.memory_space<vmem>>) attributes {dimension_semantics = [], scalar_prefetch = 0 : i64, scratch_operands = 0 : i64, tpu.core_type = #tpu.core_type<tc>} {
    %get3A = arith.constant 0 : index
    %get3A_0 = arith.constant 0 : index
    %get3A_1 = vector.load %arg0[%get3A, %get3A_0] : memref<8x128xf32, #tpu.memory_space<vmem>>, vector<8x128xf32>
    %cos3A = math.cos %get3A_1 : vector<8x128xf32>
    %sin3A = math.sin %get3A_1 : vector<8x128xf32>
    %concatenate3A = tpu.concatenate %cos3A, %sin3A in 1 : vector<8x128xf32>, vector<8x128xf32> -> vector<8x256xf32>
    %get3A_2 = arith.constant 0 : index
    %get3A_3 = arith.constant 0 : index
    %get3A_4 = vector.load %arg1[%get3A_2, %get3A_3] : memref<256x1024xf32, #tpu.memory_space<vmem>>, vector<256x1024xf32>
    %dot_general3A = arith.constant dense<0.000000e+00> : vector<8x1024xf32>
    %dot_general3A_5 = tpu.matmul %concatenate3A, %get3A_4, %dot_general3A {dimension_numbers = #tpu.dot_dimension_numbers<[1], [0], [0], [1], [0, 0, 1, 1], [], []>, precision = #tpu.contract_precision<fp32>, transpose_lhs_hint = false} : vector<8x256xf32>, vector<256x1024xf32>, vector<8x1024xf32> -> vector<8x1024xf32>
    %get3A_6 = arith.constant 0 : index
    %get3A_7 = arith.constant 0 : index
    %get3A_8 = vector.load %arg2[%get3A_6, %get3A_7] : memref<1x1024xf32, #tpu.memory_space<vmem>>, vector<1x1024xf32>
    %add3A = vector.broadcast %get3A_8 : vector<1x1024xf32> to vector<8x1024xf32>
    %add3A_9 = arith.addf %dot_general3A_5, %add3A : vector<8x1024xf32>
    %logistic3A = arith.negf %add3A_9 : vector<8x1024xf32>
    %logistic3A_10 = math.exp %logistic3A : vector<8x1024xf32>
    %logistic3A_11 = arith.constant 1.000000e+00 : f32
    %logistic3A_12 = vector.broadcast %logistic3A_11 : f32 to vector<8x1024xf32>
    %logistic3A_13 = arith.addf %logistic3A_12, %logistic3A_10 : vector<8x1024xf32>
    %logistic3A_14 = arith.divf %logistic3A_12, %logistic3A_13 : vector<8x1024xf32>
    %mul3A = arith.mulf %add3A_9, %logistic3A_14 : vector<8x1024xf32>
    %get3A_15 = arith.constant 0 : index
    %get3A_16 = arith.constant 0 : index
    %get3A_17 = vector.load %arg3[%get3A_15, %get3A_16] : memref<1024x1024xf32, #tpu.memory_space<vmem>>, vector<1024x1024xf32>
    %dot_general3A_18 = arith.constant dense<0.000000e+00> : vector<8x1024xf32>
    %dot_general3A_19 = tpu.matmul %mul3A, %get3A_17, %dot_general3A_18 {dimension_numbers = #tpu.dot_dimension_numbers<[1], [0], [0], [1], [0, 0, 1, 1], [], []>, precision = #tpu.contract_precision<fp32>, transpose_lhs_hint = false} : vector<8x1024xf32>, vector<1024x1024xf32>, vector<8x1024xf32> -> vector<8x1024xf32>
    %get3A_20 = arith.constant 0 : index
    %get3A_21 = arith.constant 0 : index
    %get3A_22 = vector.load %arg4[%get3A_20, %get3A_21] : memref<1x1024xf32, #tpu.memory_space<vmem>>, vector<1x1024xf32>
    %add3A_23 = vector.broadcast %get3A_22 : vector<1x1024xf32> to vector<8x1024xf32>
    %add3A_24 = arith.addf %dot_general3A_19, %add3A_23 : vector<8x1024xf32>
    %swap3A = arith.constant 0 : index
    %swap3A_25 = arith.constant 0 : index
    %swap3A_26 = vector.load %arg5[%swap3A, %swap3A_25] : memref<8x1024xf32, #tpu.memory_space<vmem>>, vector<8x1024xf32>
    tpu.vector_store %arg5[%swap3A, %swap3A_25], %add3A_24 {strides = array<i32>} : memref<8x1024xf32, #tpu.memory_space<vmem>>, vector<8x1024xf32>,
    return
  }
}

module attributes {stable_mosaic.version = 14 : i64} {
  func.func @_main_body(%arg0: i32, %arg1: memref<512x256xf32, #tpu.memory_space<vmem>>, %arg2: memref<256x1024xf32, #tpu.memory_space<vmem>>, %arg3: memref<1x1024xf32, #tpu.memory_space<vmem>>, %arg4: memref<1x1x1024xf32, #tpu.memory_space<vmem>>, %arg5: memref<512x1024xf32, #tpu.memory_space<vmem>>, %arg6: memref<512x1024xf32, #tpu.memory_space<vmem>>) attributes {dimension_semantics = [#tpu.dimension_semantics<arbitrary>], iteration_bounds = array<i64: 16>, scalar_prefetch = 0 : i64, scratch_operands = 0 : i64, tpu.core_type = #tpu.core_type<tc>, window_params = [{transform_indices = @transform_0, window_bounds = array<i64: 512, 256>}, {pipeline_mode = #tpu.pipeline_mode<synchronous>, transform_indices = @transform_1, window_bounds = array<i64: 256, 1024>}, {pipeline_mode = #tpu.pipeline_mode<synchronous>, transform_indices = @transform_2, window_bounds = array<i64: 1, 1024>}, {transform_indices = @transform_3, window_bounds = array<i64: 1, 1, 1024>}, {transform_indices = @transform_4, window_bounds = array<i64: 512, 1024>}, {transform_indices = @transform_5, window_bounds = array<i64: 512, 1024>}]} {
    %get3A = arith.constant 0 : index
    %get3A_0 = arith.constant 0 : index
    %get3A_1 = vector.load %arg1[%get3A, %get3A_0] : memref<512x256xf32, #tpu.memory_space<vmem>>, vector<512x256xf32>
    %get3A_2 = arith.constant 0 : index
    %get3A_3 = arith.constant 0 : index
    %get3A_4 = vector.load %arg2[%get3A_2, %get3A_3] : memref<256x1024xf32, #tpu.memory_space<vmem>>, vector<256x1024xf32>
    %dot_general3A = arith.constant dense<0.000000e+00> : vector<512x1024xf32>
    %dot_general3A_5 = tpu.matmul %get3A_1, %get3A_4, %dot_general3A {dimension_numbers = #tpu.dot_dimension_numbers<[1], [0], [0], [1], [0, 0, 1, 1], [], []>, precision = #tpu.contract_precision<fp32>, transpose_lhs_hint = false} : vector<512x256xf32>, vector<256x1024xf32>, vector<512x1024xf32> -> vector<512x1024xf32>
    %get3A_6 = arith.constant 0 : index
    %get3A_7 = arith.constant 0 : index
    %get3A_8 = vector.load %arg3[%get3A_6, %get3A_7] : memref<1x1024xf32, #tpu.memory_space<vmem>>, vector<1x1024xf32>
    %add3A = vector.broadcast %get3A_8 : vector<1x1024xf32> to vector<512x1024xf32>
    %add3A_9 = arith.addf %dot_general3A_5, %add3A : vector<512x1024xf32>
    %get3A_10 = arith.constant 0 : index
    %get3A_11 = arith.constant 0 : index
    %get3A_12 = arith.constant 0 : index
    %get3A_13 = vector.load %arg4[%get3A_10, %get3A_11, %get3A_12] : memref<1x1x1024xf32, #tpu.memory_space<vmem>>, vector<1x1x1024xf32>
    %get3A_14 = vector.shape_cast %get3A_13 : vector<1x1x1024xf32> to vector<1x1024xf32>
    %add3A_15 = vector.broadcast %get3A_14 : vector<1x1024xf32> to vector<512x1024xf32>
    %add3A_16 = arith.addf %add3A_9, %add3A_15 : vector<512x1024xf32>
    %get3A_17 = arith.constant 0 : index
    %get3A_18 = arith.constant 0 : index
    %get3A_19 = vector.load %arg5[%get3A_17, %get3A_18] : memref<512x1024xf32, #tpu.memory_space<vmem>>, vector<512x1024xf32>
    %add3A_20 = arith.addf %add3A_16, %get3A_19 : vector<512x1024xf32>
    %swap3A = arith.constant 0 : index
    %swap3A_21 = arith.constant 0 : index
    %swap3A_22 = vector.load %arg6[%swap3A, %swap3A_21] : memref<512x1024xf32, #tpu.memory_space<vmem>>, vector<512x1024xf32>
    tpu.vector_store %arg6[%swap3A, %swap3A_21], %add3A_20 {strides = array<i32>} : memref<512x1024xf32, #tpu.memory_space<vmem>>, vector<512x1024xf32>,
    return
  }
  func.func @transform_0(%arg0: i32) -> (i32, i32) {
    %add3A = arith.constant 0 : i32
    %add3A_0 = arith.addi %add3A, %arg0 : i32
    %c0_i32 = arith.constant 0 : i32
    %c0_i32_1 = arith.constant 0 : i32
    return %add3A_0, %c0_i32 : i32, i32
  }
  func.func @transform_1(%arg0: i32) -> (i32, i32) {
    %c0_i32 = arith.constant 0 : i32
    %c0_i32_0 = arith.constant 0 : i32
    %c0_i32_1 = arith.constant 0 : i32
    return %c0_i32, %c0_i32_0 : i32, i32
  }
  func.func @transform_2(%arg0: i32) -> (i32, i32) {
    %c0_i32 = arith.constant 0 : i32
    %c0_i32_0 = arith.constant 0 : i32
    %c0_i32_1 = arith.constant 0 : i32
    return %c0_i32, %c0_i32_0 : i32, i32
  }
  func.func @transform_3(%arg0: i32) -> (i32, i32, i32) {
    %add3A = arith.constant 0 : i32
    %add3A_0 = arith.addi %add3A, %arg0 : i32
    %jit3A = arith.constant 4 : i32
    %div3A = arith.divsi %add3A_0, %jit3A : i32
    %sign3A = arith.constant 0 : i32
    %sign3A_1 = arith.cmpi sgt, %add3A_0, %sign3A : i32
    %sign3A_2 = arith.extui %sign3A_1 : i1 to i32
    %sign3A_3 = arith.constant 0 : i32
    %sign3A_4 = arith.cmpi slt, %add3A_0, %sign3A_3 : i32
    %sign3A_5 = arith.extui %sign3A_4 : i1 to i32
    %sign3A_6 = arith.subi %sign3A_2, %sign3A_5 : i32
    %sign3A_7 = arith.constant 0 : i32
    %sign3A_8 = arith.cmpi sgt, %jit3A, %sign3A_7 : i32
    %sign3A_9 = arith.extui %sign3A_8 : i1 to i32
    %sign3A_10 = arith.constant 0 : i32
    %sign3A_11 = arith.cmpi slt, %jit3A, %sign3A_10 : i32
    %sign3A_12 = arith.extui %sign3A_11 : i1 to i32
    %sign3A_13 = arith.subi %sign3A_9, %sign3A_12 : i32
    %ne3A = arith.cmpi ne, %sign3A_6, %sign3A_13 : i32
    %rem3A = arith.remsi %add3A_0, %jit3A : i32
    %ne3A_14 = arith.constant 0 : i32
    %ne3A_15 = arith.cmpi ne, %rem3A, %ne3A_14 : i32
    %and3A = arith.andi %ne3A, %ne3A_15 : i1
    %sub3A = arith.constant 1 : i32
    %sub3A_16 = arith.subi %div3A, %sub3A : i32
    %select_n3A = arith.select %and3A, %sub3A_16, %div3A : i32
    %c0_i32 = arith.constant 0 : i32
    %c0_i32_17 = arith.constant 0 : i32
    %c0_i32_18 = arith.constant 0 : i32
    return %select_n3A, %c0_i32, %c0_i32_17 : i32, i32, i32
  }
  func.func @transform_4(%arg0: i32) -> (i32, i32) {
    %c0_i32 = arith.constant 0 : i32
    %c0_i32_0 = arith.constant 0 : i32
    return %arg0, %c0_i32 : i32, i32
  }
  func.func @transform_5(%arg0: i32) -> (i32, i32) {
    %add3A = arith.constant 0 : i32
    %add3A_0 = arith.addi %add3A, %arg0 : i32
    %c0_i32 = arith.constant 0 : i32
    %c0_i32_1 = arith.constant 0 : i32
    return %add3A_0, %c0_i32 : i32, i32
  }
}

module attributes {stable_mosaic.version = 14 : i64} {
  func.func @_main_body(%arg0: i32, %arg1: memref<512x256xf32, #tpu.memory_space<vmem>>, %arg2: memref<256x1024xf32, #tpu.memory_space<vmem>>, %arg3: memref<1x1024xf32, #tpu.memory_space<vmem>>, %arg4: memref<1x1x1024xf32, #tpu.memory_space<vmem>>, %arg5: memref<512x1024xf32, #tpu.memory_space<vmem>>, %arg6: memref<16384x1024xf32, #tpu.memory_space<any>>, %arg7: memref<512x1024xf32, #tpu.memory_space<vmem>>) attributes {dimension_semantics = [#tpu.dimension_semantics<arbitrary>], iteration_bounds = array<i64: 16>, scalar_prefetch = 0 : i64, scratch_operands = 0 : i64, tpu.core_type = #tpu.core_type<tc>, window_params = [{transform_indices = @transform_0, window_bounds = array<i64: 512, 256>}, {pipeline_mode = #tpu.pipeline_mode<synchronous>, transform_indices = @transform_1, window_bounds = array<i64: 256, 1024>}, {pipeline_mode = #tpu.pipeline_mode<synchronous>, transform_indices = @transform_2, window_bounds = array<i64: 1, 1024>}, {transform_indices = @transform_3, window_bounds = array<i64: 1, 1, 1024>}, {transform_indices = @transform_4, window_bounds = array<i64: 512, 1024>}, {}, {transform_indices = @transform_6, window_bounds = array<i64: 512, 1024>}]} {
    %get3A = arith.constant 0 : index
    %get3A_0 = arith.constant 0 : index
    %get3A_1 = vector.load %arg1[%get3A, %get3A_0] : memref<512x256xf32, #tpu.memory_space<vmem>>, vector<512x256xf32>
    %get3A_2 = arith.constant 0 : index
    %get3A_3 = arith.constant 0 : index
    %get3A_4 = vector.load %arg2[%get3A_2, %get3A_3] : memref<256x1024xf32, #tpu.memory_space<vmem>>, vector<256x1024xf32>
    %dot_general3A = arith.constant dense<0.000000e+00> : vector<512x1024xf32>
    %dot_general3A_5 = tpu.matmul %get3A_1, %get3A_4, %dot_general3A {dimension_numbers = #tpu.dot_dimension_numbers<[1], [0], [0], [1], [0, 0, 1, 1], [], []>, precision = #tpu.contract_precision<fp32>, transpose_lhs_hint = false} : vector<512x256xf32>, vector<256x1024xf32>, vector<512x1024xf32> -> vector<512x1024xf32>
    %get3A_6 = arith.constant 0 : index
    %get3A_7 = arith.constant 0 : index
    %get3A_8 = vector.load %arg3[%get3A_6, %get3A_7] : memref<1x1024xf32, #tpu.memory_space<vmem>>, vector<1x1024xf32>
    %add3A = vector.broadcast %get3A_8 : vector<1x1024xf32> to vector<512x1024xf32>
    %add3A_9 = arith.addf %dot_general3A_5, %add3A : vector<512x1024xf32>
    %get3A_10 = arith.constant 0 : index
    %get3A_11 = arith.constant 0 : index
    %get3A_12 = arith.constant 0 : index
    %get3A_13 = vector.load %arg4[%get3A_10, %get3A_11, %get3A_12] : memref<1x1x1024xf32, #tpu.memory_space<vmem>>, vector<1x1x1024xf32>
    %get3A_14 = vector.shape_cast %get3A_13 : vector<1x1x1024xf32> to vector<1x1024xf32>
    %add3A_15 = vector.broadcast %get3A_14 : vector<1x1024xf32> to vector<512x1024xf32>
    %add3A_16 = arith.addf %add3A_9, %add3A_15 : vector<512x1024xf32>
    %get3A_17 = arith.constant 0 : index
    %get3A_18 = arith.constant 0 : index
    %get3A_19 = vector.load %arg5[%get3A_17, %get3A_18] : memref<512x1024xf32, #tpu.memory_space<vmem>>, vector<512x1024xf32>
    %add3A_20 = arith.addf %add3A_16, %get3A_19 : vector<512x1024xf32>
    %swap3A = arith.constant 0 : index
    %swap3A_21 = arith.constant 0 : index
    %swap3A_22 = vector.load %arg7[%swap3A, %swap3A_21] : memref<512x1024xf32, #tpu.memory_space<vmem>>, vector<512x1024xf32>
    tpu.vector_store %arg7[%swap3A, %swap3A_21], %add3A_20 {strides = array<i32>} : memref<512x1024xf32, #tpu.memory_space<vmem>>, vector<512x1024xf32>,
    return
  }
  func.func @transform_0(%arg0: i32) -> (i32, i32) {
    %add3A = arith.constant 16 : i32
    %add3A_0 = arith.addi %add3A, %arg0 : i32
    %c0_i32 = arith.constant 0 : i32
    %c0_i32_1 = arith.constant 0 : i32
    return %add3A_0, %c0_i32 : i32, i32
  }
  func.func @transform_1(%arg0: i32) -> (i32, i32) {
    %c0_i32 = arith.constant 0 : i32
    %c0_i32_0 = arith.constant 0 : i32
    %c0_i32_1 = arith.constant 0 : i32
    return %c0_i32, %c0_i32_0 : i32, i32
  }
  func.func @transform_2(%arg0: i32) -> (i32, i32) {
    %c0_i32 = arith.constant 0 : i32
    %c0_i32_0 = arith.constant 0 : i32
    %c0_i32_1 = arith.constant 0 : i32
    return %c0_i32, %c0_i32_0 : i32, i32
  }
  func.func @transform_3(%arg0: i32) -> (i32, i32, i32) {
    %add3A = arith.constant 16 : i32
    %add3A_0 = arith.addi %add3A, %arg0 : i32
    %jit3A = arith.constant 4 : i32
    %div3A = arith.divsi %add3A_0, %jit3A : i32
    %sign3A = arith.constant 0 : i32
    %sign3A_1 = arith.cmpi sgt, %add3A_0, %sign3A : i32
    %sign3A_2 = arith.extui %sign3A_1 : i1 to i32
    %sign3A_3 = arith.constant 0 : i32
    %sign3A_4 = arith.cmpi slt, %add3A_0, %sign3A_3 : i32
    %sign3A_5 = arith.extui %sign3A_4 : i1 to i32
    %sign3A_6 = arith.subi %sign3A_2, %sign3A_5 : i32
    %sign3A_7 = arith.constant 0 : i32
    %sign3A_8 = arith.cmpi sgt, %jit3A, %sign3A_7 : i32
    %sign3A_9 = arith.extui %sign3A_8 : i1 to i32
    %sign3A_10 = arith.constant 0 : i32
    %sign3A_11 = arith.cmpi slt, %jit3A, %sign3A_10 : i32
    %sign3A_12 = arith.extui %sign3A_11 : i1 to i32
    %sign3A_13 = arith.subi %sign3A_9, %sign3A_12 : i32
    %ne3A = arith.cmpi ne, %sign3A_6, %sign3A_13 : i32
    %rem3A = arith.remsi %add3A_0, %jit3A : i32
    %ne3A_14 = arith.constant 0 : i32
    %ne3A_15 = arith.cmpi ne, %rem3A, %ne3A_14 : i32
    %and3A = arith.andi %ne3A, %ne3A_15 : i1
    %sub3A = arith.constant 1 : i32
    %sub3A_16 = arith.subi %div3A, %sub3A : i32
    %select_n3A = arith.select %and3A, %sub3A_16, %div3A : i32
    %c0_i32 = arith.constant 0 : i32
    %c0_i32_17 = arith.constant 0 : i32
    %c0_i32_18 = arith.constant 0 : i32
    return %select_n3A, %c0_i32, %c0_i32_17 : i32, i32, i32
  }
  func.func @transform_4(%arg0: i32) -> (i32, i32) {
    %c0_i32 = arith.constant 0 : i32
    %c0_i32_0 = arith.constant 0 : i32
    return %arg0, %c0_i32 : i32, i32
  }
  func.func @transform_6(%arg0: i32) -> (i32, i32) {
    %add3A = arith.constant 16 : i32
    %add3A_0 = arith.addi %add3A, %arg0 : i32
    %c0_i32 = arith.constant 0 : i32
    %c0_i32_1 = arith.constant 0 : i32
    return %add3A_0, %c0_i32 : i32, i32
  }
}

</mosaic_0001>

<sc_bundles>
// kernel: kernel.10.cloned.1.call-start
scs
__scs_entry_jumppad:
0x0: {  	(pc) =	sbr.rel $0x88, $3  }
0x1: {  	(tag) =	ssettag $0x0;
	lr =	simm.s32 $0x1  }
0x2: {  	[smem:$0x3F96] =	sst lr;
	_ =	strace $0xD0000000  }
0x3: {  	_ = 	snop  }
0x4: {  	_ = 	snop  }
0x5: {  	_ = 	snop  }
0x6: {  	_ = 	snop  }
0x7: {  	_ = 	snop  }
__scs_overlays_trampoline_lowered:
0x8: {  	[smem:$0x3FA5] =	sst s0  }
0x9: {  	[smem:$0x3FA6] =	sst s1  }
0xa: {  	[smem:$0x3FA7] =	sst s2  }
0xb: {  	[smem:$0x3FA8] =	sst s3  }
0xc: {  	[smem:$0x3FA9] =	sst s4  }
0xd: {  	[smem:$0x3FAA] =	sst s5  }
0xe: {  	[smem:$0x3FAB] =	sst s6  }
0xf: {  	[smem:$0x3FAC] =	sst s7  }
0x10: {  	[smem:$0x3FAD] =	sst s8  }
0x11: {  	[smem:$0x3FAE] =	sst s9;
	s0 =	simm.s32 @!p0 $0x0  }
0x12: {  	s1 =	sld [smem:$0x3F94];
	s0 =	simm.s32 @p0 $0x1  }
0x13: {  	[smem:$0x3FAF] =	sst s0;
	s0 =	simm.s32 @!p1 $0x0  }
0x14: {  	s2 =	sld [smem:$0x3F93];
	s0 =	simm.s32 @p1 $0x1  }
0x15: {  	[smem:$0x3FB0] =	sst s0;
	s0 =	simm.s32 @!p2 $0x0  }
0x16: {  	s3 =	sld [smem:$0x3FDB];
	s0 =	simm.s32 @p2 $0x1  }
0x17: {  	s4 =	simm.s32 $0x1BF5;
	[smem:$0x3FB2] =	sst s0  }
0x18: {  	s0 =	sld [smem:$0x3F95];
	_ =	swait.ge [sflag:s4], $0x0  }
0x19: {  	s7 =	sld [smem:$0x3F96]  }
0x1a: {  	s8 =	sadd.s32 $0xFFFFE003, lr  }
0x1b: {  	s9 =	sadd.s32 $0xFFFFFEF7, lr;
	s5 =	simm.s32 $0xFFFFFFFF;
	p2 =	slt.u32 s8, $0xFFFFF086  }
0x1c: {  	p1 =	slt.u32 s9, $0xF7A;
	s5 =	simm.s32 @!p2 $0x0  }
0x1d: {  	s5 =	simm.s32 @p1 $0x1;
	p0 =	seq.s32 s7, s2  }
0x1e: {  	s7 =	smul.u32 @!p0 $0xF7A, s2;
	p2 =	seq.s32 @!p0 s5, $0x0  }
0x1f: {  	s9 =	smul.u32 $0xF7A, s1;
	s8 =	simm.s32 @!p0 $0x1BF5;
	p2 =	por !p2, p0  }
0x20: {  	[sflag:s8] =	ssyncset.s32 @!p0 $0xFFFFF086;
	s6 =	sadd.s32 @!p0 s3, s7;
	s7 =	simm.s32 @!p0 $0x108  }
0x21: {  	s3 =	sadd.s32 s3, s9;
	s6 =	sadd.s32 @!p0 $0x88, s6;
	s7 =	simm.s32 @p2 $0x1082  }
0x22: {  	[simem:s7], [sflag:s8] =	dma.local @!p0 [hbm:s6], $0xF7A  }
0x23: {  	s9 =	sor.u32 $0xD0000000, s2;
	s6 =	simm.s32 $0x108;
	_ =	swait.ge @!p0 [sflag:s8], $0x0  }
0x24: {  	s3 =	sadd.s32 $0x88, s3;
	s6 =	simm.s32 @!p1 $0x1082;
	[sflag:s4] =	ssyncset.s32 $0xFFFFF086  }
0x25: {  	[simem:s6], [sflag:s4] =	dma.local [hbm:s3], $0xF7A  }
0x26: {  	[smem:$0x3F96] =	sst s1;
	(tag) =	ssettag s2;
	_ =	strace s9  }
0x27: {  	s1 =	sld [smem:$0x3FA6]  }
0x28: {  	s2 =	sld [smem:$0x3FA7]  }
0x29: {  	s4 =	sld [smem:$0x3FA9]  }
0x2a: {  	p0 =	seq.s32 s5, $0x0;
	s5 =	sld [smem:$0x3FAA]  }
0x2b: {  	s6 =	sld [smem:$0x3FAB]  }
0x2c: {  	s7 =	sld [smem:$0x3FAC]  }
0x2d: {  	s3 =	simm.s32 $0x108;
	s8 =	sld [smem:$0x3FAD]  }
0x2e: {  	s3 =	simm.s32 @!p0 $0x1082;
	s9 =	sld [smem:$0x3FAE]  }
0x2f: {  	lr =	sadd.s32 s0, s3;
	s0 =	sld [smem:$0x3FA5]  }
0x30: {  	s3 =	sld [smem:$0x3FA8]  }
0x31: {  	[smem:$0x3FB1] =	sst s10  }
0x32: {  	s10 =	sld [smem:$0x3FAF];
	_ =	sdelay $0x3  }
0x33: {  	p0 =	seq.s32 s10, $0x1;
	s10 =	sld [smem:$0x3FB1];
	_ =	sdelay $0x3  }
0x34: {  	[smem:$0x3FB1] =	sst s10  }
0x35: {  	s10 =	sld [smem:$0x3FB0];
	_ =	sdelay $0x3  }
0x36: {  	p1 =	seq.s32 s10, $0x1;
	s10 =	sld [smem:$0x3FB1];
	_ =	sdelay $0x3  }
0x37: {  	[smem:$0x3FB1] =	sst s10  }
0x38: {  	s10 =	sld [smem:$0x3FB2]  }
0x39: {  	_ = 	snop;
	(pc) =	sbr.ind lr, $3  }
0x3a: {  	_ = 	snop  }
0x3b: {  	_ = 	snop  }
0x3c: {  	p2 =	seq.s32 s10, $0x1;
	s10 =	sld [smem:$0x3FB1]  }
0x3d: {  	_ =	shalt  }
0x3e: {  	_ =	shalt  }
0x3f: {  	_ =	shalt  }
0x40: {  	_ =	shalt  }
0x41: {  	_ =	shalt  }
0x42: {  	_ =	shalt  }
0x43: {  	_ =	shalt  }
0x44: {  	_ =	shalt  }
0x45: {  	_ =	shalt  }
0x46: {  	_ =	shalt  }
0x47: {  	_ =	shalt  }
0x48: {  	_ =	shalt  }
0x49: {  	_ =	shalt  }
0x4a: {  	_ =	shalt  }
0x4b: {  	_ =	shalt  }
0x4c: {  	_ =	shalt  }
0x4d: {  	_ =	shalt  }
0x4e: {  	_ =	shalt  }
0x4f: {  	_ =	shalt  }
0x50: {  	_ =	shalt  }
0x51: {  	_ =	shalt  }
0x52: {  	_ =	shalt  }
0x53: {  	_ =	shalt  }
0x54: {  	_ =	shalt  }
0x55: {  	_ =	shalt  }
0x56: {  	_ =	shalt  }
0x57: {  	_ =	shalt  }
0x58: {  	_ =	shalt  }
0x59: {  	_ =	shalt  }
0x5a: {  	_ =	shalt  }
0x5b: {  	_ =	shalt  }
0x5c: {  	_ =	shalt  }
0x5d: {  	_ =	shalt  }
0x5e: {  	_ =	shalt  }
0x5f: {  	_ =	shalt  }
0x60: {  	_ =	shalt  }
0x61: {  	_ =	shalt  }
0x62: {  	_ =	shalt  }
0x63: {  	_ =	shalt  }
0x64: {  	_ =	shalt  }
0x65: {  	_ =	shalt  }
0x66: {  	_ =	shalt  }
0x67: {  	_ =	shalt  }
0x68: {  	_ =	shalt  }
0x69: {  	_ =	shalt  }
0x6a: {  	_ =	shalt  }
0x6b: {  	_ =	shalt  }
0x6c: {  	_ =	shalt  }
0x6d: {  	_ =	shalt  }
0x6e: {  	_ =	shalt  }
0x6f: {  	_ =	shalt  }
0x70: {  	_ =	shalt  }
0x71: {  	_ =	shalt  }
0x72: {  	_ =	shalt  }
0x73: {  	_ =	shalt  }
0x74: {  	_ =	shalt  }
0x75: {  	_ =	shalt  }
0x76: {  	_ =	shalt  }
0x77: {  	_ =	shalt  }
0x78: {  	_ =	shalt  }
0x79: {  	_ =	shalt  }
0x7a: {  	_ =	shalt  }
0x7b: {  	_ =	shalt  }
0x7c: {  	_ =	shalt  }
0x7d: {  	_ =	shalt  }
0x7e: {  	_ =	shalt  }
0x7f: {  	_ =	shalt  }
0x80: {  	_ =	shalt  }
0x81: {  	_ =	shalt  }
0x82: {  	_ =	shalt  }
0x83: {  	_ =	shalt  }
0x84: {  	_ =	shalt  }
0x85: {  	_ =	shalt  }
0x86: {  	_ =	shalt  }
0x87: {  	_ =	shalt  }
.Lfunc_end0:
.L_simem_size_0:
called_computation.1_lowered:
.L_overlay_start_0:
0x88: {  	s2 =	sld [smem:$0x3FD9]  }
0x89: {  	s3 =	sld [smem:$0x3FFE];
	_ =	sdelay $0x1  }
0x8a: {  	s1 =	srdreg.scid  }
0x8b: {  	s0 =	sand.u32 $0x1, s1  }
0x8c: {  	s17 =	sshll.u32 s0, $0xA;
	s2 =	sadd.s32 s3, s2  }
0x8d: {  	s2 =	sadd.s32 s2, s17  }
0x8e: {  	[smem:$0x3FBD] =	sst s2  }
0x8f: {  	_ = 	snop  }
0x90: {  	s18 =	sld [smem:$0x3FC5];
	(tm) =	ssettm $0x1  }
0x91: {  	s19 =	sld [smem:$0x3FFB];
	_ =	sdelay $0x3  }
0x92: {  	_ =	strace s19  }
0x93: {  	s2 =	sld [smem:$0x3FFC];
	_ =	sdelay $0x3  }
0x94: {  	_ =	strace s2  }
0x95: {  	s2 =	sld [smem:$0x3FFD];
	_ =	sdelay $0x3  }
0x96: {  	_ =	strace s2  }
0x97: {  	_ =	strace $0x8FFFFFFF  }
0x98: {  	s20 =	sld [smem:$0x3FDB];
	_ =	sdelay $0x1  }
0x99: {  	s4 =	simm.s32 $_scs_section_size  }
0x9a: {  	s5 =	simm.s32 $_size__tile_overlayer_lowered;
	s6 =	simm.s32 $_tile_overlayer_lowered  }
0x9b: {  	s7 =	simm.s32 $0x1BFF;
	s21 =	sshll.u32 s6, $0x1;
	s4 =	sadd.s32 s4, s20  }
0x9c: {  	s22 =	simm.s32 $0x0;
	s5 =	sshll.u32 s5, $0x1;
	s6 =	sadd.s32 s21, s4  }
0x9d: {  	[timem:s22], [sflag:s7] =	dma.local [hbm:s6], s5  }
0x9e: {  	_ =	swait.ge [sflag:s7], s5  }
0x9f: {  	s5 =	ssub.s32 $0x0, s5;
	[sflag:s7] =	ssyncset.done $0x0  }
0xa0: {  	[sflag:s7] =	ssyncadd.s32 s5;
	_ =	sdelay $0x1  }
0xa1: {  	s23 =	simm.s32 $0x1B8B  }
0xa2: {  	_ =	swait.ge [sflag:s23], $0x1  }
0xa3: {  	[sflag:s23] =	ssyncset.done $0x0  }
0xa4: {  	[sflag:s23] =	ssyncadd.s32 $0xFFFFFFFF  }
0xa5: {  	s5 =	sld [smem:$0x0]  }
0xa6: {  	s6 =	sand.u32 $0xFFFFFFFE, s1  }
0xa7: {  	p0 =	sne.s32 s1, s6  }
0xa8: {  	s6 =	sshll.u32 @p0 s6, $0xE  }
0xa9: {  	s6 =	sadd.s32 @p0 $0x11B8D, s6;
	s7 =	sshll.u32 @p0 s5, $0x11  }
0xaa: {  	s6 =	sor.u32 @p0 s7, s6  }
0xab: {  	[sflag:s6] =	ssyncadd.remote.s32 @p0 $0x1;
	_ =	sdelay $0x1  }
0xac: {  	s6 =	simm.s32 @p0 $0x1B8D  }
0xad: {  	_ =	swait.eq @p0 [sflag:s6], $0x1  }
0xae: {  	[sflag:s6] =	ssyncadd.s32 @p0 $0xFFFFFFFF  }
0xaf: {  	s7 =	sshll.u32 @!p0 s1, $0xE  }
0xb0: {  	s7 =	sor.u32 @!p0 $0x4000, s7;
	s6 =	simm.s32 @!p0 $0x1B8D  }
0xb1: {  	s5 =	sshll.u32 @!p0 s5, $0x11;
	s7 =	sadd.s32 @!p0 $0x11B8D, s7;
	_ =	swait.eq @!p0 [sflag:s6], $0x1  }
0xb2: {  	s5 =	sor.u32 @!p0 s5, s7;
	[sflag:s6] =	ssyncadd.s32 @!p0 $0xFFFFFFFF  }
0xb3: {  	s25 =	simm.s32 $0x1B8E;
	s24 =	sld [smem:$0x3FFE];
	[sflag:s5] =	ssyncadd.remote.s32 @!p0 $0x1  }
0xb4: {  	s26 =	simm.s32 $execute0_lowered;
	[smem:$0x3FD2] =	sst s25  }
0xb5: {  	s6 =	sshll.u32 s26, $0x1;
	_ =	strace $0x80000049;
	[dreg:$0x1] =	wrdreg $0xFFFFFFFF  }
0xb6: {  	s28 =	simm.s32 $_size_execute0_lowered;
	s4 =	sadd.s32 s4, s6;
	[dreg:$0x0] =	wrdreg $0x0  }
0xb7: {  	s6 =	sshll.u32 s28, $0x1;
	[dreg:$0x2] =	wrdreg s4  }
0xb8: {  	[dreg:$0x3] =	wrdreg s6  }
0xb9: {  	[dreg:$0x4] =	wrdreg $0xC0  }
0xba: {  	_ =	task [dreg:s22], $0x5FFFF  }
0xbb: {  	[dreg:$0x1] =	wrdreg $0xFFFFFFFF  }
0xbc: {  	[dreg:$0x0] =	wrdreg $0x60  }
0xbd: {  	[dreg:$0x2] =	wrdreg s24  }
0xbe: {  	[dreg:$0x3] =	wrdreg s18  }
0xbf: {  	[dreg:$0x4] =	wrdreg $0xA  }
0xc0: {  	_ =	task.clear_ibuf [dreg:s22], $0x5FFFF;
	_ =	strace $0x90000049  }
0xc1: {  	s29 =	simm.s32 $0xA;
	_ =	strace $0x8000004B  }
0xc2: {  	_ =	swait.ge [sflag:s29], $0x1  }
0xc3: {  	[sflag:s29] =	ssyncadd.s32 $0xFFFFFFFF  }
0xc4: {  	_ =	strace $0x9000004B  }
0xc5: {  	_ =	sfence  }
0xc6: {  	s30 =	sld [smem:$0x0];
	_ =	sdelay $0x2  }
0xc7: {  	s31 =	sshll.u32 s1, $0xD;
	s1 =	sshrl.u32 s1, $0x2  }
0xc8: {  	s4 =	sand.u32 $0x4000, s31;
	s1 =	sadd.s32 s1, s30  }
0xc9: {  	s0 =	sor.u32 s4, s0;
	s1 =	sshll.u32 s1, $0x11  }
0xca: {  	s0 =	sor.u32 s1, s0  }
0xcb: {  	s0 =	sadd.s32 $0x8F2B, s0  }
0xcc: {  	[sflag:s0] =	ssyncadd.remote.s32 $0x1  }
0xcd: {  	_ =	sfence.sel $0xFFFF  }
0xce: {  	[dreg:$0x0] =	wrdreg $0xFFFFFFFF;
	(pc) =	sbr.abs _section_cstart, $3  }
0xcf: {  	[dreg:$0x1] =	wrdreg $0xFFFFFFFF  }
0xd0: {  	_ =	task.clear_ibuf [dreg:s22], $0x2FFFF;
	_ =	strace $0x9FFFFFFF  }
0xd1: {  	(tm) =	ssettm $0x7FFFFFFF  }
tec
execute0_lowered:
.L_overlay_start_1:
0x0: {  	(tag) =	ssettag $0x1  }
0x1: {  	s0 =	rddreg [dreg:$0x0]  }
0x2: {  	s1 =	rddreg [dreg:$0x1];
	s3 =	simm.s32 $0x0;
	s2 =	srdreg.scid  }
0x3: {  	s4 =	stileid.u32;
	s19 =	simm.s32 $0x5;
	s30 =	simm.s32 $0x4100  }
0x4: {  	s24 =	simm.s32 $0x1;
	s25 =	simm.s32 $0x2;
	s28 =	simm.s32 $0x4  }
0x5: {  	[smem:$0x7FF] =	sst s3;
	s2 =	sand.u32 $0x1, s2;
	s7 =	sshll.u32 s4, $0x8  }
0x6: {  	s4 =	sadd.s32 $0x2000, s0;
	s5 =	sadd.s32 $0x1800, s0;
	s9 =	sadd.s32 $0x182C00, s0  }
0x7: {  	s12 =	sadd.s32 $0x100, s1;
	s13 =	sadd.s32 $0x200, s1;
	s14 =	sadd.s32 $0x300, s1  }
0x8: {  	s15 =	sadd.s32 $0x2900, s0;
	s6 =	sshll.u32 s2, $0xC;
	s2 =	ssub.s32 $0x2, s2  }
0x9: {  	s16 =	sadd.s32 $0x2A00, s0;
	s6 =	sor.u32 s7, s6;
	s10 =	sshrl.u32 s2, $0x1  }
0xa: {  	s17 =	sadd.s32 $0x2B00, s0;
	s8 =	sor.u32 $0x2000, s6;
	s2 =	ssub.s32 s2, s10  }
0xb: {  	_ =	strace $0x8000004A;
	s11 =	sshrl.u32 s8, $0x3;
	s31 =	smax.u32 s2, $0x1  }
0xc: {  	v2 =	vlaneseq.u32;
	s7 =	sadd.s32 $0x2800, s0;
	s26 =	sadd.s32 s4, s11;
	[dreg:$0x5] =	wrdreg s31  }
0xd: {  	vm0 =	vmmov $0xffff;
	v1 =	vshrl.u32 v2, $0x3;
	s10 =	simm.s32 $0x0;
	s29 =	sadd.s32 s5, s11;
	[dreg:$0x3] =	wrdreg s26  }
0xe: {  	v0 =	vand.u32 $0x7, v2;
	v2 =	vor.u32 $0x8, v2;
	v1 =	vmul.u32 $0x8, v1;
	s2 =	simm.s32 $0xC200;
	[dreg:$0x4] =	wrdreg s29;
	s26 =	simm.s32 $0x3  }
.LBB2_1:
0xf: {  	[dreg:$0x6] =	wrdreg s10  }
0x10: {  	s0 =	rddreg [dreg:$0x3]  }
0x11: {  	[tilespmem:s3], [sflag:$0x5] =	stream.linear.gather [hbm4b:s0+s3], $0x10, $0x38;
	[tilespmem:$0x10200] =	vst v63  }
0x12: {  	_ =	swait.ge [sflag:s19], $0x10  }
0x13: {  	[sflag:s19] =	ssyncset.done $0x0  }
0x14: {  	s31 =	simm.s32 $0x80;
	s23 =	rddreg [dreg:$0x4];
	[sflag:s19] =	ssyncadd.s32 $0xFFFFFFF0  }
0x15: {  	[tilespmem:s31], [sflag:$0x5] =	stream.linear.gather [hbm4b:s23+s3], $0x10, $0x38;
	[tilespmem:$0x10200] =	vst v63  }
0x16: {  	_ =	swait.ge [sflag:s19], $0x10  }
0x17: {  	[sflag:s19] =	ssyncset.done $0x0  }
0x18: {  	[sflag:s19] =	ssyncadd.s32 $0xFFFFFFF0  }
0x19: {  	v3 =	vld [tilespmem:$0x0];
	_ =	sdelay $0x4  }
0x1a: {  	v4 =	vshll.u32 v3, $0x3  }
0x1b: {  	v3 =	vand.u32 $0x7, v3;
	v4 =	vand.u32 $0xFFFFFFC0, v4  }
0x1c: {  	v3 =	vor.u32 v3, v4  }
0x1d: {  	v4 =	vperm.xlane v3, v0;
	_ =	sdelay $0x1  }
0x1e: {  	v4 =	vadd.s32 v1, v4;
	_ =	sdelay $0x3  }
0x1f: {  	s11 =	simm.s32 $0x100  }
0x20: {  	[tilespmem:s11], [sflag:$0x1] =	stream.indirect_vreg.gather [hbm4b:s1+s3], $0x80, v4, vm0, $0xb8;
	[tilespmem:$0x10200] =	vst v63  }
0x21: {  	s18 =	simm.s32 $0x900;
	v3 =	vperm.xlane v3, v2  }
0x22: {  	[tilespmem:s18], [sflag:$0x1] =	stream.indirect_vreg.gather [hbm4b:s12+s3], $0x80, v4, vm0, $0xb8;
	[tilespmem:$0x10200] =	vst v63  }
0x23: {  	s20 =	simm.s32 $0x1100;
	v3 =	vadd.s32 v1, v3  }
0x24: {  	[tilespmem:s20], [sflag:$0x1] =	stream.indirect_vreg.gather [hbm4b:s13+s3], $0x80, v4, vm0, $0xb8;
	[tilespmem:$0x10200] =	vst v63  }
0x25: {  	s21 =	simm.s32 $0x1900  }
0x26: {  	[tilespmem:s21], [sflag:$0x1] =	stream.indirect_vreg.gather [hbm4b:s14+s3], $0x80, v4, vm0, $0xb8;
	[tilespmem:$0x10200] =	vst v63  }
0x27: {  	s22 =	simm.s32 $0x2100  }
0x28: {  	[tilespmem:s22], [sflag:$0x1] =	stream.indirect_vreg.gather [hbm4b:s1+s3], $0x80, v3, vm0, $0xb8;
	[tilespmem:$0x10200] =	vst v63  }
0x29: {  	s23 =	simm.s32 $0x2900  }
0x2a: {  	[tilespmem:s23], [sflag:$0x1] =	stream.indirect_vreg.gather [hbm4b:s12+s3], $0x80, v3, vm0, $0xb8;
	[tilespmem:$0x10200] =	vst v63  }
0x2b: {  	s31 =	simm.s32 $0x3100  }
0x2c: {  	[tilespmem:s31], [sflag:$0x1] =	stream.indirect_vreg.gather [hbm4b:s13+s3], $0x80, v3, vm0, $0xb8;
	[tilespmem:$0x10200] =	vst v63  }
0x2d: {  	s10 =	simm.s32 $0x3900  }
0x2e: {  	[tilespmem:s10], [sflag:$0x1] =	stream.indirect_vreg.gather [hbm4b:s14+s3], $0x80, v3, vm0, $0xb8;
	[tilespmem:$0x10200] =	vst v63  }
0x2f: {  	v3 =	vld [tilespmem:$0x80];
	_ =	sdelay $0x4  }
0x30: {  	v63 =	vshll.u32 v3, $0x3  }
0x31: {  	v3 =	vand.u32 $0x7, v3;
	v4 =	vand.u32 $0xFFFFFFC0, v63  }
0x32: {  	v3 =	vor.u32 v3, v4  }
0x33: {  	v4 =	vperm.xlane v3, v0;
	_ =	sdelay $0x1  }
0x34: {  	v4 =	vadd.s32 v1, v4;
	_ =	sdelay $0x4  }
0x35: {  	[tilespmem:s30], [sflag:$0x2] =	stream.indirect_vreg.gather [hbm4b:s7+s3], $0x80, v4, vm0, $0xb8;
	[tilespmem:$0x10200] =	vst v63  }
0x36: {  	s11 =	simm.s32 $0x4900;
	v3 =	vperm.xlane v3, v2  }
0x37: {  	[tilespmem:s11], [sflag:$0x2] =	stream.indirect_vreg.gather [hbm4b:s15+s3], $0x80, v4, vm0, $0xb8;
	[tilespmem:$0x10200] =	vst v63  }
0x38: {  	s18 =	simm.s32 $0x5100;
	v3 =	vadd.s32 v1, v3  }
0x39: {  	[tilespmem:s18], [sflag:$0x2] =	stream.indirect_vreg.gather [hbm4b:s16+s3], $0x80, v4, vm0, $0xb8;
	[tilespmem:$0x10200] =	vst v63  }
0x3a: {  	s20 =	simm.s32 $0x5900  }
0x3b: {  	[tilespmem:s20], [sflag:$0x2] =	stream.indirect_vreg.gather [hbm4b:s17+s3], $0x80, v4, vm0, $0xb8;
	[tilespmem:$0x10200] =	vst v63  }
0x3c: {  	s21 =	simm.s32 $0x6100  }
0x3d: {  	[tilespmem:s21], [sflag:$0x2] =	stream.indirect_vreg.gather [hbm4b:s7+s3], $0x80, v3, vm0, $0xb8;
	[tilespmem:$0x10200] =	vst v63  }
0x3e: {  	s22 =	simm.s32 $0x6900  }
0x3f: {  	[tilespmem:s22], [sflag:$0x2] =	stream.indirect_vreg.gather [hbm4b:s15+s3], $0x80, v3, vm0, $0xb8;
	[tilespmem:$0x10200] =	vst v63  }
0x40: {  	s23 =	simm.s32 $0x7100  }
0x41: {  	[tilespmem:s23], [sflag:$0x2] =	stream.indirect_vreg.gather [hbm4b:s16+s3], $0x80, v3, vm0, $0xb8;
	[tilespmem:$0x10200] =	vst v63  }
0x42: {  	s29 =	simm.s32 $0x0;
	s31 =	simm.s32 $0x7900  }
0x43: {  	[tilespmem:s31], [sflag:$0x2] =	stream.indirect_vreg.gather [hbm4b:s17+s3], $0x80, v3, vm0, $0xb8;
	[tilespmem:$0x10200] =	vst v63  }
.LBB2_2:
0x44: {  	s10 =	sshll.u32 s29, $0x5  }
0x45: {  	s31 =	sor.u32 s8, s10  }
0x46: {  	s0 =	sshrl.u32 s31, $0x3  }
0x47: {  	s18 =	sor.u32 $0x2, s0  }
0x48: {  	s11 =	simm.s32 $0x0;
	s21 =	simm.s32 $0x8100;
	s20 =	sadd.s32 s4, s18  }
0x49: {  	[tilespmem:s21], [sflag:$0x5] =	stream.linear.gather [hbm4b:s20+s11], $0x10, $0x38;
	[tilespmem:$0x10200] =	vst v63  }
0x4a: {  	_ =	swait.ge [sflag:s19], $0x10  }
0x4b: {  	[sflag:s19] =	ssyncset.done $0x0  }
0x4c: {  	s23 =	simm.s32 $0x8180;
	s18 =	sadd.s32 s5, s18;
	[sflag:s19] =	ssyncadd.s32 $0xFFFFFFF0  }
0x4d: {  	[tilespmem:s23], [sflag:$0x5] =	stream.linear.gather [hbm4b:s18+s11], $0x10, $0x38;
	[tilespmem:$0x10200] =	vst v63  }
0x4e: {  	_ =	swait.ge [sflag:s19], $0x10  }
0x4f: {  	[sflag:s19] =	ssyncset.done $0x0  }
0x50: {  	[sflag:s19] =	ssyncadd.s32 $0xFFFFFFF0  }
0x51: {  	v3 =	vld [tilespmem:$0x8100];
	_ =	sdelay $0x4  }
0x52: {  	v4 =	vshll.u32 v3, $0x3  }
0x53: {  	v3 =	vand.u32 $0x7, v3;
	v4 =	vand.u32 $0xFFFFFFC0, v4  }
0x54: {  	v3 =	vor.u32 v3, v4  }
0x55: {  	v4 =	vperm.xlane v3, v0;
	_ =	sdelay $0x1  }
0x56: {  	v4 =	vadd.s32 v1, v4;
	_ =	sdelay $0x3  }
0x57: {  	s21 =	simm.s32 $0x8200  }
0x58: {  	[tilespmem:s21], [sflag:$0x3] =	stream.indirect_vreg.gather [hbm4b:s1+s11], $0x80, v4, vm0, $0xb8;
	[tilespmem:$0x10200] =	vst v63  }
0x59: {  	s22 =	simm.s32 $0x8A00;
	v3 =	vperm.xlane v3, v2  }
0x5a: {  	[tilespmem:s22], [sflag:$0x3] =	stream.indirect_vreg.gather [hbm4b:s12+s11], $0x80, v4, vm0, $0xb8;
	[tilespmem:$0x10200] =	vst v63  }
0x5b: {  	s23 =	simm.s32 $0x9200;
	v3 =	vadd.s32 v1, v3  }
0x5c: {  	[tilespmem:s23], [sflag:$0x3] =	stream.indirect_vreg.gather [hbm4b:s13+s11], $0x80, v4, vm0, $0xb8;
	[tilespmem:$0x10200] =	vst v63  }
0x5d: {  	s20 =	simm.s32 $0x9A00  }
0x5e: {  	[tilespmem:s20], [sflag:$0x3] =	stream.indirect_vreg.gather [hbm4b:s14+s11], $0x80, v4, vm0, $0xb8;
	[tilespmem:$0x10200] =	vst v63  }
0x5f: {  	s21 =	simm.s32 $0xA200  }
0x60: {  	[tilespmem:s21], [sflag:$0x3] =	stream.indirect_vreg.gather [hbm4b:s1+s11], $0x80, v3, vm0, $0xb8;
	[tilespmem:$0x10200] =	vst v63  }
0x61: {  	s22 =	simm.s32 $0xAA00  }
0x62: {  	[tilespmem:s22], [sflag:$0x3] =	stream.indirect_vreg.gather [hbm4b:s12+s11], $0x80, v3, vm0, $0xb8;
	[tilespmem:$0x10200] =	vst v63  }
0x63: {  	s23 =	simm.s32 $0xB200  }
0x64: {  	[tilespmem:s23], [sflag:$0x3] =	stream.indirect_vreg.gather [hbm4b:s13+s11], $0x80, v3, vm0, $0xb8;
	[tilespmem:$0x10200] =	vst v63  }
0x65: {  	s20 =	simm.s32 $0xBA00  }
0x66: {  	[tilespmem:s20], [sflag:$0x3] =	stream.indirect_vreg.gather [hbm4b:s14+s11], $0x80, v3, vm0, $0xb8;
	[tilespmem:$0x10200] =	vst v63  }
0x67: {  	v3 =	vld [tilespmem:$0x8180];
	_ =	sdelay $0x4  }
0x68: {  	v63 =	vshll.u32 v3, $0x3  }
0x69: {  	v3 =	vand.u32 $0x7, v3;
	v4 =	vand.u32 $0xFFFFFFC0, v63  }
0x6a: {  	v3 =	vor.u32 v3, v4  }
0x6b: {  	v4 =	vperm.xlane v3, v0;
	_ =	sdelay $0x1  }
0x6c: {  	v4 =	vadd.s32 v1, v4;
	_ =	sdelay $0x4  }
0x6d: {  	[tilespmem:s2], [sflag:$0x4] =	stream.indirect_vreg.gather [hbm4b:s7+s11], $0x80, v4, vm0, $0xb8;
	[tilespmem:$0x10200] =	vst v63  }
0x6e: {  	s21 =	simm.s32 $0xCA00;
	v3 =	vperm.xlane v3, v2  }
0x6f: {  	[tilespmem:s21], [sflag:$0x4] =	stream.indirect_vreg.gather [hbm4b:s15+s11], $0x80, v4, vm0, $0xb8;
	[tilespmem:$0x10200] =	vst v63  }
0x70: {  	s22 =	simm.s32 $0xD200;
	v3 =	vadd.s32 v1, v3  }
0x71: {  	[tilespmem:s22], [sflag:$0x4] =	stream.indirect_vreg.gather [hbm4b:s16+s11], $0x80, v4, vm0, $0xb8;
	[tilespmem:$0x10200] =	vst v63  }
0x72: {  	s23 =	simm.s32 $0xDA00  }
0x73: {  	[tilespmem:s23], [sflag:$0x4] =	stream.indirect_vreg.gather [hbm4b:s17+s11], $0x80, v4, vm0, $0xb8;
	[tilespmem:$0x10200] =	vst v63  }
0x74: {  	s20 =	simm.s32 $0xE200  }
0x75: {  	[tilespmem:s20], [sflag:$0x4] =	stream.indirect_vreg.gather [hbm4b:s7+s11], $0x80, v3, vm0, $0xb8;
	[tilespmem:$0x10200] =	vst v63  }
0x76: {  	s21 =	simm.s32 $0xEA00  }
0x77: {  	[tilespmem:s21], [sflag:$0x4] =	stream.indirect_vreg.gather [hbm4b:s15+s11], $0x80, v3, vm0, $0xb8;
	[tilespmem:$0x10200] =	vst v63  }
0x78: {  	s22 =	simm.s32 $0xF200  }
0x79: {  	[tilespmem:s22], [sflag:$0x4] =	stream.indirect_vreg.gather [hbm4b:s16+s11], $0x80, v3, vm0, $0xb8;
	[tilespmem:$0x10200] =	vst v63  }
0x7a: {  	s23 =	simm.s32 $0xFA00  }
0x7b: {  	[tilespmem:s23], [sflag:$0x4] =	stream.indirect_vreg.gather [hbm4b:s17+s11], $0x80, v3, vm0, $0xb8;
	[tilespmem:$0x10200] =	vst v63  }
0x7c: {  	_ =	swait.ge [sflag:s24], $0x4000  }
0x7d: {  	[sflag:s24] =	ssyncset.done $0x0  }
0x7e: {  	[sflag:s24] =	ssyncadd.s32 $0xFFFFC000  }
0x7f: {  	_ =	swait.ge [sflag:s25], $0x4000  }
0x80: {  	s18 =	simm.s32 $0xFFFFC000;
	[sflag:s25] =	ssyncset.done $0x0  }
0x81: {  	s20 =	simm.s32 $0x0;
	s21 =	simm.s32 $0x0;
	[sflag:s25] =	ssyncadd.s32 $0xFFFFC000  }
.LBB2_3:
0x82: {  	s22 =	sadd.s32 $0x4000, s18  }
0x83: {  	s23 =	sand.u32 $0x380, s21;
	s22 =	sand.u32 $0x2000, s22  }
0x84: {  	s22 =	sor.u32 s23, s22  }
0x85: {  	v3 =	vld [tilespmem:s22+$0x100]  }
0x86: {  	v4 =	vld [tilespmem:s22+$0x120]  }
0x87: {  	v5 =	vld [tilespmem:s22+$0x130]  }
0x88: {  	v6 =	vld [tilespmem:s22+$0x140]  }
0x89: {  	v7 =	vld [tilespmem:s22+$0x150]  }
0x8a: {  	v24 =	vld [tilespmem:s22+$0x170]  }
0x8b: {  	v25 =	vld [tilespmem:s22+$0x500]  }
0x8c: {  	v26 =	vld [tilespmem:s22+$0x510]  }
0x8d: {  	v27 =	vld [tilespmem:s22+$0x520]  }
0x8e: {  	v28 =	vld [tilespmem:s22+$0x540]  }
0x8f: {  	v29 =	vld [tilespmem:s22+$0x550]  }
0x90: {  	v30 =	vld [tilespmem:s22+$0x560]  }
0x91: {  	v31 =	vld [tilespmem:s22+$0x570]  }
0x92: {  	v32 =	vld [tilespmem:s22+$0x910]  }
0x93: {  	v33 =	vld [tilespmem:s22+$0x920]  }
0x94: {  	v34 =	vld [tilespmem:s22+$0x930]  }
0x95: {  	v35 =	vld [tilespmem:s22+$0x940]  }
0x96: {  	v36 =	vld [tilespmem:s22+$0x960]  }
0x97: {  	v37 =	vld [tilespmem:s22+$0x970]  }
0x98: {  	v38 =	vld [tilespmem:s22+$0xD00]  }
0x99: {  	v39 =	vld [tilespmem:s22+$0xD10]  }
0x9a: {  	v40 =	vld [tilespmem:s22+$0xD30]  }
0x9b: {  	v41 =	vld [tilespmem:s22+$0xD40]  }
0x9c: {  	v42 =	vld [tilespmem:s22+$0xD50]  }
0x9d: {  	v43 =	vld [tilespmem:s22+$0xD60]  }
0x9e: {  	v44 =	vld [tilespmem:s22+$0x1100]  }
0x9f: {  	v45 =	vld [tilespmem:s22+$0x1110]  }
0xa0: {  	v46 =	vld [tilespmem:s22+$0x1120]  }
0xa1: {  	v47 =	vld [tilespmem:s22+$0x1130]  }
0xa2: {  	v48 =	vld [tilespmem:s22+$0x1150]  }
0xa3: {  	v49 =	vld [tilespmem:s22+$0x1160]  }
0xa4: {  	v50 =	vld [tilespmem:s22+$0x1170]  }
0xa5: {  	v51 =	vld [tilespmem:s22+$0x1500]  }
0xa6: {  	v52 =	vld [tilespmem:s22+$0x1520]  }
0xa7: {  	v53 =	vld [tilespmem:s22+$0x1530]  }
0xa8: {  	v54 =	vld [tilespmem:s22+$0x1540]  }
0xa9: {  	v55 =	vld [tilespmem:s22+$0x1550]  }
0xaa: {  	v56 =	vld [tilespmem:s22+$0x1570]  }
0xab: {  	v57 =	vld [tilespmem:s22+$0x1900]  }
0xac: {  	v58 =	vld [tilespmem:s22+$0x1910]  }
0xad: {  	v59 =	vld [tilespmem:s22+$0x1920]  }
0xae: {  	v60 =	vld [tilespmem:s22+$0x1940]  }
0xaf: {  	v61 =	vld [tilespmem:s22+$0x1950]  }
0xb0: {  	v62 =	vld [tilespmem:s22+$0x1960]  }
0xb1: {  	v63 =	vld [tilespmem:s22+$0x1970]  }
0xb2: {  	[tilespmem:s22+$0x4100] =	vst.add.f32.msk $0xffff, v3  }
0xb3: {  	v3 =	vld [tilespmem:s22+$0x110]  }
0xb4: {  	[tilespmem:s22+$0x4120] =	vst.add.f32.msk $0xffff, v4  }
0xb5: {  	[tilespmem:s22+$0x4130] =	vst.add.f32.msk $0xffff, v5  }
0xb6: {  	[tilespmem:s22+$0x4140] =	vst.add.f32.msk $0xffff, v6  }
0xb7: {  	[tilespmem:s22+$0x4150] =	vst.add.f32.msk $0xffff, v7  }
0xb8: {  	[tilespmem:s22+$0x4110] =	vst.add.f32.msk $0xffff, v3  }
0xb9: {  	v3 =	vld [tilespmem:s22+$0x160]  }
0xba: {  	[tilespmem:s22+$0x4170] =	vst.add.f32.msk $0xffff, v24  }
0xbb: {  	[tilespmem:s22+$0x4500] =	vst.add.f32.msk $0xffff, v25  }
0xbc: {  	[tilespmem:s22+$0x4510] =	vst.add.f32.msk $0xffff, v26  }
0xbd: {  	[tilespmem:s22+$0x4520] =	vst.add.f32.msk $0xffff, v27  }
0xbe: {  	[tilespmem:s22+$0x4160] =	vst.add.f32.msk $0xffff, v3  }
0xbf: {  	v3 =	vld [tilespmem:s22+$0x530]  }
0xc0: {  	[tilespmem:s22+$0x4540] =	vst.add.f32.msk $0xffff, v28  }
0xc1: {  	[tilespmem:s22+$0x4550] =	vst.add.f32.msk $0xffff, v29  }
0xc2: {  	[tilespmem:s22+$0x4560] =	vst.add.f32.msk $0xffff, v30  }
0xc3: {  	[tilespmem:s22+$0x4570] =	vst.add.f32.msk $0xffff, v31  }
0xc4: {  	[tilespmem:s22+$0x4530] =	vst.add.f32.msk $0xffff, v3  }
0xc5: {  	v3 =	vld [tilespmem:s22+$0x900]  }
0xc6: {  	[tilespmem:s22+$0x4910] =	vst.add.f32.msk $0xffff, v32  }
0xc7: {  	[tilespmem:s22+$0x4920] =	vst.add.f32.msk $0xffff, v33  }
0xc8: {  	[tilespmem:s22+$0x4930] =	vst.add.f32.msk $0xffff, v34  }
0xc9: {  	[tilespmem:s22+$0x4940] =	vst.add.f32.msk $0xffff, v35  }
0xca: {  	[tilespmem:s22+$0x4900] =	vst.add.f32.msk $0xffff, v3  }
0xcb: {  	v3 =	vld [tilespmem:s22+$0x950]  }
0xcc: {  	[tilespmem:s22+$0x4960] =	vst.add.f32.msk $0xffff, v36  }
0xcd: {  	[tilespmem:s22+$0x4970] =	vst.add.f32.msk $0xffff, v37  }
0xce: {  	[tilespmem:s22+$0x4D00] =	vst.add.f32.msk $0xffff, v38  }
0xcf: {  	[tilespmem:s22+$0x4D10] =	vst.add.f32.msk $0xffff, v39  }
0xd0: {  	[tilespmem:s22+$0x4950] =	vst.add.f32.msk $0xffff, v3  }
0xd1: {  	v3 =	vld [tilespmem:s22+$0xD20]  }
0xd2: {  	[tilespmem:s22+$0x4D30] =	vst.add.f32.msk $0xffff, v40  }
0xd3: {  	[tilespmem:s22+$0x4D40] =	vst.add.f32.msk $0xffff, v41  }
0xd4: {  	[tilespmem:s22+$0x4D50] =	vst.add.f32.msk $0xffff, v42  }
0xd5: {  	[tilespmem:s22+$0x4D60] =	vst.add.f32.msk $0xffff, v43  }
0xd6: {  	[tilespmem:s22+$0x4D20] =	vst.add.f32.msk $0xffff, v3  }
0xd7: {  	v3 =	vld [tilespmem:s22+$0xD70]  }
0xd8: {  	[tilespmem:s22+$0x5100] =	vst.add.f32.msk $0xffff, v44  }
0xd9: {  	[tilespmem:s22+$0x5110] =	vst.add.f32.msk $0xffff, v45  }
0xda: {  	[tilespmem:s22+$0x5120] =	vst.add.f32.msk $0xffff, v46  }
0xdb: {  	[tilespmem:s22+$0x5130] =	vst.add.f32.msk $0xffff, v47  }
0xdc: {  	[tilespmem:s22+$0x4D70] =	vst.add.f32.msk $0xffff, v3  }
0xdd: {  	v3 =	vld [tilespmem:s22+$0x1140]  }
0xde: {  	[tilespmem:s22+$0x5150] =	vst.add.f32.msk $0xffff, v48  }
0xdf: {  	[tilespmem:s22+$0x5160] =	vst.add.f32.msk $0xffff, v49  }
0xe0: {  	[tilespmem:s22+$0x5170] =	vst.add.f32.msk $0xffff, v50  }
0xe1: {  	[tilespmem:s22+$0x5500] =	vst.add.f32.msk $0xffff, v51  }
0xe2: {  	[tilespmem:s22+$0x5140] =	vst.add.f32.msk $0xffff, v3  }
0xe3: {  	v3 =	vld [tilespmem:s22+$0x1510]  }
0xe4: {  	[tilespmem:s22+$0x5520] =	vst.add.f32.msk $0xffff, v52  }
0xe5: {  	[tilespmem:s22+$0x5530] =	vst.add.f32.msk $0xffff, v53  }
0xe6: {  	[tilespmem:s22+$0x5540] =	vst.add.f32.msk $0xffff, v54  }
0xe7: {  	[tilespmem:s22+$0x5550] =	vst.add.f32.msk $0xffff, v55  }
0xe8: {  	[tilespmem:s22+$0x5510] =	vst.add.f32.msk $0xffff, v3  }
0xe9: {  	v3 =	vld [tilespmem:s22+$0x1560]  }
0xea: {  	[tilespmem:s22+$0x5570] =	vst.add.f32.msk $0xffff, v56  }
0xeb: {  	[tilespmem:s22+$0x5900] =	vst.add.f32.msk $0xffff, v57  }
0xec: {  	[tilespmem:s22+$0x5910] =	vst.add.f32.msk $0xffff, v58  }
0xed: {  	[tilespmem:s22+$0x5920] =	vst.add.f32.msk $0xffff, v59  }
0xee: {  	[tilespmem:s22+$0x5560] =	vst.add.f32.msk $0xffff, v3  }
0xef: {  	v3 =	vld [tilespmem:s22+$0x1930]  }
0xf0: {  	[tilespmem:s22+$0x5940] =	vst.add.f32.msk $0xffff, v60  }
0xf1: {  	s23 =	sand.u32 $0x7, s11;
	[tilespmem:s22+$0x5950] =	vst.add.f32.msk $0xffff, v61  }
0xf2: {  	s23 =	sshll.u32 s23, $0x7;
	[tilespmem:s22+$0x5960] =	vst.add.f32.msk $0xffff, v62  }
0xf3: {  	s23 =	sadd.s32 s23, s20;
	[tilespmem:s22+$0x5970] =	vst.add.f32.msk $0xffff, v63  }
0xf4: {  	[tilespmem:s22+$0x5930] =	vst.add.f32.msk $0xffff, v3;
	s22 =	sor.u32 $0x1C00, s23  }
0xf5: {  	v3 =	vld [tilespmem:s22+$0x100];
	_ =	sdelay $0x4  }
0xf6: {  	[tilespmem:s22+$0x4100] =	vst.add.f32.msk $0xffff, v3;
	s22 =	sor.u32 $0x1C10, s23  }
0xf7: {  	v3 =	vld [tilespmem:s22+$0x100];
	_ =	sdelay $0x4  }
0xf8: {  	[tilespmem:s22+$0x4100] =	vst.add.f32.msk $0xffff, v3;
	s22 =	sor.u32 $0x1C20, s23  }
0xf9: {  	v3 =	vld [tilespmem:s22+$0x100];
	_ =	sdelay $0x4  }
0xfa: {  	[tilespmem:s22+$0x4100] =	vst.add.f32.msk $0xffff, v3;
	s22 =	sor.u32 $0x1C30, s23  }
0xfb: {  	v3 =	vld [tilespmem:s22+$0x100];
	_ =	sdelay $0x4  }
0xfc: {  	[tilespmem:s22+$0x4100] =	vst.add.f32.msk $0xffff, v3;
	s22 =	sor.u32 $0x1C40, s23  }
0xfd: {  	v3 =	vld [tilespmem:s22+$0x100];
	_ =	sdelay $0x4  }
0xfe: {  	[tilespmem:s22+$0x4100] =	vst.add.f32.msk $0xffff, v3;
	s22 =	sor.u32 $0x1C50, s23  }
0xff: {  	v3 =	vld [tilespmem:s22+$0x100];
	_ =	sdelay $0x4  }
0x100: {  	[tilespmem:s22+$0x4100] =	vst.add.f32.msk $0xffff, v3;
	s22 =	sor.u32 $0x1C60, s23  }
0x101: {  	v3 =	vld [tilespmem:s22+$0x100];
	_ =	sdelay $0x4  }
0x102: {  	s23 =	sor.u32 $0x1C70, s23;
	[tilespmem:s22+$0x4100] =	vst.add.f32.msk $0xffff, v3  }
0x103: {  	p0 =	sne.s32 s21, $0x780;
	v3 =	vld [tilespmem:s23+$0x100]  }
.Ltmp0:
0x104: {  	_ = 	snop;
	(pc) =	sbr.rel @p0 .LBB2_3-.Ltmp0, $3  }
0x105: {  	_ =	sdelay $0x1  }
0x106: {  	s18 =	sadd.s32 $0x400, s18  }
0x107: {  	s21 =	sadd.s32 $0x80, s21;
	s11 =	sadd.s32 $0x1, s11;
	s20 =	sadd.s32 $0x400, s20;
	[tilespmem:s23+$0x4100] =	vst.add.f32.msk $0xffff, v3  }
0x108: {  	s10 =	sadd.s32 s6, s10  }
0x109: {  	p0 =	seq.s32 s29, $0x7;
	s10 =	sshll.u32 s10, $0x7  }
.Ltmp1:
0x10a: {  	s10 =	sadd.s32 s9, s10;
	(pc) =	sbr.rel @p0 .LBB2_6-.Ltmp1, $4  }
0x10b: {  	[hbm4b:s10+s3] =	stream.linear.scatter [tilespmem:s30], [sflag:$0x5], $0x4000, $0x38;
	[tilespmem:$0x10200] =	vst v63  }
0x10c: {  	_ =	swait.ge [sflag:s19], $0x4000  }
0x10d: {  	[sflag:s19] =	ssyncset.done $0x0  }
0x10e: {  	[sflag:s19] =	ssyncadd.s32 $0xFFFFC000  }
0x10f: {  	s0 =	sadd.s32 $0x4, s0  }
0x110: {  	s10 =	sadd.s32 s4, s0  }
0x111: {  	[tilespmem:s3], [sflag:$0x5] =	stream.linear.gather [hbm4b:s10+s3], $0x10, $0x38;
	[tilespmem:$0x10200] =	vst v63  }
0x112: {  	_ =	swait.ge [sflag:s19], $0x10  }
0x113: {  	[sflag:s19] =	ssyncset.done $0x0  }
0x114: {  	s22 =	simm.s32 $0x80;
	s0 =	sadd.s32 s5, s0;
	[sflag:s19] =	ssyncadd.s32 $0xFFFFFFF0  }
0x115: {  	[tilespmem:s22], [sflag:$0x5] =	stream.linear.gather [hbm4b:s0+s3], $0x10, $0x38;
	[tilespmem:$0x10200] =	vst v63  }
0x116: {  	_ =	swait.ge [sflag:s19], $0x10  }
0x117: {  	[sflag:s19] =	ssyncset.done $0x0  }
0x118: {  	[sflag:s19] =	ssyncadd.s32 $0xFFFFFFF0  }
0x119: {  	v3 =	vld [tilespmem:$0x0];
	_ =	sdelay $0x4  }
0x11a: {  	v4 =	vshll.u32 v3, $0x3  }
0x11b: {  	v3 =	vand.u32 $0x7, v3;
	v4 =	vand.u32 $0xFFFFFFC0, v4  }
0x11c: {  	v3 =	vor.u32 v3, v4  }
0x11d: {  	v4 =	vperm.xlane v3, v0;
	_ =	sdelay $0x1  }
0x11e: {  	v4 =	vadd.s32 v1, v4;
	_ =	sdelay $0x3  }
0x11f: {  	s23 =	simm.s32 $0x100  }
0x120: {  	[tilespmem:s23], [sflag:$0x1] =	stream.indirect_vreg.gather [hbm4b:s1+s3], $0x80, v4, vm0, $0xb8;
	[tilespmem:$0x10200] =	vst v63  }
0x121: {  	s10 =	simm.s32 $0x900;
	v3 =	vperm.xlane v3, v2  }
0x122: {  	[tilespmem:s10], [sflag:$0x1] =	stream.indirect_vreg.gather [hbm4b:s12+s3], $0x80, v4, vm0, $0xb8;
	[tilespmem:$0x10200] =	vst v63  }
0x123: {  	s11 =	simm.s32 $0x1100;
	v3 =	vadd.s32 v1, v3  }
0x124: {  	[tilespmem:s11], [sflag:$0x1] =	stream.indirect_vreg.gather [hbm4b:s13+s3], $0x80, v4, vm0, $0xb8;
	[tilespmem:$0x10200] =	vst v63  }
0x125: {  	s18 =	simm.s32 $0x1900  }
0x126: {  	[tilespmem:s18], [sflag:$0x1] =	stream.indirect_vreg.gather [hbm4b:s14+s3], $0x80, v4, vm0, $0xb8;
	[tilespmem:$0x10200] =	vst v63  }
0x127: {  	s20 =	simm.s32 $0x2100  }
0x128: {  	[tilespmem:s20], [sflag:$0x1] =	stream.indirect_vreg.gather [hbm4b:s1+s3], $0x80, v3, vm0, $0xb8;
	[tilespmem:$0x10200] =	vst v63  }
0x129: {  	s21 =	simm.s32 $0x2900  }
0x12a: {  	[tilespmem:s21], [sflag:$0x1] =	stream.indirect_vreg.gather [hbm4b:s12+s3], $0x80, v3, vm0, $0xb8;
	[tilespmem:$0x10200] =	vst v63  }
0x12b: {  	s22 =	simm.s32 $0x3100  }
0x12c: {  	[tilespmem:s22], [sflag:$0x1] =	stream.indirect_vreg.gather [hbm4b:s13+s3], $0x80, v3, vm0, $0xb8;
	[tilespmem:$0x10200] =	vst v63  }
0x12d: {  	s23 =	simm.s32 $0x3900  }
0x12e: {  	[tilespmem:s23], [sflag:$0x1] =	stream.indirect_vreg.gather [hbm4b:s14+s3], $0x80, v3, vm0, $0xb8;
	[tilespmem:$0x10200] =	vst v63  }
0x12f: {  	v3 =	vld [tilespmem:$0x80];
	_ =	sdelay $0x4  }
0x130: {  	v63 =	vshll.u32 v3, $0x3  }
0x131: {  	v3 =	vand.u32 $0x7, v3;
	v4 =	vand.u32 $0xFFFFFFC0, v63  }
0x132: {  	v3 =	vor.u32 v3, v4  }
0x133: {  	v4 =	vperm.xlane v3, v0;
	_ =	sdelay $0x1  }
0x134: {  	v4 =	vadd.s32 v1, v4;
	_ =	sdelay $0x4  }
0x135: {  	[tilespmem:s30], [sflag:$0x2] =	stream.indirect_vreg.gather [hbm4b:s7+s3], $0x80, v4, vm0, $0xb8;
	[tilespmem:$0x10200] =	vst v63  }
0x136: {  	s10 =	simm.s32 $0x4900;
	v3 =	vperm.xlane v3, v2  }
0x137: {  	[tilespmem:s10], [sflag:$0x2] =	stream.indirect_vreg.gather [hbm4b:s15+s3], $0x80, v4, vm0, $0xb8;
	[tilespmem:$0x10200] =	vst v63  }
0x138: {  	s11 =	simm.s32 $0x5100;
	v3 =	vadd.s32 v1, v3  }
0x139: {  	[tilespmem:s11], [sflag:$0x2] =	stream.indirect_vreg.gather [hbm4b:s16+s3], $0x80, v4, vm0, $0xb8;
	[tilespmem:$0x10200] =	vst v63  }
0x13a: {  	s18 =	simm.s32 $0x5900  }
0x13b: {  	[tilespmem:s18], [sflag:$0x2] =	stream.indirect_vreg.gather [hbm4b:s17+s3], $0x80, v4, vm0, $0xb8;
	[tilespmem:$0x10200] =	vst v63  }
0x13c: {  	s20 =	simm.s32 $0x6100  }
0x13d: {  	[tilespmem:s20], [sflag:$0x2] =	stream.indirect_vreg.gather [hbm4b:s7+s3], $0x80, v3, vm0, $0xb8;
	[tilespmem:$0x10200] =	vst v63  }
0x13e: {  	s21 =	simm.s32 $0x6900  }
0x13f: {  	[tilespmem:s21], [sflag:$0x2] =	stream.indirect_vreg.gather [hbm4b:s15+s3], $0x80, v3, vm0, $0xb8;
	[tilespmem:$0x10200] =	vst v63  }
0x140: {  	s22 =	simm.s32 $0x7100  }
0x141: {  	[tilespmem:s22], [sflag:$0x2] =	stream.indirect_vreg.gather [hbm4b:s16+s3], $0x80, v3, vm0, $0xb8;
	[tilespmem:$0x10200] =	vst v63  }
0x142: {  	s23 =	simm.s32 $0x7900  }
0x143: {  	[tilespmem:s23], [sflag:$0x2] =	stream.indirect_vreg.gather [hbm4b:s17+s3], $0x80, v3, vm0, $0xb8;
	[tilespmem:$0x10200] =	vst v63  }
.LBB2_6:
0x144: {  	_ =	swait.ge [sflag:s26], $0x4000  }
0x145: {  	[sflag:s26] =	ssyncset.done $0x0  }
0x146: {  	[sflag:s26] =	ssyncadd.s32 $0xFFFFC000  }
0x147: {  	s29 =	sadd.s32 $0x1, s29;
	_ =	swait.ge [sflag:s28], $0x4000  }
0x148: {  	s0 =	simm.s32 $0x0;
	s10 =	simm.s32 $0xFFFFC000;
	[sflag:s28] =	ssyncset.done $0x0  }
0x149: {  	s11 =	simm.s32 $0x0;
	s18 =	simm.s32 $0x0;
	[sflag:s28] =	ssyncadd.s32 $0xFFFFC000  }
.LBB2_7:
0x14a: {  	s20 =	sadd.s32 $0x4000, s10  }
0x14b: {  	s21 =	sand.u32 $0x380, s18;
	s20 =	sand.u32 $0x2000, s20  }
0x14c: {  	s20 =	sor.u32 s21, s20  }
0x14d: {  	v3 =	vld [tilespmem:s20+$0x8200]  }
0x14e: {  	v4 =	vld [tilespmem:s20+$0x8220]  }
0x14f: {  	v5 =	vld [tilespmem:s20+$0x8230]  }
0x150: {  	v6 =	vld [tilespmem:s20+$0x8240]  }
0x151: {  	v7 =	vld [tilespmem:s20+$0x8250]  }
0x152: {  	v24 =	vld [tilespmem:s20+$0x8270]  }
0x153: {  	v25 =	vld [tilespmem:s20+$0x8600]  }
0x154: {  	v26 =	vld [tilespmem:s20+$0x8610]  }
0x155: {  	v27 =	vld [tilespmem:s20+$0x8620]  }
0x156: {  	v28 =	vld [tilespmem:s20+$0x8640]  }
0x157: {  	v29 =	vld [tilespmem:s20+$0x8650]  }
0x158: {  	v30 =	vld [tilespmem:s20+$0x8660]  }
0x159: {  	v31 =	vld [tilespmem:s20+$0x8670]  }
0x15a: {  	v32 =	vld [tilespmem:s20+$0x8A10]  }
0x15b: {  	v33 =	vld [tilespmem:s20+$0x8A20]  }
0x15c: {  	v34 =	vld [tilespmem:s20+$0x8A30]  }
0x15d: {  	v35 =	vld [tilespmem:s20+$0x8A40]  }
0x15e: {  	v36 =	vld [tilespmem:s20+$0x8A60]  }
0x15f: {  	v37 =	vld [tilespmem:s20+$0x8A70]  }
0x160: {  	v38 =	vld [tilespmem:s20+$0x8E00]  }
0x161: {  	v39 =	vld [tilespmem:s20+$0x8E10]  }
0x162: {  	v40 =	vld [tilespmem:s20+$0x8E30]  }
0x163: {  	v41 =	vld [tilespmem:s20+$0x8E40]  }
0x164: {  	v42 =	vld [tilespmem:s20+$0x8E50]  }
0x165: {  	v43 =	vld [tilespmem:s20+$0x8E60]  }
0x166: {  	v44 =	vld [tilespmem:s20+$0x9200]  }
0x167: {  	v45 =	vld [tilespmem:s20+$0x9210]  }
0x168: {  	v46 =	vld [tilespmem:s20+$0x9220]  }
0x169: {  	v47 =	vld [tilespmem:s20+$0x9230]  }
0x16a: {  	v48 =	vld [tilespmem:s20+$0x9250]  }
0x16b: {  	v49 =	vld [tilespmem:s20+$0x9260]  }
0x16c: {  	v50 =	vld [tilespmem:s20+$0x9270]  }
0x16d: {  	v51 =	vld [tilespmem:s20+$0x9600]  }
0x16e: {  	v52 =	vld [tilespmem:s20+$0x9620]  }
0x16f: {  	v53 =	vld [tilespmem:s20+$0x9630]  }
0x170: {  	v54 =	vld [tilespmem:s20+$0x9640]  }
0x171: {  	v55 =	vld [tilespmem:s20+$0x9650]  }
0x172: {  	v56 =	vld [tilespmem:s20+$0x9670]  }
0x173: {  	v57 =	vld [tilespmem:s20+$0x9A00]  }
0x174: {  	v58 =	vld [tilespmem:s20+$0x9A10]  }
0x175: {  	v59 =	vld [tilespmem:s20+$0x9A20]  }
0x176: {  	v60 =	vld [tilespmem:s20+$0x9A40]  }
0x177: {  	v61 =	vld [tilespmem:s20+$0x9A50]  }
0x178: {  	v62 =	vld [tilespmem:s20+$0x9A60]  }
0x179: {  	v63 =	vld [tilespmem:s20+$0x9A70]  }
0x17a: {  	[tilespmem:s20+$0xC200] =	vst.add.f32.msk $0xffff, v3  }
0x17b: {  	v3 =	vld [tilespmem:s20+$0x8210]  }
0x17c: {  	[tilespmem:s20+$0xC220] =	vst.add.f32.msk $0xffff, v4  }
0x17d: {  	[tilespmem:s20+$0xC230] =	vst.add.f32.msk $0xffff, v5  }
0x17e: {  	[tilespmem:s20+$0xC240] =	vst.add.f32.msk $0xffff, v6  }
0x17f: {  	[tilespmem:s20+$0xC250] =	vst.add.f32.msk $0xffff, v7  }
0x180: {  	[tilespmem:s20+$0xC210] =	vst.add.f32.msk $0xffff, v3  }
0x181: {  	v3 =	vld [tilespmem:s20+$0x8260]  }
0x182: {  	[tilespmem:s20+$0xC270] =	vst.add.f32.msk $0xffff, v24  }
0x183: {  	[tilespmem:s20+$0xC600] =	vst.add.f32.msk $0xffff, v25  }
0x184: {  	[tilespmem:s20+$0xC610] =	vst.add.f32.msk $0xffff, v26  }
0x185: {  	[tilespmem:s20+$0xC620] =	vst.add.f32.msk $0xffff, v27  }
0x186: {  	[tilespmem:s20+$0xC260] =	vst.add.f32.msk $0xffff, v3  }
0x187: {  	v3 =	vld [tilespmem:s20+$0x8630]  }
0x188: {  	[tilespmem:s20+$0xC640] =	vst.add.f32.msk $0xffff, v28  }
0x189: {  	[tilespmem:s20+$0xC650] =	vst.add.f32.msk $0xffff, v29  }
0x18a: {  	[tilespmem:s20+$0xC660] =	vst.add.f32.msk $0xffff, v30  }
0x18b: {  	[tilespmem:s20+$0xC670] =	vst.add.f32.msk $0xffff, v31  }
0x18c: {  	[tilespmem:s20+$0xC630] =	vst.add.f32.msk $0xffff, v3  }
0x18d: {  	v3 =	vld [tilespmem:s20+$0x8A00]  }
0x18e: {  	[tilespmem:s20+$0xCA10] =	vst.add.f32.msk $0xffff, v32  }
0x18f: {  	[tilespmem:s20+$0xCA20] =	vst.add.f32.msk $0xffff, v33  }
0x190: {  	[tilespmem:s20+$0xCA30] =	vst.add.f32.msk $0xffff, v34  }
0x191: {  	[tilespmem:s20+$0xCA40] =	vst.add.f32.msk $0xffff, v35  }
0x192: {  	[tilespmem:s20+$0xCA00] =	vst.add.f32.msk $0xffff, v3  }
0x193: {  	v3 =	vld [tilespmem:s20+$0x8A50]  }
0x194: {  	[tilespmem:s20+$0xCA60] =	vst.add.f32.msk $0xffff, v36  }
0x195: {  	[tilespmem:s20+$0xCA70] =	vst.add.f32.msk $0xffff, v37  }
0x196: {  	[tilespmem:s20+$0xCE00] =	vst.add.f32.msk $0xffff, v38  }
0x197: {  	[tilespmem:s20+$0xCE10] =	vst.add.f32.msk $0xffff, v39  }
0x198: {  	[tilespmem:s20+$0xCA50] =	vst.add.f32.msk $0xffff, v3  }
0x199: {  	v3 =	vld [tilespmem:s20+$0x8E20]  }
0x19a: {  	[tilespmem:s20+$0xCE30] =	vst.add.f32.msk $0xffff, v40  }
0x19b: {  	[tilespmem:s20+$0xCE40] =	vst.add.f32.msk $0xffff, v41  }
0x19c: {  	[tilespmem:s20+$0xCE50] =	vst.add.f32.msk $0xffff, v42  }
0x19d: {  	[tilespmem:s20+$0xCE60] =	vst.add.f32.msk $0xffff, v43  }
0x19e: {  	[tilespmem:s20+$0xCE20] =	vst.add.f32.msk $0xffff, v3  }
0x19f: {  	v3 =	vld [tilespmem:s20+$0x8E70]  }
0x1a0: {  	[tilespmem:s20+$0xD200] =	vst.add.f32.msk $0xffff, v44  }
0x1a1: {  	[tilespmem:s20+$0xD210] =	vst.add.f32.msk $0xffff, v45  }
0x1a2: {  	[tilespmem:s20+$0xD220] =	vst.add.f32.msk $0xffff, v46  }
0x1a3: {  	[tilespmem:s20+$0xD230] =	vst.add.f32.msk $0xffff, v47  }
0x1a4: {  	[tilespmem:s20+$0xCE70] =	vst.add.f32.msk $0xffff, v3  }
0x1a5: {  	v3 =	vld [tilespmem:s20+$0x9240]  }
0x1a6: {  	[tilespmem:s20+$0xD250] =	vst.add.f32.msk $0xffff, v48  }
0x1a7: {  	[tilespmem:s20+$0xD260] =	vst.add.f32.msk $0xffff, v49  }
0x1a8: {  	[tilespmem:s20+$0xD270] =	vst.add.f32.msk $0xffff, v50  }
0x1a9: {  	[tilespmem:s20+$0xD600] =	vst.add.f32.msk $0xffff, v51  }
0x1aa: {  	[tilespmem:s20+$0xD240] =	vst.add.f32.msk $0xffff, v3  }
0x1ab: {  	v3 =	vld [tilespmem:s20+$0x9610]  }
0x1ac: {  	[tilespmem:s20+$0xD620] =	vst.add.f32.msk $0xffff, v52  }
0x1ad: {  	[tilespmem:s20+$0xD630] =	vst.add.f32.msk $0xffff, v53  }
0x1ae: {  	[tilespmem:s20+$0xD640] =	vst.add.f32.msk $0xffff, v54  }
0x1af: {  	[tilespmem:s20+$0xD650] =	vst.add.f32.msk $0xffff, v55  }
0x1b0: {  	[tilespmem:s20+$0xD610] =	vst.add.f32.msk $0xffff, v3  }
0x1b1: {  	v3 =	vld [tilespmem:s20+$0x9660]  }
0x1b2: {  	[tilespmem:s20+$0xD670] =	vst.add.f32.msk $0xffff, v56  }
0x1b3: {  	[tilespmem:s20+$0xDA00] =	vst.add.f32.msk $0xffff, v57  }
0x1b4: {  	[tilespmem:s20+$0xDA10] =	vst.add.f32.msk $0xffff, v58  }
0x1b5: {  	[tilespmem:s20+$0xDA20] =	vst.add.f32.msk $0xffff, v59  }
0x1b6: {  	[tilespmem:s20+$0xD660] =	vst.add.f32.msk $0xffff, v3  }
0x1b7: {  	v3 =	vld [tilespmem:s20+$0x9A30]  }
0x1b8: {  	[tilespmem:s20+$0xDA40] =	vst.add.f32.msk $0xffff, v60  }
0x1b9: {  	s23 =	sand.u32 $0x7, s0;
	[tilespmem:s20+$0xDA50] =	vst.add.f32.msk $0xffff, v61  }
0x1ba: {  	s21 =	sshll.u32 s23, $0x7;
	[tilespmem:s20+$0xDA60] =	vst.add.f32.msk $0xffff, v62  }
0x1bb: {  	s21 =	sadd.s32 s21, s11;
	[tilespmem:s20+$0xDA70] =	vst.add.f32.msk $0xffff, v63  }
0x1bc: {  	s22 =	sor.u32 $0x1C00, s21;
	[tilespmem:s20+$0xDA30] =	vst.add.f32.msk $0xffff, v3  }
0x1bd: {  	v3 =	vld [tilespmem:s22+$0x8200];
	_ =	sdelay $0x4  }
0x1be: {  	s23 =	sor.u32 $0x1C10, s21;
	[tilespmem:s22+$0xC200] =	vst.add.f32.msk $0xffff, v3  }
0x1bf: {  	v3 =	vld [tilespmem:s23+$0x8200];
	_ =	sdelay $0x4  }
0x1c0: {  	s22 =	sor.u32 $0x1C20, s21;
	[tilespmem:s23+$0xC200] =	vst.add.f32.msk $0xffff, v3  }
0x1c1: {  	v3 =	vld [tilespmem:s22+$0x8200];
	_ =	sdelay $0x4  }
0x1c2: {  	s23 =	sor.u32 $0x1C30, s21;
	[tilespmem:s22+$0xC200] =	vst.add.f32.msk $0xffff, v3  }
0x1c3: {  	v3 =	vld [tilespmem:s23+$0x8200];
	_ =	sdelay $0x4  }
0x1c4: {  	s22 =	sor.u32 $0x1C40, s21;
	[tilespmem:s23+$0xC200] =	vst.add.f32.msk $0xffff, v3  }
0x1c5: {  	v3 =	vld [tilespmem:s22+$0x8200];
	_ =	sdelay $0x4  }
0x1c6: {  	s23 =	sor.u32 $0x1C50, s21;
	[tilespmem:s22+$0xC200] =	vst.add.f32.msk $0xffff, v3  }
0x1c7: {  	v3 =	vld [tilespmem:s23+$0x8200];
	_ =	sdelay $0x4  }
0x1c8: {  	s22 =	sor.u32 $0x1C60, s21;
	[tilespmem:s23+$0xC200] =	vst.add.f32.msk $0xffff, v3  }
0x1c9: {  	v3 =	vld [tilespmem:s22+$0x8200];
	_ =	sdelay $0x4  }
0x1ca: {  	s23 =	sor.u32 $0x1C70, s21;
	[tilespmem:s22+$0xC200] =	vst.add.f32.msk $0xffff, v3  }
0x1cb: {  	p0 =	sne.s32 s18, $0x780;
	v3 =	vld [tilespmem:s23+$0x8200]  }
.Ltmp2:
0x1cc: {  	_ = 	snop;
	(pc) =	sbr.rel @p0 .LBB2_7-.Ltmp2, $3  }
0x1cd: {  	_ =	sdelay $0x1  }
0x1ce: {  	s0 =	sadd.s32 $0x1, s0  }
0x1cf: {  	s10 =	sadd.s32 $0x400, s10;
	s18 =	sadd.s32 $0x80, s18;
	s11 =	sadd.s32 $0x400, s11;
	[tilespmem:s23+$0xC200] =	vst.add.f32.msk $0xffff, v3  }
0x1d0: {  	s0 =	sshll.u32 s31, $0xA  }
0x1d1: {  	s0 =	sadd.s32 $0xFF804000, s0  }
0x1d2: {  	p0 =	sne.s32 s29, $0x8;
	s0 =	sshrl.u32 s0, $0x3  }
.Ltmp3:
0x1d3: {  	s0 =	sadd.s32 s9, s0;
	(pc) =	sbr.rel @p0 .LBB2_2-.Ltmp3, $4  }
0x1d4: {  	[hbm4b:s0+s3] =	stream.linear.scatter [tilespmem:s2], [sflag:$0x5], $0x4000, $0x38;
	[tilespmem:$0x10200] =	vst v63  }
0x1d5: {  	_ =	swait.ge [sflag:s19], $0x4000  }
0x1d6: {  	[sflag:s19] =	ssyncset.done $0x0  }
0x1d7: {  	[sflag:s19] =	ssyncadd.s32 $0xFFFFC000  }
0x1d8: {  	s10 =	rddreg [dreg:$0x6]  }
0x1d9: {  	s0 =	rddreg [dreg:$0x5];
	s10 =	sadd.s32 $0x1, s10  }
0x1da: {  	p0 =	sne.s32 s10, s0  }
.Ltmp4:
0x1db: {  	_ = 	snop;
	(pc) =	sbr.rel @p0 .LBB2_1-.Ltmp4, $1  }
0x1dc: {  	_ =	sdelay $0x3  }
0x1dd: {  	_ =	sfence.sel $0x180000  }
0x1de: {  	[bflag:$0x0] =	sbarrier.arrive $0xFFFF  }
0x1df: {  	_ =	strace $0x9000004A  }
0x1e0: {  	s0 =	stileid.u32;
	[bflag:$0x2] =	sbarrier.arrive $0xFFFF  }
0x1e1: {  	p0 =	sne.s32 s0, $0x0;
	s0 =	rddreg [dreg:$0x2]  }
0x1e2: {  	s0 =	sadd.s32 @!p0 $0x100000, s0  }
0x1e3: {  	[sflag:s0] =	ssyncadd.tile.s32 @!p0 $0x1;
	_ =	shalt  }
.Lfunc_end2:
_tile_overlayer_lowered:
.L_overlay_start_2:
0x1e4: {  	(tag) =	ssettag $0x2  }
0x1e5: {  	s0 =	rddreg [dreg:$0x0];
	s2 =	stileid.u32  }
0x1e6: {  	s1 =	rddreg [dreg:$0x1];
	p0 =	sne.s32 s2, $0x0  }
0x1e7: {  	s3 =	rddreg [dreg:$0x2];
	[bflag:$0x3] =	sbarrier.arrive $0xFFFF;
	s2 =	simm.s32 @!p0 $0x1C05  }
0x1e8: {  	[timem:s3], [sflag:s2] =	dma.local @!p0 [hbm:s0], s1  }
0x1e9: {  	s0 =	simm.s32 @!p0 $0x5  }
0x1ea: {  	_ =	swait.ge @!p0 [sflag:s0], s1  }
0x1eb: {  	s1 =	ssub.s32 @!p0 $0x0, s1;
	[sflag:s0] =	ssyncset.done @!p0 $0x0  }
0x1ec: {  	[sflag:s0] =	ssyncadd.s32 @!p0 s1  }
0x1ed: {  	[bflag:$0x3] =	sbarrier.arrive $0xFFFF  }
0x1ee: {  	_ =	shalt  }

// kernel: kernel.7.cloned.1.call-start
scs
__scs_entry_jumppad:
0x0: {  	(pc) =	sbr.rel $0x88, $3  }
0x1: {  	(tag) =	ssettag $0x0;
	lr =	simm.s32 $0x1  }
0x2: {  	[smem:$0x3F96] =	sst lr;
	_ =	strace $0xD0000000  }
0x3: {  	_ = 	snop  }
0x4: {  	_ = 	snop  }
0x5: {  	_ = 	snop  }
0x6: {  	_ = 	snop  }
0x7: {  	_ = 	snop  }
__scs_overlays_trampoline_lowered:
0x8: {  	[smem:$0x3FA5] =	sst s0  }
0x9: {  	[smem:$0x3FA6] =	sst s1  }
0xa: {  	[smem:$0x3FA7] =	sst s2  }
0xb: {  	[smem:$0x3FA8] =	sst s3  }
0xc: {  	[smem:$0x3FA9] =	sst s4  }
0xd: {  	[smem:$0x3FAA] =	sst s5  }
0xe: {  	[smem:$0x3FAB] =	sst s6  }
0xf: {  	[smem:$0x3FAC] =	sst s7  }
0x10: {  	[smem:$0x3FAD] =	sst s8  }
0x11: {  	[smem:$0x3FAE] =	sst s9;
	s0 =	simm.s32 @!p0 $0x0  }
0x12: {  	s1 =	sld [smem:$0x3F94];
	s0 =	simm.s32 @p0 $0x1  }
0x13: {  	[smem:$0x3FAF] =	sst s0;
	s0 =	simm.s32 @!p1 $0x0  }
0x14: {  	s2 =	sld [smem:$0x3F93];
	s0 =	simm.s32 @p1 $0x1  }
0x15: {  	[smem:$0x3FB0] =	sst s0;
	s0 =	simm.s32 @!p2 $0x0  }
0x16: {  	s3 =	sld [smem:$0x3FDB];
	s0 =	simm.s32 @p2 $0x1  }
0x17: {  	s4 =	simm.s32 $0x1BF5;
	[smem:$0x3FB2] =	sst s0  }
0x18: {  	s0 =	sld [smem:$0x3F95];
	_ =	swait.ge [sflag:s4], $0x0  }
0x19: {  	s7 =	sld [smem:$0x3F96]  }
0x1a: {  	s8 =	sadd.s32 $0xFFFFE003, lr  }
0x1b: {  	s9 =	sadd.s32 $0xFFFFFEF7, lr;
	s5 =	simm.s32 $0xFFFFFFFF;
	p2 =	slt.u32 s8, $0xFFFFF086  }
0x1c: {  	p1 =	slt.u32 s9, $0xF7A;
	s5 =	simm.s32 @!p2 $0x0  }
0x1d: {  	s5 =	simm.s32 @p1 $0x1;
	p0 =	seq.s32 s7, s2  }
0x1e: {  	s7 =	smul.u32 @!p0 $0xF7A, s2;
	p2 =	seq.s32 @!p0 s5, $0x0  }
0x1f: {  	s9 =	smul.u32 $0xF7A, s1;
	s8 =	simm.s32 @!p0 $0x1BF5;
	p2 =	por !p2, p0  }
0x20: {  	[sflag:s8] =	ssyncset.s32 @!p0 $0xFFFFF086;
	s6 =	sadd.s32 @!p0 s3, s7;
	s7 =	simm.s32 @!p0 $0x108  }
0x21: {  	s3 =	sadd.s32 s3, s9;
	s6 =	sadd.s32 @!p0 $0x88, s6;
	s7 =	simm.s32 @p2 $0x1082  }
0x22: {  	[simem:s7], [sflag:s8] =	dma.local @!p0 [hbm:s6], $0xF7A  }
0x23: {  	s9 =	sor.u32 $0xD0000000, s2;
	s6 =	simm.s32 $0x108;
	_ =	swait.ge @!p0 [sflag:s8], $0x0  }
0x24: {  	s3 =	sadd.s32 $0x88, s3;
	s6 =	simm.s32 @!p1 $0x1082;
	[sflag:s4] =	ssyncset.s32 $0xFFFFF086  }
0x25: {  	[simem:s6], [sflag:s4] =	dma.local [hbm:s3], $0xF7A  }
0x26: {  	[smem:$0x3F96] =	sst s1;
	(tag) =	ssettag s2;
	_ =	strace s9  }
0x27: {  	s1 =	sld [smem:$0x3FA6]  }
0x28: {  	s2 =	sld [smem:$0x3FA7]  }
0x29: {  	s4 =	sld [smem:$0x3FA9]  }
0x2a: {  	p0 =	seq.s32 s5, $0x0;
	s5 =	sld [smem:$0x3FAA]  }
0x2b: {  	s6 =	sld [smem:$0x3FAB]  }
0x2c: {  	s7 =	sld [smem:$0x3FAC]  }
0x2d: {  	s3 =	simm.s32 $0x108;
	s8 =	sld [smem:$0x3FAD]  }
0x2e: {  	s3 =	simm.s32 @!p0 $0x1082;
	s9 =	sld [smem:$0x3FAE]  }
0x2f: {  	lr =	sadd.s32 s0, s3;
	s0 =	sld [smem:$0x3FA5]  }
0x30: {  	s3 =	sld [smem:$0x3FA8]  }
0x31: {  	[smem:$0x3FB1] =	sst s10  }
0x32: {  	s10 =	sld [smem:$0x3FAF];
	_ =	sdelay $0x3  }
0x33: {  	p0 =	seq.s32 s10, $0x1;
	s10 =	sld [smem:$0x3FB1];
	_ =	sdelay $0x3  }
0x34: {  	[smem:$0x3FB1] =	sst s10  }
0x35: {  	s10 =	sld [smem:$0x3FB0];
	_ =	sdelay $0x3  }
0x36: {  	p1 =	seq.s32 s10, $0x1;
	s10 =	sld [smem:$0x3FB1];
	_ =	sdelay $0x3  }
0x37: {  	[smem:$0x3FB1] =	sst s10  }
0x38: {  	s10 =	sld [smem:$0x3FB2]  }
0x39: {  	_ = 	snop;
	(pc) =	sbr.ind lr, $3  }
0x3a: {  	_ = 	snop  }
0x3b: {  	_ = 	snop  }
0x3c: {  	p2 =	seq.s32 s10, $0x1;
	s10 =	sld [smem:$0x3FB1]  }
0x3d: {  	_ =	shalt  }
0x3e: {  	_ =	shalt  }
0x3f: {  	_ =	shalt  }
0x40: {  	_ =	shalt  }
0x41: {  	_ =	shalt  }
0x42: {  	_ =	shalt  }
0x43: {  	_ =	shalt  }
0x44: {  	_ =	shalt  }
0x45: {  	_ =	shalt  }
0x46: {  	_ =	shalt  }
0x47: {  	_ =	shalt  }
0x48: {  	_ =	shalt  }
0x49: {  	_ =	shalt  }
0x4a: {  	_ =	shalt  }
0x4b: {  	_ =	shalt  }
0x4c: {  	_ =	shalt  }
0x4d: {  	_ =	shalt  }
0x4e: {  	_ =	shalt  }
0x4f: {  	_ =	shalt  }
0x50: {  	_ =	shalt  }
0x51: {  	_ =	shalt  }
0x52: {  	_ =	shalt  }
0x53: {  	_ =	shalt  }
0x54: {  	_ =	shalt  }
0x55: {  	_ =	shalt  }
0x56: {  	_ =	shalt  }
0x57: {  	_ =	shalt  }
0x58: {  	_ =	shalt  }
0x59: {  	_ =	shalt  }
0x5a: {  	_ =	shalt  }
0x5b: {  	_ =	shalt  }
0x5c: {  	_ =	shalt  }
0x5d: {  	_ =	shalt  }
0x5e: {  	_ =	shalt  }
0x5f: {  	_ =	shalt  }
0x60: {  	_ =	shalt  }
0x61: {  	_ =	shalt  }
0x62: {  	_ =	shalt  }
0x63: {  	_ =	shalt  }
0x64: {  	_ =	shalt  }
0x65: {  	_ =	shalt  }
0x66: {  	_ =	shalt  }
0x67: {  	_ =	shalt  }
0x68: {  	_ =	shalt  }
0x69: {  	_ =	shalt  }
0x6a: {  	_ =	shalt  }
0x6b: {  	_ =	shalt  }
0x6c: {  	_ =	shalt  }
0x6d: {  	_ =	shalt  }
0x6e: {  	_ =	shalt  }
0x6f: {  	_ =	shalt  }
0x70: {  	_ =	shalt  }
0x71: {  	_ =	shalt  }
0x72: {  	_ =	shalt  }
0x73: {  	_ =	shalt  }
0x74: {  	_ =	shalt  }
0x75: {  	_ =	shalt  }
0x76: {  	_ =	shalt  }
0x77: {  	_ =	shalt  }
0x78: {  	_ =	shalt  }
0x79: {  	_ =	shalt  }
0x7a: {  	_ =	shalt  }
0x7b: {  	_ =	shalt  }
0x7c: {  	_ =	shalt  }
0x7d: {  	_ =	shalt  }
0x7e: {  	_ =	shalt  }
0x7f: {  	_ =	shalt  }
0x80: {  	_ =	shalt  }
0x81: {  	_ =	shalt  }
0x82: {  	_ =	shalt  }
0x83: {  	_ =	shalt  }
0x84: {  	_ =	shalt  }
0x85: {  	_ =	shalt  }
0x86: {  	_ =	shalt  }
0x87: {  	_ =	shalt  }
.Lfunc_end0:
.L_simem_size_0:
called_computation_lowered:
.L_overlay_start_0:
0x88: {  	s2 =	sld [smem:$0x3FD9]  }
0x89: {  	s3 =	sld [smem:$0x3FFE];
	_ =	sdelay $0x1  }
0x8a: {  	s1 =	srdreg.scid  }
0x8b: {  	s0 =	sand.u32 $0x1, s1  }
0x8c: {  	s17 =	sshll.u32 s0, $0xA;
	s2 =	sadd.s32 s3, s2  }
0x8d: {  	s2 =	sadd.s32 s2, s17  }
0x8e: {  	[smem:$0x3FBD] =	sst s2  }
0x8f: {  	_ = 	snop  }
0x90: {  	s2 =	sld [smem:$0x3FC5];
	(tm) =	ssettm $0x1  }
0x91: {  	s18 =	sld [smem:$0x3FFB];
	_ =	sdelay $0x3  }
0x92: {  	_ =	strace s18  }
0x93: {  	s3 =	sld [smem:$0x3FFC];
	_ =	sdelay $0x3  }
0x94: {  	_ =	strace s3  }
0x95: {  	s3 =	sld [smem:$0x3FFD];
	_ =	sdelay $0x3  }
0x96: {  	_ =	strace s3  }
0x97: {  	_ =	strace $0x8FFFFFFF  }
0x98: {  	s19 =	sld [smem:$0x3FDB];
	_ =	sdelay $0x1  }
0x99: {  	s4 =	simm.s32 $_scs_section_size  }
0x9a: {  	s5 =	simm.s32 $_size__tile_overlayer_lowered;
	s6 =	simm.s32 $_tile_overlayer_lowered  }
0x9b: {  	s22 =	simm.s32 $0x1BFF;
	s21 =	sshll.u32 s6, $0x1;
	s3 =	sadd.s32 s4, s19  }
0x9c: {  	s7 =	simm.s32 $0x0;
	s20 =	sshll.u32 s5, $0x1;
	s5 =	sadd.s32 s21, s3  }
0x9d: {  	[timem:s7], [sflag:s22] =	dma.local [hbm:s5], s20  }
0x9e: {  	_ =	swait.ge [sflag:s22], s20  }
0x9f: {  	s4 =	ssub.s32 $0x0, s20;
	[sflag:s22] =	ssyncset.done $0x0  }
0xa0: {  	[sflag:s22] =	ssyncadd.s32 s4;
	_ =	sdelay $0x1  }
0xa1: {  	s23 =	simm.s32 $0x1B8B  }
0xa2: {  	_ =	swait.ge [sflag:s23], $0x1  }
0xa3: {  	[sflag:s23] =	ssyncset.done $0x0  }
0xa4: {  	s25 =	simm.s32 $0x1B8E;
	s24 =	sld [smem:$0x3FFE];
	[sflag:s23] =	ssyncadd.s32 $0xFFFFFFFF  }
0xa5: {  	s26 =	simm.s32 $execute0_lowered;
	[smem:$0x3FD2] =	sst s25  }
0xa6: {  	s5 =	sshll.u32 s26, $0x1;
	_ =	strace $0x80000046;
	[dreg:$0x1] =	wrdreg $0xFFFFFFFF  }
0xa7: {  	s28 =	simm.s32 $_size_execute0_lowered;
	s3 =	sadd.s32 s3, s5;
	[dreg:$0x0] =	wrdreg $0x0  }
0xa8: {  	s5 =	sshll.u32 s28, $0x1;
	[dreg:$0x2] =	wrdreg s3  }
0xa9: {  	[dreg:$0x3] =	wrdreg s5  }
0xaa: {  	[dreg:$0x4] =	wrdreg $0xC0  }
0xab: {  	_ =	task [dreg:s7], $0x5FFFF  }
0xac: {  	[dreg:$0x1] =	wrdreg $0xFFFFFFFF  }
0xad: {  	[dreg:$0x0] =	wrdreg $0x60  }
0xae: {  	[dreg:$0x2] =	wrdreg s24  }
0xaf: {  	[dreg:$0x3] =	wrdreg s2  }
0xb0: {  	[dreg:$0x4] =	wrdreg $0x9  }
0xb1: {  	_ =	task.clear_ibuf [dreg:s7], $0x5FFFF;
	_ =	strace $0x90000046  }
0xb2: {  	s29 =	simm.s32 $0x9;
	_ =	strace $0x80000048  }
0xb3: {  	_ =	swait.ge [sflag:s29], $0x1  }
0xb4: {  	[sflag:s29] =	ssyncadd.s32 $0xFFFFFFFF  }
0xb5: {  	_ =	strace $0x90000048  }
0xb6: {  	_ =	sfence  }
0xb7: {  	s30 =	sld [smem:$0x0];
	_ =	sdelay $0x2  }
0xb8: {  	s31 =	sshll.u32 s1, $0xD;
	s1 =	sshrl.u32 s1, $0x2  }
0xb9: {  	s3 =	sand.u32 $0x4000, s31;
	s1 =	sadd.s32 s1, s30  }
0xba: {  	s0 =	sor.u32 s3, s0;
	s1 =	sshll.u32 s1, $0x11  }
0xbb: {  	s0 =	sor.u32 s1, s0  }
0xbc: {  	s0 =	sadd.s32 $0x8F2B, s0  }
0xbd: {  	[sflag:s0] =	ssyncadd.remote.s32 $0x1  }
0xbe: {  	_ =	sfence.sel $0xFFFF  }
0xbf: {  	[dreg:$0x0] =	wrdreg $0xFFFFFFFF;
	(pc) =	sbr.abs _section_cstart, $3  }
0xc0: {  	[dreg:$0x1] =	wrdreg $0xFFFFFFFF  }
0xc1: {  	_ =	task.clear_ibuf [dreg:s7], $0x2FFFF;
	_ =	strace $0x9FFFFFFF  }
0xc2: {  	(tm) =	ssettm $0x7FFFFFFF  }
0xc3: {  	_ =	shalt  }
tec
execute0_lowered:
.L_overlay_start_1:
0x0: {  	(tag) =	ssettag $0x1  }
0x1: {  	s0 =	rddreg [dreg:$0x0]  }
0x2: {  	s1 =	rddreg [dreg:$0x1]  }
0x3: {  	s2 =	simm.s32 $0x0;
	s3 =	srdreg.scid;
	s6 =	stileid.u32  }
0x4: {  	s18 =	simm.s32 $0x5;
	s29 =	simm.s32 $0x4100;
	s31 =	simm.s32 $0xC200  }
0x5: {  	s19 =	simm.s32 $0xF200;
	s20 =	simm.s32 $0xFA00;
	s21 =	simm.s32 $0x1  }
0x6: {  	s22 =	simm.s32 $0x2;
	s23 =	simm.s32 $0x3;
	s24 =	simm.s32 $0x4  }
0x7: {  	[smem:$0x7FF] =	sst s2;
	s4 =	sadd.s32 $0x2000, s0;
	s3 =	sand.u32 $0x1, s3  }
0x8: {  	s5 =	sadd.s32 $0x1800, s0;
	s8 =	sshll.u32 s6, $0x8;
	s6 =	sadd.s32 $0x2800, s0  }
0x9: {  	s11 =	sadd.s32 $0x100, s1;
	s12 =	sadd.s32 $0x200, s1;
	s7 =	sshll.u32 s3, $0xC  }
0xa: {  	s13 =	sadd.s32 $0x300, s1;
	s14 =	sadd.s32 $0x2900, s0;
	s7 =	sor.u32 s8, s7  }
0xb: {  	s15 =	sadd.s32 $0x2A00, s0;
	s3 =	ssub.s32 $0x2, s3;
	s10 =	sshrl.u32 s7, $0x3  }
0xc: {  	_ =	strace $0x80000047;
	s9 =	sshrl.u32 s3, $0x1;
	s26 =	sadd.s32 s4, s10  }
0xd: {  	v2 =	vlaneseq.u32;
	s3 =	ssub.s32 s3, s9;
	s28 =	sadd.s32 s5, s10;
	[dreg:$0x3] =	wrdreg s26  }
0xe: {  	vm0 =	vmmov $0xffff;
	s16 =	sadd.s32 $0x2B00, s0;
	v1 =	vshrl.u32 v2, $0x3;
	s30 =	smax.u32 s3, $0x1;
	[dreg:$0x4] =	wrdreg s28  }
0xf: {  	v0 =	vand.u32 $0x7, v2;
	v2 =	vor.u32 $0x8, v2;
	v1 =	vmul.u32 $0x8, v1;
	s8 =	sadd.s32 $0x82C00, s0;
	s3 =	simm.s32 $0x0;
	[dreg:$0x5] =	wrdreg s30  }
.LBB2_1:
0x10: {  	[dreg:$0x6] =	wrdreg s3  }
0x11: {  	s0 =	rddreg [dreg:$0x3]  }
0x12: {  	[tilespmem:s2], [sflag:$0x5] =	stream.linear.gather [hbm4b:s0+s2], $0x10, $0x38;
	[tilespmem:$0x10200] =	vst v63  }
0x13: {  	_ =	swait.ge [sflag:s18], $0x10  }
0x14: {  	[sflag:s18] =	ssyncset.done $0x0  }
0x15: {  	s30 =	simm.s32 $0x80;
	s28 =	rddreg [dreg:$0x4];
	[sflag:s18] =	ssyncadd.s32 $0xFFFFFFF0  }
0x16: {  	[tilespmem:s30], [sflag:$0x5] =	stream.linear.gather [hbm4b:s28+s2], $0x10, $0x38;
	[tilespmem:$0x10200] =	vst v63  }
0x17: {  	_ =	swait.ge [sflag:s18], $0x10  }
0x18: {  	[sflag:s18] =	ssyncset.done $0x0  }
0x19: {  	[sflag:s18] =	ssyncadd.s32 $0xFFFFFFF0  }
0x1a: {  	v3 =	vld [tilespmem:$0x0];
	_ =	sdelay $0x4  }
0x1b: {  	v4 =	vshll.u32 v3, $0x3  }
0x1c: {  	v3 =	vand.u32 $0x7, v3;
	v4 =	vand.u32 $0xFFFFFFC0, v4  }
0x1d: {  	v3 =	vor.u32 v3, v4  }
0x1e: {  	v4 =	vperm.xlane v3, v0;
	_ =	sdelay $0x1  }
0x1f: {  	v4 =	vadd.s32 v1, v4;
	_ =	sdelay $0x3  }
0x20: {  	s9 =	simm.s32 $0x100  }
0x21: {  	[tilespmem:s9], [sflag:$0x1] =	stream.indirect_vreg.gather [hbm4b:s1+s2], $0x80, v4, vm0, $0xb8;
	[tilespmem:$0x10200] =	vst v63  }
0x22: {  	s10 =	simm.s32 $0x900;
	v3 =	vperm.xlane v3, v2  }
0x23: {  	[tilespmem:s10], [sflag:$0x1] =	stream.indirect_vreg.gather [hbm4b:s11+s2], $0x80, v4, vm0, $0xb8;
	[tilespmem:$0x10200] =	vst v63  }
0x24: {  	s17 =	simm.s32 $0x1100;
	v3 =	vadd.s32 v1, v3  }
0x25: {  	[tilespmem:s17], [sflag:$0x1] =	stream.indirect_vreg.gather [hbm4b:s12+s2], $0x80, v4, vm0, $0xb8;
	[tilespmem:$0x10200] =	vst v63  }
0x26: {  	s25 =	simm.s32 $0x1900  }
0x27: {  	[tilespmem:s25], [sflag:$0x1] =	stream.indirect_vreg.gather [hbm4b:s13+s2], $0x80, v4, vm0, $0xb8;
	[tilespmem:$0x10200] =	vst v63  }
0x28: {  	s26 =	simm.s32 $0x2100  }
0x29: {  	[tilespmem:s26], [sflag:$0x1] =	stream.indirect_vreg.gather [hbm4b:s1+s2], $0x80, v3, vm0, $0xb8;
	[tilespmem:$0x10200] =	vst v63  }
0x2a: {  	s28 =	simm.s32 $0x2900  }
0x2b: {  	[tilespmem:s28], [sflag:$0x1] =	stream.indirect_vreg.gather [hbm4b:s11+s2], $0x80, v3, vm0, $0xb8;
	[tilespmem:$0x10200] =	vst v63  }
0x2c: {  	s30 =	simm.s32 $0x3100  }
0x2d: {  	[tilespmem:s30], [sflag:$0x1] =	stream.indirect_vreg.gather [hbm4b:s12+s2], $0x80, v3, vm0, $0xb8;
	[tilespmem:$0x10200] =	vst v63  }
0x2e: {  	s3 =	simm.s32 $0x3900  }
0x2f: {  	[tilespmem:s3], [sflag:$0x1] =	stream.indirect_vreg.gather [hbm4b:s13+s2], $0x80, v3, vm0, $0xb8;
	[tilespmem:$0x10200] =	vst v63  }
0x30: {  	v3 =	vld [tilespmem:$0x80];
	_ =	sdelay $0x4  }
0x31: {  	v63 =	vshll.u32 v3, $0x3  }
0x32: {  	v3 =	vand.u32 $0x7, v3;
	v4 =	vand.u32 $0xFFFFFFC0, v63  }
0x33: {  	v3 =	vor.u32 v3, v4  }
0x34: {  	v4 =	vperm.xlane v3, v0;
	_ =	sdelay $0x1  }
0x35: {  	v4 =	vadd.s32 v1, v4;
	_ =	sdelay $0x4  }
0x36: {  	[tilespmem:s29], [sflag:$0x2] =	stream.indirect_vreg.gather [hbm4b:s6+s2], $0x80, v4, vm0, $0xb8;
	[tilespmem:$0x10200] =	vst v63  }
0x37: {  	s9 =	simm.s32 $0x4900;
	v3 =	vperm.xlane v3, v2  }
0x38: {  	[tilespmem:s9], [sflag:$0x2] =	stream.indirect_vreg.gather [hbm4b:s14+s2], $0x80, v4, vm0, $0xb8;
	[tilespmem:$0x10200] =	vst v63  }
0x39: {  	s10 =	simm.s32 $0x5100;
	v3 =	vadd.s32 v1, v3  }
0x3a: {  	[tilespmem:s10], [sflag:$0x2] =	stream.indirect_vreg.gather [hbm4b:s15+s2], $0x80, v4, vm0, $0xb8;
	[tilespmem:$0x10200] =	vst v63  }
0x3b: {  	s17 =	simm.s32 $0x5900  }
0x3c: {  	[tilespmem:s17], [sflag:$0x2] =	stream.indirect_vreg.gather [hbm4b:s16+s2], $0x80, v4, vm0, $0xb8;
	[tilespmem:$0x10200] =	vst v63  }
0x3d: {  	s25 =	simm.s32 $0x6100  }
0x3e: {  	[tilespmem:s25], [sflag:$0x2] =	stream.indirect_vreg.gather [hbm4b:s6+s2], $0x80, v3, vm0, $0xb8;
	[tilespmem:$0x10200] =	vst v63  }
0x3f: {  	s26 =	simm.s32 $0x6900  }
0x40: {  	[tilespmem:s26], [sflag:$0x2] =	stream.indirect_vreg.gather [hbm4b:s14+s2], $0x80, v3, vm0, $0xb8;
	[tilespmem:$0x10200] =	vst v63  }
0x41: {  	s28 =	simm.s32 $0x7100  }
0x42: {  	[tilespmem:s28], [sflag:$0x2] =	stream.indirect_vreg.gather [hbm4b:s15+s2], $0x80, v3, vm0, $0xb8;
	[tilespmem:$0x10200] =	vst v63  }
0x43: {  	s30 =	simm.s32 $0x7900;
	s25 =	simm.s32 $0x0  }
0x44: {  	[tilespmem:s30], [sflag:$0x2] =	stream.indirect_vreg.gather [hbm4b:s16+s2], $0x80, v3, vm0, $0xb8;
	[tilespmem:$0x10200] =	vst v63  }
.LBB2_2:
0x45: {  	s0 =	sshll.u32 s25, $0x5  }
0x46: {  	s28 =	sadd.s32 s7, s0  }
0x47: {  	s26 =	sor.u32 $0x10, s28  }
0x48: {  	s17 =	sshrl.u32 s26, $0x3  }
0x49: {  	s30 =	simm.s32 $0x0;
	s9 =	simm.s32 $0x8100;
	s3 =	sadd.s32 s4, s17  }
0x4a: {  	[tilespmem:s9], [sflag:$0x5] =	stream.linear.gather [hbm4b:s3+s30], $0x10, $0x38;
	[tilespmem:$0x10200] =	vst v63  }
0x4b: {  	_ =	swait.ge [sflag:s18], $0x10  }
0x4c: {  	[sflag:s18] =	ssyncset.done $0x0  }
0x4d: {  	s10 =	simm.s32 $0x8180;
	s0 =	sadd.s32 s5, s17;
	[sflag:s18] =	ssyncadd.s32 $0xFFFFFFF0  }
0x4e: {  	[tilespmem:s10], [sflag:$0x5] =	stream.linear.gather [hbm4b:s0+s30], $0x10, $0x38;
	[tilespmem:$0x10200] =	vst v63  }
0x4f: {  	_ =	swait.ge [sflag:s18], $0x10  }
0x50: {  	[sflag:s18] =	ssyncset.done $0x0  }
0x51: {  	[sflag:s18] =	ssyncadd.s32 $0xFFFFFFF0  }
0x52: {  	v3 =	vld [tilespmem:$0x8100];
	_ =	sdelay $0x4  }
0x53: {  	v4 =	vshll.u32 v3, $0x3  }
0x54: {  	v3 =	vand.u32 $0x7, v3;
	v4 =	vand.u32 $0xFFFFFFC0, v4  }
0x55: {  	v3 =	vor.u32 v3, v4  }
0x56: {  	v4 =	vperm.xlane v3, v0;
	_ =	sdelay $0x1  }
0x57: {  	v4 =	vadd.s32 v1, v4;
	_ =	sdelay $0x3  }
0x58: {  	s17 =	simm.s32 $0x8200  }
0x59: {  	[tilespmem:s17], [sflag:$0x3] =	stream.indirect_vreg.gather [hbm4b:s1+s30], $0x80, v4, vm0, $0xb8;
	[tilespmem:$0x10200] =	vst v63  }
0x5a: {  	s3 =	simm.s32 $0x8A00;
	v3 =	vperm.xlane v3, v2  }
0x5b: {  	[tilespmem:s3], [sflag:$0x3] =	stream.indirect_vreg.gather [hbm4b:s11+s30], $0x80, v4, vm0, $0xb8;
	[tilespmem:$0x10200] =	vst v63  }
0x5c: {  	s9 =	simm.s32 $0x9200;
	v3 =	vadd.s32 v1, v3  }
0x5d: {  	[tilespmem:s9], [sflag:$0x3] =	stream.indirect_vreg.gather [hbm4b:s12+s30], $0x80, v4, vm0, $0xb8;
	[tilespmem:$0x10200] =	vst v63  }
0x5e: {  	s10 =	simm.s32 $0x9A00  }
0x5f: {  	[tilespmem:s10], [sflag:$0x3] =	stream.indirect_vreg.gather [hbm4b:s13+s30], $0x80, v4, vm0, $0xb8;
	[tilespmem:$0x10200] =	vst v63  }
0x60: {  	s17 =	simm.s32 $0xA200  }
0x61: {  	[tilespmem:s17], [sflag:$0x3] =	stream.indirect_vreg.gather [hbm4b:s1+s30], $0x80, v3, vm0, $0xb8;
	[tilespmem:$0x10200] =	vst v63  }
0x62: {  	s3 =	simm.s32 $0xAA00  }
0x63: {  	[tilespmem:s3], [sflag:$0x3] =	stream.indirect_vreg.gather [hbm4b:s11+s30], $0x80, v3, vm0, $0xb8;
	[tilespmem:$0x10200] =	vst v63  }
0x64: {  	s9 =	simm.s32 $0xB200  }
0x65: {  	[tilespmem:s9], [sflag:$0x3] =	stream.indirect_vreg.gather [hbm4b:s12+s30], $0x80, v3, vm0, $0xb8;
	[tilespmem:$0x10200] =	vst v63  }
0x66: {  	s10 =	simm.s32 $0xBA00  }
0x67: {  	[tilespmem:s10], [sflag:$0x3] =	stream.indirect_vreg.gather [hbm4b:s13+s30], $0x80, v3, vm0, $0xb8;
	[tilespmem:$0x10200] =	vst v63  }
0x68: {  	v3 =	vld [tilespmem:$0x8180];
	_ =	sdelay $0x4  }
0x69: {  	v63 =	vshll.u32 v3, $0x3  }
0x6a: {  	v3 =	vand.u32 $0x7, v3;
	v4 =	vand.u32 $0xFFFFFFC0, v63  }
0x6b: {  	v3 =	vor.u32 v3, v4  }
0x6c: {  	v4 =	vperm.xlane v3, v0;
	_ =	sdelay $0x1  }
0x6d: {  	v4 =	vadd.s32 v1, v4;
	_ =	sdelay $0x4  }
0x6e: {  	[tilespmem:s31], [sflag:$0x4] =	stream.indirect_vreg.gather [hbm4b:s6+s30], $0x80, v4, vm0, $0xb8;
	[tilespmem:$0x10200] =	vst v63  }
0x6f: {  	s17 =	simm.s32 $0xCA00;
	v3 =	vperm.xlane v3, v2  }
0x70: {  	[tilespmem:s17], [sflag:$0x4] =	stream.indirect_vreg.gather [hbm4b:s14+s30], $0x80, v4, vm0, $0xb8;
	[tilespmem:$0x10200] =	vst v63  }
0x71: {  	s3 =	simm.s32 $0xD200;
	v3 =	vadd.s32 v1, v3  }
0x72: {  	[tilespmem:s3], [sflag:$0x4] =	stream.indirect_vreg.gather [hbm4b:s15+s30], $0x80, v4, vm0, $0xb8;
	[tilespmem:$0x10200] =	vst v63  }
0x73: {  	s9 =	simm.s32 $0xDA00  }
0x74: {  	[tilespmem:s9], [sflag:$0x4] =	stream.indirect_vreg.gather [hbm4b:s16+s30], $0x80, v4, vm0, $0xb8;
	[tilespmem:$0x10200] =	vst v63  }
0x75: {  	s10 =	simm.s32 $0xE200  }
0x76: {  	[tilespmem:s10], [sflag:$0x4] =	stream.indirect_vreg.gather [hbm4b:s6+s30], $0x80, v3, vm0, $0xb8;
	[tilespmem:$0x10200] =	vst v63  }
0x77: {  	s17 =	simm.s32 $0xEA00  }
0x78: {  	[tilespmem:s17], [sflag:$0x4] =	stream.indirect_vreg.gather [hbm4b:s14+s30], $0x80, v3, vm0, $0xb8;
	[tilespmem:$0x10200] =	vst v63  }
0x79: {  	_ = 	snop  }
0x7a: {  	[tilespmem:s19], [sflag:$0x4] =	stream.indirect_vreg.gather [hbm4b:s15+s30], $0x80, v3, vm0, $0xb8;
	[tilespmem:$0x10200] =	vst v63  }
0x7b: {  	_ = 	snop  }
0x7c: {  	[tilespmem:s20], [sflag:$0x4] =	stream.indirect_vreg.gather [hbm4b:s16+s30], $0x80, v3, vm0, $0xb8;
	[tilespmem:$0x10200] =	vst v63  }
0x7d: {  	_ =	swait.ge [sflag:s21], $0x4000  }
0x7e: {  	[sflag:s21] =	ssyncset.done $0x0  }
0x7f: {  	[sflag:s21] =	ssyncadd.s32 $0xFFFFC000  }
0x80: {  	_ =	swait.ge [sflag:s22], $0x4000  }
0x81: {  	s0 =	simm.s32 $0xFFFFC000;
	[sflag:s22] =	ssyncset.done $0x0  }
0x82: {  	s3 =	simm.s32 $0x0;
	s9 =	simm.s32 $0x0;
	[sflag:s22] =	ssyncadd.s32 $0xFFFFC000  }
.LBB2_3:
0x83: {  	s10 =	sadd.s32 $0x4000, s0  }
0x84: {  	s17 =	sand.u32 $0x380, s9;
	s10 =	sand.u32 $0x2000, s10  }
0x85: {  	s10 =	sor.u32 s17, s10  }
0x86: {  	v3 =	vld [tilespmem:s10+$0x100]  }
0x87: {  	v4 =	vld [tilespmem:s10+$0x120]  }
0x88: {  	v5 =	vld [tilespmem:s10+$0x130]  }
0x89: {  	v6 =	vld [tilespmem:s10+$0x140]  }
0x8a: {  	v7 =	vld [tilespmem:s10+$0x150]  }
0x8b: {  	v24 =	vld [tilespmem:s10+$0x170]  }
0x8c: {  	v25 =	vld [tilespmem:s10+$0x500]  }
0x8d: {  	v26 =	vld [tilespmem:s10+$0x510]  }
0x8e: {  	v27 =	vld [tilespmem:s10+$0x520]  }
0x8f: {  	v28 =	vld [tilespmem:s10+$0x540]  }
0x90: {  	v29 =	vld [tilespmem:s10+$0x550]  }
0x91: {  	v30 =	vld [tilespmem:s10+$0x560]  }
0x92: {  	v31 =	vld [tilespmem:s10+$0x570]  }
0x93: {  	v32 =	vld [tilespmem:s10+$0x910]  }
0x94: {  	v33 =	vld [tilespmem:s10+$0x920]  }
0x95: {  	v34 =	vld [tilespmem:s10+$0x930]  }
0x96: {  	v35 =	vld [tilespmem:s10+$0x940]  }
0x97: {  	v36 =	vld [tilespmem:s10+$0x960]  }
0x98: {  	v37 =	vld [tilespmem:s10+$0x970]  }
0x99: {  	v38 =	vld [tilespmem:s10+$0xD00]  }
0x9a: {  	v39 =	vld [tilespmem:s10+$0xD10]  }
0x9b: {  	v40 =	vld [tilespmem:s10+$0xD30]  }
0x9c: {  	v41 =	vld [tilespmem:s10+$0xD40]  }
0x9d: {  	v42 =	vld [tilespmem:s10+$0xD50]  }
0x9e: {  	v43 =	vld [tilespmem:s10+$0xD60]  }
0x9f: {  	v44 =	vld [tilespmem:s10+$0x1100]  }
0xa0: {  	v45 =	vld [tilespmem:s10+$0x1110]  }
0xa1: {  	v46 =	vld [tilespmem:s10+$0x1120]  }
0xa2: {  	v47 =	vld [tilespmem:s10+$0x1130]  }
0xa3: {  	v48 =	vld [tilespmem:s10+$0x1150]  }
0xa4: {  	v49 =	vld [tilespmem:s10+$0x1160]  }
0xa5: {  	v50 =	vld [tilespmem:s10+$0x1170]  }
0xa6: {  	v51 =	vld [tilespmem:s10+$0x1500]  }
0xa7: {  	v52 =	vld [tilespmem:s10+$0x1520]  }
0xa8: {  	v53 =	vld [tilespmem:s10+$0x1530]  }
0xa9: {  	v54 =	vld [tilespmem:s10+$0x1540]  }
0xaa: {  	v55 =	vld [tilespmem:s10+$0x1550]  }
0xab: {  	v56 =	vld [tilespmem:s10+$0x1570]  }
0xac: {  	v57 =	vld [tilespmem:s10+$0x1900]  }
0xad: {  	v58 =	vld [tilespmem:s10+$0x1910]  }
0xae: {  	v59 =	vld [tilespmem:s10+$0x1920]  }
0xaf: {  	v60 =	vld [tilespmem:s10+$0x1940]  }
0xb0: {  	v61 =	vld [tilespmem:s10+$0x1950]  }
0xb1: {  	v62 =	vld [tilespmem:s10+$0x1960]  }
0xb2: {  	v63 =	vld [tilespmem:s10+$0x1970]  }
0xb3: {  	[tilespmem:s10+$0x4100] =	vst.add.f32.msk $0xffff, v3  }
0xb4: {  	v3 =	vld [tilespmem:s10+$0x110]  }
0xb5: {  	[tilespmem:s10+$0x4120] =	vst.add.f32.msk $0xffff, v4  }
0xb6: {  	[tilespmem:s10+$0x4130] =	vst.add.f32.msk $0xffff, v5  }
0xb7: {  	[tilespmem:s10+$0x4140] =	vst.add.f32.msk $0xffff, v6  }
0xb8: {  	[tilespmem:s10+$0x4150] =	vst.add.f32.msk $0xffff, v7  }
0xb9: {  	[tilespmem:s10+$0x4110] =	vst.add.f32.msk $0xffff, v3  }
0xba: {  	v3 =	vld [tilespmem:s10+$0x160]  }
0xbb: {  	[tilespmem:s10+$0x4170] =	vst.add.f32.msk $0xffff, v24  }
0xbc: {  	[tilespmem:s10+$0x4500] =	vst.add.f32.msk $0xffff, v25  }
0xbd: {  	[tilespmem:s10+$0x4510] =	vst.add.f32.msk $0xffff, v26  }
0xbe: {  	[tilespmem:s10+$0x4520] =	vst.add.f32.msk $0xffff, v27  }
0xbf: {  	[tilespmem:s10+$0x4160] =	vst.add.f32.msk $0xffff, v3  }
0xc0: {  	v3 =	vld [tilespmem:s10+$0x530]  }
0xc1: {  	[tilespmem:s10+$0x4540] =	vst.add.f32.msk $0xffff, v28  }
0xc2: {  	[tilespmem:s10+$0x4550] =	vst.add.f32.msk $0xffff, v29  }
0xc3: {  	[tilespmem:s10+$0x4560] =	vst.add.f32.msk $0xffff, v30  }
0xc4: {  	[tilespmem:s10+$0x4570] =	vst.add.f32.msk $0xffff, v31  }
0xc5: {  	[tilespmem:s10+$0x4530] =	vst.add.f32.msk $0xffff, v3  }
0xc6: {  	v3 =	vld [tilespmem:s10+$0x900]  }
0xc7: {  	[tilespmem:s10+$0x4910] =	vst.add.f32.msk $0xffff, v32  }
0xc8: {  	[tilespmem:s10+$0x4920] =	vst.add.f32.msk $0xffff, v33  }
0xc9: {  	[tilespmem:s10+$0x4930] =	vst.add.f32.msk $0xffff, v34  }
0xca: {  	[tilespmem:s10+$0x4940] =	vst.add.f32.msk $0xffff, v35  }
0xcb: {  	[tilespmem:s10+$0x4900] =	vst.add.f32.msk $0xffff, v3  }
0xcc: {  	v3 =	vld [tilespmem:s10+$0x950]  }
0xcd: {  	[tilespmem:s10+$0x4960] =	vst.add.f32.msk $0xffff, v36  }
0xce: {  	[tilespmem:s10+$0x4970] =	vst.add.f32.msk $0xffff, v37  }
0xcf: {  	[tilespmem:s10+$0x4D00] =	vst.add.f32.msk $0xffff, v38  }
0xd0: {  	[tilespmem:s10+$0x4D10] =	vst.add.f32.msk $0xffff, v39  }
0xd1: {  	[tilespmem:s10+$0x4950] =	vst.add.f32.msk $0xffff, v3  }
0xd2: {  	v3 =	vld [tilespmem:s10+$0xD20]  }
0xd3: {  	[tilespmem:s10+$0x4D30] =	vst.add.f32.msk $0xffff, v40  }
0xd4: {  	[tilespmem:s10+$0x4D40] =	vst.add.f32.msk $0xffff, v41  }
0xd5: {  	[tilespmem:s10+$0x4D50] =	vst.add.f32.msk $0xffff, v42  }
0xd6: {  	[tilespmem:s10+$0x4D60] =	vst.add.f32.msk $0xffff, v43  }
0xd7: {  	[tilespmem:s10+$0x4D20] =	vst.add.f32.msk $0xffff, v3  }
0xd8: {  	v3 =	vld [tilespmem:s10+$0xD70]  }
0xd9: {  	[tilespmem:s10+$0x5100] =	vst.add.f32.msk $0xffff, v44  }
0xda: {  	[tilespmem:s10+$0x5110] =	vst.add.f32.msk $0xffff, v45  }
0xdb: {  	[tilespmem:s10+$0x5120] =	vst.add.f32.msk $0xffff, v46  }
0xdc: {  	[tilespmem:s10+$0x5130] =	vst.add.f32.msk $0xffff, v47  }
0xdd: {  	[tilespmem:s10+$0x4D70] =	vst.add.f32.msk $0xffff, v3  }
0xde: {  	v3 =	vld [tilespmem:s10+$0x1140]  }
0xdf: {  	[tilespmem:s10+$0x5150] =	vst.add.f32.msk $0xffff, v48  }
0xe0: {  	[tilespmem:s10+$0x5160] =	vst.add.f32.msk $0xffff, v49  }
0xe1: {  	[tilespmem:s10+$0x5170] =	vst.add.f32.msk $0xffff, v50  }
0xe2: {  	[tilespmem:s10+$0x5500] =	vst.add.f32.msk $0xffff, v51  }
0xe3: {  	[tilespmem:s10+$0x5140] =	vst.add.f32.msk $0xffff, v3  }
0xe4: {  	v3 =	vld [tilespmem:s10+$0x1510]  }
0xe5: {  	[tilespmem:s10+$0x5520] =	vst.add.f32.msk $0xffff, v52  }
0xe6: {  	[tilespmem:s10+$0x5530] =	vst.add.f32.msk $0xffff, v53  }
0xe7: {  	[tilespmem:s10+$0x5540] =	vst.add.f32.msk $0xffff, v54  }
0xe8: {  	[tilespmem:s10+$0x5550] =	vst.add.f32.msk $0xffff, v55  }
0xe9: {  	[tilespmem:s10+$0x5510] =	vst.add.f32.msk $0xffff, v3  }
0xea: {  	v3 =	vld [tilespmem:s10+$0x1560]  }
0xeb: {  	[tilespmem:s10+$0x5570] =	vst.add.f32.msk $0xffff, v56  }
0xec: {  	[tilespmem:s10+$0x5900] =	vst.add.f32.msk $0xffff, v57  }
0xed: {  	[tilespmem:s10+$0x5910] =	vst.add.f32.msk $0xffff, v58  }
0xee: {  	[tilespmem:s10+$0x5920] =	vst.add.f32.msk $0xffff, v59  }
0xef: {  	[tilespmem:s10+$0x5560] =	vst.add.f32.msk $0xffff, v3  }
0xf0: {  	v3 =	vld [tilespmem:s10+$0x1930]  }
0xf1: {  	[tilespmem:s10+$0x5940] =	vst.add.f32.msk $0xffff, v60  }
0xf2: {  	s17 =	sand.u32 $0x7, s30;
	[tilespmem:s10+$0x5950] =	vst.add.f32.msk $0xffff, v61  }
0xf3: {  	s17 =	sshll.u32 s17, $0x7;
	[tilespmem:s10+$0x5960] =	vst.add.f32.msk $0xffff, v62  }
0xf4: {  	s17 =	sadd.s32 s17, s3;
	[tilespmem:s10+$0x5970] =	vst.add.f32.msk $0xffff, v63  }
0xf5: {  	[tilespmem:s10+$0x5930] =	vst.add.f32.msk $0xffff, v3;
	s10 =	sor.u32 $0x1C00, s17  }
0xf6: {  	v3 =	vld [tilespmem:s10+$0x100];
	_ =	sdelay $0x4  }
0xf7: {  	[tilespmem:s10+$0x4100] =	vst.add.f32.msk $0xffff, v3;
	s10 =	sor.u32 $0x1C10, s17  }
0xf8: {  	v3 =	vld [tilespmem:s10+$0x100];
	_ =	sdelay $0x4  }
0xf9: {  	[tilespmem:s10+$0x4100] =	vst.add.f32.msk $0xffff, v3;
	s10 =	sor.u32 $0x1C20, s17  }
0xfa: {  	v3 =	vld [tilespmem:s10+$0x100];
	_ =	sdelay $0x4  }
0xfb: {  	[tilespmem:s10+$0x4100] =	vst.add.f32.msk $0xffff, v3;
	s10 =	sor.u32 $0x1C30, s17  }
0xfc: {  	v3 =	vld [tilespmem:s10+$0x100];
	_ =	sdelay $0x4  }
0xfd: {  	[tilespmem:s10+$0x4100] =	vst.add.f32.msk $0xffff, v3;
	s10 =	sor.u32 $0x1C40, s17  }
0xfe: {  	v3 =	vld [tilespmem:s10+$0x100];
	_ =	sdelay $0x4  }
0xff: {  	[tilespmem:s10+$0x4100] =	vst.add.f32.msk $0xffff, v3;
	s10 =	sor.u32 $0x1C50, s17  }
0x100: {  	v3 =	vld [tilespmem:s10+$0x100];
	_ =	sdelay $0x4  }
0x101: {  	[tilespmem:s10+$0x4100] =	vst.add.f32.msk $0xffff, v3;
	s10 =	sor.u32 $0x1C60, s17  }
0x102: {  	v3 =	vld [tilespmem:s10+$0x100];
	_ =	sdelay $0x4  }
0x103: {  	s17 =	sor.u32 $0x1C70, s17;
	[tilespmem:s10+$0x4100] =	vst.add.f32.msk $0xffff, v3  }
0x104: {  	p0 =	sne.s32 s9, $0x780;
	v3 =	vld [tilespmem:s17+$0x100]  }
.Ltmp0:
0x105: {  	_ = 	snop;
	(pc) =	sbr.rel @p0 .LBB2_3-.Ltmp0, $3  }
0x106: {  	_ =	sdelay $0x1  }
0x107: {  	s0 =	sadd.s32 $0x400, s0  }
0x108: {  	s9 =	sadd.s32 $0x80, s9;
	s30 =	sadd.s32 $0x1, s30;
	s3 =	sadd.s32 $0x400, s3;
	[tilespmem:s17+$0x4100] =	vst.add.f32.msk $0xffff, v3  }
0x109: {  	s0 =	sshll.u32 s28, $0x7;
	p0 =	seq.s32 s25, $0x7  }
.Ltmp1:
0x10a: {  	s0 =	sadd.s32 s8, s0;
	(pc) =	sbr.rel @p0 .LBB2_6-.Ltmp1, $4  }
0x10b: {  	[hbm4b:s0+s2] =	stream.linear.scatter [tilespmem:s29], [sflag:$0x5], $0x4000, $0x38;
	[tilespmem:$0x10200] =	vst v63  }
0x10c: {  	_ =	swait.ge [sflag:s18], $0x4000  }
0x10d: {  	[sflag:s18] =	ssyncset.done $0x0  }
0x10e: {  	[sflag:s18] =	ssyncadd.s32 $0xFFFFC000  }
0x10f: {  	s0 =	sshrl.u32 s28, $0x3  }
0x110: {  	s0 =	sadd.s32 $0x4, s0  }
0x111: {  	s3 =	sadd.s32 s4, s0  }
0x112: {  	[tilespmem:s2], [sflag:$0x5] =	stream.linear.gather [hbm4b:s3+s2], $0x10, $0x38;
	[tilespmem:$0x10200] =	vst v63  }
0x113: {  	_ =	swait.ge [sflag:s18], $0x10  }
0x114: {  	[sflag:s18] =	ssyncset.done $0x0  }
0x115: {  	s10 =	simm.s32 $0x80;
	s0 =	sadd.s32 s5, s0;
	[sflag:s18] =	ssyncadd.s32 $0xFFFFFFF0  }
0x116: {  	[tilespmem:s10], [sflag:$0x5] =	stream.linear.gather [hbm4b:s0+s2], $0x10, $0x38;
	[tilespmem:$0x10200] =	vst v63  }
0x117: {  	_ =	swait.ge [sflag:s18], $0x10  }
0x118: {  	[sflag:s18] =	ssyncset.done $0x0  }
0x119: {  	[sflag:s18] =	ssyncadd.s32 $0xFFFFFFF0  }
0x11a: {  	v3 =	vld [tilespmem:$0x0];
	_ =	sdelay $0x4  }
0x11b: {  	v4 =	vshll.u32 v3, $0x3  }
0x11c: {  	v3 =	vand.u32 $0x7, v3;
	v4 =	vand.u32 $0xFFFFFFC0, v4  }
0x11d: {  	v3 =	vor.u32 v3, v4  }
0x11e: {  	v4 =	vperm.xlane v3, v0;
	_ =	sdelay $0x1  }
0x11f: {  	v4 =	vadd.s32 v1, v4;
	_ =	sdelay $0x3  }
0x120: {  	s17 =	simm.s32 $0x100  }
0x121: {  	[tilespmem:s17], [sflag:$0x1] =	stream.indirect_vreg.gather [hbm4b:s1+s2], $0x80, v4, vm0, $0xb8;
	[tilespmem:$0x10200] =	vst v63  }
0x122: {  	s28 =	simm.s32 $0x900;
	v3 =	vperm.xlane v3, v2  }
0x123: {  	[tilespmem:s28], [sflag:$0x1] =	stream.indirect_vreg.gather [hbm4b:s11+s2], $0x80, v4, vm0, $0xb8;
	[tilespmem:$0x10200] =	vst v63  }
0x124: {  	s30 =	simm.s32 $0x1100;
	v3 =	vadd.s32 v1, v3  }
0x125: {  	[tilespmem:s30], [sflag:$0x1] =	stream.indirect_vreg.gather [hbm4b:s12+s2], $0x80, v4, vm0, $0xb8;
	[tilespmem:$0x10200] =	vst v63  }
0x126: {  	s3 =	simm.s32 $0x1900  }
0x127: {  	[tilespmem:s3], [sflag:$0x1] =	stream.indirect_vreg.gather [hbm4b:s13+s2], $0x80, v4, vm0, $0xb8;
	[tilespmem:$0x10200] =	vst v63  }
0x128: {  	s9 =	simm.s32 $0x2100  }
0x129: {  	[tilespmem:s9], [sflag:$0x1] =	stream.indirect_vreg.gather [hbm4b:s1+s2], $0x80, v3, vm0, $0xb8;
	[tilespmem:$0x10200] =	vst v63  }
0x12a: {  	s10 =	simm.s32 $0x2900  }
0x12b: {  	[tilespmem:s10], [sflag:$0x1] =	stream.indirect_vreg.gather [hbm4b:s11+s2], $0x80, v3, vm0, $0xb8;
	[tilespmem:$0x10200] =	vst v63  }
0x12c: {  	s17 =	simm.s32 $0x3100  }
0x12d: {  	[tilespmem:s17], [sflag:$0x1] =	stream.indirect_vreg.gather [hbm4b:s12+s2], $0x80, v3, vm0, $0xb8;
	[tilespmem:$0x10200] =	vst v63  }
0x12e: {  	s28 =	simm.s32 $0x3900  }
0x12f: {  	[tilespmem:s28], [sflag:$0x1] =	stream.indirect_vreg.gather [hbm4b:s13+s2], $0x80, v3, vm0, $0xb8;
	[tilespmem:$0x10200] =	vst v63  }
0x130: {  	v3 =	vld [tilespmem:$0x80];
	_ =	sdelay $0x4  }
0x131: {  	v63 =	vshll.u32 v3, $0x3  }
0x132: {  	v3 =	vand.u32 $0x7, v3;
	v4 =	vand.u32 $0xFFFFFFC0, v63  }
0x133: {  	v3 =	vor.u32 v3, v4  }
0x134: {  	v4 =	vperm.xlane v3, v0;
	_ =	sdelay $0x1  }
0x135: {  	v4 =	vadd.s32 v1, v4;
	_ =	sdelay $0x4  }
0x136: {  	[tilespmem:s29], [sflag:$0x2] =	stream.indirect_vreg.gather [hbm4b:s6+s2], $0x80, v4, vm0, $0xb8;
	[tilespmem:$0x10200] =	vst v63  }
0x137: {  	s30 =	simm.s32 $0x4900;
	v3 =	vperm.xlane v3, v2  }
0x138: {  	[tilespmem:s30], [sflag:$0x2] =	stream.indirect_vreg.gather [hbm4b:s14+s2], $0x80, v4, vm0, $0xb8;
	[tilespmem:$0x10200] =	vst v63  }
0x139: {  	s3 =	simm.s32 $0x5100;
	v3 =	vadd.s32 v1, v3  }
0x13a: {  	[tilespmem:s3], [sflag:$0x2] =	stream.indirect_vreg.gather [hbm4b:s15+s2], $0x80, v4, vm0, $0xb8;
	[tilespmem:$0x10200] =	vst v63  }
0x13b: {  	s9 =	simm.s32 $0x5900  }
0x13c: {  	[tilespmem:s9], [sflag:$0x2] =	stream.indirect_vreg.gather [hbm4b:s16+s2], $0x80, v4, vm0, $0xb8;
	[tilespmem:$0x10200] =	vst v63  }
0x13d: {  	s10 =	simm.s32 $0x6100  }
0x13e: {  	[tilespmem:s10], [sflag:$0x2] =	stream.indirect_vreg.gather [hbm4b:s6+s2], $0x80, v3, vm0, $0xb8;
	[tilespmem:$0x10200] =	vst v63  }
0x13f: {  	s17 =	simm.s32 $0x6900  }
0x140: {  	[tilespmem:s17], [sflag:$0x2] =	stream.indirect_vreg.gather [hbm4b:s14+s2], $0x80, v3, vm0, $0xb8;
	[tilespmem:$0x10200] =	vst v63  }
0x141: {  	s28 =	simm.s32 $0x7100  }
0x142: {  	[tilespmem:s28], [sflag:$0x2] =	stream.indirect_vreg.gather [hbm4b:s15+s2], $0x80, v3, vm0, $0xb8;
	[tilespmem:$0x10200] =	vst v63  }
0x143: {  	s30 =	simm.s32 $0x7900  }
0x144: {  	[tilespmem:s30], [sflag:$0x2] =	stream.indirect_vreg.gather [hbm4b:s16+s2], $0x80, v3, vm0, $0xb8;
	[tilespmem:$0x10200] =	vst v63  }
.LBB2_6:
0x145: {  	_ =	swait.ge [sflag:s23], $0x4000  }
0x146: {  	[sflag:s23] =	ssyncset.done $0x0  }
0x147: {  	[sflag:s23] =	ssyncadd.s32 $0xFFFFC000  }
0x148: {  	s25 =	sadd.s32 $0x1, s25;
	_ =	swait.ge [sflag:s24], $0x4000  }
0x149: {  	s28 =	simm.s32 $0x0;
	s0 =	simm.s32 $0xFFFFC000;
	[sflag:s24] =	ssyncset.done $0x0  }
0x14a: {  	s3 =	simm.s32 $0x0;
	s9 =	simm.s32 $0x0;
	[sflag:s24] =	ssyncadd.s32 $0xFFFFC000  }
.LBB2_7:
0x14b: {  	s10 =	sadd.s32 $0x4000, s0  }
0x14c: {  	s17 =	sand.u32 $0x380, s9;
	s10 =	sand.u32 $0x2000, s10  }
0x14d: {  	s10 =	sor.u32 s17, s10  }
0x14e: {  	v3 =	vld [tilespmem:s10+$0x8200]  }
0x14f: {  	v4 =	vld [tilespmem:s10+$0x8220]  }
0x150: {  	v5 =	vld [tilespmem:s10+$0x8230]  }
0x151: {  	v6 =	vld [tilespmem:s10+$0x8240]  }
0x152: {  	v7 =	vld [tilespmem:s10+$0x8250]  }
0x153: {  	v24 =	vld [tilespmem:s10+$0x8270]  }
0x154: {  	v25 =	vld [tilespmem:s10+$0x8600]  }
0x155: {  	v26 =	vld [tilespmem:s10+$0x8610]  }
0x156: {  	v27 =	vld [tilespmem:s10+$0x8620]  }
0x157: {  	v28 =	vld [tilespmem:s10+$0x8640]  }
0x158: {  	v29 =	vld [tilespmem:s10+$0x8650]  }
0x159: {  	v30 =	vld [tilespmem:s10+$0x8660]  }
0x15a: {  	v31 =	vld [tilespmem:s10+$0x8670]  }
0x15b: {  	v32 =	vld [tilespmem:s10+$0x8A10]  }
0x15c: {  	v33 =	vld [tilespmem:s10+$0x8A20]  }
0x15d: {  	v34 =	vld [tilespmem:s10+$0x8A30]  }
0x15e: {  	v35 =	vld [tilespmem:s10+$0x8A40]  }
0x15f: {  	v36 =	vld [tilespmem:s10+$0x8A60]  }
0x160: {  	v37 =	vld [tilespmem:s10+$0x8A70]  }
0x161: {  	v38 =	vld [tilespmem:s10+$0x8E00]  }
0x162: {  	v39 =	vld [tilespmem:s10+$0x8E10]  }
0x163: {  	v40 =	vld [tilespmem:s10+$0x8E30]  }
0x164: {  	v41 =	vld [tilespmem:s10+$0x8E40]  }
0x165: {  	v42 =	vld [tilespmem:s10+$0x8E50]  }
0x166: {  	v43 =	vld [tilespmem:s10+$0x8E60]  }
0x167: {  	v44 =	vld [tilespmem:s10+$0x9200]  }
0x168: {  	v45 =	vld [tilespmem:s10+$0x9210]  }
0x169: {  	v46 =	vld [tilespmem:s10+$0x9220]  }
0x16a: {  	v47 =	vld [tilespmem:s10+$0x9230]  }
0x16b: {  	v48 =	vld [tilespmem:s10+$0x9250]  }
0x16c: {  	v49 =	vld [tilespmem:s10+$0x9260]  }
0x16d: {  	v50 =	vld [tilespmem:s10+$0x9270]  }
0x16e: {  	v51 =	vld [tilespmem:s10+$0x9600]  }
0x16f: {  	v52 =	vld [tilespmem:s10+$0x9620]  }
0x170: {  	v53 =	vld [tilespmem:s10+$0x9630]  }
0x171: {  	v54 =	vld [tilespmem:s10+$0x9640]  }
0x172: {  	v55 =	vld [tilespmem:s10+$0x9650]  }
0x173: {  	v56 =	vld [tilespmem:s10+$0x9670]  }
0x174: {  	v57 =	vld [tilespmem:s10+$0x9A00]  }
0x175: {  	v58 =	vld [tilespmem:s10+$0x9A10]  }
0x176: {  	v59 =	vld [tilespmem:s10+$0x9A20]  }
0x177: {  	v60 =	vld [tilespmem:s10+$0x9A40]  }
0x178: {  	v61 =	vld [tilespmem:s10+$0x9A50]  }
0x179: {  	v62 =	vld [tilespmem:s10+$0x9A60]  }
0x17a: {  	v63 =	vld [tilespmem:s10+$0x9A70]  }
0x17b: {  	[tilespmem:s10+$0xC200] =	vst.add.f32.msk $0xffff, v3  }
0x17c: {  	v3 =	vld [tilespmem:s10+$0x8210]  }
0x17d: {  	[tilespmem:s10+$0xC220] =	vst.add.f32.msk $0xffff, v4  }
0x17e: {  	[tilespmem:s10+$0xC230] =	vst.add.f32.msk $0xffff, v5  }
0x17f: {  	[tilespmem:s10+$0xC240] =	vst.add.f32.msk $0xffff, v6  }
0x180: {  	[tilespmem:s10+$0xC250] =	vst.add.f32.msk $0xffff, v7  }
0x181: {  	[tilespmem:s10+$0xC210] =	vst.add.f32.msk $0xffff, v3  }
0x182: {  	v3 =	vld [tilespmem:s10+$0x8260]  }
0x183: {  	[tilespmem:s10+$0xC270] =	vst.add.f32.msk $0xffff, v24  }
0x184: {  	[tilespmem:s10+$0xC600] =	vst.add.f32.msk $0xffff, v25  }
0x185: {  	[tilespmem:s10+$0xC610] =	vst.add.f32.msk $0xffff, v26  }
0x186: {  	[tilespmem:s10+$0xC620] =	vst.add.f32.msk $0xffff, v27  }
0x187: {  	[tilespmem:s10+$0xC260] =	vst.add.f32.msk $0xffff, v3  }
0x188: {  	v3 =	vld [tilespmem:s10+$0x8630]  }
0x189: {  	[tilespmem:s10+$0xC640] =	vst.add.f32.msk $0xffff, v28  }
0x18a: {  	[tilespmem:s10+$0xC650] =	vst.add.f32.msk $0xffff, v29  }
0x18b: {  	[tilespmem:s10+$0xC660] =	vst.add.f32.msk $0xffff, v30  }
0x18c: {  	[tilespmem:s10+$0xC670] =	vst.add.f32.msk $0xffff, v31  }
0x18d: {  	[tilespmem:s10+$0xC630] =	vst.add.f32.msk $0xffff, v3  }
0x18e: {  	v3 =	vld [tilespmem:s10+$0x8A00]  }
0x18f: {  	[tilespmem:s10+$0xCA10] =	vst.add.f32.msk $0xffff, v32  }
0x190: {  	[tilespmem:s10+$0xCA20] =	vst.add.f32.msk $0xffff, v33  }
0x191: {  	[tilespmem:s10+$0xCA30] =	vst.add.f32.msk $0xffff, v34  }
0x192: {  	[tilespmem:s10+$0xCA40] =	vst.add.f32.msk $0xffff, v35  }
0x193: {  	[tilespmem:s10+$0xCA00] =	vst.add.f32.msk $0xffff, v3  }
0x194: {  	v3 =	vld [tilespmem:s10+$0x8A50]  }
0x195: {  	[tilespmem:s10+$0xCA60] =	vst.add.f32.msk $0xffff, v36  }
0x196: {  	[tilespmem:s10+$0xCA70] =	vst.add.f32.msk $0xffff, v37  }
0x197: {  	[tilespmem:s10+$0xCE00] =	vst.add.f32.msk $0xffff, v38  }
0x198: {  	[tilespmem:s10+$0xCE10] =	vst.add.f32.msk $0xffff, v39  }
0x199: {  	[tilespmem:s10+$0xCA50] =	vst.add.f32.msk $0xffff, v3  }
0x19a: {  	v3 =	vld [tilespmem:s10+$0x8E20]  }
0x19b: {  	[tilespmem:s10+$0xCE30] =	vst.add.f32.msk $0xffff, v40  }
0x19c: {  	[tilespmem:s10+$0xCE40] =	vst.add.f32.msk $0xffff, v41  }
0x19d: {  	[tilespmem:s10+$0xCE50] =	vst.add.f32.msk $0xffff, v42  }
0x19e: {  	[tilespmem:s10+$0xCE60] =	vst.add.f32.msk $0xffff, v43  }
0x19f: {  	[tilespmem:s10+$0xCE20] =	vst.add.f32.msk $0xffff, v3  }
0x1a0: {  	v3 =	vld [tilespmem:s10+$0x8E70]  }
0x1a1: {  	[tilespmem:s10+$0xD200] =	vst.add.f32.msk $0xffff, v44  }
0x1a2: {  	[tilespmem:s10+$0xD210] =	vst.add.f32.msk $0xffff, v45  }
0x1a3: {  	[tilespmem:s10+$0xD220] =	vst.add.f32.msk $0xffff, v46  }
0x1a4: {  	[tilespmem:s10+$0xD230] =	vst.add.f32.msk $0xffff, v47  }
0x1a5: {  	[tilespmem:s10+$0xCE70] =	vst.add.f32.msk $0xffff, v3  }
0x1a6: {  	v3 =	vld [tilespmem:s10+$0x9240]  }
0x1a7: {  	[tilespmem:s10+$0xD250] =	vst.add.f32.msk $0xffff, v48  }
0x1a8: {  	[tilespmem:s10+$0xD260] =	vst.add.f32.msk $0xffff, v49  }
0x1a9: {  	[tilespmem:s10+$0xD270] =	vst.add.f32.msk $0xffff, v50  }
0x1aa: {  	[tilespmem:s10+$0xD600] =	vst.add.f32.msk $0xffff, v51  }
0x1ab: {  	[tilespmem:s10+$0xD240] =	vst.add.f32.msk $0xffff, v3  }
0x1ac: {  	v3 =	vld [tilespmem:s10+$0x9610]  }
0x1ad: {  	[tilespmem:s10+$0xD620] =	vst.add.f32.msk $0xffff, v52  }
0x1ae: {  	[tilespmem:s10+$0xD630] =	vst.add.f32.msk $0xffff, v53  }
0x1af: {  	[tilespmem:s10+$0xD640] =	vst.add.f32.msk $0xffff, v54  }
0x1b0: {  	[tilespmem:s10+$0xD650] =	vst.add.f32.msk $0xffff, v55  }
0x1b1: {  	[tilespmem:s10+$0xD610] =	vst.add.f32.msk $0xffff, v3  }
0x1b2: {  	v3 =	vld [tilespmem:s10+$0x9660]  }
0x1b3: {  	[tilespmem:s10+$0xD670] =	vst.add.f32.msk $0xffff, v56  }
0x1b4: {  	[tilespmem:s10+$0xDA00] =	vst.add.f32.msk $0xffff, v57  }
0x1b5: {  	[tilespmem:s10+$0xDA10] =	vst.add.f32.msk $0xffff, v58  }
0x1b6: {  	[tilespmem:s10+$0xDA20] =	vst.add.f32.msk $0xffff, v59  }
0x1b7: {  	[tilespmem:s10+$0xD660] =	vst.add.f32.msk $0xffff, v3  }
0x1b8: {  	v3 =	vld [tilespmem:s10+$0x9A30]  }
0x1b9: {  	[tilespmem:s10+$0xDA40] =	vst.add.f32.msk $0xffff, v60  }
0x1ba: {  	s30 =	sand.u32 $0x7, s28;
	[tilespmem:s10+$0xDA50] =	vst.add.f32.msk $0xffff, v61  }
0x1bb: {  	s17 =	sshll.u32 s30, $0x7;
	[tilespmem:s10+$0xDA60] =	vst.add.f32.msk $0xffff, v62  }
0x1bc: {  	s17 =	sadd.s32 s17, s3;
	[tilespmem:s10+$0xDA70] =	vst.add.f32.msk $0xffff, v63  }
0x1bd: {  	s30 =	sor.u32 $0x1C00, s17;
	[tilespmem:s10+$0xDA30] =	vst.add.f32.msk $0xffff, v3  }
0x1be: {  	v3 =	vld [tilespmem:s30+$0x8200];
	_ =	sdelay $0x4  }
0x1bf: {  	[tilespmem:s30+$0xC200] =	vst.add.f32.msk $0xffff, v3;
	s30 =	sor.u32 $0x1C10, s17  }
0x1c0: {  	v3 =	vld [tilespmem:s30+$0x8200];
	_ =	sdelay $0x4  }
0x1c1: {  	[tilespmem:s30+$0xC200] =	vst.add.f32.msk $0xffff, v3;
	s30 =	sor.u32 $0x1C20, s17  }
0x1c2: {  	v3 =	vld [tilespmem:s30+$0x8200];
	_ =	sdelay $0x4  }
0x1c3: {  	[tilespmem:s30+$0xC200] =	vst.add.f32.msk $0xffff, v3;
	s30 =	sor.u32 $0x1C30, s17  }
0x1c4: {  	v3 =	vld [tilespmem:s30+$0x8200];
	_ =	sdelay $0x4  }
0x1c5: {  	[tilespmem:s30+$0xC200] =	vst.add.f32.msk $0xffff, v3;
	s30 =	sor.u32 $0x1C40, s17  }
0x1c6: {  	v3 =	vld [tilespmem:s30+$0x8200];
	_ =	sdelay $0x4  }
0x1c7: {  	[tilespmem:s30+$0xC200] =	vst.add.f32.msk $0xffff, v3;
	s30 =	sor.u32 $0x1C50, s17  }
0x1c8: {  	v3 =	vld [tilespmem:s30+$0x8200];
	_ =	sdelay $0x4  }
0x1c9: {  	[tilespmem:s30+$0xC200] =	vst.add.f32.msk $0xffff, v3;
	s30 =	sor.u32 $0x1C60, s17  }
0x1ca: {  	v3 =	vld [tilespmem:s30+$0x8200];
	_ =	sdelay $0x4  }
0x1cb: {  	[tilespmem:s30+$0xC200] =	vst.add.f32.msk $0xffff, v3;
	s30 =	sor.u32 $0x1C70, s17  }
0x1cc: {  	p0 =	sne.s32 s9, $0x780;
	v3 =	vld [tilespmem:s30+$0x8200]  }
.Ltmp2:
0x1cd: {  	_ = 	snop;
	(pc) =	sbr.rel @p0 .LBB2_7-.Ltmp2, $3  }
0x1ce: {  	_ =	sdelay $0x1  }
0x1cf: {  	s28 =	sadd.s32 $0x1, s28  }
0x1d0: {  	s0 =	sadd.s32 $0x400, s0;
	s9 =	sadd.s32 $0x80, s9;
	s3 =	sadd.s32 $0x400, s3;
	[tilespmem:s30+$0xC200] =	vst.add.f32.msk $0xffff, v3  }
0x1d1: {  	s0 =	sshll.u32 s26, $0x7;
	p0 =	sne.s32 s25, $0x8  }
.Ltmp3:
0x1d2: {  	s0 =	sadd.s32 s8, s0;
	(pc) =	sbr.rel @p0 .LBB2_2-.Ltmp3, $4  }
0x1d3: {  	[hbm4b:s0+s2] =	stream.linear.scatter [tilespmem:s31], [sflag:$0x5], $0x4000, $0x38;
	[tilespmem:$0x10200] =	vst v63  }
0x1d4: {  	_ =	swait.ge [sflag:s18], $0x4000  }
0x1d5: {  	[sflag:s18] =	ssyncset.done $0x0  }
0x1d6: {  	[sflag:s18] =	ssyncadd.s32 $0xFFFFC000  }
0x1d7: {  	s3 =	rddreg [dreg:$0x6]  }
0x1d8: {  	s0 =	rddreg [dreg:$0x5];
	s3 =	sadd.s32 $0x1, s3  }
0x1d9: {  	p0 =	sne.s32 s3, s0  }
.Ltmp4:
0x1da: {  	_ = 	snop;
	(pc) =	sbr.rel @p0 .LBB2_1-.Ltmp4, $1  }
0x1db: {  	_ =	sdelay $0x3  }
0x1dc: {  	_ =	sfence.sel $0x180000  }
0x1dd: {  	[bflag:$0x0] =	sbarrier.arrive $0xFFFF  }
0x1de: {  	_ =	strace $0x90000047  }
0x1df: {  	s0 =	stileid.u32;
	[bflag:$0x2] =	sbarrier.arrive $0xFFFF  }
0x1e0: {  	p0 =	sne.s32 s0, $0x0;
	s0 =	rddreg [dreg:$0x2]  }
0x1e1: {  	s0 =	sadd.s32 @!p0 $0x100000, s0  }
0x1e2: {  	[sflag:s0] =	ssyncadd.tile.s32 @!p0 $0x1;
	_ =	shalt  }
.Lfunc_end2:
_tile_overlayer_lowered:
.L_overlay_start_2:
0x1e3: {  	(tag) =	ssettag $0x2  }
0x1e4: {  	s0 =	rddreg [dreg:$0x0];
	s2 =	stileid.u32  }
0x1e5: {  	s1 =	rddreg [dreg:$0x1];
	p0 =	sne.s32 s2, $0x0  }
0x1e6: {  	s3 =	rddreg [dreg:$0x2];
	[bflag:$0x3] =	sbarrier.arrive $0xFFFF;
	s2 =	simm.s32 @!p0 $0x1C05  }
0x1e7: {  	[timem:s3], [sflag:s2] =	dma.local @!p0 [hbm:s0], s1  }
0x1e8: {  	s0 =	simm.s32 @!p0 $0x5  }
0x1e9: {  	_ =	swait.ge @!p0 [sflag:s0], s1  }
0x1ea: {  	s1 =	ssub.s32 @!p0 $0x0, s1;
	[sflag:s0] =	ssyncset.done @!p0 $0x0  }
0x1eb: {  	[sflag:s0] =	ssyncadd.s32 @!p0 s1  }
0x1ec: {  	[bflag:$0x3] =	sbarrier.arrive $0xFFFF  }
0x1ed: {  	_ =	shalt  }

</sc_bundles>
